<compile_context>
chip_gen: v7x
topology: tpu7x:2x2x1
jax: 0.10.2.dev20260603
libtpu: 0.0.44.dev20260713+nightly
codegen_flags: <defaults>
</compile_context>

<pallas_src>
import functools

import jax
import jax.numpy as jnp
from jax import lax
from jax.experimental import pallas as pl
from jax.experimental.pallas import tpu as pltpu
from jax.experimental.pallas import tpu_sc as plsc

NC = 2
NS = 16
NW = NC * NS
CHUNK = 128
LANES = 16


GRP = 5


def _make_spmm(n, h, ngrp):
    zbuf_rows = 32
    zrows_tile = -(-(-(-(n + 1) // NS)) // zbuf_rows) * zbuf_rows
    acc_rows = NS * zrows_tile
    mesh = plsc.VectorSubcoreMesh(core_axis_name="c", subcore_axis_name="s")

    @functools.partial(
        pl.kernel,
        mesh=mesh,
        compiler_params=pltpu.CompilerParams(use_tc_tiling_on_sc=False),
        out_type=jax.ShapeDtypeStruct((NC, acc_rows, h), jnp.float32),
        scratch_types=[
            pltpu.VMEM((ngrp, GRP, CHUNK), jnp.int32),
            pltpu.VMEM((ngrp, GRP, CHUNK), jnp.int32),
            pltpu.VMEM((GRP, CHUNK, h), jnp.float32),
            pltpu.VMEM((GRP, CHUNK, h), jnp.float32),
            pltpu.VMEM((zbuf_rows, h), jnp.float32),
            pltpu.VMEM_SHARED((acc_rows, h), jnp.float32),
            pltpu.VMEM_SHARED((n, h), jnp.float32),
            pltpu.SemaphoreType.DMA,
            pltpu.SemaphoreType.DMA,
            pltpu.SemaphoreType.DMA,
            pltpu.SemaphoreType.DMA,
        ],
    )
    def spmm(src_hbm, dst_hbm, tbl_hbm, out_hbm, srcv, dstv, rows0, rows1,
             zbuf, acc, tbl_s, gsem0, gsem1, ssem0, ssem1):
        cid = lax.axis_index("c")
        sid = lax.axis_index("s")
        wid = cid * NS + sid

        zero = jnp.zeros((LANES,), jnp.float32)

        def zrow(r, carry):
            for j in range(h // LANES):
                zbuf[r, pl.ds(j * LANES, LANES)] = zero
            return carry

        lax.fori_loop(0, zbuf_rows, zrow, 0)
        for t in range(zrows_tile // zbuf_rows):
            pltpu.sync_copy(
                zbuf, acc.at[pl.ds(sid * zrows_tile + t * zbuf_rows, zbuf_rows)])
        plsc.subcore_barrier()

        c_src = pltpu.async_copy(src_hbm.at[wid], srcv, gsem1)
        c_dst = pltpu.async_copy(dst_hbm.at[wid], dstv, gsem1)
        trows = (n // NS) // 8 * 8
        lrows = n - (NS - 1) * trows

        @pl.when(sid < NS - 1)
        def _():
            pltpu.async_copy(tbl_hbm.at[pl.ds(sid * trows, trows)],
                             tbl_s.at[pl.ds(sid * trows, trows)], ssem0)

        @pl.when(sid == NS - 1)
        def _():
            pltpu.async_copy(tbl_hbm.at[pl.ds((NS - 1) * trows, lrows)],
                             tbl_s.at[pl.ds((NS - 1) * trows, lrows)], ssem0)

        c_src.wait()
        c_dst.wait()

        @pl.when(sid < NS - 1)
        def _():
            pltpu.make_async_copy(tbl_hbm.at[pl.ds(sid * trows, trows)],
                                  tbl_s.at[pl.ds(sid * trows, trows)],
                                  ssem0).wait()

        @pl.when(sid == NS - 1)
        def _():
            pltpu.make_async_copy(tbl_hbm.at[pl.ds((NS - 1) * trows, lrows)],
                                  tbl_s.at[pl.ds((NS - 1) * trows, lrows)],
                                  ssem0).wait()

        plsc.subcore_barrier()

        def fire_gathers(s, buf, sem):
            for k in range(GRP):
                pltpu.async_copy(tbl_s.at[srcv.at[s, k]], buf.at[k], sem)

        def drain_gathers(buf, sem):
            for k in range(GRP):
                pltpu.make_async_copy(
                    tbl_s.at[srcv.at[0, k]], buf.at[k], sem).wait()

        def fire_scatters(s, buf, sem):
            for k in range(GRP):
                pltpu.async_copy(buf.at[k], acc.at[dstv.at[s, k]], sem,
                                 add=True)

        def drain_scatters(s, buf, sem):
            for k in range(GRP):
                pltpu.make_async_copy(buf.at[k], acc.at[dstv.at[s, k]],
                                      sem).wait()

        banks = ((rows0, gsem0, ssem0), (rows1, gsem1, ssem1))

        def step(s, carry):
            def run(p):
                buf, gsem, ssem = banks[p]
                obuf, ogsem, ossem = banks[1 - p]

                @pl.when(s >= 1)
                def _():
                    drain_scatters(s - 1, obuf, ossem)

                @pl.when(s + 1 < ngrp)
                def _():
                    fire_gathers(s + 1, obuf, ogsem)

                drain_gathers(buf, gsem)
                fire_scatters(s, buf, ssem)

            @pl.when(lax.rem(s, 2) == 0)
            def _():
                run(0)

            @pl.when(lax.rem(s, 2) == 1)
            def _():
                run(1)

            return carry

        fire_gathers(0, rows0, gsem0)
        lax.fori_loop(0, ngrp, step, 0)
        lbuf, _, lssem = banks[(ngrp - 1) % 2]
        drain_scatters(ngrp - 1, lbuf, lssem)
        plsc.subcore_barrier()

        pltpu.sync_copy(acc.at[pl.ds(sid * zrows_tile, zrows_tile)],
                        out_hbm.at[cid, pl.ds(sid * zrows_tile, zrows_tile)])

    return spmm


def _prep_edges(edge_index, n):
    e = edge_index.shape[1]
    gsz = GRP * CHUNK
    per_w = -(-e // (NW * gsz)) * gsz
    e_pad = per_w * NW
    src = jnp.concatenate(
        [edge_index[0], jnp.zeros((e_pad - e,), jnp.int32)]).reshape(
            NW, per_w // gsz, GRP, CHUNK)
    dst = jnp.concatenate(
        [edge_index[1], jnp.full((e_pad - e,), n, jnp.int32)]).reshape(
            NW, per_w // gsz, GRP, CHUNK)
    return src, dst


def _spmm_partials(src, dst, table):
    n, h = table.shape
    return _make_spmm(n, h, src.shape[1])(src, dst, table)


def _mm1_body(x_ref, w_ref, o_ref):
    o_ref[...] = jnp.dot(x_ref[...], w_ref[...],
                         preferred_element_type=jnp.float32,
                         precision=lax.Precision.HIGHEST)


def _mm1(x, w, bn):
    n, d = x.shape
    _, h = w.shape
    return pl.pallas_call(
        _mm1_body,
        grid=(n // bn,),
        in_specs=[pl.BlockSpec((bn, d), lambda i: (i, 0)),
                  pl.BlockSpec((d, h), lambda i: (0, 0))],
        out_specs=pl.BlockSpec((bn, h), lambda i: (i, 0)),
        out_shape=jax.ShapeDtypeStruct((n, h), jnp.float32),
    )(x, w)


def _relu_mm_body(p0_ref, p1_ref, w_ref, o_ref):
    hblk = jnp.maximum(p0_ref[0] + p1_ref[0], 0.0)
    o_ref[...] = jnp.dot(hblk, w_ref[...],
                         preferred_element_type=jnp.float32,
                         precision=lax.Precision.HIGHEST)


def _relu_mm(p, w, n, bn):
    _, _, h1 = p.shape
    _, h2 = w.shape
    return pl.pallas_call(
        _relu_mm_body,
        grid=(n // bn,),
        in_specs=[pl.BlockSpec((1, bn, h1), lambda i: (0, i, 0)),
                  pl.BlockSpec((1, bn, h1), lambda i: (1, i, 0)),
                  pl.BlockSpec((h1, h2), lambda i: (0, 0))],
        out_specs=pl.BlockSpec((bn, h2), lambda i: (i, 0)),
        out_shape=jax.ShapeDtypeStruct((n, h2), jnp.float32),
    )(p, p, w)


def _decoder_body(pi0_ref, pi1_ref, pj0_ref, pj1_ref, z_ref, r_ref):
    zi = pi0_ref[0] + pi1_ref[0]
    zj = pj0_ref[0] + pj1_ref[0]
    z_ref[...] = zi
    r_ref[...] = lax.dot_general(
        zi, zj, dimension_numbers=(((1,), (1,)), ((), ())),
        preferred_element_type=jnp.float32)


def _decoder(p, n, bn):
    _, _, h = p.shape
    return pl.pallas_call(
        _decoder_body,
        grid=(n // bn,),
        in_specs=[pl.BlockSpec((1, bn, h), lambda i: (0, i, 0)),
                  pl.BlockSpec((1, bn, h), lambda i: (1, i, 0)),
                  pl.BlockSpec((1, n, h), lambda i: (0, 0, 0)),
                  pl.BlockSpec((1, n, h), lambda i: (1, 0, 0))],
        out_specs=[pl.BlockSpec((bn, h), lambda i: (i, 0)),
                   pl.BlockSpec((bn, n), lambda i: (i, 0))],
        out_shape=[jax.ShapeDtypeStruct((n, h), jnp.float32),
                   jax.ShapeDtypeStruct((n, n), jnp.float32)],
    )(p, p, p, p)


def kernel(x, edge_index, W1, W2):
    n = x.shape[0]
    src, dst = _prep_edges(edge_index, n)
    h = _mm1(x, W1, 1000)
    p1 = _spmm_partials(src, dst, h)
    h2 = _relu_mm(p1, W2, n, 1000)
    p2 = _spmm_partials(src, dst, h2)
    z, recon = _decoder(p2, n, 400)
    return (z, jnp.reshape(recon, (-1,)))

# --- scband reference (transcript-rebuilt; emitter-appended) ---
"""Pipeline reference for scband-gcn-38886633898513 (READ-ONLY COPY).

The authoritative reference and input builder live on the scoring server;
editing this copy changes nothing except your own understanding.
"""

import jax, jax.numpy as jnp
import numpy as np

N = 10000
E = 640000
D = 128
H1 = 32
H2 = 16


def setup_inputs(seed: int = 0) -> dict:
    key = jax.random.key(seed)
    k1, k2, k3, k4 = jax.random.split(key, 4)
    x = jax.random.normal(k1, (N, D), dtype=jnp.float32)
    edge_index = jax.random.randint(k2, (2, E), 0, N)
    W1 = jax.random.normal(k3, (D, H1), dtype=jnp.float32) * 0.05
    W2 = jax.random.normal(k4, (H1, H2), dtype=jnp.float32) * 0.05
    return {"x": x, "edge_index": edge_index, "W1": W1, "W2": W2}


def _spmm(edge_index, h, n):
    # sparse adj @ h implemented as gather (src) + scatter-add (dst)
    src = edge_index[0]
    dst = edge_index[1]
    msgs = jnp.take(h, src, axis=0)
    return jax.ops.segment_sum(msgs, dst, num_segments=n)


def reference(x, edge_index, W1, W2):
    n = x.shape[0]
    # GraphConvolutionSparse: relu(adj @ (x @ W1))  (dropout placeholder = 0)
    hidden1 = jnp.maximum(_spmm(edge_index, x @ W1, n), 0.0)
    # gaussian noise branch is computed in the original graph but unused downstream
    # GraphConvolution: adj @ (hidden1 @ W2), identity activation
    z_mean = _spmm(edge_index, hidden1 @ W2, n)
    # InnerProductDecoder: flatten(z @ z^T), identity activation
    reconstructions = jnp.reshape(z_mean @ z_mean.T, (-1,))
    return (z_mean, reconstructions)

if __name__ == "__main__":
    import jax
    _d = setup_inputs()
    print(jax.jit(kernel)(*tuple(_d.values())))

</pallas_src>

<mosaic_0001>
#map = affine_map<(d0, d1) -> (0, 0, 0, 0)>
#map1 = affine_map<(d0, d1) -> (0, 0)>
#map2 = affine_map<(d0, d1) -> (0, 0, 0)>
module attributes {stable_mosaic.version = 14 : i64} {
  func.func @spmm(%arg0: i32, %arg1: i32, %arg2: memref<32x32x5x128xi32, #tpu.memory_space<hbm>>, %arg3: memref<32x32x5x128xi32, #tpu.memory_space<hbm>>, %arg4: memref<10000x16xf32, #tpu.memory_space<hbm>>, %arg5: memref<2x10240x16xf32, #tpu.memory_space<hbm>>, %arg6: memref<32x5x128xi32, #tpu.memory_space<vmem>>, %arg7: memref<32x5x128xi32, #tpu.memory_space<vmem>>, %arg8: memref<5x128x16xf32, #tpu.memory_space<vmem>>, %arg9: memref<5x128x16xf32, #tpu.memory_space<vmem>>, %arg10: memref<32x16xf32, #tpu.memory_space<vmem>>, %arg11: memref<10240x16xf32, #tpu.memory_space<vmem_shared>>, %arg12: memref<10000x16xf32, #tpu.memory_space<vmem_shared>>, %arg13: memref<!tpu.dma_semaphore, #tpu.memory_space<semaphore_mem>>, %arg14: memref<!tpu.dma_semaphore, #tpu.memory_space<semaphore_mem>>, %arg15: memref<!tpu.dma_semaphore, #tpu.memory_space<semaphore_mem>>, %arg16: memref<!tpu.dma_semaphore, #tpu.memory_space<semaphore_mem>>) attributes {dimension_semantics = [#tpu.dimension_semantics<core_parallel>, #tpu.dimension_semantics<subcore_parallel>], iteration_bounds = array<i64: 2, 16>, scalar_prefetch = 0 : i64, scratch_operands = 11 : i64, tpu.core_type = #tpu.core_type<sc_vector_subcore>, window_params = [{transform_indices = #map}, {transform_indices = #map}, {transform_indices = #map1}, {transform_indices = #map2}]} {
    %mul3A = arith.constant 16 : i32
    %mul3A_0 = arith.muli %arg0, %mul3A : i32
    %add3A = arith.addi %mul3A_0, %arg1 : i32
    %broadcast_in_dim3A = arith.constant 0.000000e+00 : f32
    %broadcast_in_dim3A_1 = vector.broadcast %broadcast_in_dim3A : f32 to vector<16xf32>
    %scan3A = arith.constant 0 : i32
    %scan3A_2 = arith.constant 0 : i32
    %scan3A_3 = arith.constant 32 : i32
    %scan3A_4 = arith.addi %scan3A_2, %scan3A_3 : i32
    %scan3A_5 = arith.constant 1 : i32
    scf.for %scan3A_283 = %scan3A_2 to %scan3A_4 step %scan3A_5  : i32 {
      %swap3A = arith.index_cast %scan3A_283 : i32 to index
      %swap3A_284 = arith.constant 0 : index
      %swap3A_285 = tpu.vector_load %arg10[%swap3A, %swap3A_284] {strides = array<i32>} : memref<32x16xf32, #tpu.memory_space<vmem>>, vector<1x16xf32>,
      %swap3A_286 = vector.shape_cast %swap3A_285 : vector<1x16xf32> to vector<16xf32>
      %swap3A_287 = vector.shape_cast %broadcast_in_dim3A_1 : vector<16xf32> to vector<1x16xf32>
      tpu.vector_store %arg10[%swap3A, %swap3A_284], %swap3A_287 {strides = array<i32>} : memref<32x16xf32, #tpu.memory_space<vmem>>, vector<1x16xf32>,
    }
    %scan3A_6 = arith.constant 32 : i32
    %mul3A_7 = arith.constant 640 : i32
    %mul3A_8 = arith.muli %arg1, %mul3A_7 : i32
    %add3A_9 = arith.constant 0 : i32
    %add3A_10 = arith.addi %mul3A_8, %add3A_9 : i32
    "tpu.region"() ({
      %run_scoped3A = tpu.sem_alloc : memref<!tpu.dma_semaphore, #tpu.memory_space<semaphore_mem>>
      %dma_start3A_283 = arith.constant 0 : i32
      %dma_start3A_284 = tpu.memref_slice %arg11[%add3A_10, %dma_start3A_283] : memref<10240x16xf32, #tpu.memory_space<vmem_shared>> -> memref<32x16xf32, #tpu.memory_space<vmem_shared>>
      %dma_start3A_285 = arith.constant 0 : i32
      %dma_start3A_286 = tpu.memref_slice %arg11[%add3A_10, %dma_start3A_285] : memref<10240x16xf32, #tpu.memory_space<vmem_shared>> -> memref<32x16xf32, #tpu.memory_space<vmem_shared>>
      tpu.enqueue_dma source(%arg10 : memref<32x16xf32, #tpu.memory_space<vmem>>) target(%dma_start3A_286 : memref<32x16xf32, #tpu.memory_space<vmem_shared>>) target_semaphore(%run_scoped3A : memref<!tpu.dma_semaphore, #tpu.memory_space<semaphore_mem>>)
      %dma_wait3A_287 = arith.constant 0 : i32
      %dma_wait3A_288 = tpu.memref_slice %arg11[%add3A_10, %dma_wait3A_287] : memref<10240x16xf32, #tpu.memory_space<vmem_shared>> -> memref<32x16xf32, #tpu.memory_space<vmem_shared>>
      %dma_wait3A_289 = arith.constant 0 : i32
      %dma_wait3A_290 = tpu.memref_slice %arg11[%add3A_10, %dma_wait3A_289] : memref<10240x16xf32, #tpu.memory_space<vmem_shared>> -> memref<32x16xf32, #tpu.memory_space<vmem_shared>>
      tpu.wait_dma2 semaphore(%run_scoped3A : memref<!tpu.dma_semaphore, #tpu.memory_space<semaphore_mem>>) src(%arg10 : memref<32x16xf32, #tpu.memory_space<vmem>>) dst(%dma_wait3A_290 : memref<32x16xf32, #tpu.memory_space<vmem_shared>>)
      tpu.yield
    }) : () -> ()
    %mul3A_11 = arith.constant 640 : i32
    %mul3A_12 = arith.muli %arg1, %mul3A_11 : i32
    %add3A_13 = arith.constant 32 : i32
    %add3A_14 = arith.addi %mul3A_12, %add3A_13 : i32
    "tpu.region"() ({
      %run_scoped3A = tpu.sem_alloc : memref<!tpu.dma_semaphore, #tpu.memory_space<semaphore_mem>>
      %dma_start3A_283 = arith.constant 0 : i32
      %dma_start3A_284 = tpu.memref_slice %arg11[%add3A_14, %dma_start3A_283] : memref<10240x16xf32, #tpu.memory_space<vmem_shared>> -> memref<32x16xf32, #tpu.memory_space<vmem_shared>>
      %dma_start3A_285 = arith.constant 0 : i32
      %dma_start3A_286 = tpu.memref_slice %arg11[%add3A_14, %dma_start3A_285] : memref<10240x16xf32, #tpu.memory_space<vmem_shared>> -> memref<32x16xf32, #tpu.memory_space<vmem_shared>>
      tpu.enqueue_dma source(%arg10 : memref<32x16xf32, #tpu.memory_space<vmem>>) target(%dma_start3A_286 : memref<32x16xf32, #tpu.memory_space<vmem_shared>>) target_semaphore(%run_scoped3A : memref<!tpu.dma_semaphore, #tpu.memory_space<semaphore_mem>>)
      %dma_wait3A_287 = arith.constant 0 : i32
      %dma_wait3A_288 = tpu.memref_slice %arg11[%add3A_14, %dma_wait3A_287] : memref<10240x16xf32, #tpu.memory_space<vmem_shared>> -> memref<32x16xf32, #tpu.memory_space<vmem_shared>>
      %dma_wait3A_289 = arith.constant 0 : i32
      %dma_wait3A_290 = tpu.memref_slice %arg11[%add3A_14, %dma_wait3A_289] : memref<10240x16xf32, #tpu.memory_space<vmem_shared>> -> memref<32x16xf32, #tpu.memory_space<vmem_shared>>
      tpu.wait_dma2 semaphore(%run_scoped3A : memref<!tpu.dma_semaphore, #tpu.memory_space<semaphore_mem>>) src(%arg10 : memref<32x16xf32, #tpu.memory_space<vmem>>) dst(%dma_wait3A_290 : memref<32x16xf32, #tpu.memory_space<vmem_shared>>)
      tpu.yield
    }) : () -> ()
    %mul3A_15 = arith.constant 640 : i32
    %mul3A_16 = arith.muli %arg1, %mul3A_15 : i32
    %add3A_17 = arith.constant 64 : i32
    %add3A_18 = arith.addi %mul3A_16, %add3A_17 : i32
    "tpu.region"() ({
      %run_scoped3A = tpu.sem_alloc : memref<!tpu.dma_semaphore, #tpu.memory_space<semaphore_mem>>
      %dma_start3A_283 = arith.constant 0 : i32
      %dma_start3A_284 = tpu.memref_slice %arg11[%add3A_18, %dma_start3A_283] : memref<10240x16xf32, #tpu.memory_space<vmem_shared>> -> memref<32x16xf32, #tpu.memory_space<vmem_shared>>
      %dma_start3A_285 = arith.constant 0 : i32
      %dma_start3A_286 = tpu.memref_slice %arg11[%add3A_18, %dma_start3A_285] : memref<10240x16xf32, #tpu.memory_space<vmem_shared>> -> memref<32x16xf32, #tpu.memory_space<vmem_shared>>
      tpu.enqueue_dma source(%arg10 : memref<32x16xf32, #tpu.memory_space<vmem>>) target(%dma_start3A_286 : memref<32x16xf32, #tpu.memory_space<vmem_shared>>) target_semaphore(%run_scoped3A : memref<!tpu.dma_semaphore, #tpu.memory_space<semaphore_mem>>)
      %dma_wait3A_287 = arith.constant 0 : i32
      %dma_wait3A_288 = tpu.memref_slice %arg11[%add3A_18, %dma_wait3A_287] : memref<10240x16xf32, #tpu.memory_space<vmem_shared>> -> memref<32x16xf32, #tpu.memory_space<vmem_shared>>
      %dma_wait3A_289 = arith.constant 0 : i32
      %dma_wait3A_290 = tpu.memref_slice %arg11[%add3A_18, %dma_wait3A_289] : memref<10240x16xf32, #tpu.memory_space<vmem_shared>> -> memref<32x16xf32, #tpu.memory_space<vmem_shared>>
      tpu.wait_dma2 semaphore(%run_scoped3A : memref<!tpu.dma_semaphore, #tpu.memory_space<semaphore_mem>>) src(%arg10 : memref<32x16xf32, #tpu.memory_space<vmem>>) dst(%dma_wait3A_290 : memref<32x16xf32, #tpu.memory_space<vmem_shared>>)
      tpu.yield
    }) : () -> ()
    %mul3A_19 = arith.constant 640 : i32
    %mul3A_20 = arith.muli %arg1, %mul3A_19 : i32
    %add3A_21 = arith.constant 96 : i32
    %add3A_22 = arith.addi %mul3A_20, %add3A_21 : i32
    "tpu.region"() ({
      %run_scoped3A = tpu.sem_alloc : memref<!tpu.dma_semaphore, #tpu.memory_space<semaphore_mem>>
      %dma_start3A_283 = arith.constant 0 : i32
      %dma_start3A_284 = tpu.memref_slice %arg11[%add3A_22, %dma_start3A_283] : memref<10240x16xf32, #tpu.memory_space<vmem_shared>> -> memref<32x16xf32, #tpu.memory_space<vmem_shared>>
      %dma_start3A_285 = arith.constant 0 : i32
      %dma_start3A_286 = tpu.memref_slice %arg11[%add3A_22, %dma_start3A_285] : memref<10240x16xf32, #tpu.memory_space<vmem_shared>> -> memref<32x16xf32, #tpu.memory_space<vmem_shared>>
      tpu.enqueue_dma source(%arg10 : memref<32x16xf32, #tpu.memory_space<vmem>>) target(%dma_start3A_286 : memref<32x16xf32, #tpu.memory_space<vmem_shared>>) target_semaphore(%run_scoped3A : memref<!tpu.dma_semaphore, #tpu.memory_space<semaphore_mem>>)
      %dma_wait3A_287 = arith.constant 0 : i32
      %dma_wait3A_288 = tpu.memref_slice %arg11[%add3A_22, %dma_wait3A_287] : memref<10240x16xf32, #tpu.memory_space<vmem_shared>> -> memref<32x16xf32, #tpu.memory_space<vmem_shared>>
      %dma_wait3A_289 = arith.constant 0 : i32
      %dma_wait3A_290 = tpu.memref_slice %arg11[%add3A_22, %dma_wait3A_289] : memref<10240x16xf32, #tpu.memory_space<vmem_shared>> -> memref<32x16xf32, #tpu.memory_space<vmem_shared>>
      tpu.wait_dma2 semaphore(%run_scoped3A : memref<!tpu.dma_semaphore, #tpu.memory_space<semaphore_mem>>) src(%arg10 : memref<32x16xf32, #tpu.memory_space<vmem>>) dst(%dma_wait3A_290 : memref<32x16xf32, #tpu.memory_space<vmem_shared>>)
      tpu.yield
    }) : () -> ()
    %mul3A_23 = arith.constant 640 : i32
    %mul3A_24 = arith.muli %arg1, %mul3A_23 : i32
    %add3A_25 = arith.constant 128 : i32
    %add3A_26 = arith.addi %mul3A_24, %add3A_25 : i32
    "tpu.region"() ({
      %run_scoped3A = tpu.sem_alloc : memref<!tpu.dma_semaphore, #tpu.memory_space<semaphore_mem>>
      %dma_start3A_283 = arith.constant 0 : i32
      %dma_start3A_284 = tpu.memref_slice %arg11[%add3A_26, %dma_start3A_283] : memref<10240x16xf32, #tpu.memory_space<vmem_shared>> -> memref<32x16xf32, #tpu.memory_space<vmem_shared>>
      %dma_start3A_285 = arith.constant 0 : i32
      %dma_start3A_286 = tpu.memref_slice %arg11[%add3A_26, %dma_start3A_285] : memref<10240x16xf32, #tpu.memory_space<vmem_shared>> -> memref<32x16xf32, #tpu.memory_space<vmem_shared>>
      tpu.enqueue_dma source(%arg10 : memref<32x16xf32, #tpu.memory_space<vmem>>) target(%dma_start3A_286 : memref<32x16xf32, #tpu.memory_space<vmem_shared>>) target_semaphore(%run_scoped3A : memref<!tpu.dma_semaphore, #tpu.memory_space<semaphore_mem>>)
      %dma_wait3A_287 = arith.constant 0 : i32
      %dma_wait3A_288 = tpu.memref_slice %arg11[%add3A_26, %dma_wait3A_287] : memref<10240x16xf32, #tpu.memory_space<vmem_shared>> -> memref<32x16xf32, #tpu.memory_space<vmem_shared>>
      %dma_wait3A_289 = arith.constant 0 : i32
      %dma_wait3A_290 = tpu.memref_slice %arg11[%add3A_26, %dma_wait3A_289] : memref<10240x16xf32, #tpu.memory_space<vmem_shared>> -> memref<32x16xf32, #tpu.memory_space<vmem_shared>>
      tpu.wait_dma2 semaphore(%run_scoped3A : memref<!tpu.dma_semaphore, #tpu.memory_space<semaphore_mem>>) src(%arg10 : memref<32x16xf32, #tpu.memory_space<vmem>>) dst(%dma_wait3A_290 : memref<32x16xf32, #tpu.memory_space<vmem_shared>>)
      tpu.yield
    }) : () -> ()
    %mul3A_27 = arith.constant 640 : i32
    %mul3A_28 = arith.muli %arg1, %mul3A_27 : i32
    %add3A_29 = arith.constant 160 : i32
    %add3A_30 = arith.addi %mul3A_28, %add3A_29 : i32
    "tpu.region"() ({
      %run_scoped3A = tpu.sem_alloc : memref<!tpu.dma_semaphore, #tpu.memory_space<semaphore_mem>>
      %dma_start3A_283 = arith.constant 0 : i32
      %dma_start3A_284 = tpu.memref_slice %arg11[%add3A_30, %dma_start3A_283] : memref<10240x16xf32, #tpu.memory_space<vmem_shared>> -> memref<32x16xf32, #tpu.memory_space<vmem_shared>>
      %dma_start3A_285 = arith.constant 0 : i32
      %dma_start3A_286 = tpu.memref_slice %arg11[%add3A_30, %dma_start3A_285] : memref<10240x16xf32, #tpu.memory_space<vmem_shared>> -> memref<32x16xf32, #tpu.memory_space<vmem_shared>>
      tpu.enqueue_dma source(%arg10 : memref<32x16xf32, #tpu.memory_space<vmem>>) target(%dma_start3A_286 : memref<32x16xf32, #tpu.memory_space<vmem_shared>>) target_semaphore(%run_scoped3A : memref<!tpu.dma_semaphore, #tpu.memory_space<semaphore_mem>>)
      %dma_wait3A_287 = arith.constant 0 : i32
      %dma_wait3A_288 = tpu.memref_slice %arg11[%add3A_30, %dma_wait3A_287] : memref<10240x16xf32, #tpu.memory_space<vmem_shared>> -> memref<32x16xf32, #tpu.memory_space<vmem_shared>>
      %dma_wait3A_289 = arith.constant 0 : i32
      %dma_wait3A_290 = tpu.memref_slice %arg11[%add3A_30, %dma_wait3A_289] : memref<10240x16xf32, #tpu.memory_space<vmem_shared>> -> memref<32x16xf32, #tpu.memory_space<vmem_shared>>
      tpu.wait_dma2 semaphore(%run_scoped3A : memref<!tpu.dma_semaphore, #tpu.memory_space<semaphore_mem>>) src(%arg10 : memref<32x16xf32, #tpu.memory_space<vmem>>) dst(%dma_wait3A_290 : memref<32x16xf32, #tpu.memory_space<vmem_shared>>)
      tpu.yield
    }) : () -> ()
    %mul3A_31 = arith.constant 640 : i32
    %mul3A_32 = arith.muli %arg1, %mul3A_31 : i32
    %add3A_33 = arith.constant 192 : i32
    %add3A_34 = arith.addi %mul3A_32, %add3A_33 : i32
    "tpu.region"() ({
      %run_scoped3A = tpu.sem_alloc : memref<!tpu.dma_semaphore, #tpu.memory_space<semaphore_mem>>
      %dma_start3A_283 = arith.constant 0 : i32
      %dma_start3A_284 = tpu.memref_slice %arg11[%add3A_34, %dma_start3A_283] : memref<10240x16xf32, #tpu.memory_space<vmem_shared>> -> memref<32x16xf32, #tpu.memory_space<vmem_shared>>
      %dma_start3A_285 = arith.constant 0 : i32
      %dma_start3A_286 = tpu.memref_slice %arg11[%add3A_34, %dma_start3A_285] : memref<10240x16xf32, #tpu.memory_space<vmem_shared>> -> memref<32x16xf32, #tpu.memory_space<vmem_shared>>
      tpu.enqueue_dma source(%arg10 : memref<32x16xf32, #tpu.memory_space<vmem>>) target(%dma_start3A_286 : memref<32x16xf32, #tpu.memory_space<vmem_shared>>) target_semaphore(%run_scoped3A : memref<!tpu.dma_semaphore, #tpu.memory_space<semaphore_mem>>)
      %dma_wait3A_287 = arith.constant 0 : i32
      %dma_wait3A_288 = tpu.memref_slice %arg11[%add3A_34, %dma_wait3A_287] : memref<10240x16xf32, #tpu.memory_space<vmem_shared>> -> memref<32x16xf32, #tpu.memory_space<vmem_shared>>
      %dma_wait3A_289 = arith.constant 0 : i32
      %dma_wait3A_290 = tpu.memref_slice %arg11[%add3A_34, %dma_wait3A_289] : memref<10240x16xf32, #tpu.memory_space<vmem_shared>> -> memref<32x16xf32, #tpu.memory_space<vmem_shared>>
      tpu.wait_dma2 semaphore(%run_scoped3A : memref<!tpu.dma_semaphore, #tpu.memory_space<semaphore_mem>>) src(%arg10 : memref<32x16xf32, #tpu.memory_space<vmem>>) dst(%dma_wait3A_290 : memref<32x16xf32, #tpu.memory_space<vmem_shared>>)
      tpu.yield
    }) : () -> ()
    %mul3A_35 = arith.constant 640 : i32
    %mul3A_36 = arith.muli %arg1, %mul3A_35 : i32
    %add3A_37 = arith.constant 224 : i32
    %add3A_38 = arith.addi %mul3A_36, %add3A_37 : i32
    "tpu.region"() ({
      %run_scoped3A = tpu.sem_alloc : memref<!tpu.dma_semaphore, #tpu.memory_space<semaphore_mem>>
      %dma_start3A_283 = arith.constant 0 : i32
      %dma_start3A_284 = tpu.memref_slice %arg11[%add3A_38, %dma_start3A_283] : memref<10240x16xf32, #tpu.memory_space<vmem_shared>> -> memref<32x16xf32, #tpu.memory_space<vmem_shared>>
      %dma_start3A_285 = arith.constant 0 : i32
      %dma_start3A_286 = tpu.memref_slice %arg11[%add3A_38, %dma_start3A_285] : memref<10240x16xf32, #tpu.memory_space<vmem_shared>> -> memref<32x16xf32, #tpu.memory_space<vmem_shared>>
      tpu.enqueue_dma source(%arg10 : memref<32x16xf32, #tpu.memory_space<vmem>>) target(%dma_start3A_286 : memref<32x16xf32, #tpu.memory_space<vmem_shared>>) target_semaphore(%run_scoped3A : memref<!tpu.dma_semaphore, #tpu.memory_space<semaphore_mem>>)
      %dma_wait3A_287 = arith.constant 0 : i32
      %dma_wait3A_288 = tpu.memref_slice %arg11[%add3A_38, %dma_wait3A_287] : memref<10240x16xf32, #tpu.memory_space<vmem_shared>> -> memref<32x16xf32, #tpu.memory_space<vmem_shared>>
      %dma_wait3A_289 = arith.constant 0 : i32
      %dma_wait3A_290 = tpu.memref_slice %arg11[%add3A_38, %dma_wait3A_289] : memref<10240x16xf32, #tpu.memory_space<vmem_shared>> -> memref<32x16xf32, #tpu.memory_space<vmem_shared>>
      tpu.wait_dma2 semaphore(%run_scoped3A : memref<!tpu.dma_semaphore, #tpu.memory_space<semaphore_mem>>) src(%arg10 : memref<32x16xf32, #tpu.memory_space<vmem>>) dst(%dma_wait3A_290 : memref<32x16xf32, #tpu.memory_space<vmem_shared>>)
      tpu.yield
    }) : () -> ()
    %mul3A_39 = arith.constant 640 : i32
    %mul3A_40 = arith.muli %arg1, %mul3A_39 : i32
    %add3A_41 = arith.constant 256 : i32
    %add3A_42 = arith.addi %mul3A_40, %add3A_41 : i32
    "tpu.region"() ({
      %run_scoped3A = tpu.sem_alloc : memref<!tpu.dma_semaphore, #tpu.memory_space<semaphore_mem>>
      %dma_start3A_283 = arith.constant 0 : i32
      %dma_start3A_284 = tpu.memref_slice %arg11[%add3A_42, %dma_start3A_283] : memref<10240x16xf32, #tpu.memory_space<vmem_shared>> -> memref<32x16xf32, #tpu.memory_space<vmem_shared>>
      %dma_start3A_285 = arith.constant 0 : i32
      %dma_start3A_286 = tpu.memref_slice %arg11[%add3A_42, %dma_start3A_285] : memref<10240x16xf32, #tpu.memory_space<vmem_shared>> -> memref<32x16xf32, #tpu.memory_space<vmem_shared>>
      tpu.enqueue_dma source(%arg10 : memref<32x16xf32, #tpu.memory_space<vmem>>) target(%dma_start3A_286 : memref<32x16xf32, #tpu.memory_space<vmem_shared>>) target_semaphore(%run_scoped3A : memref<!tpu.dma_semaphore, #tpu.memory_space<semaphore_mem>>)
      %dma_wait3A_287 = arith.constant 0 : i32
      %dma_wait3A_288 = tpu.memref_slice %arg11[%add3A_42, %dma_wait3A_287] : memref<10240x16xf32, #tpu.memory_space<vmem_shared>> -> memref<32x16xf32, #tpu.memory_space<vmem_shared>>
      %dma_wait3A_289 = arith.constant 0 : i32
      %dma_wait3A_290 = tpu.memref_slice %arg11[%add3A_42, %dma_wait3A_289] : memref<10240x16xf32, #tpu.memory_space<vmem_shared>> -> memref<32x16xf32, #tpu.memory_space<vmem_shared>>
      tpu.wait_dma2 semaphore(%run_scoped3A : memref<!tpu.dma_semaphore, #tpu.memory_space<semaphore_mem>>) src(%arg10 : memref<32x16xf32, #tpu.memory_space<vmem>>) dst(%dma_wait3A_290 : memref<32x16xf32, #tpu.memory_space<vmem_shared>>)
      tpu.yield
    }) : () -> ()
    %mul3A_43 = arith.constant 640 : i32
    %mul3A_44 = arith.muli %arg1, %mul3A_43 : i32
    %add3A_45 = arith.constant 288 : i32
    %add3A_46 = arith.addi %mul3A_44, %add3A_45 : i32
    "tpu.region"() ({
      %run_scoped3A = tpu.sem_alloc : memref<!tpu.dma_semaphore, #tpu.memory_space<semaphore_mem>>
      %dma_start3A_283 = arith.constant 0 : i32
      %dma_start3A_284 = tpu.memref_slice %arg11[%add3A_46, %dma_start3A_283] : memref<10240x16xf32, #tpu.memory_space<vmem_shared>> -> memref<32x16xf32, #tpu.memory_space<vmem_shared>>
      %dma_start3A_285 = arith.constant 0 : i32
      %dma_start3A_286 = tpu.memref_slice %arg11[%add3A_46, %dma_start3A_285] : memref<10240x16xf32, #tpu.memory_space<vmem_shared>> -> memref<32x16xf32, #tpu.memory_space<vmem_shared>>
      tpu.enqueue_dma source(%arg10 : memref<32x16xf32, #tpu.memory_space<vmem>>) target(%dma_start3A_286 : memref<32x16xf32, #tpu.memory_space<vmem_shared>>) target_semaphore(%run_scoped3A : memref<!tpu.dma_semaphore, #tpu.memory_space<semaphore_mem>>)
      %dma_wait3A_287 = arith.constant 0 : i32
      %dma_wait3A_288 = tpu.memref_slice %arg11[%add3A_46, %dma_wait3A_287] : memref<10240x16xf32, #tpu.memory_space<vmem_shared>> -> memref<32x16xf32, #tpu.memory_space<vmem_shared>>
      %dma_wait3A_289 = arith.constant 0 : i32
      %dma_wait3A_290 = tpu.memref_slice %arg11[%add3A_46, %dma_wait3A_289] : memref<10240x16xf32, #tpu.memory_space<vmem_shared>> -> memref<32x16xf32, #tpu.memory_space<vmem_shared>>
      tpu.wait_dma2 semaphore(%run_scoped3A : memref<!tpu.dma_semaphore, #tpu.memory_space<semaphore_mem>>) src(%arg10 : memref<32x16xf32, #tpu.memory_space<vmem>>) dst(%dma_wait3A_290 : memref<32x16xf32, #tpu.memory_space<vmem_shared>>)
      tpu.yield
    }) : () -> ()
    %mul3A_47 = arith.constant 640 : i32
    %mul3A_48 = arith.muli %arg1, %mul3A_47 : i32
    %add3A_49 = arith.constant 320 : i32
    %add3A_50 = arith.addi %mul3A_48, %add3A_49 : i32
    "tpu.region"() ({
      %run_scoped3A = tpu.sem_alloc : memref<!tpu.dma_semaphore, #tpu.memory_space<semaphore_mem>>
      %dma_start3A_283 = arith.constant 0 : i32
      %dma_start3A_284 = tpu.memref_slice %arg11[%add3A_50, %dma_start3A_283] : memref<10240x16xf32, #tpu.memory_space<vmem_shared>> -> memref<32x16xf32, #tpu.memory_space<vmem_shared>>
      %dma_start3A_285 = arith.constant 0 : i32
      %dma_start3A_286 = tpu.memref_slice %arg11[%add3A_50, %dma_start3A_285] : memref<10240x16xf32, #tpu.memory_space<vmem_shared>> -> memref<32x16xf32, #tpu.memory_space<vmem_shared>>
      tpu.enqueue_dma source(%arg10 : memref<32x16xf32, #tpu.memory_space<vmem>>) target(%dma_start3A_286 : memref<32x16xf32, #tpu.memory_space<vmem_shared>>) target_semaphore(%run_scoped3A : memref<!tpu.dma_semaphore, #tpu.memory_space<semaphore_mem>>)
      %dma_wait3A_287 = arith.constant 0 : i32
      %dma_wait3A_288 = tpu.memref_slice %arg11[%add3A_50, %dma_wait3A_287] : memref<10240x16xf32, #tpu.memory_space<vmem_shared>> -> memref<32x16xf32, #tpu.memory_space<vmem_shared>>
      %dma_wait3A_289 = arith.constant 0 : i32
      %dma_wait3A_290 = tpu.memref_slice %arg11[%add3A_50, %dma_wait3A_289] : memref<10240x16xf32, #tpu.memory_space<vmem_shared>> -> memref<32x16xf32, #tpu.memory_space<vmem_shared>>
      tpu.wait_dma2 semaphore(%run_scoped3A : memref<!tpu.dma_semaphore, #tpu.memory_space<semaphore_mem>>) src(%arg10 : memref<32x16xf32, #tpu.memory_space<vmem>>) dst(%dma_wait3A_290 : memref<32x16xf32, #tpu.memory_space<vmem_shared>>)
      tpu.yield
    }) : () -> ()
    %mul3A_51 = arith.constant 640 : i32
    %mul3A_52 = arith.muli %arg1, %mul3A_51 : i32
    %add3A_53 = arith.constant 352 : i32
    %add3A_54 = arith.addi %mul3A_52, %add3A_53 : i32
    "tpu.region"() ({
      %run_scoped3A = tpu.sem_alloc : memref<!tpu.dma_semaphore, #tpu.memory_space<semaphore_mem>>
      %dma_start3A_283 = arith.constant 0 : i32
      %dma_start3A_284 = tpu.memref_slice %arg11[%add3A_54, %dma_start3A_283] : memref<10240x16xf32, #tpu.memory_space<vmem_shared>> -> memref<32x16xf32, #tpu.memory_space<vmem_shared>>
      %dma_start3A_285 = arith.constant 0 : i32
      %dma_start3A_286 = tpu.memref_slice %arg11[%add3A_54, %dma_start3A_285] : memref<10240x16xf32, #tpu.memory_space<vmem_shared>> -> memref<32x16xf32, #tpu.memory_space<vmem_shared>>
      tpu.enqueue_dma source(%arg10 : memref<32x16xf32, #tpu.memory_space<vmem>>) target(%dma_start3A_286 : memref<32x16xf32, #tpu.memory_space<vmem_shared>>) target_semaphore(%run_scoped3A : memref<!tpu.dma_semaphore, #tpu.memory_space<semaphore_mem>>)
      %dma_wait3A_287 = arith.constant 0 : i32
      %dma_wait3A_288 = tpu.memref_slice %arg11[%add3A_54, %dma_wait3A_287] : memref<10240x16xf32, #tpu.memory_space<vmem_shared>> -> memref<32x16xf32, #tpu.memory_space<vmem_shared>>
      %dma_wait3A_289 = arith.constant 0 : i32
      %dma_wait3A_290 = tpu.memref_slice %arg11[%add3A_54, %dma_wait3A_289] : memref<10240x16xf32, #tpu.memory_space<vmem_shared>> -> memref<32x16xf32, #tpu.memory_space<vmem_shared>>
      tpu.wait_dma2 semaphore(%run_scoped3A : memref<!tpu.dma_semaphore, #tpu.memory_space<semaphore_mem>>) src(%arg10 : memref<32x16xf32, #tpu.memory_space<vmem>>) dst(%dma_wait3A_290 : memref<32x16xf32, #tpu.memory_space<vmem_shared>>)
      tpu.yield
    }) : () -> ()
    %mul3A_55 = arith.constant 640 : i32
    %mul3A_56 = arith.muli %arg1, %mul3A_55 : i32
    %add3A_57 = arith.constant 384 : i32
    %add3A_58 = arith.addi %mul3A_56, %add3A_57 : i32
    "tpu.region"() ({
      %run_scoped3A = tpu.sem_alloc : memref<!tpu.dma_semaphore, #tpu.memory_space<semaphore_mem>>
      %dma_start3A_283 = arith.constant 0 : i32
      %dma_start3A_284 = tpu.memref_slice %arg11[%add3A_58, %dma_start3A_283] : memref<10240x16xf32, #tpu.memory_space<vmem_shared>> -> memref<32x16xf32, #tpu.memory_space<vmem_shared>>
      %dma_start3A_285 = arith.constant 0 : i32
      %dma_start3A_286 = tpu.memref_slice %arg11[%add3A_58, %dma_start3A_285] : memref<10240x16xf32, #tpu.memory_space<vmem_shared>> -> memref<32x16xf32, #tpu.memory_space<vmem_shared>>
      tpu.enqueue_dma source(%arg10 : memref<32x16xf32, #tpu.memory_space<vmem>>) target(%dma_start3A_286 : memref<32x16xf32, #tpu.memory_space<vmem_shared>>) target_semaphore(%run_scoped3A : memref<!tpu.dma_semaphore, #tpu.memory_space<semaphore_mem>>)
      %dma_wait3A_287 = arith.constant 0 : i32
      %dma_wait3A_288 = tpu.memref_slice %arg11[%add3A_58, %dma_wait3A_287] : memref<10240x16xf32, #tpu.memory_space<vmem_shared>> -> memref<32x16xf32, #tpu.memory_space<vmem_shared>>
      %dma_wait3A_289 = arith.constant 0 : i32
      %dma_wait3A_290 = tpu.memref_slice %arg11[%add3A_58, %dma_wait3A_289] : memref<10240x16xf32, #tpu.memory_space<vmem_shared>> -> memref<32x16xf32, #tpu.memory_space<vmem_shared>>
      tpu.wait_dma2 semaphore(%run_scoped3A : memref<!tpu.dma_semaphore, #tpu.memory_space<semaphore_mem>>) src(%arg10 : memref<32x16xf32, #tpu.memory_space<vmem>>) dst(%dma_wait3A_290 : memref<32x16xf32, #tpu.memory_space<vmem_shared>>)
      tpu.yield
    }) : () -> ()
    %mul3A_59 = arith.constant 640 : i32
    %mul3A_60 = arith.muli %arg1, %mul3A_59 : i32
    %add3A_61 = arith.constant 416 : i32
    %add3A_62 = arith.addi %mul3A_60, %add3A_61 : i32
    "tpu.region"() ({
      %run_scoped3A = tpu.sem_alloc : memref<!tpu.dma_semaphore, #tpu.memory_space<semaphore_mem>>
      %dma_start3A_283 = arith.constant 0 : i32
      %dma_start3A_284 = tpu.memref_slice %arg11[%add3A_62, %dma_start3A_283] : memref<10240x16xf32, #tpu.memory_space<vmem_shared>> -> memref<32x16xf32, #tpu.memory_space<vmem_shared>>
      %dma_start3A_285 = arith.constant 0 : i32
      %dma_start3A_286 = tpu.memref_slice %arg11[%add3A_62, %dma_start3A_285] : memref<10240x16xf32, #tpu.memory_space<vmem_shared>> -> memref<32x16xf32, #tpu.memory_space<vmem_shared>>
      tpu.enqueue_dma source(%arg10 : memref<32x16xf32, #tpu.memory_space<vmem>>) target(%dma_start3A_286 : memref<32x16xf32, #tpu.memory_space<vmem_shared>>) target_semaphore(%run_scoped3A : memref<!tpu.dma_semaphore, #tpu.memory_space<semaphore_mem>>)
      %dma_wait3A_287 = arith.constant 0 : i32
      %dma_wait3A_288 = tpu.memref_slice %arg11[%add3A_62, %dma_wait3A_287] : memref<10240x16xf32, #tpu.memory_space<vmem_shared>> -> memref<32x16xf32, #tpu.memory_space<vmem_shared>>
      %dma_wait3A_289 = arith.constant 0 : i32
      %dma_wait3A_290 = tpu.memref_slice %arg11[%add3A_62, %dma_wait3A_289] : memref<10240x16xf32, #tpu.memory_space<vmem_shared>> -> memref<32x16xf32, #tpu.memory_space<vmem_shared>>
      tpu.wait_dma2 semaphore(%run_scoped3A : memref<!tpu.dma_semaphore, #tpu.memory_space<semaphore_mem>>) src(%arg10 : memref<32x16xf32, #tpu.memory_space<vmem>>) dst(%dma_wait3A_290 : memref<32x16xf32, #tpu.memory_space<vmem_shared>>)
      tpu.yield
    }) : () -> ()
    %mul3A_63 = arith.constant 640 : i32
    %mul3A_64 = arith.muli %arg1, %mul3A_63 : i32
    %add3A_65 = arith.constant 448 : i32
    %add3A_66 = arith.addi %mul3A_64, %add3A_65 : i32
    "tpu.region"() ({
      %run_scoped3A = tpu.sem_alloc : memref<!tpu.dma_semaphore, #tpu.memory_space<semaphore_mem>>
      %dma_start3A_283 = arith.constant 0 : i32
      %dma_start3A_284 = tpu.memref_slice %arg11[%add3A_66, %dma_start3A_283] : memref<10240x16xf32, #tpu.memory_space<vmem_shared>> -> memref<32x16xf32, #tpu.memory_space<vmem_shared>>
      %dma_start3A_285 = arith.constant 0 : i32
      %dma_start3A_286 = tpu.memref_slice %arg11[%add3A_66, %dma_start3A_285] : memref<10240x16xf32, #tpu.memory_space<vmem_shared>> -> memref<32x16xf32, #tpu.memory_space<vmem_shared>>
      tpu.enqueue_dma source(%arg10 : memref<32x16xf32, #tpu.memory_space<vmem>>) target(%dma_start3A_286 : memref<32x16xf32, #tpu.memory_space<vmem_shared>>) target_semaphore(%run_scoped3A : memref<!tpu.dma_semaphore, #tpu.memory_space<semaphore_mem>>)
      %dma_wait3A_287 = arith.constant 0 : i32
      %dma_wait3A_288 = tpu.memref_slice %arg11[%add3A_66, %dma_wait3A_287] : memref<10240x16xf32, #tpu.memory_space<vmem_shared>> -> memref<32x16xf32, #tpu.memory_space<vmem_shared>>
      %dma_wait3A_289 = arith.constant 0 : i32
      %dma_wait3A_290 = tpu.memref_slice %arg11[%add3A_66, %dma_wait3A_289] : memref<10240x16xf32, #tpu.memory_space<vmem_shared>> -> memref<32x16xf32, #tpu.memory_space<vmem_shared>>
      tpu.wait_dma2 semaphore(%run_scoped3A : memref<!tpu.dma_semaphore, #tpu.memory_space<semaphore_mem>>) src(%arg10 : memref<32x16xf32, #tpu.memory_space<vmem>>) dst(%dma_wait3A_290 : memref<32x16xf32, #tpu.memory_space<vmem_shared>>)
      tpu.yield
    }) : () -> ()
    %mul3A_67 = arith.constant 640 : i32
    %mul3A_68 = arith.muli %arg1, %mul3A_67 : i32
    %add3A_69 = arith.constant 480 : i32
    %add3A_70 = arith.addi %mul3A_68, %add3A_69 : i32
    "tpu.region"() ({
      %run_scoped3A = tpu.sem_alloc : memref<!tpu.dma_semaphore, #tpu.memory_space<semaphore_mem>>
      %dma_start3A_283 = arith.constant 0 : i32
      %dma_start3A_284 = tpu.memref_slice %arg11[%add3A_70, %dma_start3A_283] : memref<10240x16xf32, #tpu.memory_space<vmem_shared>> -> memref<32x16xf32, #tpu.memory_space<vmem_shared>>
      %dma_start3A_285 = arith.constant 0 : i32
      %dma_start3A_286 = tpu.memref_slice %arg11[%add3A_70, %dma_start3A_285] : memref<10240x16xf32, #tpu.memory_space<vmem_shared>> -> memref<32x16xf32, #tpu.memory_space<vmem_shared>>
      tpu.enqueue_dma source(%arg10 : memref<32x16xf32, #tpu.memory_space<vmem>>) target(%dma_start3A_286 : memref<32x16xf32, #tpu.memory_space<vmem_shared>>) target_semaphore(%run_scoped3A : memref<!tpu.dma_semaphore, #tpu.memory_space<semaphore_mem>>)
      %dma_wait3A_287 = arith.constant 0 : i32
      %dma_wait3A_288 = tpu.memref_slice %arg11[%add3A_70, %dma_wait3A_287] : memref<10240x16xf32, #tpu.memory_space<vmem_shared>> -> memref<32x16xf32, #tpu.memory_space<vmem_shared>>
      %dma_wait3A_289 = arith.constant 0 : i32
      %dma_wait3A_290 = tpu.memref_slice %arg11[%add3A_70, %dma_wait3A_289] : memref<10240x16xf32, #tpu.memory_space<vmem_shared>> -> memref<32x16xf32, #tpu.memory_space<vmem_shared>>
      tpu.wait_dma2 semaphore(%run_scoped3A : memref<!tpu.dma_semaphore, #tpu.memory_space<semaphore_mem>>) src(%arg10 : memref<32x16xf32, #tpu.memory_space<vmem>>) dst(%dma_wait3A_290 : memref<32x16xf32, #tpu.memory_space<vmem_shared>>)
      tpu.yield
    }) : () -> ()
    %mul3A_71 = arith.constant 640 : i32
    %mul3A_72 = arith.muli %arg1, %mul3A_71 : i32
    %add3A_73 = arith.constant 512 : i32
    %add3A_74 = arith.addi %mul3A_72, %add3A_73 : i32
    "tpu.region"() ({
      %run_scoped3A = tpu.sem_alloc : memref<!tpu.dma_semaphore, #tpu.memory_space<semaphore_mem>>
      %dma_start3A_283 = arith.constant 0 : i32
      %dma_start3A_284 = tpu.memref_slice %arg11[%add3A_74, %dma_start3A_283] : memref<10240x16xf32, #tpu.memory_space<vmem_shared>> -> memref<32x16xf32, #tpu.memory_space<vmem_shared>>
      %dma_start3A_285 = arith.constant 0 : i32
      %dma_start3A_286 = tpu.memref_slice %arg11[%add3A_74, %dma_start3A_285] : memref<10240x16xf32, #tpu.memory_space<vmem_shared>> -> memref<32x16xf32, #tpu.memory_space<vmem_shared>>
      tpu.enqueue_dma source(%arg10 : memref<32x16xf32, #tpu.memory_space<vmem>>) target(%dma_start3A_286 : memref<32x16xf32, #tpu.memory_space<vmem_shared>>) target_semaphore(%run_scoped3A : memref<!tpu.dma_semaphore, #tpu.memory_space<semaphore_mem>>)
      %dma_wait3A_287 = arith.constant 0 : i32
      %dma_wait3A_288 = tpu.memref_slice %arg11[%add3A_74, %dma_wait3A_287] : memref<10240x16xf32, #tpu.memory_space<vmem_shared>> -> memref<32x16xf32, #tpu.memory_space<vmem_shared>>
      %dma_wait3A_289 = arith.constant 0 : i32
      %dma_wait3A_290 = tpu.memref_slice %arg11[%add3A_74, %dma_wait3A_289] : memref<10240x16xf32, #tpu.memory_space<vmem_shared>> -> memref<32x16xf32, #tpu.memory_space<vmem_shared>>
      tpu.wait_dma2 semaphore(%run_scoped3A : memref<!tpu.dma_semaphore, #tpu.memory_space<semaphore_mem>>) src(%arg10 : memref<32x16xf32, #tpu.memory_space<vmem>>) dst(%dma_wait3A_290 : memref<32x16xf32, #tpu.memory_space<vmem_shared>>)
      tpu.yield
    }) : () -> ()
    %mul3A_75 = arith.constant 640 : i32
    %mul3A_76 = arith.muli %arg1, %mul3A_75 : i32
    %add3A_77 = arith.constant 544 : i32
    %add3A_78 = arith.addi %mul3A_76, %add3A_77 : i32
    "tpu.region"() ({
      %run_scoped3A = tpu.sem_alloc : memref<!tpu.dma_semaphore, #tpu.memory_space<semaphore_mem>>
      %dma_start3A_283 = arith.constant 0 : i32
      %dma_start3A_284 = tpu.memref_slice %arg11[%add3A_78, %dma_start3A_283] : memref<10240x16xf32, #tpu.memory_space<vmem_shared>> -> memref<32x16xf32, #tpu.memory_space<vmem_shared>>
      %dma_start3A_285 = arith.constant 0 : i32
      %dma_start3A_286 = tpu.memref_slice %arg11[%add3A_78, %dma_start3A_285] : memref<10240x16xf32, #tpu.memory_space<vmem_shared>> -> memref<32x16xf32, #tpu.memory_space<vmem_shared>>
      tpu.enqueue_dma source(%arg10 : memref<32x16xf32, #tpu.memory_space<vmem>>) target(%dma_start3A_286 : memref<32x16xf32, #tpu.memory_space<vmem_shared>>) target_semaphore(%run_scoped3A : memref<!tpu.dma_semaphore, #tpu.memory_space<semaphore_mem>>)
      %dma_wait3A_287 = arith.constant 0 : i32
      %dma_wait3A_288 = tpu.memref_slice %arg11[%add3A_78, %dma_wait3A_287] : memref<10240x16xf32, #tpu.memory_space<vmem_shared>> -> memref<32x16xf32, #tpu.memory_space<vmem_shared>>
      %dma_wait3A_289 = arith.constant 0 : i32
      %dma_wait3A_290 = tpu.memref_slice %arg11[%add3A_78, %dma_wait3A_289] : memref<10240x16xf32, #tpu.memory_space<vmem_shared>> -> memref<32x16xf32, #tpu.memory_space<vmem_shared>>
      tpu.wait_dma2 semaphore(%run_scoped3A : memref<!tpu.dma_semaphore, #tpu.memory_space<semaphore_mem>>) src(%arg10 : memref<32x16xf32, #tpu.memory_space<vmem>>) dst(%dma_wait3A_290 : memref<32x16xf32, #tpu.memory_space<vmem_shared>>)
      tpu.yield
    }) : () -> ()
    %mul3A_79 = arith.constant 640 : i32
    %mul3A_80 = arith.muli %arg1, %mul3A_79 : i32
    %add3A_81 = arith.constant 576 : i32
    %add3A_82 = arith.addi %mul3A_80, %add3A_81 : i32
    "tpu.region"() ({
      %run_scoped3A = tpu.sem_alloc : memref<!tpu.dma_semaphore, #tpu.memory_space<semaphore_mem>>
      %dma_start3A_283 = arith.constant 0 : i32
      %dma_start3A_284 = tpu.memref_slice %arg11[%add3A_82, %dma_start3A_283] : memref<10240x16xf32, #tpu.memory_space<vmem_shared>> -> memref<32x16xf32, #tpu.memory_space<vmem_shared>>
      %dma_start3A_285 = arith.constant 0 : i32
      %dma_start3A_286 = tpu.memref_slice %arg11[%add3A_82, %dma_start3A_285] : memref<10240x16xf32, #tpu.memory_space<vmem_shared>> -> memref<32x16xf32, #tpu.memory_space<vmem_shared>>
      tpu.enqueue_dma source(%arg10 : memref<32x16xf32, #tpu.memory_space<vmem>>) target(%dma_start3A_286 : memref<32x16xf32, #tpu.memory_space<vmem_shared>>) target_semaphore(%run_scoped3A : memref<!tpu.dma_semaphore, #tpu.memory_space<semaphore_mem>>)
      %dma_wait3A_287 = arith.constant 0 : i32
      %dma_wait3A_288 = tpu.memref_slice %arg11[%add3A_82, %dma_wait3A_287] : memref<10240x16xf32, #tpu.memory_space<vmem_shared>> -> memref<32x16xf32, #tpu.memory_space<vmem_shared>>
      %dma_wait3A_289 = arith.constant 0 : i32
      %dma_wait3A_290 = tpu.memref_slice %arg11[%add3A_82, %dma_wait3A_289] : memref<10240x16xf32, #tpu.memory_space<vmem_shared>> -> memref<32x16xf32, #tpu.memory_space<vmem_shared>>
      tpu.wait_dma2 semaphore(%run_scoped3A : memref<!tpu.dma_semaphore, #tpu.memory_space<semaphore_mem>>) src(%arg10 : memref<32x16xf32, #tpu.memory_space<vmem>>) dst(%dma_wait3A_290 : memref<32x16xf32, #tpu.memory_space<vmem_shared>>)
      tpu.yield
    }) : () -> ()
    %mul3A_83 = arith.constant 640 : i32
    %mul3A_84 = arith.muli %arg1, %mul3A_83 : i32
    %add3A_85 = arith.constant 608 : i32
    %add3A_86 = arith.addi %mul3A_84, %add3A_85 : i32
    "tpu.region"() ({
      %run_scoped3A = tpu.sem_alloc : memref<!tpu.dma_semaphore, #tpu.memory_space<semaphore_mem>>
      %dma_start3A_283 = arith.constant 0 : i32
      %dma_start3A_284 = tpu.memref_slice %arg11[%add3A_86, %dma_start3A_283] : memref<10240x16xf32, #tpu.memory_space<vmem_shared>> -> memref<32x16xf32, #tpu.memory_space<vmem_shared>>
      %dma_start3A_285 = arith.constant 0 : i32
      %dma_start3A_286 = tpu.memref_slice %arg11[%add3A_86, %dma_start3A_285] : memref<10240x16xf32, #tpu.memory_space<vmem_shared>> -> memref<32x16xf32, #tpu.memory_space<vmem_shared>>
      tpu.enqueue_dma source(%arg10 : memref<32x16xf32, #tpu.memory_space<vmem>>) target(%dma_start3A_286 : memref<32x16xf32, #tpu.memory_space<vmem_shared>>) target_semaphore(%run_scoped3A : memref<!tpu.dma_semaphore, #tpu.memory_space<semaphore_mem>>)
      %dma_wait3A_287 = arith.constant 0 : i32
      %dma_wait3A_288 = tpu.memref_slice %arg11[%add3A_86, %dma_wait3A_287] : memref<10240x16xf32, #tpu.memory_space<vmem_shared>> -> memref<32x16xf32, #tpu.memory_space<vmem_shared>>
      %dma_wait3A_289 = arith.constant 0 : i32
      %dma_wait3A_290 = tpu.memref_slice %arg11[%add3A_86, %dma_wait3A_289] : memref<10240x16xf32, #tpu.memory_space<vmem_shared>> -> memref<32x16xf32, #tpu.memory_space<vmem_shared>>
      tpu.wait_dma2 semaphore(%run_scoped3A : memref<!tpu.dma_semaphore, #tpu.memory_space<semaphore_mem>>) src(%arg10 : memref<32x16xf32, #tpu.memory_space<vmem>>) dst(%dma_wait3A_290 : memref<32x16xf32, #tpu.memory_space<vmem_shared>>)
      tpu.yield
    }) : () -> ()
    %barrier3A = arith.constant 0 : index
    tpu.barrier barrier_id(%barrier3A)
    %dma_start3A = arith.constant 0 : i32
    %dma_start3A_87 = arith.constant 0 : i32
    %dma_start3A_88 = arith.constant 0 : i32
    %dma_start3A_89 = tpu.memref_slice %arg2[%add3A, %dma_start3A, %dma_start3A_87, %dma_start3A_88] : memref<32x32x5x128xi32, #tpu.memory_space<hbm>> -> memref<1x32x5x128xi32, #tpu.memory_space<hbm>>
    %dma_start3A_90 = tpu.memref_squeeze %dma_start3A_89 : memref<1x32x5x128xi32, #tpu.memory_space<hbm>> -> memref<32x5x128xi32, #tpu.memory_space<hbm>>
    %dma_start3A_91 = arith.constant 0 : i32
    %dma_start3A_92 = arith.constant 0 : i32
    %dma_start3A_93 = arith.constant 0 : i32
    %dma_start3A_94 = tpu.memref_slice %arg2[%add3A, %dma_start3A_91, %dma_start3A_92, %dma_start3A_93] : memref<32x32x5x128xi32, #tpu.memory_space<hbm>> -> memref<1x32x5x128xi32, #tpu.memory_space<hbm>>
    %dma_start3A_95 = tpu.memref_squeeze %dma_start3A_94 : memref<1x32x5x128xi32, #tpu.memory_space<hbm>> -> memref<32x5x128xi32, #tpu.memory_space<hbm>>
    tpu.enqueue_dma source(%dma_start3A_95 : memref<32x5x128xi32, #tpu.memory_space<hbm>>) target(%arg6 : memref<32x5x128xi32, #tpu.memory_space<vmem>>) target_semaphore(%arg14 : memref<!tpu.dma_semaphore, #tpu.memory_space<semaphore_mem>>)
    %dma_start3A_96 = arith.constant 0 : i32
    %dma_start3A_97 = arith.constant 0 : i32
    %dma_start3A_98 = arith.constant 0 : i32
    %dma_start3A_99 = tpu.memref_slice %arg3[%add3A, %dma_start3A_96, %dma_start3A_97, %dma_start3A_98] : memref<32x32x5x128xi32, #tpu.memory_space<hbm>> -> memref<1x32x5x128xi32, #tpu.memory_space<hbm>>
    %dma_start3A_100 = tpu.memref_squeeze %dma_start3A_99 : memref<1x32x5x128xi32, #tpu.memory_space<hbm>> -> memref<32x5x128xi32, #tpu.memory_space<hbm>>
    %dma_start3A_101 = arith.constant 0 : i32
    %dma_start3A_102 = arith.constant 0 : i32
    %dma_start3A_103 = arith.constant 0 : i32
    %dma_start3A_104 = tpu.memref_slice %arg3[%add3A, %dma_start3A_101, %dma_start3A_102, %dma_start3A_103] : memref<32x32x5x128xi32, #tpu.memory_space<hbm>> -> memref<1x32x5x128xi32, #tpu.memory_space<hbm>>
    %dma_start3A_105 = tpu.memref_squeeze %dma_start3A_104 : memref<1x32x5x128xi32, #tpu.memory_space<hbm>> -> memref<32x5x128xi32, #tpu.memory_space<hbm>>
    tpu.enqueue_dma source(%dma_start3A_105 : memref<32x5x128xi32, #tpu.memory_space<hbm>>) target(%arg7 : memref<32x5x128xi32, #tpu.memory_space<vmem>>) target_semaphore(%arg14 : memref<!tpu.dma_semaphore, #tpu.memory_space<semaphore_mem>>)
    %lt3A = arith.constant 15 : i32
    %lt3A_106 = arith.cmpi slt, %arg1, %lt3A : i32
    %convert_element_type3A = arith.extui %lt3A_106 : i1 to i32
    %cond3A = arith.constant 0 : i32
    %cond3A_107 = arith.cmpi ne, %convert_element_type3A, %cond3A : i32
    scf.if %cond3A_107 {
      %mul3A_283 = arith.constant 624 : i32
      %mul3A_284 = arith.muli %arg1, %mul3A_283 : i32
      %mul3A_285 = arith.constant 624 : i32
      %mul3A_286 = arith.muli %arg1, %mul3A_285 : i32
      %dma_start3A_287 = arith.constant 0 : i32
      %dma_start3A_288 = tpu.memref_slice %arg12[%mul3A_286, %dma_start3A_287] : memref<10000x16xf32, #tpu.memory_space<vmem_shared>> -> memref<624x16xf32, #tpu.memory_space<vmem_shared>>
      %dma_start3A_289 = arith.constant 0 : i32
      %dma_start3A_290 = tpu.memref_slice %arg4[%mul3A_284, %dma_start3A_289] : memref<10000x16xf32, #tpu.memory_space<hbm>> -> memref<624x16xf32, #tpu.memory_space<hbm>>
      tpu.enqueue_dma source(%dma_start3A_290 : memref<624x16xf32, #tpu.memory_space<hbm>>) target(%dma_start3A_288 : memref<624x16xf32, #tpu.memory_space<vmem_shared>>) target_semaphore(%arg15 : memref<!tpu.dma_semaphore, #tpu.memory_space<semaphore_mem>>)
    } else {
    }
    %eq3A = arith.constant 15 : i32
    %eq3A_108 = arith.cmpi eq, %arg1, %eq3A : i32
    %convert_element_type3A_109 = arith.extui %eq3A_108 : i1 to i32
    %cond3A_110 = arith.constant 0 : i32
    %cond3A_111 = arith.cmpi ne, %convert_element_type3A_109, %cond3A_110 : i32
    scf.if %cond3A_111 {
      %dma_start3A_283 = arith.constant 9360 : i32
      %dma_start3A_284 = arith.constant 0 : i32
      %dma_start3A_285 = tpu.memref_slice %arg12[%dma_start3A_283, %dma_start3A_284] : memref<10000x16xf32, #tpu.memory_space<vmem_shared>> -> memref<640x16xf32, #tpu.memory_space<vmem_shared>>
      %dma_start3A_286 = arith.constant 9360 : i32
      %dma_start3A_287 = arith.constant 0 : i32
      %dma_start3A_288 = tpu.memref_slice %arg4[%dma_start3A_286, %dma_start3A_287] : memref<10000x16xf32, #tpu.memory_space<hbm>> -> memref<640x16xf32, #tpu.memory_space<hbm>>
      tpu.enqueue_dma source(%dma_start3A_288 : memref<640x16xf32, #tpu.memory_space<hbm>>) target(%dma_start3A_285 : memref<640x16xf32, #tpu.memory_space<vmem_shared>>) target_semaphore(%arg15 : memref<!tpu.dma_semaphore, #tpu.memory_space<semaphore_mem>>)
    } else {
    }
    %dma_wait3A = arith.constant 0 : i32
    %dma_wait3A_112 = arith.constant 0 : i32
    %dma_wait3A_113 = arith.constant 0 : i32
    %dma_wait3A_114 = tpu.memref_slice %arg2[%add3A, %dma_wait3A, %dma_wait3A_112, %dma_wait3A_113] : memref<32x32x5x128xi32, #tpu.memory_space<hbm>> -> memref<1x32x5x128xi32, #tpu.memory_space<hbm>>
    %dma_wait3A_115 = tpu.memref_squeeze %dma_wait3A_114 : memref<1x32x5x128xi32, #tpu.memory_space<hbm>> -> memref<32x5x128xi32, #tpu.memory_space<hbm>>
    %dma_wait3A_116 = arith.constant 0 : i32
    %dma_wait3A_117 = arith.constant 0 : i32
    %dma_wait3A_118 = arith.constant 0 : i32
    %dma_wait3A_119 = tpu.memref_slice %arg2[%add3A, %dma_wait3A_116, %dma_wait3A_117, %dma_wait3A_118] : memref<32x32x5x128xi32, #tpu.memory_space<hbm>> -> memref<1x32x5x128xi32, #tpu.memory_space<hbm>>
    %dma_wait3A_120 = tpu.memref_squeeze %dma_wait3A_119 : memref<1x32x5x128xi32, #tpu.memory_space<hbm>> -> memref<32x5x128xi32, #tpu.memory_space<hbm>>
    tpu.wait_dma2 semaphore(%arg14 : memref<!tpu.dma_semaphore, #tpu.memory_space<semaphore_mem>>) src(%dma_wait3A_120 : memref<32x5x128xi32, #tpu.memory_space<hbm>>) dst(%arg6 : memref<32x5x128xi32, #tpu.memory_space<vmem>>)
    %dma_wait3A_121 = arith.constant 0 : i32
    %dma_wait3A_122 = arith.constant 0 : i32
    %dma_wait3A_123 = arith.constant 0 : i32
    %dma_wait3A_124 = tpu.memref_slice %arg3[%add3A, %dma_wait3A_121, %dma_wait3A_122, %dma_wait3A_123] : memref<32x32x5x128xi32, #tpu.memory_space<hbm>> -> memref<1x32x5x128xi32, #tpu.memory_space<hbm>>
    %dma_wait3A_125 = tpu.memref_squeeze %dma_wait3A_124 : memref<1x32x5x128xi32, #tpu.memory_space<hbm>> -> memref<32x5x128xi32, #tpu.memory_space<hbm>>
    %dma_wait3A_126 = arith.constant 0 : i32
    %dma_wait3A_127 = arith.constant 0 : i32
    %dma_wait3A_128 = arith.constant 0 : i32
    %dma_wait3A_129 = tpu.memref_slice %arg3[%add3A, %dma_wait3A_126, %dma_wait3A_127, %dma_wait3A_128] : memref<32x32x5x128xi32, #tpu.memory_space<hbm>> -> memref<1x32x5x128xi32, #tpu.memory_space<hbm>>
    %dma_wait3A_130 = tpu.memref_squeeze %dma_wait3A_129 : memref<1x32x5x128xi32, #tpu.memory_space<hbm>> -> memref<32x5x128xi32, #tpu.memory_space<hbm>>
    tpu.wait_dma2 semaphore(%arg14 : memref<!tpu.dma_semaphore, #tpu.memory_space<semaphore_mem>>) src(%dma_wait3A_130 : memref<32x5x128xi32, #tpu.memory_space<hbm>>) dst(%arg7 : memref<32x5x128xi32, #tpu.memory_space<vmem>>)
    %lt3A_131 = arith.constant 15 : i32
    %lt3A_132 = arith.cmpi slt, %arg1, %lt3A_131 : i32
    %convert_element_type3A_133 = arith.extui %lt3A_132 : i1 to i32
    %cond3A_134 = arith.constant 0 : i32
    %cond3A_135 = arith.cmpi ne, %convert_element_type3A_133, %cond3A_134 : i32
    scf.if %cond3A_135 {
      %mul3A_283 = arith.constant 624 : i32
      %mul3A_284 = arith.muli %arg1, %mul3A_283 : i32
      %mul3A_285 = arith.constant 624 : i32
      %mul3A_286 = arith.muli %arg1, %mul3A_285 : i32
      %dma_wait3A_287 = arith.constant 0 : i32
      %dma_wait3A_288 = tpu.memref_slice %arg12[%mul3A_286, %dma_wait3A_287] : memref<10000x16xf32, #tpu.memory_space<vmem_shared>> -> memref<624x16xf32, #tpu.memory_space<vmem_shared>>
      %dma_wait3A_289 = arith.constant 0 : i32
      %dma_wait3A_290 = tpu.memref_slice %arg4[%mul3A_284, %dma_wait3A_289] : memref<10000x16xf32, #tpu.memory_space<hbm>> -> memref<624x16xf32, #tpu.memory_space<hbm>>
      tpu.wait_dma2 semaphore(%arg15 : memref<!tpu.dma_semaphore, #tpu.memory_space<semaphore_mem>>) src(%dma_wait3A_290 : memref<624x16xf32, #tpu.memory_space<hbm>>) dst(%dma_wait3A_288 : memref<624x16xf32, #tpu.memory_space<vmem_shared>>)
    } else {
    }
    %eq3A_136 = arith.constant 15 : i32
    %eq3A_137 = arith.cmpi eq, %arg1, %eq3A_136 : i32
    %convert_element_type3A_138 = arith.extui %eq3A_137 : i1 to i32
    %cond3A_139 = arith.constant 0 : i32
    %cond3A_140 = arith.cmpi ne, %convert_element_type3A_138, %cond3A_139 : i32
    scf.if %cond3A_140 {
      %dma_wait3A_283 = arith.constant 9360 : i32
      %dma_wait3A_284 = arith.constant 0 : i32
      %dma_wait3A_285 = tpu.memref_slice %arg12[%dma_wait3A_283, %dma_wait3A_284] : memref<10000x16xf32, #tpu.memory_space<vmem_shared>> -> memref<640x16xf32, #tpu.memory_space<vmem_shared>>
      %dma_wait3A_286 = arith.constant 9360 : i32
      %dma_wait3A_287 = arith.constant 0 : i32
      %dma_wait3A_288 = tpu.memref_slice %arg4[%dma_wait3A_286, %dma_wait3A_287] : memref<10000x16xf32, #tpu.memory_space<hbm>> -> memref<640x16xf32, #tpu.memory_space<hbm>>
      tpu.wait_dma2 semaphore(%arg15 : memref<!tpu.dma_semaphore, #tpu.memory_space<semaphore_mem>>) src(%dma_wait3A_288 : memref<640x16xf32, #tpu.memory_space<hbm>>) dst(%dma_wait3A_285 : memref<640x16xf32, #tpu.memory_space<vmem_shared>>)
    } else {
    }
    %barrier3A_141 = arith.constant 0 : index
    tpu.barrier barrier_id(%barrier3A_141)
    %dma_start3A_142 = arith.constant 0 : i32
    %dma_start3A_143 = arith.constant 0 : i32
    %dma_start3A_144 = arith.constant 0 : i32
    %dma_start3A_145 = arith.constant 0 : i32
    %dma_start3A_146 = arith.constant 0 : i32
    %dma_start3A_147 = tpu.memref_slice %arg8[%dma_start3A_144, %dma_start3A_145, %dma_start3A_146] : memref<5x128x16xf32, #tpu.memory_space<vmem>> -> memref<1x128x16xf32, #tpu.memory_space<vmem>>
    %dma_start3A_148 = tpu.memref_squeeze %dma_start3A_147 : memref<1x128x16xf32, #tpu.memory_space<vmem>> -> memref<128x16xf32, #tpu.memory_space<vmem>>
    %dma_start3A_149 = arith.constant 0 : i32
    %dma_start3A_150 = tpu.memref_slice %arg6[%dma_start3A_142, %dma_start3A_143, %dma_start3A_149] : memref<32x5x128xi32, #tpu.memory_space<vmem>> -> memref<1x1x128xi32, #tpu.memory_space<vmem>>
    %dma_start3A_151 = tpu.memref_squeeze %dma_start3A_150 : memref<1x1x128xi32, #tpu.memory_space<vmem>> -> memref<128xi32, #tpu.memory_space<vmem>>
    %dma_start3A_152 = arith.constant 0 : i32
    %dma_start3A_153 = arith.constant 0 : i32
    %dma_start3A_154 = tpu.memref_slice %arg12[%dma_start3A_152, %dma_start3A_153] : memref<10000x16xf32, #tpu.memory_space<vmem_shared>> -> memref<10000x16xf32, #tpu.memory_space<vmem_shared>>
    tpu.enqueue_indirect_dma source(%dma_start3A_154 : memref<10000x16xf32, #tpu.memory_space<vmem_shared>>) target(%dma_start3A_148 : memref<128x16xf32, #tpu.memory_space<vmem>>) offsets(%dma_start3A_151 : memref<128xi32, #tpu.memory_space<vmem>>) semaphore(%arg13 : memref<!tpu.dma_semaphore, #tpu.memory_space<semaphore_mem>>)
    %dma_start3A_155 = arith.constant 0 : i32
    %dma_start3A_156 = arith.constant 1 : i32
    %dma_start3A_157 = arith.constant 1 : i32
    %dma_start3A_158 = arith.constant 0 : i32
    %dma_start3A_159 = arith.constant 0 : i32
    %dma_start3A_160 = tpu.memref_slice %arg8[%dma_start3A_157, %dma_start3A_158, %dma_start3A_159] : memref<5x128x16xf32, #tpu.memory_space<vmem>> -> memref<1x128x16xf32, #tpu.memory_space<vmem>>
    %dma_start3A_161 = tpu.memref_squeeze %dma_start3A_160 : memref<1x128x16xf32, #tpu.memory_space<vmem>> -> memref<128x16xf32, #tpu.memory_space<vmem>>
    %dma_start3A_162 = arith.constant 0 : i32
    %dma_start3A_163 = tpu.memref_slice %arg6[%dma_start3A_155, %dma_start3A_156, %dma_start3A_162] : memref<32x5x128xi32, #tpu.memory_space<vmem>> -> memref<1x1x128xi32, #tpu.memory_space<vmem>>
    %dma_start3A_164 = tpu.memref_squeeze %dma_start3A_163 : memref<1x1x128xi32, #tpu.memory_space<vmem>> -> memref<128xi32, #tpu.memory_space<vmem>>
    %dma_start3A_165 = arith.constant 0 : i32
    %dma_start3A_166 = arith.constant 0 : i32
    %dma_start3A_167 = tpu.memref_slice %arg12[%dma_start3A_165, %dma_start3A_166] : memref<10000x16xf32, #tpu.memory_space<vmem_shared>> -> memref<10000x16xf32, #tpu.memory_space<vmem_shared>>
    tpu.enqueue_indirect_dma source(%dma_start3A_167 : memref<10000x16xf32, #tpu.memory_space<vmem_shared>>) target(%dma_start3A_161 : memref<128x16xf32, #tpu.memory_space<vmem>>) offsets(%dma_start3A_164 : memref<128xi32, #tpu.memory_space<vmem>>) semaphore(%arg13 : memref<!tpu.dma_semaphore, #tpu.memory_space<semaphore_mem>>)
    %dma_start3A_168 = arith.constant 0 : i32
    %dma_start3A_169 = arith.constant 2 : i32
    %dma_start3A_170 = arith.constant 2 : i32
    %dma_start3A_171 = arith.constant 0 : i32
    %dma_start3A_172 = arith.constant 0 : i32
    %dma_start3A_173 = tpu.memref_slice %arg8[%dma_start3A_170, %dma_start3A_171, %dma_start3A_172] : memref<5x128x16xf32, #tpu.memory_space<vmem>> -> memref<1x128x16xf32, #tpu.memory_space<vmem>>
    %dma_start3A_174 = tpu.memref_squeeze %dma_start3A_173 : memref<1x128x16xf32, #tpu.memory_space<vmem>> -> memref<128x16xf32, #tpu.memory_space<vmem>>
    %dma_start3A_175 = arith.constant 0 : i32
    %dma_start3A_176 = tpu.memref_slice %arg6[%dma_start3A_168, %dma_start3A_169, %dma_start3A_175] : memref<32x5x128xi32, #tpu.memory_space<vmem>> -> memref<1x1x128xi32, #tpu.memory_space<vmem>>
    %dma_start3A_177 = tpu.memref_squeeze %dma_start3A_176 : memref<1x1x128xi32, #tpu.memory_space<vmem>> -> memref<128xi32, #tpu.memory_space<vmem>>
    %dma_start3A_178 = arith.constant 0 : i32
    %dma_start3A_179 = arith.constant 0 : i32
    %dma_start3A_180 = tpu.memref_slice %arg12[%dma_start3A_178, %dma_start3A_179] : memref<10000x16xf32, #tpu.memory_space<vmem_shared>> -> memref<10000x16xf32, #tpu.memory_space<vmem_shared>>
    tpu.enqueue_indirect_dma source(%dma_start3A_180 : memref<10000x16xf32, #tpu.memory_space<vmem_shared>>) target(%dma_start3A_174 : memref<128x16xf32, #tpu.memory_space<vmem>>) offsets(%dma_start3A_177 : memref<128xi32, #tpu.memory_space<vmem>>) semaphore(%arg13 : memref<!tpu.dma_semaphore, #tpu.memory_space<semaphore_mem>>)
    %dma_start3A_181 = arith.constant 0 : i32
    %dma_start3A_182 = arith.constant 3 : i32
    %dma_start3A_183 = arith.constant 3 : i32
    %dma_start3A_184 = arith.constant 0 : i32
    %dma_start3A_185 = arith.constant 0 : i32
    %dma_start3A_186 = tpu.memref_slice %arg8[%dma_start3A_183, %dma_start3A_184, %dma_start3A_185] : memref<5x128x16xf32, #tpu.memory_space<vmem>> -> memref<1x128x16xf32, #tpu.memory_space<vmem>>
    %dma_start3A_187 = tpu.memref_squeeze %dma_start3A_186 : memref<1x128x16xf32, #tpu.memory_space<vmem>> -> memref<128x16xf32, #tpu.memory_space<vmem>>
    %dma_start3A_188 = arith.constant 0 : i32
    %dma_start3A_189 = tpu.memref_slice %arg6[%dma_start3A_181, %dma_start3A_182, %dma_start3A_188] : memref<32x5x128xi32, #tpu.memory_space<vmem>> -> memref<1x1x128xi32, #tpu.memory_space<vmem>>
    %dma_start3A_190 = tpu.memref_squeeze %dma_start3A_189 : memref<1x1x128xi32, #tpu.memory_space<vmem>> -> memref<128xi32, #tpu.memory_space<vmem>>
    %dma_start3A_191 = arith.constant 0 : i32
    %dma_start3A_192 = arith.constant 0 : i32
    %dma_start3A_193 = tpu.memref_slice %arg12[%dma_start3A_191, %dma_start3A_192] : memref<10000x16xf32, #tpu.memory_space<vmem_shared>> -> memref<10000x16xf32, #tpu.memory_space<vmem_shared>>
    tpu.enqueue_indirect_dma source(%dma_start3A_193 : memref<10000x16xf32, #tpu.memory_space<vmem_shared>>) target(%dma_start3A_187 : memref<128x16xf32, #tpu.memory_space<vmem>>) offsets(%dma_start3A_190 : memref<128xi32, #tpu.memory_space<vmem>>) semaphore(%arg13 : memref<!tpu.dma_semaphore, #tpu.memory_space<semaphore_mem>>)
    %dma_start3A_194 = arith.constant 0 : i32
    %dma_start3A_195 = arith.constant 4 : i32
    %dma_start3A_196 = arith.constant 4 : i32
    %dma_start3A_197 = arith.constant 0 : i32
    %dma_start3A_198 = arith.constant 0 : i32
    %dma_start3A_199 = tpu.memref_slice %arg8[%dma_start3A_196, %dma_start3A_197, %dma_start3A_198] : memref<5x128x16xf32, #tpu.memory_space<vmem>> -> memref<1x128x16xf32, #tpu.memory_space<vmem>>
    %dma_start3A_200 = tpu.memref_squeeze %dma_start3A_199 : memref<1x128x16xf32, #tpu.memory_space<vmem>> -> memref<128x16xf32, #tpu.memory_space<vmem>>
    %dma_start3A_201 = arith.constant 0 : i32
    %dma_start3A_202 = tpu.memref_slice %arg6[%dma_start3A_194, %dma_start3A_195, %dma_start3A_201] : memref<32x5x128xi32, #tpu.memory_space<vmem>> -> memref<1x1x128xi32, #tpu.memory_space<vmem>>
    %dma_start3A_203 = tpu.memref_squeeze %dma_start3A_202 : memref<1x1x128xi32, #tpu.memory_space<vmem>> -> memref<128xi32, #tpu.memory_space<vmem>>
    %dma_start3A_204 = arith.constant 0 : i32
    %dma_start3A_205 = arith.constant 0 : i32
    %dma_start3A_206 = tpu.memref_slice %arg12[%dma_start3A_204, %dma_start3A_205] : memref<10000x16xf32, #tpu.memory_space<vmem_shared>> -> memref<10000x16xf32, #tpu.memory_space<vmem_shared>>
    tpu.enqueue_indirect_dma source(%dma_start3A_206 : memref<10000x16xf32, #tpu.memory_space<vmem_shared>>) target(%dma_start3A_200 : memref<128x16xf32, #tpu.memory_space<vmem>>) offsets(%dma_start3A_203 : memref<128xi32, #tpu.memory_space<vmem>>) semaphore(%arg13 : memref<!tpu.dma_semaphore, #tpu.memory_space<semaphore_mem>>)
    %scan3A_207 = arith.constant 0 : i32
    %scan3A_208 = arith.constant 0 : i32
    %scan3A_209 = arith.constant 32 : i32
    %scan3A_210 = arith.addi %scan3A_208, %scan3A_209 : i32
    %scan3A_211 = arith.constant 1 : i32
    scf.for %scan3A_283 = %scan3A_208 to %scan3A_210 step %scan3A_211  : i32 {
      %rem3A = arith.constant 2 : i32
      %rem3A_284 = arith.remsi %scan3A_283, %rem3A : i32
      %eq3A_285 = arith.constant 0 : i32
      %eq3A_286 = arith.cmpi eq, %rem3A_284, %eq3A_285 : i32
      %convert_element_type3A_287 = arith.extui %eq3A_286 : i1 to i32
      %cond3A_288 = arith.constant 0 : i32
      %cond3A_289 = arith.cmpi ne, %convert_element_type3A_287, %cond3A_288 : i32
      scf.if %cond3A_289 {
        %ge3A = arith.constant 1 : i32
        %ge3A_297 = arith.cmpi sge, %scan3A_283, %ge3A : i32
        %convert_element_type3A_298 = arith.extui %ge3A_297 : i1 to i32
        %cond3A_299 = arith.constant 0 : i32
        %cond3A_300 = arith.cmpi ne, %convert_element_type3A_298, %cond3A_299 : i32
        scf.if %cond3A_300 {
          %sub3A = arith.constant 1 : i32
          %sub3A_433 = arith.subi %scan3A_283, %sub3A : i32
          %dma_wait3A_434 = arith.constant 0 : i32
          %dma_wait3A_435 = arith.constant 0 : i32
          %dma_wait3A_436 = arith.constant 0 : i32
          %dma_wait3A_437 = arith.constant 0 : i32
          %dma_wait3A_438 = tpu.memref_slice %arg9[%dma_wait3A_434, %dma_wait3A_436, %dma_wait3A_437] : memref<5x128x16xf32, #tpu.memory_space<vmem>> -> memref<1x128x16xf32, #tpu.memory_space<vmem>>
          %dma_wait3A_439 = tpu.memref_squeeze %dma_wait3A_438 : memref<1x128x16xf32, #tpu.memory_space<vmem>> -> memref<128x16xf32, #tpu.memory_space<vmem>>
          %dma_wait3A_440 = arith.constant 0 : i32
          %dma_wait3A_441 = tpu.memref_slice %arg7[%sub3A_433, %dma_wait3A_435, %dma_wait3A_440] : memref<32x5x128xi32, #tpu.memory_space<vmem>> -> memref<1x1x128xi32, #tpu.memory_space<vmem>>
          %dma_wait3A_442 = tpu.memref_squeeze %dma_wait3A_441 : memref<1x1x128xi32, #tpu.memory_space<vmem>> -> memref<128xi32, #tpu.memory_space<vmem>>
          %dma_wait3A_443 = arith.constant 0 : i32
          %dma_wait3A_444 = arith.constant 0 : i32
          %dma_wait3A_445 = tpu.memref_slice %arg11[%dma_wait3A_443, %dma_wait3A_444] : memref<10240x16xf32, #tpu.memory_space<vmem_shared>> -> memref<10240x16xf32, #tpu.memory_space<vmem_shared>>
          tpu.wait_indirect_dma semaphore(%arg16 : memref<!tpu.dma_semaphore, #tpu.memory_space<semaphore_mem>>) src(%dma_wait3A_439 : memref<128x16xf32, #tpu.memory_space<vmem>>) dst(%dma_wait3A_445 : memref<10240x16xf32, #tpu.memory_space<vmem_shared>>)
          %dma_wait3A_446 = arith.constant 1 : i32
          %dma_wait3A_447 = arith.constant 1 : i32
          %dma_wait3A_448 = arith.constant 0 : i32
          %dma_wait3A_449 = arith.constant 0 : i32
          %dma_wait3A_450 = tpu.memref_slice %arg9[%dma_wait3A_446, %dma_wait3A_448, %dma_wait3A_449] : memref<5x128x16xf32, #tpu.memory_space<vmem>> -> memref<1x128x16xf32, #tpu.memory_space<vmem>>
          %dma_wait3A_451 = tpu.memref_squeeze %dma_wait3A_450 : memref<1x128x16xf32, #tpu.memory_space<vmem>> -> memref<128x16xf32, #tpu.memory_space<vmem>>
          %dma_wait3A_452 = arith.constant 0 : i32
          %dma_wait3A_453 = tpu.memref_slice %arg7[%sub3A_433, %dma_wait3A_447, %dma_wait3A_452] : memref<32x5x128xi32, #tpu.memory_space<vmem>> -> memref<1x1x128xi32, #tpu.memory_space<vmem>>
          %dma_wait3A_454 = tpu.memref_squeeze %dma_wait3A_453 : memref<1x1x128xi32, #tpu.memory_space<vmem>> -> memref<128xi32, #tpu.memory_space<vmem>>
          %dma_wait3A_455 = arith.constant 0 : i32
          %dma_wait3A_456 = arith.constant 0 : i32
          %dma_wait3A_457 = tpu.memref_slice %arg11[%dma_wait3A_455, %dma_wait3A_456] : memref<10240x16xf32, #tpu.memory_space<vmem_shared>> -> memref<10240x16xf32, #tpu.memory_space<vmem_shared>>
          tpu.wait_indirect_dma semaphore(%arg16 : memref<!tpu.dma_semaphore, #tpu.memory_space<semaphore_mem>>) src(%dma_wait3A_451 : memref<128x16xf32, #tpu.memory_space<vmem>>) dst(%dma_wait3A_457 : memref<10240x16xf32, #tpu.memory_space<vmem_shared>>)
          %dma_wait3A_458 = arith.constant 2 : i32
          %dma_wait3A_459 = arith.constant 2 : i32
          %dma_wait3A_460 = arith.constant 0 : i32
          %dma_wait3A_461 = arith.constant 0 : i32
          %dma_wait3A_462 = tpu.memref_slice %arg9[%dma_wait3A_458, %dma_wait3A_460, %dma_wait3A_461] : memref<5x128x16xf32, #tpu.memory_space<vmem>> -> memref<1x128x16xf32, #tpu.memory_space<vmem>>
          %dma_wait3A_463 = tpu.memref_squeeze %dma_wait3A_462 : memref<1x128x16xf32, #tpu.memory_space<vmem>> -> memref<128x16xf32, #tpu.memory_space<vmem>>
          %dma_wait3A_464 = arith.constant 0 : i32
          %dma_wait3A_465 = tpu.memref_slice %arg7[%sub3A_433, %dma_wait3A_459, %dma_wait3A_464] : memref<32x5x128xi32, #tpu.memory_space<vmem>> -> memref<1x1x128xi32, #tpu.memory_space<vmem>>
          %dma_wait3A_466 = tpu.memref_squeeze %dma_wait3A_465 : memref<1x1x128xi32, #tpu.memory_space<vmem>> -> memref<128xi32, #tpu.memory_space<vmem>>
          %dma_wait3A_467 = arith.constant 0 : i32
          %dma_wait3A_468 = arith.constant 0 : i32
          %dma_wait3A_469 = tpu.memref_slice %arg11[%dma_wait3A_467, %dma_wait3A_468] : memref<10240x16xf32, #tpu.memory_space<vmem_shared>> -> memref<10240x16xf32, #tpu.memory_space<vmem_shared>>
          tpu.wait_indirect_dma semaphore(%arg16 : memref<!tpu.dma_semaphore, #tpu.memory_space<semaphore_mem>>) src(%dma_wait3A_463 : memref<128x16xf32, #tpu.memory_space<vmem>>) dst(%dma_wait3A_469 : memref<10240x16xf32, #tpu.memory_space<vmem_shared>>)
          %dma_wait3A_470 = arith.constant 3 : i32
          %dma_wait3A_471 = arith.constant 3 : i32
          %dma_wait3A_472 = arith.constant 0 : i32
          %dma_wait3A_473 = arith.constant 0 : i32
          %dma_wait3A_474 = tpu.memref_slice %arg9[%dma_wait3A_470, %dma_wait3A_472, %dma_wait3A_473] : memref<5x128x16xf32, #tpu.memory_space<vmem>> -> memref<1x128x16xf32, #tpu.memory_space<vmem>>
          %dma_wait3A_475 = tpu.memref_squeeze %dma_wait3A_474 : memref<1x128x16xf32, #tpu.memory_space<vmem>> -> memref<128x16xf32, #tpu.memory_space<vmem>>
          %dma_wait3A_476 = arith.constant 0 : i32
          %dma_wait3A_477 = tpu.memref_slice %arg7[%sub3A_433, %dma_wait3A_471, %dma_wait3A_476] : memref<32x5x128xi32, #tpu.memory_space<vmem>> -> memref<1x1x128xi32, #tpu.memory_space<vmem>>
          %dma_wait3A_478 = tpu.memref_squeeze %dma_wait3A_477 : memref<1x1x128xi32, #tpu.memory_space<vmem>> -> memref<128xi32, #tpu.memory_space<vmem>>
          %dma_wait3A_479 = arith.constant 0 : i32
          %dma_wait3A_480 = arith.constant 0 : i32
          %dma_wait3A_481 = tpu.memref_slice %arg11[%dma_wait3A_479, %dma_wait3A_480] : memref<10240x16xf32, #tpu.memory_space<vmem_shared>> -> memref<10240x16xf32, #tpu.memory_space<vmem_shared>>
          tpu.wait_indirect_dma semaphore(%arg16 : memref<!tpu.dma_semaphore, #tpu.memory_space<semaphore_mem>>) src(%dma_wait3A_475 : memref<128x16xf32, #tpu.memory_space<vmem>>) dst(%dma_wait3A_481 : memref<10240x16xf32, #tpu.memory_space<vmem_shared>>)
          %dma_wait3A_482 = arith.constant 4 : i32
          %dma_wait3A_483 = arith.constant 4 : i32
          %dma_wait3A_484 = arith.constant 0 : i32
          %dma_wait3A_485 = arith.constant 0 : i32
          %dma_wait3A_486 = tpu.memref_slice %arg9[%dma_wait3A_482, %dma_wait3A_484, %dma_wait3A_485] : memref<5x128x16xf32, #tpu.memory_space<vmem>> -> memref<1x128x16xf32, #tpu.memory_space<vmem>>
          %dma_wait3A_487 = tpu.memref_squeeze %dma_wait3A_486 : memref<1x128x16xf32, #tpu.memory_space<vmem>> -> memref<128x16xf32, #tpu.memory_space<vmem>>
          %dma_wait3A_488 = arith.constant 0 : i32
          %dma_wait3A_489 = tpu.memref_slice %arg7[%sub3A_433, %dma_wait3A_483, %dma_wait3A_488] : memref<32x5x128xi32, #tpu.memory_space<vmem>> -> memref<1x1x128xi32, #tpu.memory_space<vmem>>
          %dma_wait3A_490 = tpu.memref_squeeze %dma_wait3A_489 : memref<1x1x128xi32, #tpu.memory_space<vmem>> -> memref<128xi32, #tpu.memory_space<vmem>>
          %dma_wait3A_491 = arith.constant 0 : i32
          %dma_wait3A_492 = arith.constant 0 : i32
          %dma_wait3A_493 = tpu.memref_slice %arg11[%dma_wait3A_491, %dma_wait3A_492] : memref<10240x16xf32, #tpu.memory_space<vmem_shared>> -> memref<10240x16xf32, #tpu.memory_space<vmem_shared>>
          tpu.wait_indirect_dma semaphore(%arg16 : memref<!tpu.dma_semaphore, #tpu.memory_space<semaphore_mem>>) src(%dma_wait3A_487 : memref<128x16xf32, #tpu.memory_space<vmem>>) dst(%dma_wait3A_493 : memref<10240x16xf32, #tpu.memory_space<vmem_shared>>)
        } else {
        }
        %add3A_301 = arith.constant 1 : i32
        %add3A_302 = arith.addi %scan3A_283, %add3A_301 : i32
        %lt3A_303 = arith.constant 32 : i32
        %lt3A_304 = arith.cmpi slt, %add3A_302, %lt3A_303 : i32
        %convert_element_type3A_305 = arith.extui %lt3A_304 : i1 to i32
        %cond3A_306 = arith.constant 0 : i32
        %cond3A_307 = arith.cmpi ne, %convert_element_type3A_305, %cond3A_306 : i32
        scf.if %cond3A_307 {
          %add3A_433 = arith.constant 1 : i32
          %add3A_434 = arith.addi %scan3A_283, %add3A_433 : i32
          %dma_start3A_435 = arith.constant 0 : i32
          %dma_start3A_436 = arith.constant 0 : i32
          %dma_start3A_437 = arith.constant 0 : i32
          %dma_start3A_438 = arith.constant 0 : i32
          %dma_start3A_439 = tpu.memref_slice %arg9[%dma_start3A_436, %dma_start3A_437, %dma_start3A_438] : memref<5x128x16xf32, #tpu.memory_space<vmem>> -> memref<1x128x16xf32, #tpu.memory_space<vmem>>
          %dma_start3A_440 = tpu.memref_squeeze %dma_start3A_439 : memref<1x128x16xf32, #tpu.memory_space<vmem>> -> memref<128x16xf32, #tpu.memory_space<vmem>>
          %dma_start3A_441 = arith.constant 0 : i32
          %dma_start3A_442 = tpu.memref_slice %arg6[%add3A_434, %dma_start3A_435, %dma_start3A_441] : memref<32x5x128xi32, #tpu.memory_space<vmem>> -> memref<1x1x128xi32, #tpu.memory_space<vmem>>
          %dma_start3A_443 = tpu.memref_squeeze %dma_start3A_442 : memref<1x1x128xi32, #tpu.memory_space<vmem>> -> memref<128xi32, #tpu.memory_space<vmem>>
          %dma_start3A_444 = arith.constant 0 : i32
          %dma_start3A_445 = arith.constant 0 : i32
          %dma_start3A_446 = tpu.memref_slice %arg12[%dma_start3A_444, %dma_start3A_445] : memref<10000x16xf32, #tpu.memory_space<vmem_shared>> -> memref<10000x16xf32, #tpu.memory_space<vmem_shared>>
          tpu.enqueue_indirect_dma source(%dma_start3A_446 : memref<10000x16xf32, #tpu.memory_space<vmem_shared>>) target(%dma_start3A_440 : memref<128x16xf32, #tpu.memory_space<vmem>>) offsets(%dma_start3A_443 : memref<128xi32, #tpu.memory_space<vmem>>) semaphore(%arg14 : memref<!tpu.dma_semaphore, #tpu.memory_space<semaphore_mem>>)
          %dma_start3A_447 = arith.constant 1 : i32
          %dma_start3A_448 = arith.constant 1 : i32
          %dma_start3A_449 = arith.constant 0 : i32
          %dma_start3A_450 = arith.constant 0 : i32
          %dma_start3A_451 = tpu.memref_slice %arg9[%dma_start3A_448, %dma_start3A_449, %dma_start3A_450] : memref<5x128x16xf32, #tpu.memory_space<vmem>> -> memref<1x128x16xf32, #tpu.memory_space<vmem>>
          %dma_start3A_452 = tpu.memref_squeeze %dma_start3A_451 : memref<1x128x16xf32, #tpu.memory_space<vmem>> -> memref<128x16xf32, #tpu.memory_space<vmem>>
          %dma_start3A_453 = arith.constant 0 : i32
          %dma_start3A_454 = tpu.memref_slice %arg6[%add3A_434, %dma_start3A_447, %dma_start3A_453] : memref<32x5x128xi32, #tpu.memory_space<vmem>> -> memref<1x1x128xi32, #tpu.memory_space<vmem>>
          %dma_start3A_455 = tpu.memref_squeeze %dma_start3A_454 : memref<1x1x128xi32, #tpu.memory_space<vmem>> -> memref<128xi32, #tpu.memory_space<vmem>>
          %dma_start3A_456 = arith.constant 0 : i32
          %dma_start3A_457 = arith.constant 0 : i32
          %dma_start3A_458 = tpu.memref_slice %arg12[%dma_start3A_456, %dma_start3A_457] : memref<10000x16xf32, #tpu.memory_space<vmem_shared>> -> memref<10000x16xf32, #tpu.memory_space<vmem_shared>>
          tpu.enqueue_indirect_dma source(%dma_start3A_458 : memref<10000x16xf32, #tpu.memory_space<vmem_shared>>) target(%dma_start3A_452 : memref<128x16xf32, #tpu.memory_space<vmem>>) offsets(%dma_start3A_455 : memref<128xi32, #tpu.memory_space<vmem>>) semaphore(%arg14 : memref<!tpu.dma_semaphore, #tpu.memory_space<semaphore_mem>>)
          %dma_start3A_459 = arith.constant 2 : i32
          %dma_start3A_460 = arith.constant 2 : i32
          %dma_start3A_461 = arith.constant 0 : i32
          %dma_start3A_462 = arith.constant 0 : i32
          %dma_start3A_463 = tpu.memref_slice %arg9[%dma_start3A_460, %dma_start3A_461, %dma_start3A_462] : memref<5x128x16xf32, #tpu.memory_space<vmem>> -> memref<1x128x16xf32, #tpu.memory_space<vmem>>
          %dma_start3A_464 = tpu.memref_squeeze %dma_start3A_463 : memref<1x128x16xf32, #tpu.memory_space<vmem>> -> memref<128x16xf32, #tpu.memory_space<vmem>>
          %dma_start3A_465 = arith.constant 0 : i32
          %dma_start3A_466 = tpu.memref_slice %arg6[%add3A_434, %dma_start3A_459, %dma_start3A_465] : memref<32x5x128xi32, #tpu.memory_space<vmem>> -> memref<1x1x128xi32, #tpu.memory_space<vmem>>
          %dma_start3A_467 = tpu.memref_squeeze %dma_start3A_466 : memref<1x1x128xi32, #tpu.memory_space<vmem>> -> memref<128xi32, #tpu.memory_space<vmem>>
          %dma_start3A_468 = arith.constant 0 : i32
          %dma_start3A_469 = arith.constant 0 : i32
          %dma_start3A_470 = tpu.memref_slice %arg12[%dma_start3A_468, %dma_start3A_469] : memref<10000x16xf32, #tpu.memory_space<vmem_shared>> -> memref<10000x16xf32, #tpu.memory_space<vmem_shared>>
          tpu.enqueue_indirect_dma source(%dma_start3A_470 : memref<10000x16xf32, #tpu.memory_space<vmem_shared>>) target(%dma_start3A_464 : memref<128x16xf32, #tpu.memory_space<vmem>>) offsets(%dma_start3A_467 : memref<128xi32, #tpu.memory_space<vmem>>) semaphore(%arg14 : memref<!tpu.dma_semaphore, #tpu.memory_space<semaphore_mem>>)
          %dma_start3A_471 = arith.constant 3 : i32
          %dma_start3A_472 = arith.constant 3 : i32
          %dma_start3A_473 = arith.constant 0 : i32
          %dma_start3A_474 = arith.constant 0 : i32
          %dma_start3A_475 = tpu.memref_slice %arg9[%dma_start3A_472, %dma_start3A_473, %dma_start3A_474] : memref<5x128x16xf32, #tpu.memory_space<vmem>> -> memref<1x128x16xf32, #tpu.memory_space<vmem>>
          %dma_start3A_476 = tpu.memref_squeeze %dma_start3A_475 : memref<1x128x16xf32, #tpu.memory_space<vmem>> -> memref<128x16xf32, #tpu.memory_space<vmem>>
          %dma_start3A_477 = arith.constant 0 : i32
          %dma_start3A_478 = tpu.memref_slice %arg6[%add3A_434, %dma_start3A_471, %dma_start3A_477] : memref<32x5x128xi32, #tpu.memory_space<vmem>> -> memref<1x1x128xi32, #tpu.memory_space<vmem>>
          %dma_start3A_479 = tpu.memref_squeeze %dma_start3A_478 : memref<1x1x128xi32, #tpu.memory_space<vmem>> -> memref<128xi32, #tpu.memory_space<vmem>>
          %dma_start3A_480 = arith.constant 0 : i32
          %dma_start3A_481 = arith.constant 0 : i32
          %dma_start3A_482 = tpu.memref_slice %arg12[%dma_start3A_480, %dma_start3A_481] : memref<10000x16xf32, #tpu.memory_space<vmem_shared>> -> memref<10000x16xf32, #tpu.memory_space<vmem_shared>>
          tpu.enqueue_indirect_dma source(%dma_start3A_482 : memref<10000x16xf32, #tpu.memory_space<vmem_shared>>) target(%dma_start3A_476 : memref<128x16xf32, #tpu.memory_space<vmem>>) offsets(%dma_start3A_479 : memref<128xi32, #tpu.memory_space<vmem>>) semaphore(%arg14 : memref<!tpu.dma_semaphore, #tpu.memory_space<semaphore_mem>>)
          %dma_start3A_483 = arith.constant 4 : i32
          %dma_start3A_484 = arith.constant 4 : i32
          %dma_start3A_485 = arith.constant 0 : i32
          %dma_start3A_486 = arith.constant 0 : i32
          %dma_start3A_487 = tpu.memref_slice %arg9[%dma_start3A_484, %dma_start3A_485, %dma_start3A_486] : memref<5x128x16xf32, #tpu.memory_space<vmem>> -> memref<1x128x16xf32, #tpu.memory_space<vmem>>
          %dma_start3A_488 = tpu.memref_squeeze %dma_start3A_487 : memref<1x128x16xf32, #tpu.memory_space<vmem>> -> memref<128x16xf32, #tpu.memory_space<vmem>>
          %dma_start3A_489 = arith.constant 0 : i32
          %dma_start3A_490 = tpu.memref_slice %arg6[%add3A_434, %dma_start3A_483, %dma_start3A_489] : memref<32x5x128xi32, #tpu.memory_space<vmem>> -> memref<1x1x128xi32, #tpu.memory_space<vmem>>
          %dma_start3A_491 = tpu.memref_squeeze %dma_start3A_490 : memref<1x1x128xi32, #tpu.memory_space<vmem>> -> memref<128xi32, #tpu.memory_space<vmem>>
          %dma_start3A_492 = arith.constant 0 : i32
          %dma_start3A_493 = arith.constant 0 : i32
          %dma_start3A_494 = tpu.memref_slice %arg12[%dma_start3A_492, %dma_start3A_493] : memref<10000x16xf32, #tpu.memory_space<vmem_shared>> -> memref<10000x16xf32, #tpu.memory_space<vmem_shared>>
          tpu.enqueue_indirect_dma source(%dma_start3A_494 : memref<10000x16xf32, #tpu.memory_space<vmem_shared>>) target(%dma_start3A_488 : memref<128x16xf32, #tpu.memory_space<vmem>>) offsets(%dma_start3A_491 : memref<128xi32, #tpu.memory_space<vmem>>) semaphore(%arg14 : memref<!tpu.dma_semaphore, #tpu.memory_space<semaphore_mem>>)
        } else {
        }
        %dma_wait3A_308 = arith.constant 0 : i32
        %dma_wait3A_309 = arith.constant 0 : i32
        %dma_wait3A_310 = arith.constant 0 : i32
        %dma_wait3A_311 = arith.constant 0 : i32
        %dma_wait3A_312 = arith.constant 0 : i32
        %dma_wait3A_313 = tpu.memref_slice %arg8[%dma_wait3A_310, %dma_wait3A_311, %dma_wait3A_312] : memref<5x128x16xf32, #tpu.memory_space<vmem>> -> memref<1x128x16xf32, #tpu.memory_space<vmem>>
        %dma_wait3A_314 = tpu.memref_squeeze %dma_wait3A_313 : memref<1x128x16xf32, #tpu.memory_space<vmem>> -> memref<128x16xf32, #tpu.memory_space<vmem>>
        %dma_wait3A_315 = arith.constant 0 : i32
        %dma_wait3A_316 = tpu.memref_slice %arg6[%dma_wait3A_308, %dma_wait3A_309, %dma_wait3A_315] : memref<32x5x128xi32, #tpu.memory_space<vmem>> -> memref<1x1x128xi32, #tpu.memory_space<vmem>>
        %dma_wait3A_317 = tpu.memref_squeeze %dma_wait3A_316 : memref<1x1x128xi32, #tpu.memory_space<vmem>> -> memref<128xi32, #tpu.memory_space<vmem>>
        %dma_wait3A_318 = arith.constant 0 : i32
        %dma_wait3A_319 = arith.constant 0 : i32
        %dma_wait3A_320 = tpu.memref_slice %arg12[%dma_wait3A_318, %dma_wait3A_319] : memref<10000x16xf32, #tpu.memory_space<vmem_shared>> -> memref<10000x16xf32, #tpu.memory_space<vmem_shared>>
        tpu.wait_indirect_dma semaphore(%arg13 : memref<!tpu.dma_semaphore, #tpu.memory_space<semaphore_mem>>) src(%dma_wait3A_320 : memref<10000x16xf32, #tpu.memory_space<vmem_shared>>) dst(%dma_wait3A_314 : memref<128x16xf32, #tpu.memory_space<vmem>>)
        %dma_wait3A_321 = arith.constant 0 : i32
        %dma_wait3A_322 = arith.constant 1 : i32
        %dma_wait3A_323 = arith.constant 1 : i32
        %dma_wait3A_324 = arith.constant 0 : i32
        %dma_wait3A_325 = arith.constant 0 : i32
        %dma_wait3A_326 = tpu.memref_slice %arg8[%dma_wait3A_323, %dma_wait3A_324, %dma_wait3A_325] : memref<5x128x16xf32, #tpu.memory_space<vmem>> -> memref<1x128x16xf32, #tpu.memory_space<vmem>>
        %dma_wait3A_327 = tpu.memref_squeeze %dma_wait3A_326 : memref<1x128x16xf32, #tpu.memory_space<vmem>> -> memref<128x16xf32, #tpu.memory_space<vmem>>
        %dma_wait3A_328 = arith.constant 0 : i32
        %dma_wait3A_329 = tpu.memref_slice %arg6[%dma_wait3A_321, %dma_wait3A_322, %dma_wait3A_328] : memref<32x5x128xi32, #tpu.memory_space<vmem>> -> memref<1x1x128xi32, #tpu.memory_space<vmem>>
        %dma_wait3A_330 = tpu.memref_squeeze %dma_wait3A_329 : memref<1x1x128xi32, #tpu.memory_space<vmem>> -> memref<128xi32, #tpu.memory_space<vmem>>
        %dma_wait3A_331 = arith.constant 0 : i32
        %dma_wait3A_332 = arith.constant 0 : i32
        %dma_wait3A_333 = tpu.memref_slice %arg12[%dma_wait3A_331, %dma_wait3A_332] : memref<10000x16xf32, #tpu.memory_space<vmem_shared>> -> memref<10000x16xf32, #tpu.memory_space<vmem_shared>>
        tpu.wait_indirect_dma semaphore(%arg13 : memref<!tpu.dma_semaphore, #tpu.memory_space<semaphore_mem>>) src(%dma_wait3A_333 : memref<10000x16xf32, #tpu.memory_space<vmem_shared>>) dst(%dma_wait3A_327 : memref<128x16xf32, #tpu.memory_space<vmem>>)
        %dma_wait3A_334 = arith.constant 0 : i32
        %dma_wait3A_335 = arith.constant 2 : i32
        %dma_wait3A_336 = arith.constant 2 : i32
        %dma_wait3A_337 = arith.constant 0 : i32
        %dma_wait3A_338 = arith.constant 0 : i32
        %dma_wait3A_339 = tpu.memref_slice %arg8[%dma_wait3A_336, %dma_wait3A_337, %dma_wait3A_338] : memref<5x128x16xf32, #tpu.memory_space<vmem>> -> memref<1x128x16xf32, #tpu.memory_space<vmem>>
        %dma_wait3A_340 = tpu.memref_squeeze %dma_wait3A_339 : memref<1x128x16xf32, #tpu.memory_space<vmem>> -> memref<128x16xf32, #tpu.memory_space<vmem>>
        %dma_wait3A_341 = arith.constant 0 : i32
        %dma_wait3A_342 = tpu.memref_slice %arg6[%dma_wait3A_334, %dma_wait3A_335, %dma_wait3A_341] : memref<32x5x128xi32, #tpu.memory_space<vmem>> -> memref<1x1x128xi32, #tpu.memory_space<vmem>>
        %dma_wait3A_343 = tpu.memref_squeeze %dma_wait3A_342 : memref<1x1x128xi32, #tpu.memory_space<vmem>> -> memref<128xi32, #tpu.memory_space<vmem>>
        %dma_wait3A_344 = arith.constant 0 : i32
        %dma_wait3A_345 = arith.constant 0 : i32
        %dma_wait3A_346 = tpu.memref_slice %arg12[%dma_wait3A_344, %dma_wait3A_345] : memref<10000x16xf32, #tpu.memory_space<vmem_shared>> -> memref<10000x16xf32, #tpu.memory_space<vmem_shared>>
        tpu.wait_indirect_dma semaphore(%arg13 : memref<!tpu.dma_semaphore, #tpu.memory_space<semaphore_mem>>) src(%dma_wait3A_346 : memref<10000x16xf32, #tpu.memory_space<vmem_shared>>) dst(%dma_wait3A_340 : memref<128x16xf32, #tpu.memory_space<vmem>>)
        %dma_wait3A_347 = arith.constant 0 : i32
        %dma_wait3A_348 = arith.constant 3 : i32
        %dma_wait3A_349 = arith.constant 3 : i32
        %dma_wait3A_350 = arith.constant 0 : i32
        %dma_wait3A_351 = arith.constant 0 : i32
        %dma_wait3A_352 = tpu.memref_slice %arg8[%dma_wait3A_349, %dma_wait3A_350, %dma_wait3A_351] : memref<5x128x16xf32, #tpu.memory_space<vmem>> -> memref<1x128x16xf32, #tpu.memory_space<vmem>>
        %dma_wait3A_353 = tpu.memref_squeeze %dma_wait3A_352 : memref<1x128x16xf32, #tpu.memory_space<vmem>> -> memref<128x16xf32, #tpu.memory_space<vmem>>
        %dma_wait3A_354 = arith.constant 0 : i32
        %dma_wait3A_355 = tpu.memref_slice %arg6[%dma_wait3A_347, %dma_wait3A_348, %dma_wait3A_354] : memref<32x5x128xi32, #tpu.memory_space<vmem>> -> memref<1x1x128xi32, #tpu.memory_space<vmem>>
        %dma_wait3A_356 = tpu.memref_squeeze %dma_wait3A_355 : memref<1x1x128xi32, #tpu.memory_space<vmem>> -> memref<128xi32, #tpu.memory_space<vmem>>
        %dma_wait3A_357 = arith.constant 0 : i32
        %dma_wait3A_358 = arith.constant 0 : i32
        %dma_wait3A_359 = tpu.memref_slice %arg12[%dma_wait3A_357, %dma_wait3A_358] : memref<10000x16xf32, #tpu.memory_space<vmem_shared>> -> memref<10000x16xf32, #tpu.memory_space<vmem_shared>>
        tpu.wait_indirect_dma semaphore(%arg13 : memref<!tpu.dma_semaphore, #tpu.memory_space<semaphore_mem>>) src(%dma_wait3A_359 : memref<10000x16xf32, #tpu.memory_space<vmem_shared>>) dst(%dma_wait3A_353 : memref<128x16xf32, #tpu.memory_space<vmem>>)
        %dma_wait3A_360 = arith.constant 0 : i32
        %dma_wait3A_361 = arith.constant 4 : i32
        %dma_wait3A_362 = arith.constant 4 : i32
        %dma_wait3A_363 = arith.constant 0 : i32
        %dma_wait3A_364 = arith.constant 0 : i32
        %dma_wait3A_365 = tpu.memref_slice %arg8[%dma_wait3A_362, %dma_wait3A_363, %dma_wait3A_364] : memref<5x128x16xf32, #tpu.memory_space<vmem>> -> memref<1x128x16xf32, #tpu.memory_space<vmem>>
        %dma_wait3A_366 = tpu.memref_squeeze %dma_wait3A_365 : memref<1x128x16xf32, #tpu.memory_space<vmem>> -> memref<128x16xf32, #tpu.memory_space<vmem>>
        %dma_wait3A_367 = arith.constant 0 : i32
        %dma_wait3A_368 = tpu.memref_slice %arg6[%dma_wait3A_360, %dma_wait3A_361, %dma_wait3A_367] : memref<32x5x128xi32, #tpu.memory_space<vmem>> -> memref<1x1x128xi32, #tpu.memory_space<vmem>>
        %dma_wait3A_369 = tpu.memref_squeeze %dma_wait3A_368 : memref<1x1x128xi32, #tpu.memory_space<vmem>> -> memref<128xi32, #tpu.memory_space<vmem>>
        %dma_wait3A_370 = arith.constant 0 : i32
        %dma_wait3A_371 = arith.constant 0 : i32
        %dma_wait3A_372 = tpu.memref_slice %arg12[%dma_wait3A_370, %dma_wait3A_371] : memref<10000x16xf32, #tpu.memory_space<vmem_shared>> -> memref<10000x16xf32, #tpu.memory_space<vmem_shared>>
        tpu.wait_indirect_dma semaphore(%arg13 : memref<!tpu.dma_semaphore, #tpu.memory_space<semaphore_mem>>) src(%dma_wait3A_372 : memref<10000x16xf32, #tpu.memory_space<vmem_shared>>) dst(%dma_wait3A_366 : memref<128x16xf32, #tpu.memory_space<vmem>>)
        %dma_start3A_373 = arith.constant 0 : i32
        %dma_start3A_374 = arith.constant 0 : i32
        %dma_start3A_375 = arith.constant 0 : i32
        %dma_start3A_376 = arith.constant 0 : i32
        %dma_start3A_377 = tpu.memref_slice %arg8[%dma_start3A_373, %dma_start3A_375, %dma_start3A_376] : memref<5x128x16xf32, #tpu.memory_space<vmem>> -> memref<1x128x16xf32, #tpu.memory_space<vmem>>
        %dma_start3A_378 = tpu.memref_squeeze %dma_start3A_377 : memref<1x128x16xf32, #tpu.memory_space<vmem>> -> memref<128x16xf32, #tpu.memory_space<vmem>>
        %dma_start3A_379 = arith.constant 0 : i32
        %dma_start3A_380 = tpu.memref_slice %arg7[%scan3A_283, %dma_start3A_374, %dma_start3A_379] : memref<32x5x128xi32, #tpu.memory_space<vmem>> -> memref<1x1x128xi32, #tpu.memory_space<vmem>>
        %dma_start3A_381 = tpu.memref_squeeze %dma_start3A_380 : memref<1x1x128xi32, #tpu.memory_space<vmem>> -> memref<128xi32, #tpu.memory_space<vmem>>
        %dma_start3A_382 = arith.constant 0 : i32
        %dma_start3A_383 = arith.constant 0 : i32
        %dma_start3A_384 = tpu.memref_slice %arg11[%dma_start3A_382, %dma_start3A_383] : memref<10240x16xf32, #tpu.memory_space<vmem_shared>> -> memref<10240x16xf32, #tpu.memory_space<vmem_shared>>
        tpu.enqueue_indirect_dma source(%dma_start3A_378 : memref<128x16xf32, #tpu.memory_space<vmem>>) target(%dma_start3A_384 : memref<10240x16xf32, #tpu.memory_space<vmem_shared>>) offsets(%dma_start3A_381 : memref<128xi32, #tpu.memory_space<vmem>>) semaphore(%arg15 : memref<!tpu.dma_semaphore, #tpu.memory_space<semaphore_mem>>) {add = true}
        %dma_start3A_385 = arith.constant 1 : i32
        %dma_start3A_386 = arith.constant 1 : i32
        %dma_start3A_387 = arith.constant 0 : i32
        %dma_start3A_388 = arith.constant 0 : i32
        %dma_start3A_389 = tpu.memref_slice %arg8[%dma_start3A_385, %dma_start3A_387, %dma_start3A_388] : memref<5x128x16xf32, #tpu.memory_space<vmem>> -> memref<1x128x16xf32, #tpu.memory_space<vmem>>
        %dma_start3A_390 = tpu.memref_squeeze %dma_start3A_389 : memref<1x128x16xf32, #tpu.memory_space<vmem>> -> memref<128x16xf32, #tpu.memory_space<vmem>>
        %dma_start3A_391 = arith.constant 0 : i32
        %dma_start3A_392 = tpu.memref_slice %arg7[%scan3A_283, %dma_start3A_386, %dma_start3A_391] : memref<32x5x128xi32, #tpu.memory_space<vmem>> -> memref<1x1x128xi32, #tpu.memory_space<vmem>>
        %dma_start3A_393 = tpu.memref_squeeze %dma_start3A_392 : memref<1x1x128xi32, #tpu.memory_space<vmem>> -> memref<128xi32, #tpu.memory_space<vmem>>
        %dma_start3A_394 = arith.constant 0 : i32
        %dma_start3A_395 = arith.constant 0 : i32
        %dma_start3A_396 = tpu.memref_slice %arg11[%dma_start3A_394, %dma_start3A_395] : memref<10240x16xf32, #tpu.memory_space<vmem_shared>> -> memref<10240x16xf32, #tpu.memory_space<vmem_shared>>
        tpu.enqueue_indirect_dma source(%dma_start3A_390 : memref<128x16xf32, #tpu.memory_space<vmem>>) target(%dma_start3A_396 : memref<10240x16xf32, #tpu.memory_space<vmem_shared>>) offsets(%dma_start3A_393 : memref<128xi32, #tpu.memory_space<vmem>>) semaphore(%arg15 : memref<!tpu.dma_semaphore, #tpu.memory_space<semaphore_mem>>) {add = true}
        %dma_start3A_397 = arith.constant 2 : i32
        %dma_start3A_398 = arith.constant 2 : i32
        %dma_start3A_399 = arith.constant 0 : i32
        %dma_start3A_400 = arith.constant 0 : i32
        %dma_start3A_401 = tpu.memref_slice %arg8[%dma_start3A_397, %dma_start3A_399, %dma_start3A_400] : memref<5x128x16xf32, #tpu.memory_space<vmem>> -> memref<1x128x16xf32, #tpu.memory_space<vmem>>
        %dma_start3A_402 = tpu.memref_squeeze %dma_start3A_401 : memref<1x128x16xf32, #tpu.memory_space<vmem>> -> memref<128x16xf32, #tpu.memory_space<vmem>>
        %dma_start3A_403 = arith.constant 0 : i32
        %dma_start3A_404 = tpu.memref_slice %arg7[%scan3A_283, %dma_start3A_398, %dma_start3A_403] : memref<32x5x128xi32, #tpu.memory_space<vmem>> -> memref<1x1x128xi32, #tpu.memory_space<vmem>>
        %dma_start3A_405 = tpu.memref_squeeze %dma_start3A_404 : memref<1x1x128xi32, #tpu.memory_space<vmem>> -> memref<128xi32, #tpu.memory_space<vmem>>
        %dma_start3A_406 = arith.constant 0 : i32
        %dma_start3A_407 = arith.constant 0 : i32
        %dma_start3A_408 = tpu.memref_slice %arg11[%dma_start3A_406, %dma_start3A_407] : memref<10240x16xf32, #tpu.memory_space<vmem_shared>> -> memref<10240x16xf32, #tpu.memory_space<vmem_shared>>
        tpu.enqueue_indirect_dma source(%dma_start3A_402 : memref<128x16xf32, #tpu.memory_space<vmem>>) target(%dma_start3A_408 : memref<10240x16xf32, #tpu.memory_space<vmem_shared>>) offsets(%dma_start3A_405 : memref<128xi32, #tpu.memory_space<vmem>>) semaphore(%arg15 : memref<!tpu.dma_semaphore, #tpu.memory_space<semaphore_mem>>) {add = true}
        %dma_start3A_409 = arith.constant 3 : i32
        %dma_start3A_410 = arith.constant 3 : i32
        %dma_start3A_411 = arith.constant 0 : i32
        %dma_start3A_412 = arith.constant 0 : i32
        %dma_start3A_413 = tpu.memref_slice %arg8[%dma_start3A_409, %dma_start3A_411, %dma_start3A_412] : memref<5x128x16xf32, #tpu.memory_space<vmem>> -> memref<1x128x16xf32, #tpu.memory_space<vmem>>
        %dma_start3A_414 = tpu.memref_squeeze %dma_start3A_413 : memref<1x128x16xf32, #tpu.memory_space<vmem>> -> memref<128x16xf32, #tpu.memory_space<vmem>>
        %dma_start3A_415 = arith.constant 0 : i32
        %dma_start3A_416 = tpu.memref_slice %arg7[%scan3A_283, %dma_start3A_410, %dma_start3A_415] : memref<32x5x128xi32, #tpu.memory_space<vmem>> -> memref<1x1x128xi32, #tpu.memory_space<vmem>>
        %dma_start3A_417 = tpu.memref_squeeze %dma_start3A_416 : memref<1x1x128xi32, #tpu.memory_space<vmem>> -> memref<128xi32, #tpu.memory_space<vmem>>
        %dma_start3A_418 = arith.constant 0 : i32
        %dma_start3A_419 = arith.constant 0 : i32
        %dma_start3A_420 = tpu.memref_slice %arg11[%dma_start3A_418, %dma_start3A_419] : memref<10240x16xf32, #tpu.memory_space<vmem_shared>> -> memref<10240x16xf32, #tpu.memory_space<vmem_shared>>
        tpu.enqueue_indirect_dma source(%dma_start3A_414 : memref<128x16xf32, #tpu.memory_space<vmem>>) target(%dma_start3A_420 : memref<10240x16xf32, #tpu.memory_space<vmem_shared>>) offsets(%dma_start3A_417 : memref<128xi32, #tpu.memory_space<vmem>>) semaphore(%arg15 : memref<!tpu.dma_semaphore, #tpu.memory_space<semaphore_mem>>) {add = true}
        %dma_start3A_421 = arith.constant 4 : i32
        %dma_start3A_422 = arith.constant 4 : i32
        %dma_start3A_423 = arith.constant 0 : i32
        %dma_start3A_424 = arith.constant 0 : i32
        %dma_start3A_425 = tpu.memref_slice %arg8[%dma_start3A_421, %dma_start3A_423, %dma_start3A_424] : memref<5x128x16xf32, #tpu.memory_space<vmem>> -> memref<1x128x16xf32, #tpu.memory_space<vmem>>
        %dma_start3A_426 = tpu.memref_squeeze %dma_start3A_425 : memref<1x128x16xf32, #tpu.memory_space<vmem>> -> memref<128x16xf32, #tpu.memory_space<vmem>>
        %dma_start3A_427 = arith.constant 0 : i32
        %dma_start3A_428 = tpu.memref_slice %arg7[%scan3A_283, %dma_start3A_422, %dma_start3A_427] : memref<32x5x128xi32, #tpu.memory_space<vmem>> -> memref<1x1x128xi32, #tpu.memory_space<vmem>>
        %dma_start3A_429 = tpu.memref_squeeze %dma_start3A_428 : memref<1x1x128xi32, #tpu.memory_space<vmem>> -> memref<128xi32, #tpu.memory_space<vmem>>
        %dma_start3A_430 = arith.constant 0 : i32
        %dma_start3A_431 = arith.constant 0 : i32
        %dma_start3A_432 = tpu.memref_slice %arg11[%dma_start3A_430, %dma_start3A_431] : memref<10240x16xf32, #tpu.memory_space<vmem_shared>> -> memref<10240x16xf32, #tpu.memory_space<vmem_shared>>
        tpu.enqueue_indirect_dma source(%dma_start3A_426 : memref<128x16xf32, #tpu.memory_space<vmem>>) target(%dma_start3A_432 : memref<10240x16xf32, #tpu.memory_space<vmem_shared>>) offsets(%dma_start3A_429 : memref<128xi32, #tpu.memory_space<vmem>>) semaphore(%arg15 : memref<!tpu.dma_semaphore, #tpu.memory_space<semaphore_mem>>) {add = true}
      } else {
      }
      %rem3A_290 = arith.constant 2 : i32
      %rem3A_291 = arith.remsi %scan3A_283, %rem3A_290 : i32
      %eq3A_292 = arith.constant 1 : i32
      %eq3A_293 = arith.cmpi eq, %rem3A_291, %eq3A_292 : i32
      %convert_element_type3A_294 = arith.extui %eq3A_293 : i1 to i32
      %cond3A_295 = arith.constant 0 : i32
      %cond3A_296 = arith.cmpi ne, %convert_element_type3A_294, %cond3A_295 : i32
      scf.if %cond3A_296 {
        %ge3A = arith.constant 1 : i32
        %ge3A_297 = arith.cmpi sge, %scan3A_283, %ge3A : i32
        %convert_element_type3A_298 = arith.extui %ge3A_297 : i1 to i32
        %cond3A_299 = arith.constant 0 : i32
        %cond3A_300 = arith.cmpi ne, %convert_element_type3A_298, %cond3A_299 : i32
        scf.if %cond3A_300 {
          %sub3A = arith.constant 1 : i32
          %sub3A_433 = arith.subi %scan3A_283, %sub3A : i32
          %dma_wait3A_434 = arith.constant 0 : i32
          %dma_wait3A_435 = arith.constant 0 : i32
          %dma_wait3A_436 = arith.constant 0 : i32
          %dma_wait3A_437 = arith.constant 0 : i32
          %dma_wait3A_438 = tpu.memref_slice %arg8[%dma_wait3A_434, %dma_wait3A_436, %dma_wait3A_437] : memref<5x128x16xf32, #tpu.memory_space<vmem>> -> memref<1x128x16xf32, #tpu.memory_space<vmem>>
          %dma_wait3A_439 = tpu.memref_squeeze %dma_wait3A_438 : memref<1x128x16xf32, #tpu.memory_space<vmem>> -> memref<128x16xf32, #tpu.memory_space<vmem>>
          %dma_wait3A_440 = arith.constant 0 : i32
          %dma_wait3A_441 = tpu.memref_slice %arg7[%sub3A_433, %dma_wait3A_435, %dma_wait3A_440] : memref<32x5x128xi32, #tpu.memory_space<vmem>> -> memref<1x1x128xi32, #tpu.memory_space<vmem>>
          %dma_wait3A_442 = tpu.memref_squeeze %dma_wait3A_441 : memref<1x1x128xi32, #tpu.memory_space<vmem>> -> memref<128xi32, #tpu.memory_space<vmem>>
          %dma_wait3A_443 = arith.constant 0 : i32
          %dma_wait3A_444 = arith.constant 0 : i32
          %dma_wait3A_445 = tpu.memref_slice %arg11[%dma_wait3A_443, %dma_wait3A_444] : memref<10240x16xf32, #tpu.memory_space<vmem_shared>> -> memref<10240x16xf32, #tpu.memory_space<vmem_shared>>
          tpu.wait_indirect_dma semaphore(%arg15 : memref<!tpu.dma_semaphore, #tpu.memory_space<semaphore_mem>>) src(%dma_wait3A_439 : memref<128x16xf32, #tpu.memory_space<vmem>>) dst(%dma_wait3A_445 : memref<10240x16xf32, #tpu.memory_space<vmem_shared>>)
          %dma_wait3A_446 = arith.constant 1 : i32
          %dma_wait3A_447 = arith.constant 1 : i32
          %dma_wait3A_448 = arith.constant 0 : i32
          %dma_wait3A_449 = arith.constant 0 : i32
          %dma_wait3A_450 = tpu.memref_slice %arg8[%dma_wait3A_446, %dma_wait3A_448, %dma_wait3A_449] : memref<5x128x16xf32, #tpu.memory_space<vmem>> -> memref<1x128x16xf32, #tpu.memory_space<vmem>>
          %dma_wait3A_451 = tpu.memref_squeeze %dma_wait3A_450 : memref<1x128x16xf32, #tpu.memory_space<vmem>> -> memref<128x16xf32, #tpu.memory_space<vmem>>
          %dma_wait3A_452 = arith.constant 0 : i32
          %dma_wait3A_453 = tpu.memref_slice %arg7[%sub3A_433, %dma_wait3A_447, %dma_wait3A_452] : memref<32x5x128xi32, #tpu.memory_space<vmem>> -> memref<1x1x128xi32, #tpu.memory_space<vmem>>
          %dma_wait3A_454 = tpu.memref_squeeze %dma_wait3A_453 : memref<1x1x128xi32, #tpu.memory_space<vmem>> -> memref<128xi32, #tpu.memory_space<vmem>>
          %dma_wait3A_455 = arith.constant 0 : i32
          %dma_wait3A_456 = arith.constant 0 : i32
          %dma_wait3A_457 = tpu.memref_slice %arg11[%dma_wait3A_455, %dma_wait3A_456] : memref<10240x16xf32, #tpu.memory_space<vmem_shared>> -> memref<10240x16xf32, #tpu.memory_space<vmem_shared>>
          tpu.wait_indirect_dma semaphore(%arg15 : memref<!tpu.dma_semaphore, #tpu.memory_space<semaphore_mem>>) src(%dma_wait3A_451 : memref<128x16xf32, #tpu.memory_space<vmem>>) dst(%dma_wait3A_457 : memref<10240x16xf32, #tpu.memory_space<vmem_shared>>)
          %dma_wait3A_458 = arith.constant 2 : i32
          %dma_wait3A_459 = arith.constant 2 : i32
          %dma_wait3A_460 = arith.constant 0 : i32
          %dma_wait3A_461 = arith.constant 0 : i32
          %dma_wait3A_462 = tpu.memref_slice %arg8[%dma_wait3A_458, %dma_wait3A_460, %dma_wait3A_461] : memref<5x128x16xf32, #tpu.memory_space<vmem>> -> memref<1x128x16xf32, #tpu.memory_space<vmem>>
          %dma_wait3A_463 = tpu.memref_squeeze %dma_wait3A_462 : memref<1x128x16xf32, #tpu.memory_space<vmem>> -> memref<128x16xf32, #tpu.memory_space<vmem>>
          %dma_wait3A_464 = arith.constant 0 : i32
          %dma_wait3A_465 = tpu.memref_slice %arg7[%sub3A_433, %dma_wait3A_459, %dma_wait3A_464] : memref<32x5x128xi32, #tpu.memory_space<vmem>> -> memref<1x1x128xi32, #tpu.memory_space<vmem>>
          %dma_wait3A_466 = tpu.memref_squeeze %dma_wait3A_465 : memref<1x1x128xi32, #tpu.memory_space<vmem>> -> memref<128xi32, #tpu.memory_space<vmem>>
          %dma_wait3A_467 = arith.constant 0 : i32
          %dma_wait3A_468 = arith.constant 0 : i32
          %dma_wait3A_469 = tpu.memref_slice %arg11[%dma_wait3A_467, %dma_wait3A_468] : memref<10240x16xf32, #tpu.memory_space<vmem_shared>> -> memref<10240x16xf32, #tpu.memory_space<vmem_shared>>
          tpu.wait_indirect_dma semaphore(%arg15 : memref<!tpu.dma_semaphore, #tpu.memory_space<semaphore_mem>>) src(%dma_wait3A_463 : memref<128x16xf32, #tpu.memory_space<vmem>>) dst(%dma_wait3A_469 : memref<10240x16xf32, #tpu.memory_space<vmem_shared>>)
          %dma_wait3A_470 = arith.constant 3 : i32
          %dma_wait3A_471 = arith.constant 3 : i32
          %dma_wait3A_472 = arith.constant 0 : i32
          %dma_wait3A_473 = arith.constant 0 : i32
          %dma_wait3A_474 = tpu.memref_slice %arg8[%dma_wait3A_470, %dma_wait3A_472, %dma_wait3A_473] : memref<5x128x16xf32, #tpu.memory_space<vmem>> -> memref<1x128x16xf32, #tpu.memory_space<vmem>>
          %dma_wait3A_475 = tpu.memref_squeeze %dma_wait3A_474 : memref<1x128x16xf32, #tpu.memory_space<vmem>> -> memref<128x16xf32, #tpu.memory_space<vmem>>
          %dma_wait3A_476 = arith.constant 0 : i32
          %dma_wait3A_477 = tpu.memref_slice %arg7[%sub3A_433, %dma_wait3A_471, %dma_wait3A_476] : memref<32x5x128xi32, #tpu.memory_space<vmem>> -> memref<1x1x128xi32, #tpu.memory_space<vmem>>
          %dma_wait3A_478 = tpu.memref_squeeze %dma_wait3A_477 : memref<1x1x128xi32, #tpu.memory_space<vmem>> -> memref<128xi32, #tpu.memory_space<vmem>>
          %dma_wait3A_479 = arith.constant 0 : i32
          %dma_wait3A_480 = arith.constant 0 : i32
          %dma_wait3A_481 = tpu.memref_slice %arg11[%dma_wait3A_479, %dma_wait3A_480] : memref<10240x16xf32, #tpu.memory_space<vmem_shared>> -> memref<10240x16xf32, #tpu.memory_space<vmem_shared>>
          tpu.wait_indirect_dma semaphore(%arg15 : memref<!tpu.dma_semaphore, #tpu.memory_space<semaphore_mem>>) src(%dma_wait3A_475 : memref<128x16xf32, #tpu.memory_space<vmem>>) dst(%dma_wait3A_481 : memref<10240x16xf32, #tpu.memory_space<vmem_shared>>)
          %dma_wait3A_482 = arith.constant 4 : i32
          %dma_wait3A_483 = arith.constant 4 : i32
          %dma_wait3A_484 = arith.constant 0 : i32
          %dma_wait3A_485 = arith.constant 0 : i32
          %dma_wait3A_486 = tpu.memref_slice %arg8[%dma_wait3A_482, %dma_wait3A_484, %dma_wait3A_485] : memref<5x128x16xf32, #tpu.memory_space<vmem>> -> memref<1x128x16xf32, #tpu.memory_space<vmem>>
          %dma_wait3A_487 = tpu.memref_squeeze %dma_wait3A_486 : memref<1x128x16xf32, #tpu.memory_space<vmem>> -> memref<128x16xf32, #tpu.memory_space<vmem>>
          %dma_wait3A_488 = arith.constant 0 : i32
          %dma_wait3A_489 = tpu.memref_slice %arg7[%sub3A_433, %dma_wait3A_483, %dma_wait3A_488] : memref<32x5x128xi32, #tpu.memory_space<vmem>> -> memref<1x1x128xi32, #tpu.memory_space<vmem>>
          %dma_wait3A_490 = tpu.memref_squeeze %dma_wait3A_489 : memref<1x1x128xi32, #tpu.memory_space<vmem>> -> memref<128xi32, #tpu.memory_space<vmem>>
          %dma_wait3A_491 = arith.constant 0 : i32
          %dma_wait3A_492 = arith.constant 0 : i32
          %dma_wait3A_493 = tpu.memref_slice %arg11[%dma_wait3A_491, %dma_wait3A_492] : memref<10240x16xf32, #tpu.memory_space<vmem_shared>> -> memref<10240x16xf32, #tpu.memory_space<vmem_shared>>
          tpu.wait_indirect_dma semaphore(%arg15 : memref<!tpu.dma_semaphore, #tpu.memory_space<semaphore_mem>>) src(%dma_wait3A_487 : memref<128x16xf32, #tpu.memory_space<vmem>>) dst(%dma_wait3A_493 : memref<10240x16xf32, #tpu.memory_space<vmem_shared>>)
        } else {
        }
        %add3A_301 = arith.constant 1 : i32
        %add3A_302 = arith.addi %scan3A_283, %add3A_301 : i32
        %lt3A_303 = arith.constant 32 : i32
        %lt3A_304 = arith.cmpi slt, %add3A_302, %lt3A_303 : i32
        %convert_element_type3A_305 = arith.extui %lt3A_304 : i1 to i32
        %cond3A_306 = arith.constant 0 : i32
        %cond3A_307 = arith.cmpi ne, %convert_element_type3A_305, %cond3A_306 : i32
        scf.if %cond3A_307 {
          %add3A_433 = arith.constant 1 : i32
          %add3A_434 = arith.addi %scan3A_283, %add3A_433 : i32
          %dma_start3A_435 = arith.constant 0 : i32
          %dma_start3A_436 = arith.constant 0 : i32
          %dma_start3A_437 = arith.constant 0 : i32
          %dma_start3A_438 = arith.constant 0 : i32
          %dma_start3A_439 = tpu.memref_slice %arg8[%dma_start3A_436, %dma_start3A_437, %dma_start3A_438] : memref<5x128x16xf32, #tpu.memory_space<vmem>> -> memref<1x128x16xf32, #tpu.memory_space<vmem>>
          %dma_start3A_440 = tpu.memref_squeeze %dma_start3A_439 : memref<1x128x16xf32, #tpu.memory_space<vmem>> -> memref<128x16xf32, #tpu.memory_space<vmem>>
          %dma_start3A_441 = arith.constant 0 : i32
          %dma_start3A_442 = tpu.memref_slice %arg6[%add3A_434, %dma_start3A_435, %dma_start3A_441] : memref<32x5x128xi32, #tpu.memory_space<vmem>> -> memref<1x1x128xi32, #tpu.memory_space<vmem>>
          %dma_start3A_443 = tpu.memref_squeeze %dma_start3A_442 : memref<1x1x128xi32, #tpu.memory_space<vmem>> -> memref<128xi32, #tpu.memory_space<vmem>>
          %dma_start3A_444 = arith.constant 0 : i32
          %dma_start3A_445 = arith.constant 0 : i32
          %dma_start3A_446 = tpu.memref_slice %arg12[%dma_start3A_444, %dma_start3A_445] : memref<10000x16xf32, #tpu.memory_space<vmem_shared>> -> memref<10000x16xf32, #tpu.memory_space<vmem_shared>>
          tpu.enqueue_indirect_dma source(%dma_start3A_446 : memref<10000x16xf32, #tpu.memory_space<vmem_shared>>) target(%dma_start3A_440 : memref<128x16xf32, #tpu.memory_space<vmem>>) offsets(%dma_start3A_443 : memref<128xi32, #tpu.memory_space<vmem>>) semaphore(%arg13 : memref<!tpu.dma_semaphore, #tpu.memory_space<semaphore_mem>>)
          %dma_start3A_447 = arith.constant 1 : i32
          %dma_start3A_448 = arith.constant 1 : i32
          %dma_start3A_449 = arith.constant 0 : i32
          %dma_start3A_450 = arith.constant 0 : i32
          %dma_start3A_451 = tpu.memref_slice %arg8[%dma_start3A_448, %dma_start3A_449, %dma_start3A_450] : memref<5x128x16xf32, #tpu.memory_space<vmem>> -> memref<1x128x16xf32, #tpu.memory_space<vmem>>
          %dma_start3A_452 = tpu.memref_squeeze %dma_start3A_451 : memref<1x128x16xf32, #tpu.memory_space<vmem>> -> memref<128x16xf32, #tpu.memory_space<vmem>>
          %dma_start3A_453 = arith.constant 0 : i32
          %dma_start3A_454 = tpu.memref_slice %arg6[%add3A_434, %dma_start3A_447, %dma_start3A_453] : memref<32x5x128xi32, #tpu.memory_space<vmem>> -> memref<1x1x128xi32, #tpu.memory_space<vmem>>
          %dma_start3A_455 = tpu.memref_squeeze %dma_start3A_454 : memref<1x1x128xi32, #tpu.memory_space<vmem>> -> memref<128xi32, #tpu.memory_space<vmem>>
          %dma_start3A_456 = arith.constant 0 : i32
          %dma_start3A_457 = arith.constant 0 : i32
          %dma_start3A_458 = tpu.memref_slice %arg12[%dma_start3A_456, %dma_start3A_457] : memref<10000x16xf32, #tpu.memory_space<vmem_shared>> -> memref<10000x16xf32, #tpu.memory_space<vmem_shared>>
          tpu.enqueue_indirect_dma source(%dma_start3A_458 : memref<10000x16xf32, #tpu.memory_space<vmem_shared>>) target(%dma_start3A_452 : memref<128x16xf32, #tpu.memory_space<vmem>>) offsets(%dma_start3A_455 : memref<128xi32, #tpu.memory_space<vmem>>) semaphore(%arg13 : memref<!tpu.dma_semaphore, #tpu.memory_space<semaphore_mem>>)
          %dma_start3A_459 = arith.constant 2 : i32
          %dma_start3A_460 = arith.constant 2 : i32
          %dma_start3A_461 = arith.constant 0 : i32
          %dma_start3A_462 = arith.constant 0 : i32
          %dma_start3A_463 = tpu.memref_slice %arg8[%dma_start3A_460, %dma_start3A_461, %dma_start3A_462] : memref<5x128x16xf32, #tpu.memory_space<vmem>> -> memref<1x128x16xf32, #tpu.memory_space<vmem>>
          %dma_start3A_464 = tpu.memref_squeeze %dma_start3A_463 : memref<1x128x16xf32, #tpu.memory_space<vmem>> -> memref<128x16xf32, #tpu.memory_space<vmem>>
          %dma_start3A_465 = arith.constant 0 : i32
          %dma_start3A_466 = tpu.memref_slice %arg6[%add3A_434, %dma_start3A_459, %dma_start3A_465] : memref<32x5x128xi32, #tpu.memory_space<vmem>> -> memref<1x1x128xi32, #tpu.memory_space<vmem>>
          %dma_start3A_467 = tpu.memref_squeeze %dma_start3A_466 : memref<1x1x128xi32, #tpu.memory_space<vmem>> -> memref<128xi32, #tpu.memory_space<vmem>>
          %dma_start3A_468 = arith.constant 0 : i32
          %dma_start3A_469 = arith.constant 0 : i32
          %dma_start3A_470 = tpu.memref_slice %arg12[%dma_start3A_468, %dma_start3A_469] : memref<10000x16xf32, #tpu.memory_space<vmem_shared>> -> memref<10000x16xf32, #tpu.memory_space<vmem_shared>>
          tpu.enqueue_indirect_dma source(%dma_start3A_470 : memref<10000x16xf32, #tpu.memory_space<vmem_shared>>) target(%dma_start3A_464 : memref<128x16xf32, #tpu.memory_space<vmem>>) offsets(%dma_start3A_467 : memref<128xi32, #tpu.memory_space<vmem>>) semaphore(%arg13 : memref<!tpu.dma_semaphore, #tpu.memory_space<semaphore_mem>>)
          %dma_start3A_471 = arith.constant 3 : i32
          %dma_start3A_472 = arith.constant 3 : i32
          %dma_start3A_473 = arith.constant 0 : i32
          %dma_start3A_474 = arith.constant 0 : i32
          %dma_start3A_475 = tpu.memref_slice %arg8[%dma_start3A_472, %dma_start3A_473, %dma_start3A_474] : memref<5x128x16xf32, #tpu.memory_space<vmem>> -> memref<1x128x16xf32, #tpu.memory_space<vmem>>
          %dma_start3A_476 = tpu.memref_squeeze %dma_start3A_475 : memref<1x128x16xf32, #tpu.memory_space<vmem>> -> memref<128x16xf32, #tpu.memory_space<vmem>>
          %dma_start3A_477 = arith.constant 0 : i32
          %dma_start3A_478 = tpu.memref_slice %arg6[%add3A_434, %dma_start3A_471, %dma_start3A_477] : memref<32x5x128xi32, #tpu.memory_space<vmem>> -> memref<1x1x128xi32, #tpu.memory_space<vmem>>
          %dma_start3A_479 = tpu.memref_squeeze %dma_start3A_478 : memref<1x1x128xi32, #tpu.memory_space<vmem>> -> memref<128xi32, #tpu.memory_space<vmem>>
          %dma_start3A_480 = arith.constant 0 : i32
          %dma_start3A_481 = arith.constant 0 : i32
          %dma_start3A_482 = tpu.memref_slice %arg12[%dma_start3A_480, %dma_start3A_481] : memref<10000x16xf32, #tpu.memory_space<vmem_shared>> -> memref<10000x16xf32, #tpu.memory_space<vmem_shared>>
          tpu.enqueue_indirect_dma source(%dma_start3A_482 : memref<10000x16xf32, #tpu.memory_space<vmem_shared>>) target(%dma_start3A_476 : memref<128x16xf32, #tpu.memory_space<vmem>>) offsets(%dma_start3A_479 : memref<128xi32, #tpu.memory_space<vmem>>) semaphore(%arg13 : memref<!tpu.dma_semaphore, #tpu.memory_space<semaphore_mem>>)
          %dma_start3A_483 = arith.constant 4 : i32
          %dma_start3A_484 = arith.constant 4 : i32
          %dma_start3A_485 = arith.constant 0 : i32
          %dma_start3A_486 = arith.constant 0 : i32
          %dma_start3A_487 = tpu.memref_slice %arg8[%dma_start3A_484, %dma_start3A_485, %dma_start3A_486] : memref<5x128x16xf32, #tpu.memory_space<vmem>> -> memref<1x128x16xf32, #tpu.memory_space<vmem>>
          %dma_start3A_488 = tpu.memref_squeeze %dma_start3A_487 : memref<1x128x16xf32, #tpu.memory_space<vmem>> -> memref<128x16xf32, #tpu.memory_space<vmem>>
          %dma_start3A_489 = arith.constant 0 : i32
          %dma_start3A_490 = tpu.memref_slice %arg6[%add3A_434, %dma_start3A_483, %dma_start3A_489] : memref<32x5x128xi32, #tpu.memory_space<vmem>> -> memref<1x1x128xi32, #tpu.memory_space<vmem>>
          %dma_start3A_491 = tpu.memref_squeeze %dma_start3A_490 : memref<1x1x128xi32, #tpu.memory_space<vmem>> -> memref<128xi32, #tpu.memory_space<vmem>>
          %dma_start3A_492 = arith.constant 0 : i32
          %dma_start3A_493 = arith.constant 0 : i32
          %dma_start3A_494 = tpu.memref_slice %arg12[%dma_start3A_492, %dma_start3A_493] : memref<10000x16xf32, #tpu.memory_space<vmem_shared>> -> memref<10000x16xf32, #tpu.memory_space<vmem_shared>>
          tpu.enqueue_indirect_dma source(%dma_start3A_494 : memref<10000x16xf32, #tpu.memory_space<vmem_shared>>) target(%dma_start3A_488 : memref<128x16xf32, #tpu.memory_space<vmem>>) offsets(%dma_start3A_491 : memref<128xi32, #tpu.memory_space<vmem>>) semaphore(%arg13 : memref<!tpu.dma_semaphore, #tpu.memory_space<semaphore_mem>>)
        } else {
        }
        %dma_wait3A_308 = arith.constant 0 : i32
        %dma_wait3A_309 = arith.constant 0 : i32
        %dma_wait3A_310 = arith.constant 0 : i32
        %dma_wait3A_311 = arith.constant 0 : i32
        %dma_wait3A_312 = arith.constant 0 : i32
        %dma_wait3A_313 = tpu.memref_slice %arg9[%dma_wait3A_310, %dma_wait3A_311, %dma_wait3A_312] : memref<5x128x16xf32, #tpu.memory_space<vmem>> -> memref<1x128x16xf32, #tpu.memory_space<vmem>>
        %dma_wait3A_314 = tpu.memref_squeeze %dma_wait3A_313 : memref<1x128x16xf32, #tpu.memory_space<vmem>> -> memref<128x16xf32, #tpu.memory_space<vmem>>
        %dma_wait3A_315 = arith.constant 0 : i32
        %dma_wait3A_316 = tpu.memref_slice %arg6[%dma_wait3A_308, %dma_wait3A_309, %dma_wait3A_315] : memref<32x5x128xi32, #tpu.memory_space<vmem>> -> memref<1x1x128xi32, #tpu.memory_space<vmem>>
        %dma_wait3A_317 = tpu.memref_squeeze %dma_wait3A_316 : memref<1x1x128xi32, #tpu.memory_space<vmem>> -> memref<128xi32, #tpu.memory_space<vmem>>
        %dma_wait3A_318 = arith.constant 0 : i32
        %dma_wait3A_319 = arith.constant 0 : i32
        %dma_wait3A_320 = tpu.memref_slice %arg12[%dma_wait3A_318, %dma_wait3A_319] : memref<10000x16xf32, #tpu.memory_space<vmem_shared>> -> memref<10000x16xf32, #tpu.memory_space<vmem_shared>>
        tpu.wait_indirect_dma semaphore(%arg14 : memref<!tpu.dma_semaphore, #tpu.memory_space<semaphore_mem>>) src(%dma_wait3A_320 : memref<10000x16xf32, #tpu.memory_space<vmem_shared>>) dst(%dma_wait3A_314 : memref<128x16xf32, #tpu.memory_space<vmem>>)
        %dma_wait3A_321 = arith.constant 0 : i32
        %dma_wait3A_322 = arith.constant 1 : i32
        %dma_wait3A_323 = arith.constant 1 : i32
        %dma_wait3A_324 = arith.constant 0 : i32
        %dma_wait3A_325 = arith.constant 0 : i32
        %dma_wait3A_326 = tpu.memref_slice %arg9[%dma_wait3A_323, %dma_wait3A_324, %dma_wait3A_325] : memref<5x128x16xf32, #tpu.memory_space<vmem>> -> memref<1x128x16xf32, #tpu.memory_space<vmem>>
        %dma_wait3A_327 = tpu.memref_squeeze %dma_wait3A_326 : memref<1x128x16xf32, #tpu.memory_space<vmem>> -> memref<128x16xf32, #tpu.memory_space<vmem>>
        %dma_wait3A_328 = arith.constant 0 : i32
        %dma_wait3A_329 = tpu.memref_slice %arg6[%dma_wait3A_321, %dma_wait3A_322, %dma_wait3A_328] : memref<32x5x128xi32, #tpu.memory_space<vmem>> -> memref<1x1x128xi32, #tpu.memory_space<vmem>>
        %dma_wait3A_330 = tpu.memref_squeeze %dma_wait3A_329 : memref<1x1x128xi32, #tpu.memory_space<vmem>> -> memref<128xi32, #tpu.memory_space<vmem>>
        %dma_wait3A_331 = arith.constant 0 : i32
        %dma_wait3A_332 = arith.constant 0 : i32
        %dma_wait3A_333 = tpu.memref_slice %arg12[%dma_wait3A_331, %dma_wait3A_332] : memref<10000x16xf32, #tpu.memory_space<vmem_shared>> -> memref<10000x16xf32, #tpu.memory_space<vmem_shared>>
        tpu.wait_indirect_dma semaphore(%arg14 : memref<!tpu.dma_semaphore, #tpu.memory_space<semaphore_mem>>) src(%dma_wait3A_333 : memref<10000x16xf32, #tpu.memory_space<vmem_shared>>) dst(%dma_wait3A_327 : memref<128x16xf32, #tpu.memory_space<vmem>>)
        %dma_wait3A_334 = arith.constant 0 : i32
        %dma_wait3A_335 = arith.constant 2 : i32
        %dma_wait3A_336 = arith.constant 2 : i32
        %dma_wait3A_337 = arith.constant 0 : i32
        %dma_wait3A_338 = arith.constant 0 : i32
        %dma_wait3A_339 = tpu.memref_slice %arg9[%dma_wait3A_336, %dma_wait3A_337, %dma_wait3A_338] : memref<5x128x16xf32, #tpu.memory_space<vmem>> -> memref<1x128x16xf32, #tpu.memory_space<vmem>>
        %dma_wait3A_340 = tpu.memref_squeeze %dma_wait3A_339 : memref<1x128x16xf32, #tpu.memory_space<vmem>> -> memref<128x16xf32, #tpu.memory_space<vmem>>
        %dma_wait3A_341 = arith.constant 0 : i32
        %dma_wait3A_342 = tpu.memref_slice %arg6[%dma_wait3A_334, %dma_wait3A_335, %dma_wait3A_341] : memref<32x5x128xi32, #tpu.memory_space<vmem>> -> memref<1x1x128xi32, #tpu.memory_space<vmem>>
        %dma_wait3A_343 = tpu.memref_squeeze %dma_wait3A_342 : memref<1x1x128xi32, #tpu.memory_space<vmem>> -> memref<128xi32, #tpu.memory_space<vmem>>
        %dma_wait3A_344 = arith.constant 0 : i32
        %dma_wait3A_345 = arith.constant 0 : i32
        %dma_wait3A_346 = tpu.memref_slice %arg12[%dma_wait3A_344, %dma_wait3A_345] : memref<10000x16xf32, #tpu.memory_space<vmem_shared>> -> memref<10000x16xf32, #tpu.memory_space<vmem_shared>>
        tpu.wait_indirect_dma semaphore(%arg14 : memref<!tpu.dma_semaphore, #tpu.memory_space<semaphore_mem>>) src(%dma_wait3A_346 : memref<10000x16xf32, #tpu.memory_space<vmem_shared>>) dst(%dma_wait3A_340 : memref<128x16xf32, #tpu.memory_space<vmem>>)
        %dma_wait3A_347 = arith.constant 0 : i32
        %dma_wait3A_348 = arith.constant 3 : i32
        %dma_wait3A_349 = arith.constant 3 : i32
        %dma_wait3A_350 = arith.constant 0 : i32
        %dma_wait3A_351 = arith.constant 0 : i32
        %dma_wait3A_352 = tpu.memref_slice %arg9[%dma_wait3A_349, %dma_wait3A_350, %dma_wait3A_351] : memref<5x128x16xf32, #tpu.memory_space<vmem>> -> memref<1x128x16xf32, #tpu.memory_space<vmem>>
        %dma_wait3A_353 = tpu.memref_squeeze %dma_wait3A_352 : memref<1x128x16xf32, #tpu.memory_space<vmem>> -> memref<128x16xf32, #tpu.memory_space<vmem>>
        %dma_wait3A_354 = arith.constant 0 : i32
        %dma_wait3A_355 = tpu.memref_slice %arg6[%dma_wait3A_347, %dma_wait3A_348, %dma_wait3A_354] : memref<32x5x128xi32, #tpu.memory_space<vmem>> -> memref<1x1x128xi32, #tpu.memory_space<vmem>>
        %dma_wait3A_356 = tpu.memref_squeeze %dma_wait3A_355 : memref<1x1x128xi32, #tpu.memory_space<vmem>> -> memref<128xi32, #tpu.memory_space<vmem>>
        %dma_wait3A_357 = arith.constant 0 : i32
        %dma_wait3A_358 = arith.constant 0 : i32
        %dma_wait3A_359 = tpu.memref_slice %arg12[%dma_wait3A_357, %dma_wait3A_358] : memref<10000x16xf32, #tpu.memory_space<vmem_shared>> -> memref<10000x16xf32, #tpu.memory_space<vmem_shared>>
        tpu.wait_indirect_dma semaphore(%arg14 : memref<!tpu.dma_semaphore, #tpu.memory_space<semaphore_mem>>) src(%dma_wait3A_359 : memref<10000x16xf32, #tpu.memory_space<vmem_shared>>) dst(%dma_wait3A_353 : memref<128x16xf32, #tpu.memory_space<vmem>>)
        %dma_wait3A_360 = arith.constant 0 : i32
        %dma_wait3A_361 = arith.constant 4 : i32
        %dma_wait3A_362 = arith.constant 4 : i32
        %dma_wait3A_363 = arith.constant 0 : i32
        %dma_wait3A_364 = arith.constant 0 : i32
        %dma_wait3A_365 = tpu.memref_slice %arg9[%dma_wait3A_362, %dma_wait3A_363, %dma_wait3A_364] : memref<5x128x16xf32, #tpu.memory_space<vmem>> -> memref<1x128x16xf32, #tpu.memory_space<vmem>>
        %dma_wait3A_366 = tpu.memref_squeeze %dma_wait3A_365 : memref<1x128x16xf32, #tpu.memory_space<vmem>> -> memref<128x16xf32, #tpu.memory_space<vmem>>
        %dma_wait3A_367 = arith.constant 0 : i32
        %dma_wait3A_368 = tpu.memref_slice %arg6[%dma_wait3A_360, %dma_wait3A_361, %dma_wait3A_367] : memref<32x5x128xi32, #tpu.memory_space<vmem>> -> memref<1x1x128xi32, #tpu.memory_space<vmem>>
        %dma_wait3A_369 = tpu.memref_squeeze %dma_wait3A_368 : memref<1x1x128xi32, #tpu.memory_space<vmem>> -> memref<128xi32, #tpu.memory_space<vmem>>
        %dma_wait3A_370 = arith.constant 0 : i32
        %dma_wait3A_371 = arith.constant 0 : i32
        %dma_wait3A_372 = tpu.memref_slice %arg12[%dma_wait3A_370, %dma_wait3A_371] : memref<10000x16xf32, #tpu.memory_space<vmem_shared>> -> memref<10000x16xf32, #tpu.memory_space<vmem_shared>>
        tpu.wait_indirect_dma semaphore(%arg14 : memref<!tpu.dma_semaphore, #tpu.memory_space<semaphore_mem>>) src(%dma_wait3A_372 : memref<10000x16xf32, #tpu.memory_space<vmem_shared>>) dst(%dma_wait3A_366 : memref<128x16xf32, #tpu.memory_space<vmem>>)
        %dma_start3A_373 = arith.constant 0 : i32
        %dma_start3A_374 = arith.constant 0 : i32
        %dma_start3A_375 = arith.constant 0 : i32
        %dma_start3A_376 = arith.constant 0 : i32
        %dma_start3A_377 = tpu.memref_slice %arg9[%dma_start3A_373, %dma_start3A_375, %dma_start3A_376] : memref<5x128x16xf32, #tpu.memory_space<vmem>> -> memref<1x128x16xf32, #tpu.memory_space<vmem>>
        %dma_start3A_378 = tpu.memref_squeeze %dma_start3A_377 : memref<1x128x16xf32, #tpu.memory_space<vmem>> -> memref<128x16xf32, #tpu.memory_space<vmem>>
        %dma_start3A_379 = arith.constant 0 : i32
        %dma_start3A_380 = tpu.memref_slice %arg7[%scan3A_283, %dma_start3A_374, %dma_start3A_379] : memref<32x5x128xi32, #tpu.memory_space<vmem>> -> memref<1x1x128xi32, #tpu.memory_space<vmem>>
        %dma_start3A_381 = tpu.memref_squeeze %dma_start3A_380 : memref<1x1x128xi32, #tpu.memory_space<vmem>> -> memref<128xi32, #tpu.memory_space<vmem>>
        %dma_start3A_382 = arith.constant 0 : i32
        %dma_start3A_383 = arith.constant 0 : i32
        %dma_start3A_384 = tpu.memref_slice %arg11[%dma_start3A_382, %dma_start3A_383] : memref<10240x16xf32, #tpu.memory_space<vmem_shared>> -> memref<10240x16xf32, #tpu.memory_space<vmem_shared>>
        tpu.enqueue_indirect_dma source(%dma_start3A_378 : memref<128x16xf32, #tpu.memory_space<vmem>>) target(%dma_start3A_384 : memref<10240x16xf32, #tpu.memory_space<vmem_shared>>) offsets(%dma_start3A_381 : memref<128xi32, #tpu.memory_space<vmem>>) semaphore(%arg16 : memref<!tpu.dma_semaphore, #tpu.memory_space<semaphore_mem>>) {add = true}
        %dma_start3A_385 = arith.constant 1 : i32
        %dma_start3A_386 = arith.constant 1 : i32
        %dma_start3A_387 = arith.constant 0 : i32
        %dma_start3A_388 = arith.constant 0 : i32
        %dma_start3A_389 = tpu.memref_slice %arg9[%dma_start3A_385, %dma_start3A_387, %dma_start3A_388] : memref<5x128x16xf32, #tpu.memory_space<vmem>> -> memref<1x128x16xf32, #tpu.memory_space<vmem>>
        %dma_start3A_390 = tpu.memref_squeeze %dma_start3A_389 : memref<1x128x16xf32, #tpu.memory_space<vmem>> -> memref<128x16xf32, #tpu.memory_space<vmem>>
        %dma_start3A_391 = arith.constant 0 : i32
        %dma_start3A_392 = tpu.memref_slice %arg7[%scan3A_283, %dma_start3A_386, %dma_start3A_391] : memref<32x5x128xi32, #tpu.memory_space<vmem>> -> memref<1x1x128xi32, #tpu.memory_space<vmem>>
        %dma_start3A_393 = tpu.memref_squeeze %dma_start3A_392 : memref<1x1x128xi32, #tpu.memory_space<vmem>> -> memref<128xi32, #tpu.memory_space<vmem>>
        %dma_start3A_394 = arith.constant 0 : i32
        %dma_start3A_395 = arith.constant 0 : i32
        %dma_start3A_396 = tpu.memref_slice %arg11[%dma_start3A_394, %dma_start3A_395] : memref<10240x16xf32, #tpu.memory_space<vmem_shared>> -> memref<10240x16xf32, #tpu.memory_space<vmem_shared>>
        tpu.enqueue_indirect_dma source(%dma_start3A_390 : memref<128x16xf32, #tpu.memory_space<vmem>>) target(%dma_start3A_396 : memref<10240x16xf32, #tpu.memory_space<vmem_shared>>) offsets(%dma_start3A_393 : memref<128xi32, #tpu.memory_space<vmem>>) semaphore(%arg16 : memref<!tpu.dma_semaphore, #tpu.memory_space<semaphore_mem>>) {add = true}
        %dma_start3A_397 = arith.constant 2 : i32
        %dma_start3A_398 = arith.constant 2 : i32
        %dma_start3A_399 = arith.constant 0 : i32
        %dma_start3A_400 = arith.constant 0 : i32
        %dma_start3A_401 = tpu.memref_slice %arg9[%dma_start3A_397, %dma_start3A_399, %dma_start3A_400] : memref<5x128x16xf32, #tpu.memory_space<vmem>> -> memref<1x128x16xf32, #tpu.memory_space<vmem>>
        %dma_start3A_402 = tpu.memref_squeeze %dma_start3A_401 : memref<1x128x16xf32, #tpu.memory_space<vmem>> -> memref<128x16xf32, #tpu.memory_space<vmem>>
        %dma_start3A_403 = arith.constant 0 : i32
        %dma_start3A_404 = tpu.memref_slice %arg7[%scan3A_283, %dma_start3A_398, %dma_start3A_403] : memref<32x5x128xi32, #tpu.memory_space<vmem>> -> memref<1x1x128xi32, #tpu.memory_space<vmem>>
        %dma_start3A_405 = tpu.memref_squeeze %dma_start3A_404 : memref<1x1x128xi32, #tpu.memory_space<vmem>> -> memref<128xi32, #tpu.memory_space<vmem>>
        %dma_start3A_406 = arith.constant 0 : i32
        %dma_start3A_407 = arith.constant 0 : i32
        %dma_start3A_408 = tpu.memref_slice %arg11[%dma_start3A_406, %dma_start3A_407] : memref<10240x16xf32, #tpu.memory_space<vmem_shared>> -> memref<10240x16xf32, #tpu.memory_space<vmem_shared>>
        tpu.enqueue_indirect_dma source(%dma_start3A_402 : memref<128x16xf32, #tpu.memory_space<vmem>>) target(%dma_start3A_408 : memref<10240x16xf32, #tpu.memory_space<vmem_shared>>) offsets(%dma_start3A_405 : memref<128xi32, #tpu.memory_space<vmem>>) semaphore(%arg16 : memref<!tpu.dma_semaphore, #tpu.memory_space<semaphore_mem>>) {add = true}
        %dma_start3A_409 = arith.constant 3 : i32
        %dma_start3A_410 = arith.constant 3 : i32
        %dma_start3A_411 = arith.constant 0 : i32
        %dma_start3A_412 = arith.constant 0 : i32
        %dma_start3A_413 = tpu.memref_slice %arg9[%dma_start3A_409, %dma_start3A_411, %dma_start3A_412] : memref<5x128x16xf32, #tpu.memory_space<vmem>> -> memref<1x128x16xf32, #tpu.memory_space<vmem>>
        %dma_start3A_414 = tpu.memref_squeeze %dma_start3A_413 : memref<1x128x16xf32, #tpu.memory_space<vmem>> -> memref<128x16xf32, #tpu.memory_space<vmem>>
        %dma_start3A_415 = arith.constant 0 : i32
        %dma_start3A_416 = tpu.memref_slice %arg7[%scan3A_283, %dma_start3A_410, %dma_start3A_415] : memref<32x5x128xi32, #tpu.memory_space<vmem>> -> memref<1x1x128xi32, #tpu.memory_space<vmem>>
        %dma_start3A_417 = tpu.memref_squeeze %dma_start3A_416 : memref<1x1x128xi32, #tpu.memory_space<vmem>> -> memref<128xi32, #tpu.memory_space<vmem>>
        %dma_start3A_418 = arith.constant 0 : i32
        %dma_start3A_419 = arith.constant 0 : i32
        %dma_start3A_420 = tpu.memref_slice %arg11[%dma_start3A_418, %dma_start3A_419] : memref<10240x16xf32, #tpu.memory_space<vmem_shared>> -> memref<10240x16xf32, #tpu.memory_space<vmem_shared>>
        tpu.enqueue_indirect_dma source(%dma_start3A_414 : memref<128x16xf32, #tpu.memory_space<vmem>>) target(%dma_start3A_420 : memref<10240x16xf32, #tpu.memory_space<vmem_shared>>) offsets(%dma_start3A_417 : memref<128xi32, #tpu.memory_space<vmem>>) semaphore(%arg16 : memref<!tpu.dma_semaphore, #tpu.memory_space<semaphore_mem>>) {add = true}
        %dma_start3A_421 = arith.constant 4 : i32
        %dma_start3A_422 = arith.constant 4 : i32
        %dma_start3A_423 = arith.constant 0 : i32
        %dma_start3A_424 = arith.constant 0 : i32
        %dma_start3A_425 = tpu.memref_slice %arg9[%dma_start3A_421, %dma_start3A_423, %dma_start3A_424] : memref<5x128x16xf32, #tpu.memory_space<vmem>> -> memref<1x128x16xf32, #tpu.memory_space<vmem>>
        %dma_start3A_426 = tpu.memref_squeeze %dma_start3A_425 : memref<1x128x16xf32, #tpu.memory_space<vmem>> -> memref<128x16xf32, #tpu.memory_space<vmem>>
        %dma_start3A_427 = arith.constant 0 : i32
        %dma_start3A_428 = tpu.memref_slice %arg7[%scan3A_283, %dma_start3A_422, %dma_start3A_427] : memref<32x5x128xi32, #tpu.memory_space<vmem>> -> memref<1x1x128xi32, #tpu.memory_space<vmem>>
        %dma_start3A_429 = tpu.memref_squeeze %dma_start3A_428 : memref<1x1x128xi32, #tpu.memory_space<vmem>> -> memref<128xi32, #tpu.memory_space<vmem>>
        %dma_start3A_430 = arith.constant 0 : i32
        %dma_start3A_431 = arith.constant 0 : i32
        %dma_start3A_432 = tpu.memref_slice %arg11[%dma_start3A_430, %dma_start3A_431] : memref<10240x16xf32, #tpu.memory_space<vmem_shared>> -> memref<10240x16xf32, #tpu.memory_space<vmem_shared>>
        tpu.enqueue_indirect_dma source(%dma_start3A_426 : memref<128x16xf32, #tpu.memory_space<vmem>>) target(%dma_start3A_432 : memref<10240x16xf32, #tpu.memory_space<vmem_shared>>) offsets(%dma_start3A_429 : memref<128xi32, #tpu.memory_space<vmem>>) semaphore(%arg16 : memref<!tpu.dma_semaphore, #tpu.memory_space<semaphore_mem>>) {add = true}
      } else {
      }
    }
    %scan3A_212 = arith.constant 32 : i32
    %dma_wait3A_213 = arith.constant 0 : i32
    %dma_wait3A_214 = arith.constant 31 : i32
    %dma_wait3A_215 = arith.constant 0 : i32
    %dma_wait3A_216 = arith.constant 0 : i32
    %dma_wait3A_217 = arith.constant 0 : i32
    %dma_wait3A_218 = tpu.memref_slice %arg9[%dma_wait3A_213, %dma_wait3A_216, %dma_wait3A_217] : memref<5x128x16xf32, #tpu.memory_space<vmem>> -> memref<1x128x16xf32, #tpu.memory_space<vmem>>
    %dma_wait3A_219 = tpu.memref_squeeze %dma_wait3A_218 : memref<1x128x16xf32, #tpu.memory_space<vmem>> -> memref<128x16xf32, #tpu.memory_space<vmem>>
    %dma_wait3A_220 = arith.constant 0 : i32
    %dma_wait3A_221 = tpu.memref_slice %arg7[%dma_wait3A_214, %dma_wait3A_215, %dma_wait3A_220] : memref<32x5x128xi32, #tpu.memory_space<vmem>> -> memref<1x1x128xi32, #tpu.memory_space<vmem>>
    %dma_wait3A_222 = tpu.memref_squeeze %dma_wait3A_221 : memref<1x1x128xi32, #tpu.memory_space<vmem>> -> memref<128xi32, #tpu.memory_space<vmem>>
    %dma_wait3A_223 = arith.constant 0 : i32
    %dma_wait3A_224 = arith.constant 0 : i32
    %dma_wait3A_225 = tpu.memref_slice %arg11[%dma_wait3A_223, %dma_wait3A_224] : memref<10240x16xf32, #tpu.memory_space<vmem_shared>> -> memref<10240x16xf32, #tpu.memory_space<vmem_shared>>
    tpu.wait_indirect_dma semaphore(%arg16 : memref<!tpu.dma_semaphore, #tpu.memory_space<semaphore_mem>>) src(%dma_wait3A_219 : memref<128x16xf32, #tpu.memory_space<vmem>>) dst(%dma_wait3A_225 : memref<10240x16xf32, #tpu.memory_space<vmem_shared>>)
    %dma_wait3A_226 = arith.constant 1 : i32
    %dma_wait3A_227 = arith.constant 31 : i32
    %dma_wait3A_228 = arith.constant 1 : i32
    %dma_wait3A_229 = arith.constant 0 : i32
    %dma_wait3A_230 = arith.constant 0 : i32
    %dma_wait3A_231 = tpu.memref_slice %arg9[%dma_wait3A_226, %dma_wait3A_229, %dma_wait3A_230] : memref<5x128x16xf32, #tpu.memory_space<vmem>> -> memref<1x128x16xf32, #tpu.memory_space<vmem>>
    %dma_wait3A_232 = tpu.memref_squeeze %dma_wait3A_231 : memref<1x128x16xf32, #tpu.memory_space<vmem>> -> memref<128x16xf32, #tpu.memory_space<vmem>>
    %dma_wait3A_233 = arith.constant 0 : i32
    %dma_wait3A_234 = tpu.memref_slice %arg7[%dma_wait3A_227, %dma_wait3A_228, %dma_wait3A_233] : memref<32x5x128xi32, #tpu.memory_space<vmem>> -> memref<1x1x128xi32, #tpu.memory_space<vmem>>
    %dma_wait3A_235 = tpu.memref_squeeze %dma_wait3A_234 : memref<1x1x128xi32, #tpu.memory_space<vmem>> -> memref<128xi32, #tpu.memory_space<vmem>>
    %dma_wait3A_236 = arith.constant 0 : i32
    %dma_wait3A_237 = arith.constant 0 : i32
    %dma_wait3A_238 = tpu.memref_slice %arg11[%dma_wait3A_236, %dma_wait3A_237] : memref<10240x16xf32, #tpu.memory_space<vmem_shared>> -> memref<10240x16xf32, #tpu.memory_space<vmem_shared>>
    tpu.wait_indirect_dma semaphore(%arg16 : memref<!tpu.dma_semaphore, #tpu.memory_space<semaphore_mem>>) src(%dma_wait3A_232 : memref<128x16xf32, #tpu.memory_space<vmem>>) dst(%dma_wait3A_238 : memref<10240x16xf32, #tpu.memory_space<vmem_shared>>)
    %dma_wait3A_239 = arith.constant 2 : i32
    %dma_wait3A_240 = arith.constant 31 : i32
    %dma_wait3A_241 = arith.constant 2 : i32
    %dma_wait3A_242 = arith.constant 0 : i32
    %dma_wait3A_243 = arith.constant 0 : i32
    %dma_wait3A_244 = tpu.memref_slice %arg9[%dma_wait3A_239, %dma_wait3A_242, %dma_wait3A_243] : memref<5x128x16xf32, #tpu.memory_space<vmem>> -> memref<1x128x16xf32, #tpu.memory_space<vmem>>
    %dma_wait3A_245 = tpu.memref_squeeze %dma_wait3A_244 : memref<1x128x16xf32, #tpu.memory_space<vmem>> -> memref<128x16xf32, #tpu.memory_space<vmem>>
    %dma_wait3A_246 = arith.constant 0 : i32
    %dma_wait3A_247 = tpu.memref_slice %arg7[%dma_wait3A_240, %dma_wait3A_241, %dma_wait3A_246] : memref<32x5x128xi32, #tpu.memory_space<vmem>> -> memref<1x1x128xi32, #tpu.memory_space<vmem>>
    %dma_wait3A_248 = tpu.memref_squeeze %dma_wait3A_247 : memref<1x1x128xi32, #tpu.memory_space<vmem>> -> memref<128xi32, #tpu.memory_space<vmem>>
    %dma_wait3A_249 = arith.constant 0 : i32
    %dma_wait3A_250 = arith.constant 0 : i32
    %dma_wait3A_251 = tpu.memref_slice %arg11[%dma_wait3A_249, %dma_wait3A_250] : memref<10240x16xf32, #tpu.memory_space<vmem_shared>> -> memref<10240x16xf32, #tpu.memory_space<vmem_shared>>
    tpu.wait_indirect_dma semaphore(%arg16 : memref<!tpu.dma_semaphore, #tpu.memory_space<semaphore_mem>>) src(%dma_wait3A_245 : memref<128x16xf32, #tpu.memory_space<vmem>>) dst(%dma_wait3A_251 : memref<10240x16xf32, #tpu.memory_space<vmem_shared>>)
    %dma_wait3A_252 = arith.constant 3 : i32
    %dma_wait3A_253 = arith.constant 31 : i32
    %dma_wait3A_254 = arith.constant 3 : i32
    %dma_wait3A_255 = arith.constant 0 : i32
    %dma_wait3A_256 = arith.constant 0 : i32
    %dma_wait3A_257 = tpu.memref_slice %arg9[%dma_wait3A_252, %dma_wait3A_255, %dma_wait3A_256] : memref<5x128x16xf32, #tpu.memory_space<vmem>> -> memref<1x128x16xf32, #tpu.memory_space<vmem>>
    %dma_wait3A_258 = tpu.memref_squeeze %dma_wait3A_257 : memref<1x128x16xf32, #tpu.memory_space<vmem>> -> memref<128x16xf32, #tpu.memory_space<vmem>>
    %dma_wait3A_259 = arith.constant 0 : i32
    %dma_wait3A_260 = tpu.memref_slice %arg7[%dma_wait3A_253, %dma_wait3A_254, %dma_wait3A_259] : memref<32x5x128xi32, #tpu.memory_space<vmem>> -> memref<1x1x128xi32, #tpu.memory_space<vmem>>
    %dma_wait3A_261 = tpu.memref_squeeze %dma_wait3A_260 : memref<1x1x128xi32, #tpu.memory_space<vmem>> -> memref<128xi32, #tpu.memory_space<vmem>>
    %dma_wait3A_262 = arith.constant 0 : i32
    %dma_wait3A_263 = arith.constant 0 : i32
    %dma_wait3A_264 = tpu.memref_slice %arg11[%dma_wait3A_262, %dma_wait3A_263] : memref<10240x16xf32, #tpu.memory_space<vmem_shared>> -> memref<10240x16xf32, #tpu.memory_space<vmem_shared>>
    tpu.wait_indirect_dma semaphore(%arg16 : memref<!tpu.dma_semaphore, #tpu.memory_space<semaphore_mem>>) src(%dma_wait3A_258 : memref<128x16xf32, #tpu.memory_space<vmem>>) dst(%dma_wait3A_264 : memref<10240x16xf32, #tpu.memory_space<vmem_shared>>)
    %dma_wait3A_265 = arith.constant 4 : i32
    %dma_wait3A_266 = arith.constant 31 : i32
    %dma_wait3A_267 = arith.constant 4 : i32
    %dma_wait3A_268 = arith.constant 0 : i32
    %dma_wait3A_269 = arith.constant 0 : i32
    %dma_wait3A_270 = tpu.memref_slice %arg9[%dma_wait3A_265, %dma_wait3A_268, %dma_wait3A_269] : memref<5x128x16xf32, #tpu.memory_space<vmem>> -> memref<1x128x16xf32, #tpu.memory_space<vmem>>
    %dma_wait3A_271 = tpu.memref_squeeze %dma_wait3A_270 : memref<1x128x16xf32, #tpu.memory_space<vmem>> -> memref<128x16xf32, #tpu.memory_space<vmem>>
    %dma_wait3A_272 = arith.constant 0 : i32
    %dma_wait3A_273 = tpu.memref_slice %arg7[%dma_wait3A_266, %dma_wait3A_267, %dma_wait3A_272] : memref<32x5x128xi32, #tpu.memory_space<vmem>> -> memref<1x1x128xi32, #tpu.memory_space<vmem>>
    %dma_wait3A_274 = tpu.memref_squeeze %dma_wait3A_273 : memref<1x1x128xi32, #tpu.memory_space<vmem>> -> memref<128xi32, #tpu.memory_space<vmem>>
    %dma_wait3A_275 = arith.constant 0 : i32
    %dma_wait3A_276 = arith.constant 0 : i32
    %dma_wait3A_277 = tpu.memref_slice %arg11[%dma_wait3A_275, %dma_wait3A_276] : memref<10240x16xf32, #tpu.memory_space<vmem_shared>> -> memref<10240x16xf32, #tpu.memory_space<vmem_shared>>
    tpu.wait_indirect_dma semaphore(%arg16 : memref<!tpu.dma_semaphore, #tpu.memory_space<semaphore_mem>>) src(%dma_wait3A_271 : memref<128x16xf32, #tpu.memory_space<vmem>>) dst(%dma_wait3A_277 : memref<10240x16xf32, #tpu.memory_space<vmem_shared>>)
    %barrier3A_278 = arith.constant 0 : index
    tpu.barrier barrier_id(%barrier3A_278)
    %mul3A_279 = arith.constant 640 : i32
    %mul3A_280 = arith.muli %arg1, %mul3A_279 : i32
    %mul3A_281 = arith.constant 640 : i32
    %mul3A_282 = arith.muli %arg1, %mul3A_281 : i32
    "tpu.region"() ({
      %run_scoped3A = tpu.sem_alloc : memref<!tpu.dma_semaphore, #tpu.memory_space<semaphore_mem>>
      %dma_start3A_283 = arith.constant 0 : i32
      %dma_start3A_284 = tpu.memref_slice %arg5[%arg0, %mul3A_282, %dma_start3A_283] : memref<2x10240x16xf32, #tpu.memory_space<hbm>> -> memref<1x640x16xf32, #tpu.memory_space<hbm>>
      %dma_start3A_285 = tpu.memref_squeeze %dma_start3A_284 : memref<1x640x16xf32, #tpu.memory_space<hbm>> -> memref<640x16xf32, #tpu.memory_space<hbm>>
      %dma_start3A_286 = arith.constant 0 : i32
      %dma_start3A_287 = tpu.memref_slice %arg11[%mul3A_280, %dma_start3A_286] : memref<10240x16xf32, #tpu.memory_space<vmem_shared>> -> memref<640x16xf32, #tpu.memory_space<vmem_shared>>
      tpu.enqueue_dma source(%dma_start3A_287 : memref<640x16xf32, #tpu.memory_space<vmem_shared>>) target(%dma_start3A_285 : memref<640x16xf32, #tpu.memory_space<hbm>>) target_semaphore(%run_scoped3A : memref<!tpu.dma_semaphore, #tpu.memory_space<semaphore_mem>>)
      %dma_wait3A_288 = arith.constant 0 : i32
      %dma_wait3A_289 = tpu.memref_slice %arg5[%arg0, %mul3A_282, %dma_wait3A_288] : memref<2x10240x16xf32, #tpu.memory_space<hbm>> -> memref<1x640x16xf32, #tpu.memory_space<hbm>>
      %dma_wait3A_290 = tpu.memref_squeeze %dma_wait3A_289 : memref<1x640x16xf32, #tpu.memory_space<hbm>> -> memref<640x16xf32, #tpu.memory_space<hbm>>
      %dma_wait3A_291 = arith.constant 0 : i32
      %dma_wait3A_292 = tpu.memref_slice %arg11[%mul3A_280, %dma_wait3A_291] : memref<10240x16xf32, #tpu.memory_space<vmem_shared>> -> memref<640x16xf32, #tpu.memory_space<vmem_shared>>
      tpu.wait_dma2 semaphore(%run_scoped3A : memref<!tpu.dma_semaphore, #tpu.memory_space<semaphore_mem>>) src(%dma_wait3A_292 : memref<640x16xf32, #tpu.memory_space<vmem_shared>>) dst(%dma_wait3A_290 : memref<640x16xf32, #tpu.memory_space<hbm>>)
      tpu.yield
    }) : () -> ()
    return
  }
}

#map = affine_map<(d0, d1) -> (0, 0, 0, 0)>
#map1 = affine_map<(d0, d1) -> (0, 0)>
#map2 = affine_map<(d0, d1) -> (0, 0, 0)>
module attributes {stable_mosaic.version = 14 : i64} {
  func.func @spmm(%arg0: i32, %arg1: i32, %arg2: memref<32x32x5x128xi32, #tpu.memory_space<hbm>>, %arg3: memref<32x32x5x128xi32, #tpu.memory_space<hbm>>, %arg4: memref<10000x32xf32, #tpu.memory_space<hbm>>, %arg5: memref<2x10240x32xf32, #tpu.memory_space<hbm>>, %arg6: memref<32x5x128xi32, #tpu.memory_space<vmem>>, %arg7: memref<32x5x128xi32, #tpu.memory_space<vmem>>, %arg8: memref<5x128x32xf32, #tpu.memory_space<vmem>>, %arg9: memref<5x128x32xf32, #tpu.memory_space<vmem>>, %arg10: memref<32x32xf32, #tpu.memory_space<vmem>>, %arg11: memref<10240x32xf32, #tpu.memory_space<vmem_shared>>, %arg12: memref<10000x32xf32, #tpu.memory_space<vmem_shared>>, %arg13: memref<!tpu.dma_semaphore, #tpu.memory_space<semaphore_mem>>, %arg14: memref<!tpu.dma_semaphore, #tpu.memory_space<semaphore_mem>>, %arg15: memref<!tpu.dma_semaphore, #tpu.memory_space<semaphore_mem>>, %arg16: memref<!tpu.dma_semaphore, #tpu.memory_space<semaphore_mem>>) attributes {dimension_semantics = [#tpu.dimension_semantics<core_parallel>, #tpu.dimension_semantics<subcore_parallel>], iteration_bounds = array<i64: 2, 16>, scalar_prefetch = 0 : i64, scratch_operands = 11 : i64, tpu.core_type = #tpu.core_type<sc_vector_subcore>, window_params = [{transform_indices = #map}, {transform_indices = #map}, {transform_indices = #map1}, {transform_indices = #map2}]} {
    %mul3A = arith.constant 16 : i32
    %mul3A_0 = arith.muli %arg0, %mul3A : i32
    %add3A = arith.addi %mul3A_0, %arg1 : i32
    %broadcast_in_dim3A = arith.constant 0.000000e+00 : f32
    %broadcast_in_dim3A_1 = vector.broadcast %broadcast_in_dim3A : f32 to vector<16xf32>
    %scan3A = arith.constant 0 : i32
    %scan3A_2 = arith.constant 0 : i32
    %scan3A_3 = arith.constant 32 : i32
    %scan3A_4 = arith.addi %scan3A_2, %scan3A_3 : i32
    %scan3A_5 = arith.constant 1 : i32
    scf.for %scan3A_283 = %scan3A_2 to %scan3A_4 step %scan3A_5  : i32 {
      %swap3A = arith.index_cast %scan3A_283 : i32 to index
      %swap3A_284 = arith.constant 0 : index
      %swap3A_285 = tpu.vector_load %arg10[%swap3A, %swap3A_284] {strides = array<i32>} : memref<32x32xf32, #tpu.memory_space<vmem>>, vector<1x16xf32>,
      %swap3A_286 = vector.shape_cast %swap3A_285 : vector<1x16xf32> to vector<16xf32>
      %swap3A_287 = vector.shape_cast %broadcast_in_dim3A_1 : vector<16xf32> to vector<1x16xf32>
      tpu.vector_store %arg10[%swap3A, %swap3A_284], %swap3A_287 {strides = array<i32>} : memref<32x32xf32, #tpu.memory_space<vmem>>, vector<1x16xf32>,
      %swap3A_288 = arith.index_cast %scan3A_283 : i32 to index
      %swap3A_289 = arith.constant 16 : index
      %swap3A_290 = tpu.vector_load %arg10[%swap3A_288, %swap3A_289] {strides = array<i32>} : memref<32x32xf32, #tpu.memory_space<vmem>>, vector<1x16xf32>,
      %swap3A_291 = vector.shape_cast %swap3A_290 : vector<1x16xf32> to vector<16xf32>
      %swap3A_292 = vector.shape_cast %broadcast_in_dim3A_1 : vector<16xf32> to vector<1x16xf32>
      tpu.vector_store %arg10[%swap3A_288, %swap3A_289], %swap3A_292 {strides = array<i32>} : memref<32x32xf32, #tpu.memory_space<vmem>>, vector<1x16xf32>,
    }
    %scan3A_6 = arith.constant 32 : i32
    %mul3A_7 = arith.constant 640 : i32
    %mul3A_8 = arith.muli %arg1, %mul3A_7 : i32
    %add3A_9 = arith.constant 0 : i32
    %add3A_10 = arith.addi %mul3A_8, %add3A_9 : i32
    "tpu.region"() ({
      %run_scoped3A = tpu.sem_alloc : memref<!tpu.dma_semaphore, #tpu.memory_space<semaphore_mem>>
      %dma_start3A_283 = arith.constant 0 : i32
      %dma_start3A_284 = tpu.memref_slice %arg11[%add3A_10, %dma_start3A_283] : memref<10240x32xf32, #tpu.memory_space<vmem_shared>> -> memref<32x32xf32, #tpu.memory_space<vmem_shared>>
      %dma_start3A_285 = arith.constant 0 : i32
      %dma_start3A_286 = tpu.memref_slice %arg11[%add3A_10, %dma_start3A_285] : memref<10240x32xf32, #tpu.memory_space<vmem_shared>> -> memref<32x32xf32, #tpu.memory_space<vmem_shared>>
      tpu.enqueue_dma source(%arg10 : memref<32x32xf32, #tpu.memory_space<vmem>>) target(%dma_start3A_286 : memref<32x32xf32, #tpu.memory_space<vmem_shared>>) target_semaphore(%run_scoped3A : memref<!tpu.dma_semaphore, #tpu.memory_space<semaphore_mem>>)
      %dma_wait3A_287 = arith.constant 0 : i32
      %dma_wait3A_288 = tpu.memref_slice %arg11[%add3A_10, %dma_wait3A_287] : memref<10240x32xf32, #tpu.memory_space<vmem_shared>> -> memref<32x32xf32, #tpu.memory_space<vmem_shared>>
      %dma_wait3A_289 = arith.constant 0 : i32
      %dma_wait3A_290 = tpu.memref_slice %arg11[%add3A_10, %dma_wait3A_289] : memref<10240x32xf32, #tpu.memory_space<vmem_shared>> -> memref<32x32xf32, #tpu.memory_space<vmem_shared>>
      tpu.wait_dma2 semaphore(%run_scoped3A : memref<!tpu.dma_semaphore, #tpu.memory_space<semaphore_mem>>) src(%arg10 : memref<32x32xf32, #tpu.memory_space<vmem>>) dst(%dma_wait3A_290 : memref<32x32xf32, #tpu.memory_space<vmem_shared>>)
      tpu.yield
    }) : () -> ()
    %mul3A_11 = arith.constant 640 : i32
    %mul3A_12 = arith.muli %arg1, %mul3A_11 : i32
    %add3A_13 = arith.constant 32 : i32
    %add3A_14 = arith.addi %mul3A_12, %add3A_13 : i32
    "tpu.region"() ({
      %run_scoped3A = tpu.sem_alloc : memref<!tpu.dma_semaphore, #tpu.memory_space<semaphore_mem>>
      %dma_start3A_283 = arith.constant 0 : i32
      %dma_start3A_284 = tpu.memref_slice %arg11[%add3A_14, %dma_start3A_283] : memref<10240x32xf32, #tpu.memory_space<vmem_shared>> -> memref<32x32xf32, #tpu.memory_space<vmem_shared>>
      %dma_start3A_285 = arith.constant 0 : i32
      %dma_start3A_286 = tpu.memref_slice %arg11[%add3A_14, %dma_start3A_285] : memref<10240x32xf32, #tpu.memory_space<vmem_shared>> -> memref<32x32xf32, #tpu.memory_space<vmem_shared>>
      tpu.enqueue_dma source(%arg10 : memref<32x32xf32, #tpu.memory_space<vmem>>) target(%dma_start3A_286 : memref<32x32xf32, #tpu.memory_space<vmem_shared>>) target_semaphore(%run_scoped3A : memref<!tpu.dma_semaphore, #tpu.memory_space<semaphore_mem>>)
      %dma_wait3A_287 = arith.constant 0 : i32
      %dma_wait3A_288 = tpu.memref_slice %arg11[%add3A_14, %dma_wait3A_287] : memref<10240x32xf32, #tpu.memory_space<vmem_shared>> -> memref<32x32xf32, #tpu.memory_space<vmem_shared>>
      %dma_wait3A_289 = arith.constant 0 : i32
      %dma_wait3A_290 = tpu.memref_slice %arg11[%add3A_14, %dma_wait3A_289] : memref<10240x32xf32, #tpu.memory_space<vmem_shared>> -> memref<32x32xf32, #tpu.memory_space<vmem_shared>>
      tpu.wait_dma2 semaphore(%run_scoped3A : memref<!tpu.dma_semaphore, #tpu.memory_space<semaphore_mem>>) src(%arg10 : memref<32x32xf32, #tpu.memory_space<vmem>>) dst(%dma_wait3A_290 : memref<32x32xf32, #tpu.memory_space<vmem_shared>>)
      tpu.yield
    }) : () -> ()
    %mul3A_15 = arith.constant 640 : i32
    %mul3A_16 = arith.muli %arg1, %mul3A_15 : i32
    %add3A_17 = arith.constant 64 : i32
    %add3A_18 = arith.addi %mul3A_16, %add3A_17 : i32
    "tpu.region"() ({
      %run_scoped3A = tpu.sem_alloc : memref<!tpu.dma_semaphore, #tpu.memory_space<semaphore_mem>>
      %dma_start3A_283 = arith.constant 0 : i32
      %dma_start3A_284 = tpu.memref_slice %arg11[%add3A_18, %dma_start3A_283] : memref<10240x32xf32, #tpu.memory_space<vmem_shared>> -> memref<32x32xf32, #tpu.memory_space<vmem_shared>>
      %dma_start3A_285 = arith.constant 0 : i32
      %dma_start3A_286 = tpu.memref_slice %arg11[%add3A_18, %dma_start3A_285] : memref<10240x32xf32, #tpu.memory_space<vmem_shared>> -> memref<32x32xf32, #tpu.memory_space<vmem_shared>>
      tpu.enqueue_dma source(%arg10 : memref<32x32xf32, #tpu.memory_space<vmem>>) target(%dma_start3A_286 : memref<32x32xf32, #tpu.memory_space<vmem_shared>>) target_semaphore(%run_scoped3A : memref<!tpu.dma_semaphore, #tpu.memory_space<semaphore_mem>>)
      %dma_wait3A_287 = arith.constant 0 : i32
      %dma_wait3A_288 = tpu.memref_slice %arg11[%add3A_18, %dma_wait3A_287] : memref<10240x32xf32, #tpu.memory_space<vmem_shared>> -> memref<32x32xf32, #tpu.memory_space<vmem_shared>>
      %dma_wait3A_289 = arith.constant 0 : i32
      %dma_wait3A_290 = tpu.memref_slice %arg11[%add3A_18, %dma_wait3A_289] : memref<10240x32xf32, #tpu.memory_space<vmem_shared>> -> memref<32x32xf32, #tpu.memory_space<vmem_shared>>
      tpu.wait_dma2 semaphore(%run_scoped3A : memref<!tpu.dma_semaphore, #tpu.memory_space<semaphore_mem>>) src(%arg10 : memref<32x32xf32, #tpu.memory_space<vmem>>) dst(%dma_wait3A_290 : memref<32x32xf32, #tpu.memory_space<vmem_shared>>)
      tpu.yield
    }) : () -> ()
    %mul3A_19 = arith.constant 640 : i32
    %mul3A_20 = arith.muli %arg1, %mul3A_19 : i32
    %add3A_21 = arith.constant 96 : i32
    %add3A_22 = arith.addi %mul3A_20, %add3A_21 : i32
    "tpu.region"() ({
      %run_scoped3A = tpu.sem_alloc : memref<!tpu.dma_semaphore, #tpu.memory_space<semaphore_mem>>
      %dma_start3A_283 = arith.constant 0 : i32
      %dma_start3A_284 = tpu.memref_slice %arg11[%add3A_22, %dma_start3A_283] : memref<10240x32xf32, #tpu.memory_space<vmem_shared>> -> memref<32x32xf32, #tpu.memory_space<vmem_shared>>
      %dma_start3A_285 = arith.constant 0 : i32
      %dma_start3A_286 = tpu.memref_slice %arg11[%add3A_22, %dma_start3A_285] : memref<10240x32xf32, #tpu.memory_space<vmem_shared>> -> memref<32x32xf32, #tpu.memory_space<vmem_shared>>
      tpu.enqueue_dma source(%arg10 : memref<32x32xf32, #tpu.memory_space<vmem>>) target(%dma_start3A_286 : memref<32x32xf32, #tpu.memory_space<vmem_shared>>) target_semaphore(%run_scoped3A : memref<!tpu.dma_semaphore, #tpu.memory_space<semaphore_mem>>)
      %dma_wait3A_287 = arith.constant 0 : i32
      %dma_wait3A_288 = tpu.memref_slice %arg11[%add3A_22, %dma_wait3A_287] : memref<10240x32xf32, #tpu.memory_space<vmem_shared>> -> memref<32x32xf32, #tpu.memory_space<vmem_shared>>
      %dma_wait3A_289 = arith.constant 0 : i32
      %dma_wait3A_290 = tpu.memref_slice %arg11[%add3A_22, %dma_wait3A_289] : memref<10240x32xf32, #tpu.memory_space<vmem_shared>> -> memref<32x32xf32, #tpu.memory_space<vmem_shared>>
      tpu.wait_dma2 semaphore(%run_scoped3A : memref<!tpu.dma_semaphore, #tpu.memory_space<semaphore_mem>>) src(%arg10 : memref<32x32xf32, #tpu.memory_space<vmem>>) dst(%dma_wait3A_290 : memref<32x32xf32, #tpu.memory_space<vmem_shared>>)
      tpu.yield
    }) : () -> ()
    %mul3A_23 = arith.constant 640 : i32
    %mul3A_24 = arith.muli %arg1, %mul3A_23 : i32
    %add3A_25 = arith.constant 128 : i32
    %add3A_26 = arith.addi %mul3A_24, %add3A_25 : i32
    "tpu.region"() ({
      %run_scoped3A = tpu.sem_alloc : memref<!tpu.dma_semaphore, #tpu.memory_space<semaphore_mem>>
      %dma_start3A_283 = arith.constant 0 : i32
      %dma_start3A_284 = tpu.memref_slice %arg11[%add3A_26, %dma_start3A_283] : memref<10240x32xf32, #tpu.memory_space<vmem_shared>> -> memref<32x32xf32, #tpu.memory_space<vmem_shared>>
      %dma_start3A_285 = arith.constant 0 : i32
      %dma_start3A_286 = tpu.memref_slice %arg11[%add3A_26, %dma_start3A_285] : memref<10240x32xf32, #tpu.memory_space<vmem_shared>> -> memref<32x32xf32, #tpu.memory_space<vmem_shared>>
      tpu.enqueue_dma source(%arg10 : memref<32x32xf32, #tpu.memory_space<vmem>>) target(%dma_start3A_286 : memref<32x32xf32, #tpu.memory_space<vmem_shared>>) target_semaphore(%run_scoped3A : memref<!tpu.dma_semaphore, #tpu.memory_space<semaphore_mem>>)
      %dma_wait3A_287 = arith.constant 0 : i32
      %dma_wait3A_288 = tpu.memref_slice %arg11[%add3A_26, %dma_wait3A_287] : memref<10240x32xf32, #tpu.memory_space<vmem_shared>> -> memref<32x32xf32, #tpu.memory_space<vmem_shared>>
      %dma_wait3A_289 = arith.constant 0 : i32
      %dma_wait3A_290 = tpu.memref_slice %arg11[%add3A_26, %dma_wait3A_289] : memref<10240x32xf32, #tpu.memory_space<vmem_shared>> -> memref<32x32xf32, #tpu.memory_space<vmem_shared>>
      tpu.wait_dma2 semaphore(%run_scoped3A : memref<!tpu.dma_semaphore, #tpu.memory_space<semaphore_mem>>) src(%arg10 : memref<32x32xf32, #tpu.memory_space<vmem>>) dst(%dma_wait3A_290 : memref<32x32xf32, #tpu.memory_space<vmem_shared>>)
      tpu.yield
    }) : () -> ()
    %mul3A_27 = arith.constant 640 : i32
    %mul3A_28 = arith.muli %arg1, %mul3A_27 : i32
    %add3A_29 = arith.constant 160 : i32
    %add3A_30 = arith.addi %mul3A_28, %add3A_29 : i32
    "tpu.region"() ({
      %run_scoped3A = tpu.sem_alloc : memref<!tpu.dma_semaphore, #tpu.memory_space<semaphore_mem>>
      %dma_start3A_283 = arith.constant 0 : i32
      %dma_start3A_284 = tpu.memref_slice %arg11[%add3A_30, %dma_start3A_283] : memref<10240x32xf32, #tpu.memory_space<vmem_shared>> -> memref<32x32xf32, #tpu.memory_space<vmem_shared>>
      %dma_start3A_285 = arith.constant 0 : i32
      %dma_start3A_286 = tpu.memref_slice %arg11[%add3A_30, %dma_start3A_285] : memref<10240x32xf32, #tpu.memory_space<vmem_shared>> -> memref<32x32xf32, #tpu.memory_space<vmem_shared>>
      tpu.enqueue_dma source(%arg10 : memref<32x32xf32, #tpu.memory_space<vmem>>) target(%dma_start3A_286 : memref<32x32xf32, #tpu.memory_space<vmem_shared>>) target_semaphore(%run_scoped3A : memref<!tpu.dma_semaphore, #tpu.memory_space<semaphore_mem>>)
      %dma_wait3A_287 = arith.constant 0 : i32
      %dma_wait3A_288 = tpu.memref_slice %arg11[%add3A_30, %dma_wait3A_287] : memref<10240x32xf32, #tpu.memory_space<vmem_shared>> -> memref<32x32xf32, #tpu.memory_space<vmem_shared>>
      %dma_wait3A_289 = arith.constant 0 : i32
      %dma_wait3A_290 = tpu.memref_slice %arg11[%add3A_30, %dma_wait3A_289] : memref<10240x32xf32, #tpu.memory_space<vmem_shared>> -> memref<32x32xf32, #tpu.memory_space<vmem_shared>>
      tpu.wait_dma2 semaphore(%run_scoped3A : memref<!tpu.dma_semaphore, #tpu.memory_space<semaphore_mem>>) src(%arg10 : memref<32x32xf32, #tpu.memory_space<vmem>>) dst(%dma_wait3A_290 : memref<32x32xf32, #tpu.memory_space<vmem_shared>>)
      tpu.yield
    }) : () -> ()
    %mul3A_31 = arith.constant 640 : i32
    %mul3A_32 = arith.muli %arg1, %mul3A_31 : i32
    %add3A_33 = arith.constant 192 : i32
    %add3A_34 = arith.addi %mul3A_32, %add3A_33 : i32
    "tpu.region"() ({
      %run_scoped3A = tpu.sem_alloc : memref<!tpu.dma_semaphore, #tpu.memory_space<semaphore_mem>>
      %dma_start3A_283 = arith.constant 0 : i32
      %dma_start3A_284 = tpu.memref_slice %arg11[%add3A_34, %dma_start3A_283] : memref<10240x32xf32, #tpu.memory_space<vmem_shared>> -> memref<32x32xf32, #tpu.memory_space<vmem_shared>>
      %dma_start3A_285 = arith.constant 0 : i32
      %dma_start3A_286 = tpu.memref_slice %arg11[%add3A_34, %dma_start3A_285] : memref<10240x32xf32, #tpu.memory_space<vmem_shared>> -> memref<32x32xf32, #tpu.memory_space<vmem_shared>>
      tpu.enqueue_dma source(%arg10 : memref<32x32xf32, #tpu.memory_space<vmem>>) target(%dma_start3A_286 : memref<32x32xf32, #tpu.memory_space<vmem_shared>>) target_semaphore(%run_scoped3A : memref<!tpu.dma_semaphore, #tpu.memory_space<semaphore_mem>>)
      %dma_wait3A_287 = arith.constant 0 : i32
      %dma_wait3A_288 = tpu.memref_slice %arg11[%add3A_34, %dma_wait3A_287] : memref<10240x32xf32, #tpu.memory_space<vmem_shared>> -> memref<32x32xf32, #tpu.memory_space<vmem_shared>>
      %dma_wait3A_289 = arith.constant 0 : i32
      %dma_wait3A_290 = tpu.memref_slice %arg11[%add3A_34, %dma_wait3A_289] : memref<10240x32xf32, #tpu.memory_space<vmem_shared>> -> memref<32x32xf32, #tpu.memory_space<vmem_shared>>
      tpu.wait_dma2 semaphore(%run_scoped3A : memref<!tpu.dma_semaphore, #tpu.memory_space<semaphore_mem>>) src(%arg10 : memref<32x32xf32, #tpu.memory_space<vmem>>) dst(%dma_wait3A_290 : memref<32x32xf32, #tpu.memory_space<vmem_shared>>)
      tpu.yield
    }) : () -> ()
    %mul3A_35 = arith.constant 640 : i32
    %mul3A_36 = arith.muli %arg1, %mul3A_35 : i32
    %add3A_37 = arith.constant 224 : i32
    %add3A_38 = arith.addi %mul3A_36, %add3A_37 : i32
    "tpu.region"() ({
      %run_scoped3A = tpu.sem_alloc : memref<!tpu.dma_semaphore, #tpu.memory_space<semaphore_mem>>
      %dma_start3A_283 = arith.constant 0 : i32
      %dma_start3A_284 = tpu.memref_slice %arg11[%add3A_38, %dma_start3A_283] : memref<10240x32xf32, #tpu.memory_space<vmem_shared>> -> memref<32x32xf32, #tpu.memory_space<vmem_shared>>
      %dma_start3A_285 = arith.constant 0 : i32
      %dma_start3A_286 = tpu.memref_slice %arg11[%add3A_38, %dma_start3A_285] : memref<10240x32xf32, #tpu.memory_space<vmem_shared>> -> memref<32x32xf32, #tpu.memory_space<vmem_shared>>
      tpu.enqueue_dma source(%arg10 : memref<32x32xf32, #tpu.memory_space<vmem>>) target(%dma_start3A_286 : memref<32x32xf32, #tpu.memory_space<vmem_shared>>) target_semaphore(%run_scoped3A : memref<!tpu.dma_semaphore, #tpu.memory_space<semaphore_mem>>)
      %dma_wait3A_287 = arith.constant 0 : i32
      %dma_wait3A_288 = tpu.memref_slice %arg11[%add3A_38, %dma_wait3A_287] : memref<10240x32xf32, #tpu.memory_space<vmem_shared>> -> memref<32x32xf32, #tpu.memory_space<vmem_shared>>
      %dma_wait3A_289 = arith.constant 0 : i32
      %dma_wait3A_290 = tpu.memref_slice %arg11[%add3A_38, %dma_wait3A_289] : memref<10240x32xf32, #tpu.memory_space<vmem_shared>> -> memref<32x32xf32, #tpu.memory_space<vmem_shared>>
      tpu.wait_dma2 semaphore(%run_scoped3A : memref<!tpu.dma_semaphore, #tpu.memory_space<semaphore_mem>>) src(%arg10 : memref<32x32xf32, #tpu.memory_space<vmem>>) dst(%dma_wait3A_290 : memref<32x32xf32, #tpu.memory_space<vmem_shared>>)
      tpu.yield
    }) : () -> ()
    %mul3A_39 = arith.constant 640 : i32
    %mul3A_40 = arith.muli %arg1, %mul3A_39 : i32
    %add3A_41 = arith.constant 256 : i32
    %add3A_42 = arith.addi %mul3A_40, %add3A_41 : i32
    "tpu.region"() ({
      %run_scoped3A = tpu.sem_alloc : memref<!tpu.dma_semaphore, #tpu.memory_space<semaphore_mem>>
      %dma_start3A_283 = arith.constant 0 : i32
      %dma_start3A_284 = tpu.memref_slice %arg11[%add3A_42, %dma_start3A_283] : memref<10240x32xf32, #tpu.memory_space<vmem_shared>> -> memref<32x32xf32, #tpu.memory_space<vmem_shared>>
      %dma_start3A_285 = arith.constant 0 : i32
      %dma_start3A_286 = tpu.memref_slice %arg11[%add3A_42, %dma_start3A_285] : memref<10240x32xf32, #tpu.memory_space<vmem_shared>> -> memref<32x32xf32, #tpu.memory_space<vmem_shared>>
      tpu.enqueue_dma source(%arg10 : memref<32x32xf32, #tpu.memory_space<vmem>>) target(%dma_start3A_286 : memref<32x32xf32, #tpu.memory_space<vmem_shared>>) target_semaphore(%run_scoped3A : memref<!tpu.dma_semaphore, #tpu.memory_space<semaphore_mem>>)
      %dma_wait3A_287 = arith.constant 0 : i32
      %dma_wait3A_288 = tpu.memref_slice %arg11[%add3A_42, %dma_wait3A_287] : memref<10240x32xf32, #tpu.memory_space<vmem_shared>> -> memref<32x32xf32, #tpu.memory_space<vmem_shared>>
      %dma_wait3A_289 = arith.constant 0 : i32
      %dma_wait3A_290 = tpu.memref_slice %arg11[%add3A_42, %dma_wait3A_289] : memref<10240x32xf32, #tpu.memory_space<vmem_shared>> -> memref<32x32xf32, #tpu.memory_space<vmem_shared>>
      tpu.wait_dma2 semaphore(%run_scoped3A : memref<!tpu.dma_semaphore, #tpu.memory_space<semaphore_mem>>) src(%arg10 : memref<32x32xf32, #tpu.memory_space<vmem>>) dst(%dma_wait3A_290 : memref<32x32xf32, #tpu.memory_space<vmem_shared>>)
      tpu.yield
    }) : () -> ()
    %mul3A_43 = arith.constant 640 : i32
    %mul3A_44 = arith.muli %arg1, %mul3A_43 : i32
    %add3A_45 = arith.constant 288 : i32
    %add3A_46 = arith.addi %mul3A_44, %add3A_45 : i32
    "tpu.region"() ({
      %run_scoped3A = tpu.sem_alloc : memref<!tpu.dma_semaphore, #tpu.memory_space<semaphore_mem>>
      %dma_start3A_283 = arith.constant 0 : i32
      %dma_start3A_284 = tpu.memref_slice %arg11[%add3A_46, %dma_start3A_283] : memref<10240x32xf32, #tpu.memory_space<vmem_shared>> -> memref<32x32xf32, #tpu.memory_space<vmem_shared>>
      %dma_start3A_285 = arith.constant 0 : i32
      %dma_start3A_286 = tpu.memref_slice %arg11[%add3A_46, %dma_start3A_285] : memref<10240x32xf32, #tpu.memory_space<vmem_shared>> -> memref<32x32xf32, #tpu.memory_space<vmem_shared>>
      tpu.enqueue_dma source(%arg10 : memref<32x32xf32, #tpu.memory_space<vmem>>) target(%dma_start3A_286 : memref<32x32xf32, #tpu.memory_space<vmem_shared>>) target_semaphore(%run_scoped3A : memref<!tpu.dma_semaphore, #tpu.memory_space<semaphore_mem>>)
      %dma_wait3A_287 = arith.constant 0 : i32
      %dma_wait3A_288 = tpu.memref_slice %arg11[%add3A_46, %dma_wait3A_287] : memref<10240x32xf32, #tpu.memory_space<vmem_shared>> -> memref<32x32xf32, #tpu.memory_space<vmem_shared>>
      %dma_wait3A_289 = arith.constant 0 : i32
      %dma_wait3A_290 = tpu.memref_slice %arg11[%add3A_46, %dma_wait3A_289] : memref<10240x32xf32, #tpu.memory_space<vmem_shared>> -> memref<32x32xf32, #tpu.memory_space<vmem_shared>>
      tpu.wait_dma2 semaphore(%run_scoped3A : memref<!tpu.dma_semaphore, #tpu.memory_space<semaphore_mem>>) src(%arg10 : memref<32x32xf32, #tpu.memory_space<vmem>>) dst(%dma_wait3A_290 : memref<32x32xf32, #tpu.memory_space<vmem_shared>>)
      tpu.yield
    }) : () -> ()
    %mul3A_47 = arith.constant 640 : i32
    %mul3A_48 = arith.muli %arg1, %mul3A_47 : i32
    %add3A_49 = arith.constant 320 : i32
    %add3A_50 = arith.addi %mul3A_48, %add3A_49 : i32
    "tpu.region"() ({
      %run_scoped3A = tpu.sem_alloc : memref<!tpu.dma_semaphore, #tpu.memory_space<semaphore_mem>>
      %dma_start3A_283 = arith.constant 0 : i32
      %dma_start3A_284 = tpu.memref_slice %arg11[%add3A_50, %dma_start3A_283] : memref<10240x32xf32, #tpu.memory_space<vmem_shared>> -> memref<32x32xf32, #tpu.memory_space<vmem_shared>>
      %dma_start3A_285 = arith.constant 0 : i32
      %dma_start3A_286 = tpu.memref_slice %arg11[%add3A_50, %dma_start3A_285] : memref<10240x32xf32, #tpu.memory_space<vmem_shared>> -> memref<32x32xf32, #tpu.memory_space<vmem_shared>>
      tpu.enqueue_dma source(%arg10 : memref<32x32xf32, #tpu.memory_space<vmem>>) target(%dma_start3A_286 : memref<32x32xf32, #tpu.memory_space<vmem_shared>>) target_semaphore(%run_scoped3A : memref<!tpu.dma_semaphore, #tpu.memory_space<semaphore_mem>>)
      %dma_wait3A_287 = arith.constant 0 : i32
      %dma_wait3A_288 = tpu.memref_slice %arg11[%add3A_50, %dma_wait3A_287] : memref<10240x32xf32, #tpu.memory_space<vmem_shared>> -> memref<32x32xf32, #tpu.memory_space<vmem_shared>>
      %dma_wait3A_289 = arith.constant 0 : i32
      %dma_wait3A_290 = tpu.memref_slice %arg11[%add3A_50, %dma_wait3A_289] : memref<10240x32xf32, #tpu.memory_space<vmem_shared>> -> memref<32x32xf32, #tpu.memory_space<vmem_shared>>
      tpu.wait_dma2 semaphore(%run_scoped3A : memref<!tpu.dma_semaphore, #tpu.memory_space<semaphore_mem>>) src(%arg10 : memref<32x32xf32, #tpu.memory_space<vmem>>) dst(%dma_wait3A_290 : memref<32x32xf32, #tpu.memory_space<vmem_shared>>)
      tpu.yield
    }) : () -> ()
    %mul3A_51 = arith.constant 640 : i32
    %mul3A_52 = arith.muli %arg1, %mul3A_51 : i32
    %add3A_53 = arith.constant 352 : i32
    %add3A_54 = arith.addi %mul3A_52, %add3A_53 : i32
    "tpu.region"() ({
      %run_scoped3A = tpu.sem_alloc : memref<!tpu.dma_semaphore, #tpu.memory_space<semaphore_mem>>
      %dma_start3A_283 = arith.constant 0 : i32
      %dma_start3A_284 = tpu.memref_slice %arg11[%add3A_54, %dma_start3A_283] : memref<10240x32xf32, #tpu.memory_space<vmem_shared>> -> memref<32x32xf32, #tpu.memory_space<vmem_shared>>
      %dma_start3A_285 = arith.constant 0 : i32
      %dma_start3A_286 = tpu.memref_slice %arg11[%add3A_54, %dma_start3A_285] : memref<10240x32xf32, #tpu.memory_space<vmem_shared>> -> memref<32x32xf32, #tpu.memory_space<vmem_shared>>
      tpu.enqueue_dma source(%arg10 : memref<32x32xf32, #tpu.memory_space<vmem>>) target(%dma_start3A_286 : memref<32x32xf32, #tpu.memory_space<vmem_shared>>) target_semaphore(%run_scoped3A : memref<!tpu.dma_semaphore, #tpu.memory_space<semaphore_mem>>)
      %dma_wait3A_287 = arith.constant 0 : i32
      %dma_wait3A_288 = tpu.memref_slice %arg11[%add3A_54, %dma_wait3A_287] : memref<10240x32xf32, #tpu.memory_space<vmem_shared>> -> memref<32x32xf32, #tpu.memory_space<vmem_shared>>
      %dma_wait3A_289 = arith.constant 0 : i32
      %dma_wait3A_290 = tpu.memref_slice %arg11[%add3A_54, %dma_wait3A_289] : memref<10240x32xf32, #tpu.memory_space<vmem_shared>> -> memref<32x32xf32, #tpu.memory_space<vmem_shared>>
      tpu.wait_dma2 semaphore(%run_scoped3A : memref<!tpu.dma_semaphore, #tpu.memory_space<semaphore_mem>>) src(%arg10 : memref<32x32xf32, #tpu.memory_space<vmem>>) dst(%dma_wait3A_290 : memref<32x32xf32, #tpu.memory_space<vmem_shared>>)
      tpu.yield
    }) : () -> ()
    %mul3A_55 = arith.constant 640 : i32
    %mul3A_56 = arith.muli %arg1, %mul3A_55 : i32
    %add3A_57 = arith.constant 384 : i32
    %add3A_58 = arith.addi %mul3A_56, %add3A_57 : i32
    "tpu.region"() ({
      %run_scoped3A = tpu.sem_alloc : memref<!tpu.dma_semaphore, #tpu.memory_space<semaphore_mem>>
      %dma_start3A_283 = arith.constant 0 : i32
      %dma_start3A_284 = tpu.memref_slice %arg11[%add3A_58, %dma_start3A_283] : memref<10240x32xf32, #tpu.memory_space<vmem_shared>> -> memref<32x32xf32, #tpu.memory_space<vmem_shared>>
      %dma_start3A_285 = arith.constant 0 : i32
      %dma_start3A_286 = tpu.memref_slice %arg11[%add3A_58, %dma_start3A_285] : memref<10240x32xf32, #tpu.memory_space<vmem_shared>> -> memref<32x32xf32, #tpu.memory_space<vmem_shared>>
      tpu.enqueue_dma source(%arg10 : memref<32x32xf32, #tpu.memory_space<vmem>>) target(%dma_start3A_286 : memref<32x32xf32, #tpu.memory_space<vmem_shared>>) target_semaphore(%run_scoped3A : memref<!tpu.dma_semaphore, #tpu.memory_space<semaphore_mem>>)
      %dma_wait3A_287 = arith.constant 0 : i32
      %dma_wait3A_288 = tpu.memref_slice %arg11[%add3A_58, %dma_wait3A_287] : memref<10240x32xf32, #tpu.memory_space<vmem_shared>> -> memref<32x32xf32, #tpu.memory_space<vmem_shared>>
      %dma_wait3A_289 = arith.constant 0 : i32
      %dma_wait3A_290 = tpu.memref_slice %arg11[%add3A_58, %dma_wait3A_289] : memref<10240x32xf32, #tpu.memory_space<vmem_shared>> -> memref<32x32xf32, #tpu.memory_space<vmem_shared>>
      tpu.wait_dma2 semaphore(%run_scoped3A : memref<!tpu.dma_semaphore, #tpu.memory_space<semaphore_mem>>) src(%arg10 : memref<32x32xf32, #tpu.memory_space<vmem>>) dst(%dma_wait3A_290 : memref<32x32xf32, #tpu.memory_space<vmem_shared>>)
      tpu.yield
    }) : () -> ()
    %mul3A_59 = arith.constant 640 : i32
    %mul3A_60 = arith.muli %arg1, %mul3A_59 : i32
    %add3A_61 = arith.constant 416 : i32
    %add3A_62 = arith.addi %mul3A_60, %add3A_61 : i32
    "tpu.region"() ({
      %run_scoped3A = tpu.sem_alloc : memref<!tpu.dma_semaphore, #tpu.memory_space<semaphore_mem>>
      %dma_start3A_283 = arith.constant 0 : i32
      %dma_start3A_284 = tpu.memref_slice %arg11[%add3A_62, %dma_start3A_283] : memref<10240x32xf32, #tpu.memory_space<vmem_shared>> -> memref<32x32xf32, #tpu.memory_space<vmem_shared>>
      %dma_start3A_285 = arith.constant 0 : i32
      %dma_start3A_286 = tpu.memref_slice %arg11[%add3A_62, %dma_start3A_285] : memref<10240x32xf32, #tpu.memory_space<vmem_shared>> -> memref<32x32xf32, #tpu.memory_space<vmem_shared>>
      tpu.enqueue_dma source(%arg10 : memref<32x32xf32, #tpu.memory_space<vmem>>) target(%dma_start3A_286 : memref<32x32xf32, #tpu.memory_space<vmem_shared>>) target_semaphore(%run_scoped3A : memref<!tpu.dma_semaphore, #tpu.memory_space<semaphore_mem>>)
      %dma_wait3A_287 = arith.constant 0 : i32
      %dma_wait3A_288 = tpu.memref_slice %arg11[%add3A_62, %dma_wait3A_287] : memref<10240x32xf32, #tpu.memory_space<vmem_shared>> -> memref<32x32xf32, #tpu.memory_space<vmem_shared>>
      %dma_wait3A_289 = arith.constant 0 : i32
      %dma_wait3A_290 = tpu.memref_slice %arg11[%add3A_62, %dma_wait3A_289] : memref<10240x32xf32, #tpu.memory_space<vmem_shared>> -> memref<32x32xf32, #tpu.memory_space<vmem_shared>>
      tpu.wait_dma2 semaphore(%run_scoped3A : memref<!tpu.dma_semaphore, #tpu.memory_space<semaphore_mem>>) src(%arg10 : memref<32x32xf32, #tpu.memory_space<vmem>>) dst(%dma_wait3A_290 : memref<32x32xf32, #tpu.memory_space<vmem_shared>>)
      tpu.yield
    }) : () -> ()
    %mul3A_63 = arith.constant 640 : i32
    %mul3A_64 = arith.muli %arg1, %mul3A_63 : i32
    %add3A_65 = arith.constant 448 : i32
    %add3A_66 = arith.addi %mul3A_64, %add3A_65 : i32
    "tpu.region"() ({
      %run_scoped3A = tpu.sem_alloc : memref<!tpu.dma_semaphore, #tpu.memory_space<semaphore_mem>>
      %dma_start3A_283 = arith.constant 0 : i32
      %dma_start3A_284 = tpu.memref_slice %arg11[%add3A_66, %dma_start3A_283] : memref<10240x32xf32, #tpu.memory_space<vmem_shared>> -> memref<32x32xf32, #tpu.memory_space<vmem_shared>>
      %dma_start3A_285 = arith.constant 0 : i32
      %dma_start3A_286 = tpu.memref_slice %arg11[%add3A_66, %dma_start3A_285] : memref<10240x32xf32, #tpu.memory_space<vmem_shared>> -> memref<32x32xf32, #tpu.memory_space<vmem_shared>>
      tpu.enqueue_dma source(%arg10 : memref<32x32xf32, #tpu.memory_space<vmem>>) target(%dma_start3A_286 : memref<32x32xf32, #tpu.memory_space<vmem_shared>>) target_semaphore(%run_scoped3A : memref<!tpu.dma_semaphore, #tpu.memory_space<semaphore_mem>>)
      %dma_wait3A_287 = arith.constant 0 : i32
      %dma_wait3A_288 = tpu.memref_slice %arg11[%add3A_66, %dma_wait3A_287] : memref<10240x32xf32, #tpu.memory_space<vmem_shared>> -> memref<32x32xf32, #tpu.memory_space<vmem_shared>>
      %dma_wait3A_289 = arith.constant 0 : i32
      %dma_wait3A_290 = tpu.memref_slice %arg11[%add3A_66, %dma_wait3A_289] : memref<10240x32xf32, #tpu.memory_space<vmem_shared>> -> memref<32x32xf32, #tpu.memory_space<vmem_shared>>
      tpu.wait_dma2 semaphore(%run_scoped3A : memref<!tpu.dma_semaphore, #tpu.memory_space<semaphore_mem>>) src(%arg10 : memref<32x32xf32, #tpu.memory_space<vmem>>) dst(%dma_wait3A_290 : memref<32x32xf32, #tpu.memory_space<vmem_shared>>)
      tpu.yield
    }) : () -> ()
    %mul3A_67 = arith.constant 640 : i32
    %mul3A_68 = arith.muli %arg1, %mul3A_67 : i32
    %add3A_69 = arith.constant 480 : i32
    %add3A_70 = arith.addi %mul3A_68, %add3A_69 : i32
    "tpu.region"() ({
      %run_scoped3A = tpu.sem_alloc : memref<!tpu.dma_semaphore, #tpu.memory_space<semaphore_mem>>
      %dma_start3A_283 = arith.constant 0 : i32
      %dma_start3A_284 = tpu.memref_slice %arg11[%add3A_70, %dma_start3A_283] : memref<10240x32xf32, #tpu.memory_space<vmem_shared>> -> memref<32x32xf32, #tpu.memory_space<vmem_shared>>
      %dma_start3A_285 = arith.constant 0 : i32
      %dma_start3A_286 = tpu.memref_slice %arg11[%add3A_70, %dma_start3A_285] : memref<10240x32xf32, #tpu.memory_space<vmem_shared>> -> memref<32x32xf32, #tpu.memory_space<vmem_shared>>
      tpu.enqueue_dma source(%arg10 : memref<32x32xf32, #tpu.memory_space<vmem>>) target(%dma_start3A_286 : memref<32x32xf32, #tpu.memory_space<vmem_shared>>) target_semaphore(%run_scoped3A : memref<!tpu.dma_semaphore, #tpu.memory_space<semaphore_mem>>)
      %dma_wait3A_287 = arith.constant 0 : i32
      %dma_wait3A_288 = tpu.memref_slice %arg11[%add3A_70, %dma_wait3A_287] : memref<10240x32xf32, #tpu.memory_space<vmem_shared>> -> memref<32x32xf32, #tpu.memory_space<vmem_shared>>
      %dma_wait3A_289 = arith.constant 0 : i32
      %dma_wait3A_290 = tpu.memref_slice %arg11[%add3A_70, %dma_wait3A_289] : memref<10240x32xf32, #tpu.memory_space<vmem_shared>> -> memref<32x32xf32, #tpu.memory_space<vmem_shared>>
      tpu.wait_dma2 semaphore(%run_scoped3A : memref<!tpu.dma_semaphore, #tpu.memory_space<semaphore_mem>>) src(%arg10 : memref<32x32xf32, #tpu.memory_space<vmem>>) dst(%dma_wait3A_290 : memref<32x32xf32, #tpu.memory_space<vmem_shared>>)
      tpu.yield
    }) : () -> ()
    %mul3A_71 = arith.constant 640 : i32
    %mul3A_72 = arith.muli %arg1, %mul3A_71 : i32
    %add3A_73 = arith.constant 512 : i32
    %add3A_74 = arith.addi %mul3A_72, %add3A_73 : i32
    "tpu.region"() ({
      %run_scoped3A = tpu.sem_alloc : memref<!tpu.dma_semaphore, #tpu.memory_space<semaphore_mem>>
      %dma_start3A_283 = arith.constant 0 : i32
      %dma_start3A_284 = tpu.memref_slice %arg11[%add3A_74, %dma_start3A_283] : memref<10240x32xf32, #tpu.memory_space<vmem_shared>> -> memref<32x32xf32, #tpu.memory_space<vmem_shared>>
      %dma_start3A_285 = arith.constant 0 : i32
      %dma_start3A_286 = tpu.memref_slice %arg11[%add3A_74, %dma_start3A_285] : memref<10240x32xf32, #tpu.memory_space<vmem_shared>> -> memref<32x32xf32, #tpu.memory_space<vmem_shared>>
      tpu.enqueue_dma source(%arg10 : memref<32x32xf32, #tpu.memory_space<vmem>>) target(%dma_start3A_286 : memref<32x32xf32, #tpu.memory_space<vmem_shared>>) target_semaphore(%run_scoped3A : memref<!tpu.dma_semaphore, #tpu.memory_space<semaphore_mem>>)
      %dma_wait3A_287 = arith.constant 0 : i32
      %dma_wait3A_288 = tpu.memref_slice %arg11[%add3A_74, %dma_wait3A_287] : memref<10240x32xf32, #tpu.memory_space<vmem_shared>> -> memref<32x32xf32, #tpu.memory_space<vmem_shared>>
      %dma_wait3A_289 = arith.constant 0 : i32
      %dma_wait3A_290 = tpu.memref_slice %arg11[%add3A_74, %dma_wait3A_289] : memref<10240x32xf32, #tpu.memory_space<vmem_shared>> -> memref<32x32xf32, #tpu.memory_space<vmem_shared>>
      tpu.wait_dma2 semaphore(%run_scoped3A : memref<!tpu.dma_semaphore, #tpu.memory_space<semaphore_mem>>) src(%arg10 : memref<32x32xf32, #tpu.memory_space<vmem>>) dst(%dma_wait3A_290 : memref<32x32xf32, #tpu.memory_space<vmem_shared>>)
      tpu.yield
    }) : () -> ()
    %mul3A_75 = arith.constant 640 : i32
    %mul3A_76 = arith.muli %arg1, %mul3A_75 : i32
    %add3A_77 = arith.constant 544 : i32
    %add3A_78 = arith.addi %mul3A_76, %add3A_77 : i32
    "tpu.region"() ({
      %run_scoped3A = tpu.sem_alloc : memref<!tpu.dma_semaphore, #tpu.memory_space<semaphore_mem>>
      %dma_start3A_283 = arith.constant 0 : i32
      %dma_start3A_284 = tpu.memref_slice %arg11[%add3A_78, %dma_start3A_283] : memref<10240x32xf32, #tpu.memory_space<vmem_shared>> -> memref<32x32xf32, #tpu.memory_space<vmem_shared>>
      %dma_start3A_285 = arith.constant 0 : i32
      %dma_start3A_286 = tpu.memref_slice %arg11[%add3A_78, %dma_start3A_285] : memref<10240x32xf32, #tpu.memory_space<vmem_shared>> -> memref<32x32xf32, #tpu.memory_space<vmem_shared>>
      tpu.enqueue_dma source(%arg10 : memref<32x32xf32, #tpu.memory_space<vmem>>) target(%dma_start3A_286 : memref<32x32xf32, #tpu.memory_space<vmem_shared>>) target_semaphore(%run_scoped3A : memref<!tpu.dma_semaphore, #tpu.memory_space<semaphore_mem>>)
      %dma_wait3A_287 = arith.constant 0 : i32
      %dma_wait3A_288 = tpu.memref_slice %arg11[%add3A_78, %dma_wait3A_287] : memref<10240x32xf32, #tpu.memory_space<vmem_shared>> -> memref<32x32xf32, #tpu.memory_space<vmem_shared>>
      %dma_wait3A_289 = arith.constant 0 : i32
      %dma_wait3A_290 = tpu.memref_slice %arg11[%add3A_78, %dma_wait3A_289] : memref<10240x32xf32, #tpu.memory_space<vmem_shared>> -> memref<32x32xf32, #tpu.memory_space<vmem_shared>>
      tpu.wait_dma2 semaphore(%run_scoped3A : memref<!tpu.dma_semaphore, #tpu.memory_space<semaphore_mem>>) src(%arg10 : memref<32x32xf32, #tpu.memory_space<vmem>>) dst(%dma_wait3A_290 : memref<32x32xf32, #tpu.memory_space<vmem_shared>>)
      tpu.yield
    }) : () -> ()
    %mul3A_79 = arith.constant 640 : i32
    %mul3A_80 = arith.muli %arg1, %mul3A_79 : i32
    %add3A_81 = arith.constant 576 : i32
    %add3A_82 = arith.addi %mul3A_80, %add3A_81 : i32
    "tpu.region"() ({
      %run_scoped3A = tpu.sem_alloc : memref<!tpu.dma_semaphore, #tpu.memory_space<semaphore_mem>>
      %dma_start3A_283 = arith.constant 0 : i32
      %dma_start3A_284 = tpu.memref_slice %arg11[%add3A_82, %dma_start3A_283] : memref<10240x32xf32, #tpu.memory_space<vmem_shared>> -> memref<32x32xf32, #tpu.memory_space<vmem_shared>>
      %dma_start3A_285 = arith.constant 0 : i32
      %dma_start3A_286 = tpu.memref_slice %arg11[%add3A_82, %dma_start3A_285] : memref<10240x32xf32, #tpu.memory_space<vmem_shared>> -> memref<32x32xf32, #tpu.memory_space<vmem_shared>>
      tpu.enqueue_dma source(%arg10 : memref<32x32xf32, #tpu.memory_space<vmem>>) target(%dma_start3A_286 : memref<32x32xf32, #tpu.memory_space<vmem_shared>>) target_semaphore(%run_scoped3A : memref<!tpu.dma_semaphore, #tpu.memory_space<semaphore_mem>>)
      %dma_wait3A_287 = arith.constant 0 : i32
      %dma_wait3A_288 = tpu.memref_slice %arg11[%add3A_82, %dma_wait3A_287] : memref<10240x32xf32, #tpu.memory_space<vmem_shared>> -> memref<32x32xf32, #tpu.memory_space<vmem_shared>>
      %dma_wait3A_289 = arith.constant 0 : i32
      %dma_wait3A_290 = tpu.memref_slice %arg11[%add3A_82, %dma_wait3A_289] : memref<10240x32xf32, #tpu.memory_space<vmem_shared>> -> memref<32x32xf32, #tpu.memory_space<vmem_shared>>
      tpu.wait_dma2 semaphore(%run_scoped3A : memref<!tpu.dma_semaphore, #tpu.memory_space<semaphore_mem>>) src(%arg10 : memref<32x32xf32, #tpu.memory_space<vmem>>) dst(%dma_wait3A_290 : memref<32x32xf32, #tpu.memory_space<vmem_shared>>)
      tpu.yield
    }) : () -> ()
    %mul3A_83 = arith.constant 640 : i32
    %mul3A_84 = arith.muli %arg1, %mul3A_83 : i32
    %add3A_85 = arith.constant 608 : i32
    %add3A_86 = arith.addi %mul3A_84, %add3A_85 : i32
    "tpu.region"() ({
      %run_scoped3A = tpu.sem_alloc : memref<!tpu.dma_semaphore, #tpu.memory_space<semaphore_mem>>
      %dma_start3A_283 = arith.constant 0 : i32
      %dma_start3A_284 = tpu.memref_slice %arg11[%add3A_86, %dma_start3A_283] : memref<10240x32xf32, #tpu.memory_space<vmem_shared>> -> memref<32x32xf32, #tpu.memory_space<vmem_shared>>
      %dma_start3A_285 = arith.constant 0 : i32
      %dma_start3A_286 = tpu.memref_slice %arg11[%add3A_86, %dma_start3A_285] : memref<10240x32xf32, #tpu.memory_space<vmem_shared>> -> memref<32x32xf32, #tpu.memory_space<vmem_shared>>
      tpu.enqueue_dma source(%arg10 : memref<32x32xf32, #tpu.memory_space<vmem>>) target(%dma_start3A_286 : memref<32x32xf32, #tpu.memory_space<vmem_shared>>) target_semaphore(%run_scoped3A : memref<!tpu.dma_semaphore, #tpu.memory_space<semaphore_mem>>)
      %dma_wait3A_287 = arith.constant 0 : i32
      %dma_wait3A_288 = tpu.memref_slice %arg11[%add3A_86, %dma_wait3A_287] : memref<10240x32xf32, #tpu.memory_space<vmem_shared>> -> memref<32x32xf32, #tpu.memory_space<vmem_shared>>
      %dma_wait3A_289 = arith.constant 0 : i32
      %dma_wait3A_290 = tpu.memref_slice %arg11[%add3A_86, %dma_wait3A_289] : memref<10240x32xf32, #tpu.memory_space<vmem_shared>> -> memref<32x32xf32, #tpu.memory_space<vmem_shared>>
      tpu.wait_dma2 semaphore(%run_scoped3A : memref<!tpu.dma_semaphore, #tpu.memory_space<semaphore_mem>>) src(%arg10 : memref<32x32xf32, #tpu.memory_space<vmem>>) dst(%dma_wait3A_290 : memref<32x32xf32, #tpu.memory_space<vmem_shared>>)
      tpu.yield
    }) : () -> ()
    %barrier3A = arith.constant 0 : index
    tpu.barrier barrier_id(%barrier3A)
    %dma_start3A = arith.constant 0 : i32
    %dma_start3A_87 = arith.constant 0 : i32
    %dma_start3A_88 = arith.constant 0 : i32
    %dma_start3A_89 = tpu.memref_slice %arg2[%add3A, %dma_start3A, %dma_start3A_87, %dma_start3A_88] : memref<32x32x5x128xi32, #tpu.memory_space<hbm>> -> memref<1x32x5x128xi32, #tpu.memory_space<hbm>>
    %dma_start3A_90 = tpu.memref_squeeze %dma_start3A_89 : memref<1x32x5x128xi32, #tpu.memory_space<hbm>> -> memref<32x5x128xi32, #tpu.memory_space<hbm>>
    %dma_start3A_91 = arith.constant 0 : i32
    %dma_start3A_92 = arith.constant 0 : i32
    %dma_start3A_93 = arith.constant 0 : i32
    %dma_start3A_94 = tpu.memref_slice %arg2[%add3A, %dma_start3A_91, %dma_start3A_92, %dma_start3A_93] : memref<32x32x5x128xi32, #tpu.memory_space<hbm>> -> memref<1x32x5x128xi32, #tpu.memory_space<hbm>>
    %dma_start3A_95 = tpu.memref_squeeze %dma_start3A_94 : memref<1x32x5x128xi32, #tpu.memory_space<hbm>> -> memref<32x5x128xi32, #tpu.memory_space<hbm>>
    tpu.enqueue_dma source(%dma_start3A_95 : memref<32x5x128xi32, #tpu.memory_space<hbm>>) target(%arg6 : memref<32x5x128xi32, #tpu.memory_space<vmem>>) target_semaphore(%arg14 : memref<!tpu.dma_semaphore, #tpu.memory_space<semaphore_mem>>)
    %dma_start3A_96 = arith.constant 0 : i32
    %dma_start3A_97 = arith.constant 0 : i32
    %dma_start3A_98 = arith.constant 0 : i32
    %dma_start3A_99 = tpu.memref_slice %arg3[%add3A, %dma_start3A_96, %dma_start3A_97, %dma_start3A_98] : memref<32x32x5x128xi32, #tpu.memory_space<hbm>> -> memref<1x32x5x128xi32, #tpu.memory_space<hbm>>
    %dma_start3A_100 = tpu.memref_squeeze %dma_start3A_99 : memref<1x32x5x128xi32, #tpu.memory_space<hbm>> -> memref<32x5x128xi32, #tpu.memory_space<hbm>>
    %dma_start3A_101 = arith.constant 0 : i32
    %dma_start3A_102 = arith.constant 0 : i32
    %dma_start3A_103 = arith.constant 0 : i32
    %dma_start3A_104 = tpu.memref_slice %arg3[%add3A, %dma_start3A_101, %dma_start3A_102, %dma_start3A_103] : memref<32x32x5x128xi32, #tpu.memory_space<hbm>> -> memref<1x32x5x128xi32, #tpu.memory_space<hbm>>
    %dma_start3A_105 = tpu.memref_squeeze %dma_start3A_104 : memref<1x32x5x128xi32, #tpu.memory_space<hbm>> -> memref<32x5x128xi32, #tpu.memory_space<hbm>>
    tpu.enqueue_dma source(%dma_start3A_105 : memref<32x5x128xi32, #tpu.memory_space<hbm>>) target(%arg7 : memref<32x5x128xi32, #tpu.memory_space<vmem>>) target_semaphore(%arg14 : memref<!tpu.dma_semaphore, #tpu.memory_space<semaphore_mem>>)
    %lt3A = arith.constant 15 : i32
    %lt3A_106 = arith.cmpi slt, %arg1, %lt3A : i32
    %convert_element_type3A = arith.extui %lt3A_106 : i1 to i32
    %cond3A = arith.constant 0 : i32
    %cond3A_107 = arith.cmpi ne, %convert_element_type3A, %cond3A : i32
    scf.if %cond3A_107 {
      %mul3A_283 = arith.constant 624 : i32
      %mul3A_284 = arith.muli %arg1, %mul3A_283 : i32
      %mul3A_285 = arith.constant 624 : i32
      %mul3A_286 = arith.muli %arg1, %mul3A_285 : i32
      %dma_start3A_287 = arith.constant 0 : i32
      %dma_start3A_288 = tpu.memref_slice %arg12[%mul3A_286, %dma_start3A_287] : memref<10000x32xf32, #tpu.memory_space<vmem_shared>> -> memref<624x32xf32, #tpu.memory_space<vmem_shared>>
      %dma_start3A_289 = arith.constant 0 : i32
      %dma_start3A_290 = tpu.memref_slice %arg4[%mul3A_284, %dma_start3A_289] : memref<10000x32xf32, #tpu.memory_space<hbm>> -> memref<624x32xf32, #tpu.memory_space<hbm>>
      tpu.enqueue_dma source(%dma_start3A_290 : memref<624x32xf32, #tpu.memory_space<hbm>>) target(%dma_start3A_288 : memref<624x32xf32, #tpu.memory_space<vmem_shared>>) target_semaphore(%arg15 : memref<!tpu.dma_semaphore, #tpu.memory_space<semaphore_mem>>)
    } else {
    }
    %eq3A = arith.constant 15 : i32
    %eq3A_108 = arith.cmpi eq, %arg1, %eq3A : i32
    %convert_element_type3A_109 = arith.extui %eq3A_108 : i1 to i32
    %cond3A_110 = arith.constant 0 : i32
    %cond3A_111 = arith.cmpi ne, %convert_element_type3A_109, %cond3A_110 : i32
    scf.if %cond3A_111 {
      %dma_start3A_283 = arith.constant 9360 : i32
      %dma_start3A_284 = arith.constant 0 : i32
      %dma_start3A_285 = tpu.memref_slice %arg12[%dma_start3A_283, %dma_start3A_284] : memref<10000x32xf32, #tpu.memory_space<vmem_shared>> -> memref<640x32xf32, #tpu.memory_space<vmem_shared>>
      %dma_start3A_286 = arith.constant 9360 : i32
      %dma_start3A_287 = arith.constant 0 : i32
      %dma_start3A_288 = tpu.memref_slice %arg4[%dma_start3A_286, %dma_start3A_287] : memref<10000x32xf32, #tpu.memory_space<hbm>> -> memref<640x32xf32, #tpu.memory_space<hbm>>
      tpu.enqueue_dma source(%dma_start3A_288 : memref<640x32xf32, #tpu.memory_space<hbm>>) target(%dma_start3A_285 : memref<640x32xf32, #tpu.memory_space<vmem_shared>>) target_semaphore(%arg15 : memref<!tpu.dma_semaphore, #tpu.memory_space<semaphore_mem>>)
    } else {
    }
    %dma_wait3A = arith.constant 0 : i32
    %dma_wait3A_112 = arith.constant 0 : i32
    %dma_wait3A_113 = arith.constant 0 : i32
    %dma_wait3A_114 = tpu.memref_slice %arg2[%add3A, %dma_wait3A, %dma_wait3A_112, %dma_wait3A_113] : memref<32x32x5x128xi32, #tpu.memory_space<hbm>> -> memref<1x32x5x128xi32, #tpu.memory_space<hbm>>
    %dma_wait3A_115 = tpu.memref_squeeze %dma_wait3A_114 : memref<1x32x5x128xi32, #tpu.memory_space<hbm>> -> memref<32x5x128xi32, #tpu.memory_space<hbm>>
    %dma_wait3A_116 = arith.constant 0 : i32
    %dma_wait3A_117 = arith.constant 0 : i32
    %dma_wait3A_118 = arith.constant 0 : i32
    %dma_wait3A_119 = tpu.memref_slice %arg2[%add3A, %dma_wait3A_116, %dma_wait3A_117, %dma_wait3A_118] : memref<32x32x5x128xi32, #tpu.memory_space<hbm>> -> memref<1x32x5x128xi32, #tpu.memory_space<hbm>>
    %dma_wait3A_120 = tpu.memref_squeeze %dma_wait3A_119 : memref<1x32x5x128xi32, #tpu.memory_space<hbm>> -> memref<32x5x128xi32, #tpu.memory_space<hbm>>
    tpu.wait_dma2 semaphore(%arg14 : memref<!tpu.dma_semaphore, #tpu.memory_space<semaphore_mem>>) src(%dma_wait3A_120 : memref<32x5x128xi32, #tpu.memory_space<hbm>>) dst(%arg6 : memref<32x5x128xi32, #tpu.memory_space<vmem>>)
    %dma_wait3A_121 = arith.constant 0 : i32
    %dma_wait3A_122 = arith.constant 0 : i32
    %dma_wait3A_123 = arith.constant 0 : i32
    %dma_wait3A_124 = tpu.memref_slice %arg3[%add3A, %dma_wait3A_121, %dma_wait3A_122, %dma_wait3A_123] : memref<32x32x5x128xi32, #tpu.memory_space<hbm>> -> memref<1x32x5x128xi32, #tpu.memory_space<hbm>>
    %dma_wait3A_125 = tpu.memref_squeeze %dma_wait3A_124 : memref<1x32x5x128xi32, #tpu.memory_space<hbm>> -> memref<32x5x128xi32, #tpu.memory_space<hbm>>
    %dma_wait3A_126 = arith.constant 0 : i32
    %dma_wait3A_127 = arith.constant 0 : i32
    %dma_wait3A_128 = arith.constant 0 : i32
    %dma_wait3A_129 = tpu.memref_slice %arg3[%add3A, %dma_wait3A_126, %dma_wait3A_127, %dma_wait3A_128] : memref<32x32x5x128xi32, #tpu.memory_space<hbm>> -> memref<1x32x5x128xi32, #tpu.memory_space<hbm>>
    %dma_wait3A_130 = tpu.memref_squeeze %dma_wait3A_129 : memref<1x32x5x128xi32, #tpu.memory_space<hbm>> -> memref<32x5x128xi32, #tpu.memory_space<hbm>>
    tpu.wait_dma2 semaphore(%arg14 : memref<!tpu.dma_semaphore, #tpu.memory_space<semaphore_mem>>) src(%dma_wait3A_130 : memref<32x5x128xi32, #tpu.memory_space<hbm>>) dst(%arg7 : memref<32x5x128xi32, #tpu.memory_space<vmem>>)
    %lt3A_131 = arith.constant 15 : i32
    %lt3A_132 = arith.cmpi slt, %arg1, %lt3A_131 : i32
    %convert_element_type3A_133 = arith.extui %lt3A_132 : i1 to i32
    %cond3A_134 = arith.constant 0 : i32
    %cond3A_135 = arith.cmpi ne, %convert_element_type3A_133, %cond3A_134 : i32
    scf.if %cond3A_135 {
      %mul3A_283 = arith.constant 624 : i32
      %mul3A_284 = arith.muli %arg1, %mul3A_283 : i32
      %mul3A_285 = arith.constant 624 : i32
      %mul3A_286 = arith.muli %arg1, %mul3A_285 : i32
      %dma_wait3A_287 = arith.constant 0 : i32
      %dma_wait3A_288 = tpu.memref_slice %arg12[%mul3A_286, %dma_wait3A_287] : memref<10000x32xf32, #tpu.memory_space<vmem_shared>> -> memref<624x32xf32, #tpu.memory_space<vmem_shared>>
      %dma_wait3A_289 = arith.constant 0 : i32
      %dma_wait3A_290 = tpu.memref_slice %arg4[%mul3A_284, %dma_wait3A_289] : memref<10000x32xf32, #tpu.memory_space<hbm>> -> memref<624x32xf32, #tpu.memory_space<hbm>>
      tpu.wait_dma2 semaphore(%arg15 : memref<!tpu.dma_semaphore, #tpu.memory_space<semaphore_mem>>) src(%dma_wait3A_290 : memref<624x32xf32, #tpu.memory_space<hbm>>) dst(%dma_wait3A_288 : memref<624x32xf32, #tpu.memory_space<vmem_shared>>)
    } else {
    }
    %eq3A_136 = arith.constant 15 : i32
    %eq3A_137 = arith.cmpi eq, %arg1, %eq3A_136 : i32
    %convert_element_type3A_138 = arith.extui %eq3A_137 : i1 to i32
    %cond3A_139 = arith.constant 0 : i32
    %cond3A_140 = arith.cmpi ne, %convert_element_type3A_138, %cond3A_139 : i32
    scf.if %cond3A_140 {
      %dma_wait3A_283 = arith.constant 9360 : i32
      %dma_wait3A_284 = arith.constant 0 : i32
      %dma_wait3A_285 = tpu.memref_slice %arg12[%dma_wait3A_283, %dma_wait3A_284] : memref<10000x32xf32, #tpu.memory_space<vmem_shared>> -> memref<640x32xf32, #tpu.memory_space<vmem_shared>>
      %dma_wait3A_286 = arith.constant 9360 : i32
      %dma_wait3A_287 = arith.constant 0 : i32
      %dma_wait3A_288 = tpu.memref_slice %arg4[%dma_wait3A_286, %dma_wait3A_287] : memref<10000x32xf32, #tpu.memory_space<hbm>> -> memref<640x32xf32, #tpu.memory_space<hbm>>
      tpu.wait_dma2 semaphore(%arg15 : memref<!tpu.dma_semaphore, #tpu.memory_space<semaphore_mem>>) src(%dma_wait3A_288 : memref<640x32xf32, #tpu.memory_space<hbm>>) dst(%dma_wait3A_285 : memref<640x32xf32, #tpu.memory_space<vmem_shared>>)
    } else {
    }
    %barrier3A_141 = arith.constant 0 : index
    tpu.barrier barrier_id(%barrier3A_141)
    %dma_start3A_142 = arith.constant 0 : i32
    %dma_start3A_143 = arith.constant 0 : i32
    %dma_start3A_144 = arith.constant 0 : i32
    %dma_start3A_145 = arith.constant 0 : i32
    %dma_start3A_146 = arith.constant 0 : i32
    %dma_start3A_147 = tpu.memref_slice %arg8[%dma_start3A_144, %dma_start3A_145, %dma_start3A_146] : memref<5x128x32xf32, #tpu.memory_space<vmem>> -> memref<1x128x32xf32, #tpu.memory_space<vmem>>
    %dma_start3A_148 = tpu.memref_squeeze %dma_start3A_147 : memref<1x128x32xf32, #tpu.memory_space<vmem>> -> memref<128x32xf32, #tpu.memory_space<vmem>>
    %dma_start3A_149 = arith.constant 0 : i32
    %dma_start3A_150 = tpu.memref_slice %arg6[%dma_start3A_142, %dma_start3A_143, %dma_start3A_149] : memref<32x5x128xi32, #tpu.memory_space<vmem>> -> memref<1x1x128xi32, #tpu.memory_space<vmem>>
    %dma_start3A_151 = tpu.memref_squeeze %dma_start3A_150 : memref<1x1x128xi32, #tpu.memory_space<vmem>> -> memref<128xi32, #tpu.memory_space<vmem>>
    %dma_start3A_152 = arith.constant 0 : i32
    %dma_start3A_153 = arith.constant 0 : i32
    %dma_start3A_154 = tpu.memref_slice %arg12[%dma_start3A_152, %dma_start3A_153] : memref<10000x32xf32, #tpu.memory_space<vmem_shared>> -> memref<10000x32xf32, #tpu.memory_space<vmem_shared>>
    tpu.enqueue_indirect_dma source(%dma_start3A_154 : memref<10000x32xf32, #tpu.memory_space<vmem_shared>>) target(%dma_start3A_148 : memref<128x32xf32, #tpu.memory_space<vmem>>) offsets(%dma_start3A_151 : memref<128xi32, #tpu.memory_space<vmem>>) semaphore(%arg13 : memref<!tpu.dma_semaphore, #tpu.memory_space<semaphore_mem>>)
    %dma_start3A_155 = arith.constant 0 : i32
    %dma_start3A_156 = arith.constant 1 : i32
    %dma_start3A_157 = arith.constant 1 : i32
    %dma_start3A_158 = arith.constant 0 : i32
    %dma_start3A_159 = arith.constant 0 : i32
    %dma_start3A_160 = tpu.memref_slice %arg8[%dma_start3A_157, %dma_start3A_158, %dma_start3A_159] : memref<5x128x32xf32, #tpu.memory_space<vmem>> -> memref<1x128x32xf32, #tpu.memory_space<vmem>>
    %dma_start3A_161 = tpu.memref_squeeze %dma_start3A_160 : memref<1x128x32xf32, #tpu.memory_space<vmem>> -> memref<128x32xf32, #tpu.memory_space<vmem>>
    %dma_start3A_162 = arith.constant 0 : i32
    %dma_start3A_163 = tpu.memref_slice %arg6[%dma_start3A_155, %dma_start3A_156, %dma_start3A_162] : memref<32x5x128xi32, #tpu.memory_space<vmem>> -> memref<1x1x128xi32, #tpu.memory_space<vmem>>
    %dma_start3A_164 = tpu.memref_squeeze %dma_start3A_163 : memref<1x1x128xi32, #tpu.memory_space<vmem>> -> memref<128xi32, #tpu.memory_space<vmem>>
    %dma_start3A_165 = arith.constant 0 : i32
    %dma_start3A_166 = arith.constant 0 : i32
    %dma_start3A_167 = tpu.memref_slice %arg12[%dma_start3A_165, %dma_start3A_166] : memref<10000x32xf32, #tpu.memory_space<vmem_shared>> -> memref<10000x32xf32, #tpu.memory_space<vmem_shared>>
    tpu.enqueue_indirect_dma source(%dma_start3A_167 : memref<10000x32xf32, #tpu.memory_space<vmem_shared>>) target(%dma_start3A_161 : memref<128x32xf32, #tpu.memory_space<vmem>>) offsets(%dma_start3A_164 : memref<128xi32, #tpu.memory_space<vmem>>) semaphore(%arg13 : memref<!tpu.dma_semaphore, #tpu.memory_space<semaphore_mem>>)
    %dma_start3A_168 = arith.constant 0 : i32
    %dma_start3A_169 = arith.constant 2 : i32
    %dma_start3A_170 = arith.constant 2 : i32
    %dma_start3A_171 = arith.constant 0 : i32
    %dma_start3A_172 = arith.constant 0 : i32
    %dma_start3A_173 = tpu.memref_slice %arg8[%dma_start3A_170, %dma_start3A_171, %dma_start3A_172] : memref<5x128x32xf32, #tpu.memory_space<vmem>> -> memref<1x128x32xf32, #tpu.memory_space<vmem>>
    %dma_start3A_174 = tpu.memref_squeeze %dma_start3A_173 : memref<1x128x32xf32, #tpu.memory_space<vmem>> -> memref<128x32xf32, #tpu.memory_space<vmem>>
    %dma_start3A_175 = arith.constant 0 : i32
    %dma_start3A_176 = tpu.memref_slice %arg6[%dma_start3A_168, %dma_start3A_169, %dma_start3A_175] : memref<32x5x128xi32, #tpu.memory_space<vmem>> -> memref<1x1x128xi32, #tpu.memory_space<vmem>>
    %dma_start3A_177 = tpu.memref_squeeze %dma_start3A_176 : memref<1x1x128xi32, #tpu.memory_space<vmem>> -> memref<128xi32, #tpu.memory_space<vmem>>
    %dma_start3A_178 = arith.constant 0 : i32
    %dma_start3A_179 = arith.constant 0 : i32
    %dma_start3A_180 = tpu.memref_slice %arg12[%dma_start3A_178, %dma_start3A_179] : memref<10000x32xf32, #tpu.memory_space<vmem_shared>> -> memref<10000x32xf32, #tpu.memory_space<vmem_shared>>
    tpu.enqueue_indirect_dma source(%dma_start3A_180 : memref<10000x32xf32, #tpu.memory_space<vmem_shared>>) target(%dma_start3A_174 : memref<128x32xf32, #tpu.memory_space<vmem>>) offsets(%dma_start3A_177 : memref<128xi32, #tpu.memory_space<vmem>>) semaphore(%arg13 : memref<!tpu.dma_semaphore, #tpu.memory_space<semaphore_mem>>)
    %dma_start3A_181 = arith.constant 0 : i32
    %dma_start3A_182 = arith.constant 3 : i32
    %dma_start3A_183 = arith.constant 3 : i32
    %dma_start3A_184 = arith.constant 0 : i32
    %dma_start3A_185 = arith.constant 0 : i32
    %dma_start3A_186 = tpu.memref_slice %arg8[%dma_start3A_183, %dma_start3A_184, %dma_start3A_185] : memref<5x128x32xf32, #tpu.memory_space<vmem>> -> memref<1x128x32xf32, #tpu.memory_space<vmem>>
    %dma_start3A_187 = tpu.memref_squeeze %dma_start3A_186 : memref<1x128x32xf32, #tpu.memory_space<vmem>> -> memref<128x32xf32, #tpu.memory_space<vmem>>
    %dma_start3A_188 = arith.constant 0 : i32
    %dma_start3A_189 = tpu.memref_slice %arg6[%dma_start3A_181, %dma_start3A_182, %dma_start3A_188] : memref<32x5x128xi32, #tpu.memory_space<vmem>> -> memref<1x1x128xi32, #tpu.memory_space<vmem>>
    %dma_start3A_190 = tpu.memref_squeeze %dma_start3A_189 : memref<1x1x128xi32, #tpu.memory_space<vmem>> -> memref<128xi32, #tpu.memory_space<vmem>>
    %dma_start3A_191 = arith.constant 0 : i32
    %dma_start3A_192 = arith.constant 0 : i32
    %dma_start3A_193 = tpu.memref_slice %arg12[%dma_start3A_191, %dma_start3A_192] : memref<10000x32xf32, #tpu.memory_space<vmem_shared>> -> memref<10000x32xf32, #tpu.memory_space<vmem_shared>>
    tpu.enqueue_indirect_dma source(%dma_start3A_193 : memref<10000x32xf32, #tpu.memory_space<vmem_shared>>) target(%dma_start3A_187 : memref<128x32xf32, #tpu.memory_space<vmem>>) offsets(%dma_start3A_190 : memref<128xi32, #tpu.memory_space<vmem>>) semaphore(%arg13 : memref<!tpu.dma_semaphore, #tpu.memory_space<semaphore_mem>>)
    %dma_start3A_194 = arith.constant 0 : i32
    %dma_start3A_195 = arith.constant 4 : i32
    %dma_start3A_196 = arith.constant 4 : i32
    %dma_start3A_197 = arith.constant 0 : i32
    %dma_start3A_198 = arith.constant 0 : i32
    %dma_start3A_199 = tpu.memref_slice %arg8[%dma_start3A_196, %dma_start3A_197, %dma_start3A_198] : memref<5x128x32xf32, #tpu.memory_space<vmem>> -> memref<1x128x32xf32, #tpu.memory_space<vmem>>
    %dma_start3A_200 = tpu.memref_squeeze %dma_start3A_199 : memref<1x128x32xf32, #tpu.memory_space<vmem>> -> memref<128x32xf32, #tpu.memory_space<vmem>>
    %dma_start3A_201 = arith.constant 0 : i32
    %dma_start3A_202 = tpu.memref_slice %arg6[%dma_start3A_194, %dma_start3A_195, %dma_start3A_201] : memref<32x5x128xi32, #tpu.memory_space<vmem>> -> memref<1x1x128xi32, #tpu.memory_space<vmem>>
    %dma_start3A_203 = tpu.memref_squeeze %dma_start3A_202 : memref<1x1x128xi32, #tpu.memory_space<vmem>> -> memref<128xi32, #tpu.memory_space<vmem>>
    %dma_start3A_204 = arith.constant 0 : i32
    %dma_start3A_205 = arith.constant 0 : i32
    %dma_start3A_206 = tpu.memref_slice %arg12[%dma_start3A_204, %dma_start3A_205] : memref<10000x32xf32, #tpu.memory_space<vmem_shared>> -> memref<10000x32xf32, #tpu.memory_space<vmem_shared>>
    tpu.enqueue_indirect_dma source(%dma_start3A_206 : memref<10000x32xf32, #tpu.memory_space<vmem_shared>>) target(%dma_start3A_200 : memref<128x32xf32, #tpu.memory_space<vmem>>) offsets(%dma_start3A_203 : memref<128xi32, #tpu.memory_space<vmem>>) semaphore(%arg13 : memref<!tpu.dma_semaphore, #tpu.memory_space<semaphore_mem>>)
    %scan3A_207 = arith.constant 0 : i32
    %scan3A_208 = arith.constant 0 : i32
    %scan3A_209 = arith.constant 32 : i32
    %scan3A_210 = arith.addi %scan3A_208, %scan3A_209 : i32
    %scan3A_211 = arith.constant 1 : i32
    scf.for %scan3A_283 = %scan3A_208 to %scan3A_210 step %scan3A_211  : i32 {
      %rem3A = arith.constant 2 : i32
      %rem3A_284 = arith.remsi %scan3A_283, %rem3A : i32
      %eq3A_285 = arith.constant 0 : i32
      %eq3A_286 = arith.cmpi eq, %rem3A_284, %eq3A_285 : i32
      %convert_element_type3A_287 = arith.extui %eq3A_286 : i1 to i32
      %cond3A_288 = arith.constant 0 : i32
      %cond3A_289 = arith.cmpi ne, %convert_element_type3A_287, %cond3A_288 : i32
      scf.if %cond3A_289 {
        %ge3A = arith.constant 1 : i32
        %ge3A_297 = arith.cmpi sge, %scan3A_283, %ge3A : i32
        %convert_element_type3A_298 = arith.extui %ge3A_297 : i1 to i32
        %cond3A_299 = arith.constant 0 : i32
        %cond3A_300 = arith.cmpi ne, %convert_element_type3A_298, %cond3A_299 : i32
        scf.if %cond3A_300 {
          %sub3A = arith.constant 1 : i32
          %sub3A_433 = arith.subi %scan3A_283, %sub3A : i32
          %dma_wait3A_434 = arith.constant 0 : i32
          %dma_wait3A_435 = arith.constant 0 : i32
          %dma_wait3A_436 = arith.constant 0 : i32
          %dma_wait3A_437 = arith.constant 0 : i32
          %dma_wait3A_438 = tpu.memref_slice %arg9[%dma_wait3A_434, %dma_wait3A_436, %dma_wait3A_437] : memref<5x128x32xf32, #tpu.memory_space<vmem>> -> memref<1x128x32xf32, #tpu.memory_space<vmem>>
          %dma_wait3A_439 = tpu.memref_squeeze %dma_wait3A_438 : memref<1x128x32xf32, #tpu.memory_space<vmem>> -> memref<128x32xf32, #tpu.memory_space<vmem>>
          %dma_wait3A_440 = arith.constant 0 : i32
          %dma_wait3A_441 = tpu.memref_slice %arg7[%sub3A_433, %dma_wait3A_435, %dma_wait3A_440] : memref<32x5x128xi32, #tpu.memory_space<vmem>> -> memref<1x1x128xi32, #tpu.memory_space<vmem>>
          %dma_wait3A_442 = tpu.memref_squeeze %dma_wait3A_441 : memref<1x1x128xi32, #tpu.memory_space<vmem>> -> memref<128xi32, #tpu.memory_space<vmem>>
          %dma_wait3A_443 = arith.constant 0 : i32
          %dma_wait3A_444 = arith.constant 0 : i32
          %dma_wait3A_445 = tpu.memref_slice %arg11[%dma_wait3A_443, %dma_wait3A_444] : memref<10240x32xf32, #tpu.memory_space<vmem_shared>> -> memref<10240x32xf32, #tpu.memory_space<vmem_shared>>
          tpu.wait_indirect_dma semaphore(%arg16 : memref<!tpu.dma_semaphore, #tpu.memory_space<semaphore_mem>>) src(%dma_wait3A_439 : memref<128x32xf32, #tpu.memory_space<vmem>>) dst(%dma_wait3A_445 : memref<10240x32xf32, #tpu.memory_space<vmem_shared>>)
          %dma_wait3A_446 = arith.constant 1 : i32
          %dma_wait3A_447 = arith.constant 1 : i32
          %dma_wait3A_448 = arith.constant 0 : i32
          %dma_wait3A_449 = arith.constant 0 : i32
          %dma_wait3A_450 = tpu.memref_slice %arg9[%dma_wait3A_446, %dma_wait3A_448, %dma_wait3A_449] : memref<5x128x32xf32, #tpu.memory_space<vmem>> -> memref<1x128x32xf32, #tpu.memory_space<vmem>>
          %dma_wait3A_451 = tpu.memref_squeeze %dma_wait3A_450 : memref<1x128x32xf32, #tpu.memory_space<vmem>> -> memref<128x32xf32, #tpu.memory_space<vmem>>
          %dma_wait3A_452 = arith.constant 0 : i32
          %dma_wait3A_453 = tpu.memref_slice %arg7[%sub3A_433, %dma_wait3A_447, %dma_wait3A_452] : memref<32x5x128xi32, #tpu.memory_space<vmem>> -> memref<1x1x128xi32, #tpu.memory_space<vmem>>
          %dma_wait3A_454 = tpu.memref_squeeze %dma_wait3A_453 : memref<1x1x128xi32, #tpu.memory_space<vmem>> -> memref<128xi32, #tpu.memory_space<vmem>>
          %dma_wait3A_455 = arith.constant 0 : i32
          %dma_wait3A_456 = arith.constant 0 : i32
          %dma_wait3A_457 = tpu.memref_slice %arg11[%dma_wait3A_455, %dma_wait3A_456] : memref<10240x32xf32, #tpu.memory_space<vmem_shared>> -> memref<10240x32xf32, #tpu.memory_space<vmem_shared>>
          tpu.wait_indirect_dma semaphore(%arg16 : memref<!tpu.dma_semaphore, #tpu.memory_space<semaphore_mem>>) src(%dma_wait3A_451 : memref<128x32xf32, #tpu.memory_space<vmem>>) dst(%dma_wait3A_457 : memref<10240x32xf32, #tpu.memory_space<vmem_shared>>)
          %dma_wait3A_458 = arith.constant 2 : i32
          %dma_wait3A_459 = arith.constant 2 : i32
          %dma_wait3A_460 = arith.constant 0 : i32
          %dma_wait3A_461 = arith.constant 0 : i32
          %dma_wait3A_462 = tpu.memref_slice %arg9[%dma_wait3A_458, %dma_wait3A_460, %dma_wait3A_461] : memref<5x128x32xf32, #tpu.memory_space<vmem>> -> memref<1x128x32xf32, #tpu.memory_space<vmem>>
          %dma_wait3A_463 = tpu.memref_squeeze %dma_wait3A_462 : memref<1x128x32xf32, #tpu.memory_space<vmem>> -> memref<128x32xf32, #tpu.memory_space<vmem>>
          %dma_wait3A_464 = arith.constant 0 : i32
          %dma_wait3A_465 = tpu.memref_slice %arg7[%sub3A_433, %dma_wait3A_459, %dma_wait3A_464] : memref<32x5x128xi32, #tpu.memory_space<vmem>> -> memref<1x1x128xi32, #tpu.memory_space<vmem>>
          %dma_wait3A_466 = tpu.memref_squeeze %dma_wait3A_465 : memref<1x1x128xi32, #tpu.memory_space<vmem>> -> memref<128xi32, #tpu.memory_space<vmem>>
          %dma_wait3A_467 = arith.constant 0 : i32
          %dma_wait3A_468 = arith.constant 0 : i32
          %dma_wait3A_469 = tpu.memref_slice %arg11[%dma_wait3A_467, %dma_wait3A_468] : memref<10240x32xf32, #tpu.memory_space<vmem_shared>> -> memref<10240x32xf32, #tpu.memory_space<vmem_shared>>
          tpu.wait_indirect_dma semaphore(%arg16 : memref<!tpu.dma_semaphore, #tpu.memory_space<semaphore_mem>>) src(%dma_wait3A_463 : memref<128x32xf32, #tpu.memory_space<vmem>>) dst(%dma_wait3A_469 : memref<10240x32xf32, #tpu.memory_space<vmem_shared>>)
          %dma_wait3A_470 = arith.constant 3 : i32
          %dma_wait3A_471 = arith.constant 3 : i32
          %dma_wait3A_472 = arith.constant 0 : i32
          %dma_wait3A_473 = arith.constant 0 : i32
          %dma_wait3A_474 = tpu.memref_slice %arg9[%dma_wait3A_470, %dma_wait3A_472, %dma_wait3A_473] : memref<5x128x32xf32, #tpu.memory_space<vmem>> -> memref<1x128x32xf32, #tpu.memory_space<vmem>>
          %dma_wait3A_475 = tpu.memref_squeeze %dma_wait3A_474 : memref<1x128x32xf32, #tpu.memory_space<vmem>> -> memref<128x32xf32, #tpu.memory_space<vmem>>
          %dma_wait3A_476 = arith.constant 0 : i32
          %dma_wait3A_477 = tpu.memref_slice %arg7[%sub3A_433, %dma_wait3A_471, %dma_wait3A_476] : memref<32x5x128xi32, #tpu.memory_space<vmem>> -> memref<1x1x128xi32, #tpu.memory_space<vmem>>
          %dma_wait3A_478 = tpu.memref_squeeze %dma_wait3A_477 : memref<1x1x128xi32, #tpu.memory_space<vmem>> -> memref<128xi32, #tpu.memory_space<vmem>>
          %dma_wait3A_479 = arith.constant 0 : i32
          %dma_wait3A_480 = arith.constant 0 : i32
          %dma_wait3A_481 = tpu.memref_slice %arg11[%dma_wait3A_479, %dma_wait3A_480] : memref<10240x32xf32, #tpu.memory_space<vmem_shared>> -> memref<10240x32xf32, #tpu.memory_space<vmem_shared>>
          tpu.wait_indirect_dma semaphore(%arg16 : memref<!tpu.dma_semaphore, #tpu.memory_space<semaphore_mem>>) src(%dma_wait3A_475 : memref<128x32xf32, #tpu.memory_space<vmem>>) dst(%dma_wait3A_481 : memref<10240x32xf32, #tpu.memory_space<vmem_shared>>)
          %dma_wait3A_482 = arith.constant 4 : i32
          %dma_wait3A_483 = arith.constant 4 : i32
          %dma_wait3A_484 = arith.constant 0 : i32
          %dma_wait3A_485 = arith.constant 0 : i32
          %dma_wait3A_486 = tpu.memref_slice %arg9[%dma_wait3A_482, %dma_wait3A_484, %dma_wait3A_485] : memref<5x128x32xf32, #tpu.memory_space<vmem>> -> memref<1x128x32xf32, #tpu.memory_space<vmem>>
          %dma_wait3A_487 = tpu.memref_squeeze %dma_wait3A_486 : memref<1x128x32xf32, #tpu.memory_space<vmem>> -> memref<128x32xf32, #tpu.memory_space<vmem>>
          %dma_wait3A_488 = arith.constant 0 : i32
          %dma_wait3A_489 = tpu.memref_slice %arg7[%sub3A_433, %dma_wait3A_483, %dma_wait3A_488] : memref<32x5x128xi32, #tpu.memory_space<vmem>> -> memref<1x1x128xi32, #tpu.memory_space<vmem>>
          %dma_wait3A_490 = tpu.memref_squeeze %dma_wait3A_489 : memref<1x1x128xi32, #tpu.memory_space<vmem>> -> memref<128xi32, #tpu.memory_space<vmem>>
          %dma_wait3A_491 = arith.constant 0 : i32
          %dma_wait3A_492 = arith.constant 0 : i32
          %dma_wait3A_493 = tpu.memref_slice %arg11[%dma_wait3A_491, %dma_wait3A_492] : memref<10240x32xf32, #tpu.memory_space<vmem_shared>> -> memref<10240x32xf32, #tpu.memory_space<vmem_shared>>
          tpu.wait_indirect_dma semaphore(%arg16 : memref<!tpu.dma_semaphore, #tpu.memory_space<semaphore_mem>>) src(%dma_wait3A_487 : memref<128x32xf32, #tpu.memory_space<vmem>>) dst(%dma_wait3A_493 : memref<10240x32xf32, #tpu.memory_space<vmem_shared>>)
        } else {
        }
        %add3A_301 = arith.constant 1 : i32
        %add3A_302 = arith.addi %scan3A_283, %add3A_301 : i32
        %lt3A_303 = arith.constant 32 : i32
        %lt3A_304 = arith.cmpi slt, %add3A_302, %lt3A_303 : i32
        %convert_element_type3A_305 = arith.extui %lt3A_304 : i1 to i32
        %cond3A_306 = arith.constant 0 : i32
        %cond3A_307 = arith.cmpi ne, %convert_element_type3A_305, %cond3A_306 : i32
        scf.if %cond3A_307 {
          %add3A_433 = arith.constant 1 : i32
          %add3A_434 = arith.addi %scan3A_283, %add3A_433 : i32
          %dma_start3A_435 = arith.constant 0 : i32
          %dma_start3A_436 = arith.constant 0 : i32
          %dma_start3A_437 = arith.constant 0 : i32
          %dma_start3A_438 = arith.constant 0 : i32
          %dma_start3A_439 = tpu.memref_slice %arg9[%dma_start3A_436, %dma_start3A_437, %dma_start3A_438] : memref<5x128x32xf32, #tpu.memory_space<vmem>> -> memref<1x128x32xf32, #tpu.memory_space<vmem>>
          %dma_start3A_440 = tpu.memref_squeeze %dma_start3A_439 : memref<1x128x32xf32, #tpu.memory_space<vmem>> -> memref<128x32xf32, #tpu.memory_space<vmem>>
          %dma_start3A_441 = arith.constant 0 : i32
          %dma_start3A_442 = tpu.memref_slice %arg6[%add3A_434, %dma_start3A_435, %dma_start3A_441] : memref<32x5x128xi32, #tpu.memory_space<vmem>> -> memref<1x1x128xi32, #tpu.memory_space<vmem>>
          %dma_start3A_443 = tpu.memref_squeeze %dma_start3A_442 : memref<1x1x128xi32, #tpu.memory_space<vmem>> -> memref<128xi32, #tpu.memory_space<vmem>>
          %dma_start3A_444 = arith.constant 0 : i32
          %dma_start3A_445 = arith.constant 0 : i32
          %dma_start3A_446 = tpu.memref_slice %arg12[%dma_start3A_444, %dma_start3A_445] : memref<10000x32xf32, #tpu.memory_space<vmem_shared>> -> memref<10000x32xf32, #tpu.memory_space<vmem_shared>>
          tpu.enqueue_indirect_dma source(%dma_start3A_446 : memref<10000x32xf32, #tpu.memory_space<vmem_shared>>) target(%dma_start3A_440 : memref<128x32xf32, #tpu.memory_space<vmem>>) offsets(%dma_start3A_443 : memref<128xi32, #tpu.memory_space<vmem>>) semaphore(%arg14 : memref<!tpu.dma_semaphore, #tpu.memory_space<semaphore_mem>>)
          %dma_start3A_447 = arith.constant 1 : i32
          %dma_start3A_448 = arith.constant 1 : i32
          %dma_start3A_449 = arith.constant 0 : i32
          %dma_start3A_450 = arith.constant 0 : i32
          %dma_start3A_451 = tpu.memref_slice %arg9[%dma_start3A_448, %dma_start3A_449, %dma_start3A_450] : memref<5x128x32xf32, #tpu.memory_space<vmem>> -> memref<1x128x32xf32, #tpu.memory_space<vmem>>
          %dma_start3A_452 = tpu.memref_squeeze %dma_start3A_451 : memref<1x128x32xf32, #tpu.memory_space<vmem>> -> memref<128x32xf32, #tpu.memory_space<vmem>>
          %dma_start3A_453 = arith.constant 0 : i32
          %dma_start3A_454 = tpu.memref_slice %arg6[%add3A_434, %dma_start3A_447, %dma_start3A_453] : memref<32x5x128xi32, #tpu.memory_space<vmem>> -> memref<1x1x128xi32, #tpu.memory_space<vmem>>
          %dma_start3A_455 = tpu.memref_squeeze %dma_start3A_454 : memref<1x1x128xi32, #tpu.memory_space<vmem>> -> memref<128xi32, #tpu.memory_space<vmem>>
          %dma_start3A_456 = arith.constant 0 : i32
          %dma_start3A_457 = arith.constant 0 : i32
          %dma_start3A_458 = tpu.memref_slice %arg12[%dma_start3A_456, %dma_start3A_457] : memref<10000x32xf32, #tpu.memory_space<vmem_shared>> -> memref<10000x32xf32, #tpu.memory_space<vmem_shared>>
          tpu.enqueue_indirect_dma source(%dma_start3A_458 : memref<10000x32xf32, #tpu.memory_space<vmem_shared>>) target(%dma_start3A_452 : memref<128x32xf32, #tpu.memory_space<vmem>>) offsets(%dma_start3A_455 : memref<128xi32, #tpu.memory_space<vmem>>) semaphore(%arg14 : memref<!tpu.dma_semaphore, #tpu.memory_space<semaphore_mem>>)
          %dma_start3A_459 = arith.constant 2 : i32
          %dma_start3A_460 = arith.constant 2 : i32
          %dma_start3A_461 = arith.constant 0 : i32
          %dma_start3A_462 = arith.constant 0 : i32
          %dma_start3A_463 = tpu.memref_slice %arg9[%dma_start3A_460, %dma_start3A_461, %dma_start3A_462] : memref<5x128x32xf32, #tpu.memory_space<vmem>> -> memref<1x128x32xf32, #tpu.memory_space<vmem>>
          %dma_start3A_464 = tpu.memref_squeeze %dma_start3A_463 : memref<1x128x32xf32, #tpu.memory_space<vmem>> -> memref<128x32xf32, #tpu.memory_space<vmem>>
          %dma_start3A_465 = arith.constant 0 : i32
          %dma_start3A_466 = tpu.memref_slice %arg6[%add3A_434, %dma_start3A_459, %dma_start3A_465] : memref<32x5x128xi32, #tpu.memory_space<vmem>> -> memref<1x1x128xi32, #tpu.memory_space<vmem>>
          %dma_start3A_467 = tpu.memref_squeeze %dma_start3A_466 : memref<1x1x128xi32, #tpu.memory_space<vmem>> -> memref<128xi32, #tpu.memory_space<vmem>>
          %dma_start3A_468 = arith.constant 0 : i32
          %dma_start3A_469 = arith.constant 0 : i32
          %dma_start3A_470 = tpu.memref_slice %arg12[%dma_start3A_468, %dma_start3A_469] : memref<10000x32xf32, #tpu.memory_space<vmem_shared>> -> memref<10000x32xf32, #tpu.memory_space<vmem_shared>>
          tpu.enqueue_indirect_dma source(%dma_start3A_470 : memref<10000x32xf32, #tpu.memory_space<vmem_shared>>) target(%dma_start3A_464 : memref<128x32xf32, #tpu.memory_space<vmem>>) offsets(%dma_start3A_467 : memref<128xi32, #tpu.memory_space<vmem>>) semaphore(%arg14 : memref<!tpu.dma_semaphore, #tpu.memory_space<semaphore_mem>>)
          %dma_start3A_471 = arith.constant 3 : i32
          %dma_start3A_472 = arith.constant 3 : i32
          %dma_start3A_473 = arith.constant 0 : i32
          %dma_start3A_474 = arith.constant 0 : i32
          %dma_start3A_475 = tpu.memref_slice %arg9[%dma_start3A_472, %dma_start3A_473, %dma_start3A_474] : memref<5x128x32xf32, #tpu.memory_space<vmem>> -> memref<1x128x32xf32, #tpu.memory_space<vmem>>
          %dma_start3A_476 = tpu.memref_squeeze %dma_start3A_475 : memref<1x128x32xf32, #tpu.memory_space<vmem>> -> memref<128x32xf32, #tpu.memory_space<vmem>>
          %dma_start3A_477 = arith.constant 0 : i32
          %dma_start3A_478 = tpu.memref_slice %arg6[%add3A_434, %dma_start3A_471, %dma_start3A_477] : memref<32x5x128xi32, #tpu.memory_space<vmem>> -> memref<1x1x128xi32, #tpu.memory_space<vmem>>
          %dma_start3A_479 = tpu.memref_squeeze %dma_start3A_478 : memref<1x1x128xi32, #tpu.memory_space<vmem>> -> memref<128xi32, #tpu.memory_space<vmem>>
          %dma_start3A_480 = arith.constant 0 : i32
          %dma_start3A_481 = arith.constant 0 : i32
          %dma_start3A_482 = tpu.memref_slice %arg12[%dma_start3A_480, %dma_start3A_481] : memref<10000x32xf32, #tpu.memory_space<vmem_shared>> -> memref<10000x32xf32, #tpu.memory_space<vmem_shared>>
          tpu.enqueue_indirect_dma source(%dma_start3A_482 : memref<10000x32xf32, #tpu.memory_space<vmem_shared>>) target(%dma_start3A_476 : memref<128x32xf32, #tpu.memory_space<vmem>>) offsets(%dma_start3A_479 : memref<128xi32, #tpu.memory_space<vmem>>) semaphore(%arg14 : memref<!tpu.dma_semaphore, #tpu.memory_space<semaphore_mem>>)
          %dma_start3A_483 = arith.constant 4 : i32
          %dma_start3A_484 = arith.constant 4 : i32
          %dma_start3A_485 = arith.constant 0 : i32
          %dma_start3A_486 = arith.constant 0 : i32
          %dma_start3A_487 = tpu.memref_slice %arg9[%dma_start3A_484, %dma_start3A_485, %dma_start3A_486] : memref<5x128x32xf32, #tpu.memory_space<vmem>> -> memref<1x128x32xf32, #tpu.memory_space<vmem>>
          %dma_start3A_488 = tpu.memref_squeeze %dma_start3A_487 : memref<1x128x32xf32, #tpu.memory_space<vmem>> -> memref<128x32xf32, #tpu.memory_space<vmem>>
          %dma_start3A_489 = arith.constant 0 : i32
          %dma_start3A_490 = tpu.memref_slice %arg6[%add3A_434, %dma_start3A_483, %dma_start3A_489] : memref<32x5x128xi32, #tpu.memory_space<vmem>> -> memref<1x1x128xi32, #tpu.memory_space<vmem>>
          %dma_start3A_491 = tpu.memref_squeeze %dma_start3A_490 : memref<1x1x128xi32, #tpu.memory_space<vmem>> -> memref<128xi32, #tpu.memory_space<vmem>>
          %dma_start3A_492 = arith.constant 0 : i32
          %dma_start3A_493 = arith.constant 0 : i32
          %dma_start3A_494 = tpu.memref_slice %arg12[%dma_start3A_492, %dma_start3A_493] : memref<10000x32xf32, #tpu.memory_space<vmem_shared>> -> memref<10000x32xf32, #tpu.memory_space<vmem_shared>>
          tpu.enqueue_indirect_dma source(%dma_start3A_494 : memref<10000x32xf32, #tpu.memory_space<vmem_shared>>) target(%dma_start3A_488 : memref<128x32xf32, #tpu.memory_space<vmem>>) offsets(%dma_start3A_491 : memref<128xi32, #tpu.memory_space<vmem>>) semaphore(%arg14 : memref<!tpu.dma_semaphore, #tpu.memory_space<semaphore_mem>>)
        } else {
        }
        %dma_wait3A_308 = arith.constant 0 : i32
        %dma_wait3A_309 = arith.constant 0 : i32
        %dma_wait3A_310 = arith.constant 0 : i32
        %dma_wait3A_311 = arith.constant 0 : i32
        %dma_wait3A_312 = arith.constant 0 : i32
        %dma_wait3A_313 = tpu.memref_slice %arg8[%dma_wait3A_310, %dma_wait3A_311, %dma_wait3A_312] : memref<5x128x32xf32, #tpu.memory_space<vmem>> -> memref<1x128x32xf32, #tpu.memory_space<vmem>>
        %dma_wait3A_314 = tpu.memref_squeeze %dma_wait3A_313 : memref<1x128x32xf32, #tpu.memory_space<vmem>> -> memref<128x32xf32, #tpu.memory_space<vmem>>
        %dma_wait3A_315 = arith.constant 0 : i32
        %dma_wait3A_316 = tpu.memref_slice %arg6[%dma_wait3A_308, %dma_wait3A_309, %dma_wait3A_315] : memref<32x5x128xi32, #tpu.memory_space<vmem>> -> memref<1x1x128xi32, #tpu.memory_space<vmem>>
        %dma_wait3A_317 = tpu.memref_squeeze %dma_wait3A_316 : memref<1x1x128xi32, #tpu.memory_space<vmem>> -> memref<128xi32, #tpu.memory_space<vmem>>
        %dma_wait3A_318 = arith.constant 0 : i32
        %dma_wait3A_319 = arith.constant 0 : i32
        %dma_wait3A_320 = tpu.memref_slice %arg12[%dma_wait3A_318, %dma_wait3A_319] : memref<10000x32xf32, #tpu.memory_space<vmem_shared>> -> memref<10000x32xf32, #tpu.memory_space<vmem_shared>>
        tpu.wait_indirect_dma semaphore(%arg13 : memref<!tpu.dma_semaphore, #tpu.memory_space<semaphore_mem>>) src(%dma_wait3A_320 : memref<10000x32xf32, #tpu.memory_space<vmem_shared>>) dst(%dma_wait3A_314 : memref<128x32xf32, #tpu.memory_space<vmem>>)
        %dma_wait3A_321 = arith.constant 0 : i32
        %dma_wait3A_322 = arith.constant 1 : i32
        %dma_wait3A_323 = arith.constant 1 : i32
        %dma_wait3A_324 = arith.constant 0 : i32
        %dma_wait3A_325 = arith.constant 0 : i32
        %dma_wait3A_326 = tpu.memref_slice %arg8[%dma_wait3A_323, %dma_wait3A_324, %dma_wait3A_325] : memref<5x128x32xf32, #tpu.memory_space<vmem>> -> memref<1x128x32xf32, #tpu.memory_space<vmem>>
        %dma_wait3A_327 = tpu.memref_squeeze %dma_wait3A_326 : memref<1x128x32xf32, #tpu.memory_space<vmem>> -> memref<128x32xf32, #tpu.memory_space<vmem>>
        %dma_wait3A_328 = arith.constant 0 : i32
        %dma_wait3A_329 = tpu.memref_slice %arg6[%dma_wait3A_321, %dma_wait3A_322, %dma_wait3A_328] : memref<32x5x128xi32, #tpu.memory_space<vmem>> -> memref<1x1x128xi32, #tpu.memory_space<vmem>>
        %dma_wait3A_330 = tpu.memref_squeeze %dma_wait3A_329 : memref<1x1x128xi32, #tpu.memory_space<vmem>> -> memref<128xi32, #tpu.memory_space<vmem>>
        %dma_wait3A_331 = arith.constant 0 : i32
        %dma_wait3A_332 = arith.constant 0 : i32
        %dma_wait3A_333 = tpu.memref_slice %arg12[%dma_wait3A_331, %dma_wait3A_332] : memref<10000x32xf32, #tpu.memory_space<vmem_shared>> -> memref<10000x32xf32, #tpu.memory_space<vmem_shared>>
        tpu.wait_indirect_dma semaphore(%arg13 : memref<!tpu.dma_semaphore, #tpu.memory_space<semaphore_mem>>) src(%dma_wait3A_333 : memref<10000x32xf32, #tpu.memory_space<vmem_shared>>) dst(%dma_wait3A_327 : memref<128x32xf32, #tpu.memory_space<vmem>>)
        %dma_wait3A_334 = arith.constant 0 : i32
        %dma_wait3A_335 = arith.constant 2 : i32
        %dma_wait3A_336 = arith.constant 2 : i32
        %dma_wait3A_337 = arith.constant 0 : i32
        %dma_wait3A_338 = arith.constant 0 : i32
        %dma_wait3A_339 = tpu.memref_slice %arg8[%dma_wait3A_336, %dma_wait3A_337, %dma_wait3A_338] : memref<5x128x32xf32, #tpu.memory_space<vmem>> -> memref<1x128x32xf32, #tpu.memory_space<vmem>>
        %dma_wait3A_340 = tpu.memref_squeeze %dma_wait3A_339 : memref<1x128x32xf32, #tpu.memory_space<vmem>> -> memref<128x32xf32, #tpu.memory_space<vmem>>
        %dma_wait3A_341 = arith.constant 0 : i32
        %dma_wait3A_342 = tpu.memref_slice %arg6[%dma_wait3A_334, %dma_wait3A_335, %dma_wait3A_341] : memref<32x5x128xi32, #tpu.memory_space<vmem>> -> memref<1x1x128xi32, #tpu.memory_space<vmem>>
        %dma_wait3A_343 = tpu.memref_squeeze %dma_wait3A_342 : memref<1x1x128xi32, #tpu.memory_space<vmem>> -> memref<128xi32, #tpu.memory_space<vmem>>
        %dma_wait3A_344 = arith.constant 0 : i32
        %dma_wait3A_345 = arith.constant 0 : i32
        %dma_wait3A_346 = tpu.memref_slice %arg12[%dma_wait3A_344, %dma_wait3A_345] : memref<10000x32xf32, #tpu.memory_space<vmem_shared>> -> memref<10000x32xf32, #tpu.memory_space<vmem_shared>>
        tpu.wait_indirect_dma semaphore(%arg13 : memref<!tpu.dma_semaphore, #tpu.memory_space<semaphore_mem>>) src(%dma_wait3A_346 : memref<10000x32xf32, #tpu.memory_space<vmem_shared>>) dst(%dma_wait3A_340 : memref<128x32xf32, #tpu.memory_space<vmem>>)
        %dma_wait3A_347 = arith.constant 0 : i32
        %dma_wait3A_348 = arith.constant 3 : i32
        %dma_wait3A_349 = arith.constant 3 : i32
        %dma_wait3A_350 = arith.constant 0 : i32
        %dma_wait3A_351 = arith.constant 0 : i32
        %dma_wait3A_352 = tpu.memref_slice %arg8[%dma_wait3A_349, %dma_wait3A_350, %dma_wait3A_351] : memref<5x128x32xf32, #tpu.memory_space<vmem>> -> memref<1x128x32xf32, #tpu.memory_space<vmem>>
        %dma_wait3A_353 = tpu.memref_squeeze %dma_wait3A_352 : memref<1x128x32xf32, #tpu.memory_space<vmem>> -> memref<128x32xf32, #tpu.memory_space<vmem>>
        %dma_wait3A_354 = arith.constant 0 : i32
        %dma_wait3A_355 = tpu.memref_slice %arg6[%dma_wait3A_347, %dma_wait3A_348, %dma_wait3A_354] : memref<32x5x128xi32, #tpu.memory_space<vmem>> -> memref<1x1x128xi32, #tpu.memory_space<vmem>>
        %dma_wait3A_356 = tpu.memref_squeeze %dma_wait3A_355 : memref<1x1x128xi32, #tpu.memory_space<vmem>> -> memref<128xi32, #tpu.memory_space<vmem>>
        %dma_wait3A_357 = arith.constant 0 : i32
        %dma_wait3A_358 = arith.constant 0 : i32
        %dma_wait3A_359 = tpu.memref_slice %arg12[%dma_wait3A_357, %dma_wait3A_358] : memref<10000x32xf32, #tpu.memory_space<vmem_shared>> -> memref<10000x32xf32, #tpu.memory_space<vmem_shared>>
        tpu.wait_indirect_dma semaphore(%arg13 : memref<!tpu.dma_semaphore, #tpu.memory_space<semaphore_mem>>) src(%dma_wait3A_359 : memref<10000x32xf32, #tpu.memory_space<vmem_shared>>) dst(%dma_wait3A_353 : memref<128x32xf32, #tpu.memory_space<vmem>>)
        %dma_wait3A_360 = arith.constant 0 : i32
        %dma_wait3A_361 = arith.constant 4 : i32
        %dma_wait3A_362 = arith.constant 4 : i32
        %dma_wait3A_363 = arith.constant 0 : i32
        %dma_wait3A_364 = arith.constant 0 : i32
        %dma_wait3A_365 = tpu.memref_slice %arg8[%dma_wait3A_362, %dma_wait3A_363, %dma_wait3A_364] : memref<5x128x32xf32, #tpu.memory_space<vmem>> -> memref<1x128x32xf32, #tpu.memory_space<vmem>>
        %dma_wait3A_366 = tpu.memref_squeeze %dma_wait3A_365 : memref<1x128x32xf32, #tpu.memory_space<vmem>> -> memref<128x32xf32, #tpu.memory_space<vmem>>
        %dma_wait3A_367 = arith.constant 0 : i32
        %dma_wait3A_368 = tpu.memref_slice %arg6[%dma_wait3A_360, %dma_wait3A_361, %dma_wait3A_367] : memref<32x5x128xi32, #tpu.memory_space<vmem>> -> memref<1x1x128xi32, #tpu.memory_space<vmem>>
        %dma_wait3A_369 = tpu.memref_squeeze %dma_wait3A_368 : memref<1x1x128xi32, #tpu.memory_space<vmem>> -> memref<128xi32, #tpu.memory_space<vmem>>
        %dma_wait3A_370 = arith.constant 0 : i32
        %dma_wait3A_371 = arith.constant 0 : i32
        %dma_wait3A_372 = tpu.memref_slice %arg12[%dma_wait3A_370, %dma_wait3A_371] : memref<10000x32xf32, #tpu.memory_space<vmem_shared>> -> memref<10000x32xf32, #tpu.memory_space<vmem_shared>>
        tpu.wait_indirect_dma semaphore(%arg13 : memref<!tpu.dma_semaphore, #tpu.memory_space<semaphore_mem>>) src(%dma_wait3A_372 : memref<10000x32xf32, #tpu.memory_space<vmem_shared>>) dst(%dma_wait3A_366 : memref<128x32xf32, #tpu.memory_space<vmem>>)
        %dma_start3A_373 = arith.constant 0 : i32
        %dma_start3A_374 = arith.constant 0 : i32
        %dma_start3A_375 = arith.constant 0 : i32
        %dma_start3A_376 = arith.constant 0 : i32
        %dma_start3A_377 = tpu.memref_slice %arg8[%dma_start3A_373, %dma_start3A_375, %dma_start3A_376] : memref<5x128x32xf32, #tpu.memory_space<vmem>> -> memref<1x128x32xf32, #tpu.memory_space<vmem>>
        %dma_start3A_378 = tpu.memref_squeeze %dma_start3A_377 : memref<1x128x32xf32, #tpu.memory_space<vmem>> -> memref<128x32xf32, #tpu.memory_space<vmem>>
        %dma_start3A_379 = arith.constant 0 : i32
        %dma_start3A_380 = tpu.memref_slice %arg7[%scan3A_283, %dma_start3A_374, %dma_start3A_379] : memref<32x5x128xi32, #tpu.memory_space<vmem>> -> memref<1x1x128xi32, #tpu.memory_space<vmem>>
        %dma_start3A_381 = tpu.memref_squeeze %dma_start3A_380 : memref<1x1x128xi32, #tpu.memory_space<vmem>> -> memref<128xi32, #tpu.memory_space<vmem>>
        %dma_start3A_382 = arith.constant 0 : i32
        %dma_start3A_383 = arith.constant 0 : i32
        %dma_start3A_384 = tpu.memref_slice %arg11[%dma_start3A_382, %dma_start3A_383] : memref<10240x32xf32, #tpu.memory_space<vmem_shared>> -> memref<10240x32xf32, #tpu.memory_space<vmem_shared>>
        tpu.enqueue_indirect_dma source(%dma_start3A_378 : memref<128x32xf32, #tpu.memory_space<vmem>>) target(%dma_start3A_384 : memref<10240x32xf32, #tpu.memory_space<vmem_shared>>) offsets(%dma_start3A_381 : memref<128xi32, #tpu.memory_space<vmem>>) semaphore(%arg15 : memref<!tpu.dma_semaphore, #tpu.memory_space<semaphore_mem>>) {add = true}
        %dma_start3A_385 = arith.constant 1 : i32
        %dma_start3A_386 = arith.constant 1 : i32
        %dma_start3A_387 = arith.constant 0 : i32
        %dma_start3A_388 = arith.constant 0 : i32
        %dma_start3A_389 = tpu.memref_slice %arg8[%dma_start3A_385, %dma_start3A_387, %dma_start3A_388] : memref<5x128x32xf32, #tpu.memory_space<vmem>> -> memref<1x128x32xf32, #tpu.memory_space<vmem>>
        %dma_start3A_390 = tpu.memref_squeeze %dma_start3A_389 : memref<1x128x32xf32, #tpu.memory_space<vmem>> -> memref<128x32xf32, #tpu.memory_space<vmem>>
        %dma_start3A_391 = arith.constant 0 : i32
        %dma_start3A_392 = tpu.memref_slice %arg7[%scan3A_283, %dma_start3A_386, %dma_start3A_391] : memref<32x5x128xi32, #tpu.memory_space<vmem>> -> memref<1x1x128xi32, #tpu.memory_space<vmem>>
        %dma_start3A_393 = tpu.memref_squeeze %dma_start3A_392 : memref<1x1x128xi32, #tpu.memory_space<vmem>> -> memref<128xi32, #tpu.memory_space<vmem>>
        %dma_start3A_394 = arith.constant 0 : i32
        %dma_start3A_395 = arith.constant 0 : i32
        %dma_start3A_396 = tpu.memref_slice %arg11[%dma_start3A_394, %dma_start3A_395] : memref<10240x32xf32, #tpu.memory_space<vmem_shared>> -> memref<10240x32xf32, #tpu.memory_space<vmem_shared>>
        tpu.enqueue_indirect_dma source(%dma_start3A_390 : memref<128x32xf32, #tpu.memory_space<vmem>>) target(%dma_start3A_396 : memref<10240x32xf32, #tpu.memory_space<vmem_shared>>) offsets(%dma_start3A_393 : memref<128xi32, #tpu.memory_space<vmem>>) semaphore(%arg15 : memref<!tpu.dma_semaphore, #tpu.memory_space<semaphore_mem>>) {add = true}
        %dma_start3A_397 = arith.constant 2 : i32
        %dma_start3A_398 = arith.constant 2 : i32
        %dma_start3A_399 = arith.constant 0 : i32
        %dma_start3A_400 = arith.constant 0 : i32
        %dma_start3A_401 = tpu.memref_slice %arg8[%dma_start3A_397, %dma_start3A_399, %dma_start3A_400] : memref<5x128x32xf32, #tpu.memory_space<vmem>> -> memref<1x128x32xf32, #tpu.memory_space<vmem>>
        %dma_start3A_402 = tpu.memref_squeeze %dma_start3A_401 : memref<1x128x32xf32, #tpu.memory_space<vmem>> -> memref<128x32xf32, #tpu.memory_space<vmem>>
        %dma_start3A_403 = arith.constant 0 : i32
        %dma_start3A_404 = tpu.memref_slice %arg7[%scan3A_283, %dma_start3A_398, %dma_start3A_403] : memref<32x5x128xi32, #tpu.memory_space<vmem>> -> memref<1x1x128xi32, #tpu.memory_space<vmem>>
        %dma_start3A_405 = tpu.memref_squeeze %dma_start3A_404 : memref<1x1x128xi32, #tpu.memory_space<vmem>> -> memref<128xi32, #tpu.memory_space<vmem>>
        %dma_start3A_406 = arith.constant 0 : i32
        %dma_start3A_407 = arith.constant 0 : i32
        %dma_start3A_408 = tpu.memref_slice %arg11[%dma_start3A_406, %dma_start3A_407] : memref<10240x32xf32, #tpu.memory_space<vmem_shared>> -> memref<10240x32xf32, #tpu.memory_space<vmem_shared>>
        tpu.enqueue_indirect_dma source(%dma_start3A_402 : memref<128x32xf32, #tpu.memory_space<vmem>>) target(%dma_start3A_408 : memref<10240x32xf32, #tpu.memory_space<vmem_shared>>) offsets(%dma_start3A_405 : memref<128xi32, #tpu.memory_space<vmem>>) semaphore(%arg15 : memref<!tpu.dma_semaphore, #tpu.memory_space<semaphore_mem>>) {add = true}
        %dma_start3A_409 = arith.constant 3 : i32
        %dma_start3A_410 = arith.constant 3 : i32
        %dma_start3A_411 = arith.constant 0 : i32
        %dma_start3A_412 = arith.constant 0 : i32
        %dma_start3A_413 = tpu.memref_slice %arg8[%dma_start3A_409, %dma_start3A_411, %dma_start3A_412] : memref<5x128x32xf32, #tpu.memory_space<vmem>> -> memref<1x128x32xf32, #tpu.memory_space<vmem>>
        %dma_start3A_414 = tpu.memref_squeeze %dma_start3A_413 : memref<1x128x32xf32, #tpu.memory_space<vmem>> -> memref<128x32xf32, #tpu.memory_space<vmem>>
        %dma_start3A_415 = arith.constant 0 : i32
        %dma_start3A_416 = tpu.memref_slice %arg7[%scan3A_283, %dma_start3A_410, %dma_start3A_415] : memref<32x5x128xi32, #tpu.memory_space<vmem>> -> memref<1x1x128xi32, #tpu.memory_space<vmem>>
        %dma_start3A_417 = tpu.memref_squeeze %dma_start3A_416 : memref<1x1x128xi32, #tpu.memory_space<vmem>> -> memref<128xi32, #tpu.memory_space<vmem>>
        %dma_start3A_418 = arith.constant 0 : i32
        %dma_start3A_419 = arith.constant 0 : i32
        %dma_start3A_420 = tpu.memref_slice %arg11[%dma_start3A_418, %dma_start3A_419] : memref<10240x32xf32, #tpu.memory_space<vmem_shared>> -> memref<10240x32xf32, #tpu.memory_space<vmem_shared>>
        tpu.enqueue_indirect_dma source(%dma_start3A_414 : memref<128x32xf32, #tpu.memory_space<vmem>>) target(%dma_start3A_420 : memref<10240x32xf32, #tpu.memory_space<vmem_shared>>) offsets(%dma_start3A_417 : memref<128xi32, #tpu.memory_space<vmem>>) semaphore(%arg15 : memref<!tpu.dma_semaphore, #tpu.memory_space<semaphore_mem>>) {add = true}
        %dma_start3A_421 = arith.constant 4 : i32
        %dma_start3A_422 = arith.constant 4 : i32
        %dma_start3A_423 = arith.constant 0 : i32
        %dma_start3A_424 = arith.constant 0 : i32
        %dma_start3A_425 = tpu.memref_slice %arg8[%dma_start3A_421, %dma_start3A_423, %dma_start3A_424] : memref<5x128x32xf32, #tpu.memory_space<vmem>> -> memref<1x128x32xf32, #tpu.memory_space<vmem>>
        %dma_start3A_426 = tpu.memref_squeeze %dma_start3A_425 : memref<1x128x32xf32, #tpu.memory_space<vmem>> -> memref<128x32xf32, #tpu.memory_space<vmem>>
        %dma_start3A_427 = arith.constant 0 : i32
        %dma_start3A_428 = tpu.memref_slice %arg7[%scan3A_283, %dma_start3A_422, %dma_start3A_427] : memref<32x5x128xi32, #tpu.memory_space<vmem>> -> memref<1x1x128xi32, #tpu.memory_space<vmem>>
        %dma_start3A_429 = tpu.memref_squeeze %dma_start3A_428 : memref<1x1x128xi32, #tpu.memory_space<vmem>> -> memref<128xi32, #tpu.memory_space<vmem>>
        %dma_start3A_430 = arith.constant 0 : i32
        %dma_start3A_431 = arith.constant 0 : i32
        %dma_start3A_432 = tpu.memref_slice %arg11[%dma_start3A_430, %dma_start3A_431] : memref<10240x32xf32, #tpu.memory_space<vmem_shared>> -> memref<10240x32xf32, #tpu.memory_space<vmem_shared>>
        tpu.enqueue_indirect_dma source(%dma_start3A_426 : memref<128x32xf32, #tpu.memory_space<vmem>>) target(%dma_start3A_432 : memref<10240x32xf32, #tpu.memory_space<vmem_shared>>) offsets(%dma_start3A_429 : memref<128xi32, #tpu.memory_space<vmem>>) semaphore(%arg15 : memref<!tpu.dma_semaphore, #tpu.memory_space<semaphore_mem>>) {add = true}
      } else {
      }
      %rem3A_290 = arith.constant 2 : i32
      %rem3A_291 = arith.remsi %scan3A_283, %rem3A_290 : i32
      %eq3A_292 = arith.constant 1 : i32
      %eq3A_293 = arith.cmpi eq, %rem3A_291, %eq3A_292 : i32
      %convert_element_type3A_294 = arith.extui %eq3A_293 : i1 to i32
      %cond3A_295 = arith.constant 0 : i32
      %cond3A_296 = arith.cmpi ne, %convert_element_type3A_294, %cond3A_295 : i32
      scf.if %cond3A_296 {
        %ge3A = arith.constant 1 : i32
        %ge3A_297 = arith.cmpi sge, %scan3A_283, %ge3A : i32
        %convert_element_type3A_298 = arith.extui %ge3A_297 : i1 to i32
        %cond3A_299 = arith.constant 0 : i32
        %cond3A_300 = arith.cmpi ne, %convert_element_type3A_298, %cond3A_299 : i32
        scf.if %cond3A_300 {
          %sub3A = arith.constant 1 : i32
          %sub3A_433 = arith.subi %scan3A_283, %sub3A : i32
          %dma_wait3A_434 = arith.constant 0 : i32
          %dma_wait3A_435 = arith.constant 0 : i32
          %dma_wait3A_436 = arith.constant 0 : i32
          %dma_wait3A_437 = arith.constant 0 : i32
          %dma_wait3A_438 = tpu.memref_slice %arg8[%dma_wait3A_434, %dma_wait3A_436, %dma_wait3A_437] : memref<5x128x32xf32, #tpu.memory_space<vmem>> -> memref<1x128x32xf32, #tpu.memory_space<vmem>>
          %dma_wait3A_439 = tpu.memref_squeeze %dma_wait3A_438 : memref<1x128x32xf32, #tpu.memory_space<vmem>> -> memref<128x32xf32, #tpu.memory_space<vmem>>
          %dma_wait3A_440 = arith.constant 0 : i32
          %dma_wait3A_441 = tpu.memref_slice %arg7[%sub3A_433, %dma_wait3A_435, %dma_wait3A_440] : memref<32x5x128xi32, #tpu.memory_space<vmem>> -> memref<1x1x128xi32, #tpu.memory_space<vmem>>
          %dma_wait3A_442 = tpu.memref_squeeze %dma_wait3A_441 : memref<1x1x128xi32, #tpu.memory_space<vmem>> -> memref<128xi32, #tpu.memory_space<vmem>>
          %dma_wait3A_443 = arith.constant 0 : i32
          %dma_wait3A_444 = arith.constant 0 : i32
          %dma_wait3A_445 = tpu.memref_slice %arg11[%dma_wait3A_443, %dma_wait3A_444] : memref<10240x32xf32, #tpu.memory_space<vmem_shared>> -> memref<10240x32xf32, #tpu.memory_space<vmem_shared>>
          tpu.wait_indirect_dma semaphore(%arg15 : memref<!tpu.dma_semaphore, #tpu.memory_space<semaphore_mem>>) src(%dma_wait3A_439 : memref<128x32xf32, #tpu.memory_space<vmem>>) dst(%dma_wait3A_445 : memref<10240x32xf32, #tpu.memory_space<vmem_shared>>)
          %dma_wait3A_446 = arith.constant 1 : i32
          %dma_wait3A_447 = arith.constant 1 : i32
          %dma_wait3A_448 = arith.constant 0 : i32
          %dma_wait3A_449 = arith.constant 0 : i32
          %dma_wait3A_450 = tpu.memref_slice %arg8[%dma_wait3A_446, %dma_wait3A_448, %dma_wait3A_449] : memref<5x128x32xf32, #tpu.memory_space<vmem>> -> memref<1x128x32xf32, #tpu.memory_space<vmem>>
          %dma_wait3A_451 = tpu.memref_squeeze %dma_wait3A_450 : memref<1x128x32xf32, #tpu.memory_space<vmem>> -> memref<128x32xf32, #tpu.memory_space<vmem>>
          %dma_wait3A_452 = arith.constant 0 : i32
          %dma_wait3A_453 = tpu.memref_slice %arg7[%sub3A_433, %dma_wait3A_447, %dma_wait3A_452] : memref<32x5x128xi32, #tpu.memory_space<vmem>> -> memref<1x1x128xi32, #tpu.memory_space<vmem>>
          %dma_wait3A_454 = tpu.memref_squeeze %dma_wait3A_453 : memref<1x1x128xi32, #tpu.memory_space<vmem>> -> memref<128xi32, #tpu.memory_space<vmem>>
          %dma_wait3A_455 = arith.constant 0 : i32
          %dma_wait3A_456 = arith.constant 0 : i32
          %dma_wait3A_457 = tpu.memref_slice %arg11[%dma_wait3A_455, %dma_wait3A_456] : memref<10240x32xf32, #tpu.memory_space<vmem_shared>> -> memref<10240x32xf32, #tpu.memory_space<vmem_shared>>
          tpu.wait_indirect_dma semaphore(%arg15 : memref<!tpu.dma_semaphore, #tpu.memory_space<semaphore_mem>>) src(%dma_wait3A_451 : memref<128x32xf32, #tpu.memory_space<vmem>>) dst(%dma_wait3A_457 : memref<10240x32xf32, #tpu.memory_space<vmem_shared>>)
          %dma_wait3A_458 = arith.constant 2 : i32
          %dma_wait3A_459 = arith.constant 2 : i32
          %dma_wait3A_460 = arith.constant 0 : i32
          %dma_wait3A_461 = arith.constant 0 : i32
          %dma_wait3A_462 = tpu.memref_slice %arg8[%dma_wait3A_458, %dma_wait3A_460, %dma_wait3A_461] : memref<5x128x32xf32, #tpu.memory_space<vmem>> -> memref<1x128x32xf32, #tpu.memory_space<vmem>>
          %dma_wait3A_463 = tpu.memref_squeeze %dma_wait3A_462 : memref<1x128x32xf32, #tpu.memory_space<vmem>> -> memref<128x32xf32, #tpu.memory_space<vmem>>
          %dma_wait3A_464 = arith.constant 0 : i32
          %dma_wait3A_465 = tpu.memref_slice %arg7[%sub3A_433, %dma_wait3A_459, %dma_wait3A_464] : memref<32x5x128xi32, #tpu.memory_space<vmem>> -> memref<1x1x128xi32, #tpu.memory_space<vmem>>
          %dma_wait3A_466 = tpu.memref_squeeze %dma_wait3A_465 : memref<1x1x128xi32, #tpu.memory_space<vmem>> -> memref<128xi32, #tpu.memory_space<vmem>>
          %dma_wait3A_467 = arith.constant 0 : i32
          %dma_wait3A_468 = arith.constant 0 : i32
          %dma_wait3A_469 = tpu.memref_slice %arg11[%dma_wait3A_467, %dma_wait3A_468] : memref<10240x32xf32, #tpu.memory_space<vmem_shared>> -> memref<10240x32xf32, #tpu.memory_space<vmem_shared>>
          tpu.wait_indirect_dma semaphore(%arg15 : memref<!tpu.dma_semaphore, #tpu.memory_space<semaphore_mem>>) src(%dma_wait3A_463 : memref<128x32xf32, #tpu.memory_space<vmem>>) dst(%dma_wait3A_469 : memref<10240x32xf32, #tpu.memory_space<vmem_shared>>)
          %dma_wait3A_470 = arith.constant 3 : i32
          %dma_wait3A_471 = arith.constant 3 : i32
          %dma_wait3A_472 = arith.constant 0 : i32
          %dma_wait3A_473 = arith.constant 0 : i32
          %dma_wait3A_474 = tpu.memref_slice %arg8[%dma_wait3A_470, %dma_wait3A_472, %dma_wait3A_473] : memref<5x128x32xf32, #tpu.memory_space<vmem>> -> memref<1x128x32xf32, #tpu.memory_space<vmem>>
          %dma_wait3A_475 = tpu.memref_squeeze %dma_wait3A_474 : memref<1x128x32xf32, #tpu.memory_space<vmem>> -> memref<128x32xf32, #tpu.memory_space<vmem>>
          %dma_wait3A_476 = arith.constant 0 : i32
          %dma_wait3A_477 = tpu.memref_slice %arg7[%sub3A_433, %dma_wait3A_471, %dma_wait3A_476] : memref<32x5x128xi32, #tpu.memory_space<vmem>> -> memref<1x1x128xi32, #tpu.memory_space<vmem>>
          %dma_wait3A_478 = tpu.memref_squeeze %dma_wait3A_477 : memref<1x1x128xi32, #tpu.memory_space<vmem>> -> memref<128xi32, #tpu.memory_space<vmem>>
          %dma_wait3A_479 = arith.constant 0 : i32
          %dma_wait3A_480 = arith.constant 0 : i32
          %dma_wait3A_481 = tpu.memref_slice %arg11[%dma_wait3A_479, %dma_wait3A_480] : memref<10240x32xf32, #tpu.memory_space<vmem_shared>> -> memref<10240x32xf32, #tpu.memory_space<vmem_shared>>
          tpu.wait_indirect_dma semaphore(%arg15 : memref<!tpu.dma_semaphore, #tpu.memory_space<semaphore_mem>>) src(%dma_wait3A_475 : memref<128x32xf32, #tpu.memory_space<vmem>>) dst(%dma_wait3A_481 : memref<10240x32xf32, #tpu.memory_space<vmem_shared>>)
          %dma_wait3A_482 = arith.constant 4 : i32
          %dma_wait3A_483 = arith.constant 4 : i32
          %dma_wait3A_484 = arith.constant 0 : i32
          %dma_wait3A_485 = arith.constant 0 : i32
          %dma_wait3A_486 = tpu.memref_slice %arg8[%dma_wait3A_482, %dma_wait3A_484, %dma_wait3A_485] : memref<5x128x32xf32, #tpu.memory_space<vmem>> -> memref<1x128x32xf32, #tpu.memory_space<vmem>>
          %dma_wait3A_487 = tpu.memref_squeeze %dma_wait3A_486 : memref<1x128x32xf32, #tpu.memory_space<vmem>> -> memref<128x32xf32, #tpu.memory_space<vmem>>
          %dma_wait3A_488 = arith.constant 0 : i32
          %dma_wait3A_489 = tpu.memref_slice %arg7[%sub3A_433, %dma_wait3A_483, %dma_wait3A_488] : memref<32x5x128xi32, #tpu.memory_space<vmem>> -> memref<1x1x128xi32, #tpu.memory_space<vmem>>
          %dma_wait3A_490 = tpu.memref_squeeze %dma_wait3A_489 : memref<1x1x128xi32, #tpu.memory_space<vmem>> -> memref<128xi32, #tpu.memory_space<vmem>>
          %dma_wait3A_491 = arith.constant 0 : i32
          %dma_wait3A_492 = arith.constant 0 : i32
          %dma_wait3A_493 = tpu.memref_slice %arg11[%dma_wait3A_491, %dma_wait3A_492] : memref<10240x32xf32, #tpu.memory_space<vmem_shared>> -> memref<10240x32xf32, #tpu.memory_space<vmem_shared>>
          tpu.wait_indirect_dma semaphore(%arg15 : memref<!tpu.dma_semaphore, #tpu.memory_space<semaphore_mem>>) src(%dma_wait3A_487 : memref<128x32xf32, #tpu.memory_space<vmem>>) dst(%dma_wait3A_493 : memref<10240x32xf32, #tpu.memory_space<vmem_shared>>)
        } else {
        }
        %add3A_301 = arith.constant 1 : i32
        %add3A_302 = arith.addi %scan3A_283, %add3A_301 : i32
        %lt3A_303 = arith.constant 32 : i32
        %lt3A_304 = arith.cmpi slt, %add3A_302, %lt3A_303 : i32
        %convert_element_type3A_305 = arith.extui %lt3A_304 : i1 to i32
        %cond3A_306 = arith.constant 0 : i32
        %cond3A_307 = arith.cmpi ne, %convert_element_type3A_305, %cond3A_306 : i32
        scf.if %cond3A_307 {
          %add3A_433 = arith.constant 1 : i32
          %add3A_434 = arith.addi %scan3A_283, %add3A_433 : i32
          %dma_start3A_435 = arith.constant 0 : i32
          %dma_start3A_436 = arith.constant 0 : i32
          %dma_start3A_437 = arith.constant 0 : i32
          %dma_start3A_438 = arith.constant 0 : i32
          %dma_start3A_439 = tpu.memref_slice %arg8[%dma_start3A_436, %dma_start3A_437, %dma_start3A_438] : memref<5x128x32xf32, #tpu.memory_space<vmem>> -> memref<1x128x32xf32, #tpu.memory_space<vmem>>
          %dma_start3A_440 = tpu.memref_squeeze %dma_start3A_439 : memref<1x128x32xf32, #tpu.memory_space<vmem>> -> memref<128x32xf32, #tpu.memory_space<vmem>>
          %dma_start3A_441 = arith.constant 0 : i32
          %dma_start3A_442 = tpu.memref_slice %arg6[%add3A_434, %dma_start3A_435, %dma_start3A_441] : memref<32x5x128xi32, #tpu.memory_space<vmem>> -> memref<1x1x128xi32, #tpu.memory_space<vmem>>
          %dma_start3A_443 = tpu.memref_squeeze %dma_start3A_442 : memref<1x1x128xi32, #tpu.memory_space<vmem>> -> memref<128xi32, #tpu.memory_space<vmem>>
          %dma_start3A_444 = arith.constant 0 : i32
          %dma_start3A_445 = arith.constant 0 : i32
          %dma_start3A_446 = tpu.memref_slice %arg12[%dma_start3A_444, %dma_start3A_445] : memref<10000x32xf32, #tpu.memory_space<vmem_shared>> -> memref<10000x32xf32, #tpu.memory_space<vmem_shared>>
          tpu.enqueue_indirect_dma source(%dma_start3A_446 : memref<10000x32xf32, #tpu.memory_space<vmem_shared>>) target(%dma_start3A_440 : memref<128x32xf32, #tpu.memory_space<vmem>>) offsets(%dma_start3A_443 : memref<128xi32, #tpu.memory_space<vmem>>) semaphore(%arg13 : memref<!tpu.dma_semaphore, #tpu.memory_space<semaphore_mem>>)
          %dma_start3A_447 = arith.constant 1 : i32
          %dma_start3A_448 = arith.constant 1 : i32
          %dma_start3A_449 = arith.constant 0 : i32
          %dma_start3A_450 = arith.constant 0 : i32
          %dma_start3A_451 = tpu.memref_slice %arg8[%dma_start3A_448, %dma_start3A_449, %dma_start3A_450] : memref<5x128x32xf32, #tpu.memory_space<vmem>> -> memref<1x128x32xf32, #tpu.memory_space<vmem>>
          %dma_start3A_452 = tpu.memref_squeeze %dma_start3A_451 : memref<1x128x32xf32, #tpu.memory_space<vmem>> -> memref<128x32xf32, #tpu.memory_space<vmem>>
          %dma_start3A_453 = arith.constant 0 : i32
          %dma_start3A_454 = tpu.memref_slice %arg6[%add3A_434, %dma_start3A_447, %dma_start3A_453] : memref<32x5x128xi32, #tpu.memory_space<vmem>> -> memref<1x1x128xi32, #tpu.memory_space<vmem>>
          %dma_start3A_455 = tpu.memref_squeeze %dma_start3A_454 : memref<1x1x128xi32, #tpu.memory_space<vmem>> -> memref<128xi32, #tpu.memory_space<vmem>>
          %dma_start3A_456 = arith.constant 0 : i32
          %dma_start3A_457 = arith.constant 0 : i32
          %dma_start3A_458 = tpu.memref_slice %arg12[%dma_start3A_456, %dma_start3A_457] : memref<10000x32xf32, #tpu.memory_space<vmem_shared>> -> memref<10000x32xf32, #tpu.memory_space<vmem_shared>>
          tpu.enqueue_indirect_dma source(%dma_start3A_458 : memref<10000x32xf32, #tpu.memory_space<vmem_shared>>) target(%dma_start3A_452 : memref<128x32xf32, #tpu.memory_space<vmem>>) offsets(%dma_start3A_455 : memref<128xi32, #tpu.memory_space<vmem>>) semaphore(%arg13 : memref<!tpu.dma_semaphore, #tpu.memory_space<semaphore_mem>>)
          %dma_start3A_459 = arith.constant 2 : i32
          %dma_start3A_460 = arith.constant 2 : i32
          %dma_start3A_461 = arith.constant 0 : i32
          %dma_start3A_462 = arith.constant 0 : i32
          %dma_start3A_463 = tpu.memref_slice %arg8[%dma_start3A_460, %dma_start3A_461, %dma_start3A_462] : memref<5x128x32xf32, #tpu.memory_space<vmem>> -> memref<1x128x32xf32, #tpu.memory_space<vmem>>
          %dma_start3A_464 = tpu.memref_squeeze %dma_start3A_463 : memref<1x128x32xf32, #tpu.memory_space<vmem>> -> memref<128x32xf32, #tpu.memory_space<vmem>>
          %dma_start3A_465 = arith.constant 0 : i32
          %dma_start3A_466 = tpu.memref_slice %arg6[%add3A_434, %dma_start3A_459, %dma_start3A_465] : memref<32x5x128xi32, #tpu.memory_space<vmem>> -> memref<1x1x128xi32, #tpu.memory_space<vmem>>
          %dma_start3A_467 = tpu.memref_squeeze %dma_start3A_466 : memref<1x1x128xi32, #tpu.memory_space<vmem>> -> memref<128xi32, #tpu.memory_space<vmem>>
          %dma_start3A_468 = arith.constant 0 : i32
          %dma_start3A_469 = arith.constant 0 : i32
          %dma_start3A_470 = tpu.memref_slice %arg12[%dma_start3A_468, %dma_start3A_469] : memref<10000x32xf32, #tpu.memory_space<vmem_shared>> -> memref<10000x32xf32, #tpu.memory_space<vmem_shared>>
          tpu.enqueue_indirect_dma source(%dma_start3A_470 : memref<10000x32xf32, #tpu.memory_space<vmem_shared>>) target(%dma_start3A_464 : memref<128x32xf32, #tpu.memory_space<vmem>>) offsets(%dma_start3A_467 : memref<128xi32, #tpu.memory_space<vmem>>) semaphore(%arg13 : memref<!tpu.dma_semaphore, #tpu.memory_space<semaphore_mem>>)
          %dma_start3A_471 = arith.constant 3 : i32
          %dma_start3A_472 = arith.constant 3 : i32
          %dma_start3A_473 = arith.constant 0 : i32
          %dma_start3A_474 = arith.constant 0 : i32
          %dma_start3A_475 = tpu.memref_slice %arg8[%dma_start3A_472, %dma_start3A_473, %dma_start3A_474] : memref<5x128x32xf32, #tpu.memory_space<vmem>> -> memref<1x128x32xf32, #tpu.memory_space<vmem>>
          %dma_start3A_476 = tpu.memref_squeeze %dma_start3A_475 : memref<1x128x32xf32, #tpu.memory_space<vmem>> -> memref<128x32xf32, #tpu.memory_space<vmem>>
          %dma_start3A_477 = arith.constant 0 : i32
          %dma_start3A_478 = tpu.memref_slice %arg6[%add3A_434, %dma_start3A_471, %dma_start3A_477] : memref<32x5x128xi32, #tpu.memory_space<vmem>> -> memref<1x1x128xi32, #tpu.memory_space<vmem>>
          %dma_start3A_479 = tpu.memref_squeeze %dma_start3A_478 : memref<1x1x128xi32, #tpu.memory_space<vmem>> -> memref<128xi32, #tpu.memory_space<vmem>>
          %dma_start3A_480 = arith.constant 0 : i32
          %dma_start3A_481 = arith.constant 0 : i32
          %dma_start3A_482 = tpu.memref_slice %arg12[%dma_start3A_480, %dma_start3A_481] : memref<10000x32xf32, #tpu.memory_space<vmem_shared>> -> memref<10000x32xf32, #tpu.memory_space<vmem_shared>>
          tpu.enqueue_indirect_dma source(%dma_start3A_482 : memref<10000x32xf32, #tpu.memory_space<vmem_shared>>) target(%dma_start3A_476 : memref<128x32xf32, #tpu.memory_space<vmem>>) offsets(%dma_start3A_479 : memref<128xi32, #tpu.memory_space<vmem>>) semaphore(%arg13 : memref<!tpu.dma_semaphore, #tpu.memory_space<semaphore_mem>>)
          %dma_start3A_483 = arith.constant 4 : i32
          %dma_start3A_484 = arith.constant 4 : i32
          %dma_start3A_485 = arith.constant 0 : i32
          %dma_start3A_486 = arith.constant 0 : i32
          %dma_start3A_487 = tpu.memref_slice %arg8[%dma_start3A_484, %dma_start3A_485, %dma_start3A_486] : memref<5x128x32xf32, #tpu.memory_space<vmem>> -> memref<1x128x32xf32, #tpu.memory_space<vmem>>
          %dma_start3A_488 = tpu.memref_squeeze %dma_start3A_487 : memref<1x128x32xf32, #tpu.memory_space<vmem>> -> memref<128x32xf32, #tpu.memory_space<vmem>>
          %dma_start3A_489 = arith.constant 0 : i32
          %dma_start3A_490 = tpu.memref_slice %arg6[%add3A_434, %dma_start3A_483, %dma_start3A_489] : memref<32x5x128xi32, #tpu.memory_space<vmem>> -> memref<1x1x128xi32, #tpu.memory_space<vmem>>
          %dma_start3A_491 = tpu.memref_squeeze %dma_start3A_490 : memref<1x1x128xi32, #tpu.memory_space<vmem>> -> memref<128xi32, #tpu.memory_space<vmem>>
          %dma_start3A_492 = arith.constant 0 : i32
          %dma_start3A_493 = arith.constant 0 : i32
          %dma_start3A_494 = tpu.memref_slice %arg12[%dma_start3A_492, %dma_start3A_493] : memref<10000x32xf32, #tpu.memory_space<vmem_shared>> -> memref<10000x32xf32, #tpu.memory_space<vmem_shared>>
          tpu.enqueue_indirect_dma source(%dma_start3A_494 : memref<10000x32xf32, #tpu.memory_space<vmem_shared>>) target(%dma_start3A_488 : memref<128x32xf32, #tpu.memory_space<vmem>>) offsets(%dma_start3A_491 : memref<128xi32, #tpu.memory_space<vmem>>) semaphore(%arg13 : memref<!tpu.dma_semaphore, #tpu.memory_space<semaphore_mem>>)
        } else {
        }
        %dma_wait3A_308 = arith.constant 0 : i32
        %dma_wait3A_309 = arith.constant 0 : i32
        %dma_wait3A_310 = arith.constant 0 : i32
        %dma_wait3A_311 = arith.constant 0 : i32
        %dma_wait3A_312 = arith.constant 0 : i32
        %dma_wait3A_313 = tpu.memref_slice %arg9[%dma_wait3A_310, %dma_wait3A_311, %dma_wait3A_312] : memref<5x128x32xf32, #tpu.memory_space<vmem>> -> memref<1x128x32xf32, #tpu.memory_space<vmem>>
        %dma_wait3A_314 = tpu.memref_squeeze %dma_wait3A_313 : memref<1x128x32xf32, #tpu.memory_space<vmem>> -> memref<128x32xf32, #tpu.memory_space<vmem>>
        %dma_wait3A_315 = arith.constant 0 : i32
        %dma_wait3A_316 = tpu.memref_slice %arg6[%dma_wait3A_308, %dma_wait3A_309, %dma_wait3A_315] : memref<32x5x128xi32, #tpu.memory_space<vmem>> -> memref<1x1x128xi32, #tpu.memory_space<vmem>>
        %dma_wait3A_317 = tpu.memref_squeeze %dma_wait3A_316 : memref<1x1x128xi32, #tpu.memory_space<vmem>> -> memref<128xi32, #tpu.memory_space<vmem>>
        %dma_wait3A_318 = arith.constant 0 : i32
        %dma_wait3A_319 = arith.constant 0 : i32
        %dma_wait3A_320 = tpu.memref_slice %arg12[%dma_wait3A_318, %dma_wait3A_319] : memref<10000x32xf32, #tpu.memory_space<vmem_shared>> -> memref<10000x32xf32, #tpu.memory_space<vmem_shared>>
        tpu.wait_indirect_dma semaphore(%arg14 : memref<!tpu.dma_semaphore, #tpu.memory_space<semaphore_mem>>) src(%dma_wait3A_320 : memref<10000x32xf32, #tpu.memory_space<vmem_shared>>) dst(%dma_wait3A_314 : memref<128x32xf32, #tpu.memory_space<vmem>>)
        %dma_wait3A_321 = arith.constant 0 : i32
        %dma_wait3A_322 = arith.constant 1 : i32
        %dma_wait3A_323 = arith.constant 1 : i32
        %dma_wait3A_324 = arith.constant 0 : i32
        %dma_wait3A_325 = arith.constant 0 : i32
        %dma_wait3A_326 = tpu.memref_slice %arg9[%dma_wait3A_323, %dma_wait3A_324, %dma_wait3A_325] : memref<5x128x32xf32, #tpu.memory_space<vmem>> -> memref<1x128x32xf32, #tpu.memory_space<vmem>>
        %dma_wait3A_327 = tpu.memref_squeeze %dma_wait3A_326 : memref<1x128x32xf32, #tpu.memory_space<vmem>> -> memref<128x32xf32, #tpu.memory_space<vmem>>
        %dma_wait3A_328 = arith.constant 0 : i32
        %dma_wait3A_329 = tpu.memref_slice %arg6[%dma_wait3A_321, %dma_wait3A_322, %dma_wait3A_328] : memref<32x5x128xi32, #tpu.memory_space<vmem>> -> memref<1x1x128xi32, #tpu.memory_space<vmem>>
        %dma_wait3A_330 = tpu.memref_squeeze %dma_wait3A_329 : memref<1x1x128xi32, #tpu.memory_space<vmem>> -> memref<128xi32, #tpu.memory_space<vmem>>
        %dma_wait3A_331 = arith.constant 0 : i32
        %dma_wait3A_332 = arith.constant 0 : i32
        %dma_wait3A_333 = tpu.memref_slice %arg12[%dma_wait3A_331, %dma_wait3A_332] : memref<10000x32xf32, #tpu.memory_space<vmem_shared>> -> memref<10000x32xf32, #tpu.memory_space<vmem_shared>>
        tpu.wait_indirect_dma semaphore(%arg14 : memref<!tpu.dma_semaphore, #tpu.memory_space<semaphore_mem>>) src(%dma_wait3A_333 : memref<10000x32xf32, #tpu.memory_space<vmem_shared>>) dst(%dma_wait3A_327 : memref<128x32xf32, #tpu.memory_space<vmem>>)
        %dma_wait3A_334 = arith.constant 0 : i32
        %dma_wait3A_335 = arith.constant 2 : i32
        %dma_wait3A_336 = arith.constant 2 : i32
        %dma_wait3A_337 = arith.constant 0 : i32
        %dma_wait3A_338 = arith.constant 0 : i32
        %dma_wait3A_339 = tpu.memref_slice %arg9[%dma_wait3A_336, %dma_wait3A_337, %dma_wait3A_338] : memref<5x128x32xf32, #tpu.memory_space<vmem>> -> memref<1x128x32xf32, #tpu.memory_space<vmem>>
        %dma_wait3A_340 = tpu.memref_squeeze %dma_wait3A_339 : memref<1x128x32xf32, #tpu.memory_space<vmem>> -> memref<128x32xf32, #tpu.memory_space<vmem>>
        %dma_wait3A_341 = arith.constant 0 : i32
        %dma_wait3A_342 = tpu.memref_slice %arg6[%dma_wait3A_334, %dma_wait3A_335, %dma_wait3A_341] : memref<32x5x128xi32, #tpu.memory_space<vmem>> -> memref<1x1x128xi32, #tpu.memory_space<vmem>>
        %dma_wait3A_343 = tpu.memref_squeeze %dma_wait3A_342 : memref<1x1x128xi32, #tpu.memory_space<vmem>> -> memref<128xi32, #tpu.memory_space<vmem>>
        %dma_wait3A_344 = arith.constant 0 : i32
        %dma_wait3A_345 = arith.constant 0 : i32
        %dma_wait3A_346 = tpu.memref_slice %arg12[%dma_wait3A_344, %dma_wait3A_345] : memref<10000x32xf32, #tpu.memory_space<vmem_shared>> -> memref<10000x32xf32, #tpu.memory_space<vmem_shared>>
        tpu.wait_indirect_dma semaphore(%arg14 : memref<!tpu.dma_semaphore, #tpu.memory_space<semaphore_mem>>) src(%dma_wait3A_346 : memref<10000x32xf32, #tpu.memory_space<vmem_shared>>) dst(%dma_wait3A_340 : memref<128x32xf32, #tpu.memory_space<vmem>>)
        %dma_wait3A_347 = arith.constant 0 : i32
        %dma_wait3A_348 = arith.constant 3 : i32
        %dma_wait3A_349 = arith.constant 3 : i32
        %dma_wait3A_350 = arith.constant 0 : i32
        %dma_wait3A_351 = arith.constant 0 : i32
        %dma_wait3A_352 = tpu.memref_slice %arg9[%dma_wait3A_349, %dma_wait3A_350, %dma_wait3A_351] : memref<5x128x32xf32, #tpu.memory_space<vmem>> -> memref<1x128x32xf32, #tpu.memory_space<vmem>>
        %dma_wait3A_353 = tpu.memref_squeeze %dma_wait3A_352 : memref<1x128x32xf32, #tpu.memory_space<vmem>> -> memref<128x32xf32, #tpu.memory_space<vmem>>
        %dma_wait3A_354 = arith.constant 0 : i32
        %dma_wait3A_355 = tpu.memref_slice %arg6[%dma_wait3A_347, %dma_wait3A_348, %dma_wait3A_354] : memref<32x5x128xi32, #tpu.memory_space<vmem>> -> memref<1x1x128xi32, #tpu.memory_space<vmem>>
        %dma_wait3A_356 = tpu.memref_squeeze %dma_wait3A_355 : memref<1x1x128xi32, #tpu.memory_space<vmem>> -> memref<128xi32, #tpu.memory_space<vmem>>
        %dma_wait3A_357 = arith.constant 0 : i32
        %dma_wait3A_358 = arith.constant 0 : i32
        %dma_wait3A_359 = tpu.memref_slice %arg12[%dma_wait3A_357, %dma_wait3A_358] : memref<10000x32xf32, #tpu.memory_space<vmem_shared>> -> memref<10000x32xf32, #tpu.memory_space<vmem_shared>>
        tpu.wait_indirect_dma semaphore(%arg14 : memref<!tpu.dma_semaphore, #tpu.memory_space<semaphore_mem>>) src(%dma_wait3A_359 : memref<10000x32xf32, #tpu.memory_space<vmem_shared>>) dst(%dma_wait3A_353 : memref<128x32xf32, #tpu.memory_space<vmem>>)
        %dma_wait3A_360 = arith.constant 0 : i32
        %dma_wait3A_361 = arith.constant 4 : i32
        %dma_wait3A_362 = arith.constant 4 : i32
        %dma_wait3A_363 = arith.constant 0 : i32
        %dma_wait3A_364 = arith.constant 0 : i32
        %dma_wait3A_365 = tpu.memref_slice %arg9[%dma_wait3A_362, %dma_wait3A_363, %dma_wait3A_364] : memref<5x128x32xf32, #tpu.memory_space<vmem>> -> memref<1x128x32xf32, #tpu.memory_space<vmem>>
        %dma_wait3A_366 = tpu.memref_squeeze %dma_wait3A_365 : memref<1x128x32xf32, #tpu.memory_space<vmem>> -> memref<128x32xf32, #tpu.memory_space<vmem>>
        %dma_wait3A_367 = arith.constant 0 : i32
        %dma_wait3A_368 = tpu.memref_slice %arg6[%dma_wait3A_360, %dma_wait3A_361, %dma_wait3A_367] : memref<32x5x128xi32, #tpu.memory_space<vmem>> -> memref<1x1x128xi32, #tpu.memory_space<vmem>>
        %dma_wait3A_369 = tpu.memref_squeeze %dma_wait3A_368 : memref<1x1x128xi32, #tpu.memory_space<vmem>> -> memref<128xi32, #tpu.memory_space<vmem>>
        %dma_wait3A_370 = arith.constant 0 : i32
        %dma_wait3A_371 = arith.constant 0 : i32
        %dma_wait3A_372 = tpu.memref_slice %arg12[%dma_wait3A_370, %dma_wait3A_371] : memref<10000x32xf32, #tpu.memory_space<vmem_shared>> -> memref<10000x32xf32, #tpu.memory_space<vmem_shared>>
        tpu.wait_indirect_dma semaphore(%arg14 : memref<!tpu.dma_semaphore, #tpu.memory_space<semaphore_mem>>) src(%dma_wait3A_372 : memref<10000x32xf32, #tpu.memory_space<vmem_shared>>) dst(%dma_wait3A_366 : memref<128x32xf32, #tpu.memory_space<vmem>>)
        %dma_start3A_373 = arith.constant 0 : i32
        %dma_start3A_374 = arith.constant 0 : i32
        %dma_start3A_375 = arith.constant 0 : i32
        %dma_start3A_376 = arith.constant 0 : i32
        %dma_start3A_377 = tpu.memref_slice %arg9[%dma_start3A_373, %dma_start3A_375, %dma_start3A_376] : memref<5x128x32xf32, #tpu.memory_space<vmem>> -> memref<1x128x32xf32, #tpu.memory_space<vmem>>
        %dma_start3A_378 = tpu.memref_squeeze %dma_start3A_377 : memref<1x128x32xf32, #tpu.memory_space<vmem>> -> memref<128x32xf32, #tpu.memory_space<vmem>>
        %dma_start3A_379 = arith.constant 0 : i32
        %dma_start3A_380 = tpu.memref_slice %arg7[%scan3A_283, %dma_start3A_374, %dma_start3A_379] : memref<32x5x128xi32, #tpu.memory_space<vmem>> -> memref<1x1x128xi32, #tpu.memory_space<vmem>>
        %dma_start3A_381 = tpu.memref_squeeze %dma_start3A_380 : memref<1x1x128xi32, #tpu.memory_space<vmem>> -> memref<128xi32, #tpu.memory_space<vmem>>
        %dma_start3A_382 = arith.constant 0 : i32
        %dma_start3A_383 = arith.constant 0 : i32
        %dma_start3A_384 = tpu.memref_slice %arg11[%dma_start3A_382, %dma_start3A_383] : memref<10240x32xf32, #tpu.memory_space<vmem_shared>> -> memref<10240x32xf32, #tpu.memory_space<vmem_shared>>
        tpu.enqueue_indirect_dma source(%dma_start3A_378 : memref<128x32xf32, #tpu.memory_space<vmem>>) target(%dma_start3A_384 : memref<10240x32xf32, #tpu.memory_space<vmem_shared>>) offsets(%dma_start3A_381 : memref<128xi32, #tpu.memory_space<vmem>>) semaphore(%arg16 : memref<!tpu.dma_semaphore, #tpu.memory_space<semaphore_mem>>) {add = true}
        %dma_start3A_385 = arith.constant 1 : i32
        %dma_start3A_386 = arith.constant 1 : i32
        %dma_start3A_387 = arith.constant 0 : i32
        %dma_start3A_388 = arith.constant 0 : i32
        %dma_start3A_389 = tpu.memref_slice %arg9[%dma_start3A_385, %dma_start3A_387, %dma_start3A_388] : memref<5x128x32xf32, #tpu.memory_space<vmem>> -> memref<1x128x32xf32, #tpu.memory_space<vmem>>
        %dma_start3A_390 = tpu.memref_squeeze %dma_start3A_389 : memref<1x128x32xf32, #tpu.memory_space<vmem>> -> memref<128x32xf32, #tpu.memory_space<vmem>>
        %dma_start3A_391 = arith.constant 0 : i32
        %dma_start3A_392 = tpu.memref_slice %arg7[%scan3A_283, %dma_start3A_386, %dma_start3A_391] : memref<32x5x128xi32, #tpu.memory_space<vmem>> -> memref<1x1x128xi32, #tpu.memory_space<vmem>>
        %dma_start3A_393 = tpu.memref_squeeze %dma_start3A_392 : memref<1x1x128xi32, #tpu.memory_space<vmem>> -> memref<128xi32, #tpu.memory_space<vmem>>
        %dma_start3A_394 = arith.constant 0 : i32
        %dma_start3A_395 = arith.constant 0 : i32
        %dma_start3A_396 = tpu.memref_slice %arg11[%dma_start3A_394, %dma_start3A_395] : memref<10240x32xf32, #tpu.memory_space<vmem_shared>> -> memref<10240x32xf32, #tpu.memory_space<vmem_shared>>
        tpu.enqueue_indirect_dma source(%dma_start3A_390 : memref<128x32xf32, #tpu.memory_space<vmem>>) target(%dma_start3A_396 : memref<10240x32xf32, #tpu.memory_space<vmem_shared>>) offsets(%dma_start3A_393 : memref<128xi32, #tpu.memory_space<vmem>>) semaphore(%arg16 : memref<!tpu.dma_semaphore, #tpu.memory_space<semaphore_mem>>) {add = true}
        %dma_start3A_397 = arith.constant 2 : i32
        %dma_start3A_398 = arith.constant 2 : i32
        %dma_start3A_399 = arith.constant 0 : i32
        %dma_start3A_400 = arith.constant 0 : i32
        %dma_start3A_401 = tpu.memref_slice %arg9[%dma_start3A_397, %dma_start3A_399, %dma_start3A_400] : memref<5x128x32xf32, #tpu.memory_space<vmem>> -> memref<1x128x32xf32, #tpu.memory_space<vmem>>
        %dma_start3A_402 = tpu.memref_squeeze %dma_start3A_401 : memref<1x128x32xf32, #tpu.memory_space<vmem>> -> memref<128x32xf32, #tpu.memory_space<vmem>>
        %dma_start3A_403 = arith.constant 0 : i32
        %dma_start3A_404 = tpu.memref_slice %arg7[%scan3A_283, %dma_start3A_398, %dma_start3A_403] : memref<32x5x128xi32, #tpu.memory_space<vmem>> -> memref<1x1x128xi32, #tpu.memory_space<vmem>>
        %dma_start3A_405 = tpu.memref_squeeze %dma_start3A_404 : memref<1x1x128xi32, #tpu.memory_space<vmem>> -> memref<128xi32, #tpu.memory_space<vmem>>
        %dma_start3A_406 = arith.constant 0 : i32
        %dma_start3A_407 = arith.constant 0 : i32
        %dma_start3A_408 = tpu.memref_slice %arg11[%dma_start3A_406, %dma_start3A_407] : memref<10240x32xf32, #tpu.memory_space<vmem_shared>> -> memref<10240x32xf32, #tpu.memory_space<vmem_shared>>
        tpu.enqueue_indirect_dma source(%dma_start3A_402 : memref<128x32xf32, #tpu.memory_space<vmem>>) target(%dma_start3A_408 : memref<10240x32xf32, #tpu.memory_space<vmem_shared>>) offsets(%dma_start3A_405 : memref<128xi32, #tpu.memory_space<vmem>>) semaphore(%arg16 : memref<!tpu.dma_semaphore, #tpu.memory_space<semaphore_mem>>) {add = true}
        %dma_start3A_409 = arith.constant 3 : i32
        %dma_start3A_410 = arith.constant 3 : i32
        %dma_start3A_411 = arith.constant 0 : i32
        %dma_start3A_412 = arith.constant 0 : i32
        %dma_start3A_413 = tpu.memref_slice %arg9[%dma_start3A_409, %dma_start3A_411, %dma_start3A_412] : memref<5x128x32xf32, #tpu.memory_space<vmem>> -> memref<1x128x32xf32, #tpu.memory_space<vmem>>
        %dma_start3A_414 = tpu.memref_squeeze %dma_start3A_413 : memref<1x128x32xf32, #tpu.memory_space<vmem>> -> memref<128x32xf32, #tpu.memory_space<vmem>>
        %dma_start3A_415 = arith.constant 0 : i32
        %dma_start3A_416 = tpu.memref_slice %arg7[%scan3A_283, %dma_start3A_410, %dma_start3A_415] : memref<32x5x128xi32, #tpu.memory_space<vmem>> -> memref<1x1x128xi32, #tpu.memory_space<vmem>>
        %dma_start3A_417 = tpu.memref_squeeze %dma_start3A_416 : memref<1x1x128xi32, #tpu.memory_space<vmem>> -> memref<128xi32, #tpu.memory_space<vmem>>
        %dma_start3A_418 = arith.constant 0 : i32
        %dma_start3A_419 = arith.constant 0 : i32
        %dma_start3A_420 = tpu.memref_slice %arg11[%dma_start3A_418, %dma_start3A_419] : memref<10240x32xf32, #tpu.memory_space<vmem_shared>> -> memref<10240x32xf32, #tpu.memory_space<vmem_shared>>
        tpu.enqueue_indirect_dma source(%dma_start3A_414 : memref<128x32xf32, #tpu.memory_space<vmem>>) target(%dma_start3A_420 : memref<10240x32xf32, #tpu.memory_space<vmem_shared>>) offsets(%dma_start3A_417 : memref<128xi32, #tpu.memory_space<vmem>>) semaphore(%arg16 : memref<!tpu.dma_semaphore, #tpu.memory_space<semaphore_mem>>) {add = true}
        %dma_start3A_421 = arith.constant 4 : i32
        %dma_start3A_422 = arith.constant 4 : i32
        %dma_start3A_423 = arith.constant 0 : i32
        %dma_start3A_424 = arith.constant 0 : i32
        %dma_start3A_425 = tpu.memref_slice %arg9[%dma_start3A_421, %dma_start3A_423, %dma_start3A_424] : memref<5x128x32xf32, #tpu.memory_space<vmem>> -> memref<1x128x32xf32, #tpu.memory_space<vmem>>
        %dma_start3A_426 = tpu.memref_squeeze %dma_start3A_425 : memref<1x128x32xf32, #tpu.memory_space<vmem>> -> memref<128x32xf32, #tpu.memory_space<vmem>>
        %dma_start3A_427 = arith.constant 0 : i32
        %dma_start3A_428 = tpu.memref_slice %arg7[%scan3A_283, %dma_start3A_422, %dma_start3A_427] : memref<32x5x128xi32, #tpu.memory_space<vmem>> -> memref<1x1x128xi32, #tpu.memory_space<vmem>>
        %dma_start3A_429 = tpu.memref_squeeze %dma_start3A_428 : memref<1x1x128xi32, #tpu.memory_space<vmem>> -> memref<128xi32, #tpu.memory_space<vmem>>
        %dma_start3A_430 = arith.constant 0 : i32
        %dma_start3A_431 = arith.constant 0 : i32
        %dma_start3A_432 = tpu.memref_slice %arg11[%dma_start3A_430, %dma_start3A_431] : memref<10240x32xf32, #tpu.memory_space<vmem_shared>> -> memref<10240x32xf32, #tpu.memory_space<vmem_shared>>
        tpu.enqueue_indirect_dma source(%dma_start3A_426 : memref<128x32xf32, #tpu.memory_space<vmem>>) target(%dma_start3A_432 : memref<10240x32xf32, #tpu.memory_space<vmem_shared>>) offsets(%dma_start3A_429 : memref<128xi32, #tpu.memory_space<vmem>>) semaphore(%arg16 : memref<!tpu.dma_semaphore, #tpu.memory_space<semaphore_mem>>) {add = true}
      } else {
      }
    }
    %scan3A_212 = arith.constant 32 : i32
    %dma_wait3A_213 = arith.constant 0 : i32
    %dma_wait3A_214 = arith.constant 31 : i32
    %dma_wait3A_215 = arith.constant 0 : i32
    %dma_wait3A_216 = arith.constant 0 : i32
    %dma_wait3A_217 = arith.constant 0 : i32
    %dma_wait3A_218 = tpu.memref_slice %arg9[%dma_wait3A_213, %dma_wait3A_216, %dma_wait3A_217] : memref<5x128x32xf32, #tpu.memory_space<vmem>> -> memref<1x128x32xf32, #tpu.memory_space<vmem>>
    %dma_wait3A_219 = tpu.memref_squeeze %dma_wait3A_218 : memref<1x128x32xf32, #tpu.memory_space<vmem>> -> memref<128x32xf32, #tpu.memory_space<vmem>>
    %dma_wait3A_220 = arith.constant 0 : i32
    %dma_wait3A_221 = tpu.memref_slice %arg7[%dma_wait3A_214, %dma_wait3A_215, %dma_wait3A_220] : memref<32x5x128xi32, #tpu.memory_space<vmem>> -> memref<1x1x128xi32, #tpu.memory_space<vmem>>
    %dma_wait3A_222 = tpu.memref_squeeze %dma_wait3A_221 : memref<1x1x128xi32, #tpu.memory_space<vmem>> -> memref<128xi32, #tpu.memory_space<vmem>>
    %dma_wait3A_223 = arith.constant 0 : i32
    %dma_wait3A_224 = arith.constant 0 : i32
    %dma_wait3A_225 = tpu.memref_slice %arg11[%dma_wait3A_223, %dma_wait3A_224] : memref<10240x32xf32, #tpu.memory_space<vmem_shared>> -> memref<10240x32xf32, #tpu.memory_space<vmem_shared>>
    tpu.wait_indirect_dma semaphore(%arg16 : memref<!tpu.dma_semaphore, #tpu.memory_space<semaphore_mem>>) src(%dma_wait3A_219 : memref<128x32xf32, #tpu.memory_space<vmem>>) dst(%dma_wait3A_225 : memref<10240x32xf32, #tpu.memory_space<vmem_shared>>)
    %dma_wait3A_226 = arith.constant 1 : i32
    %dma_wait3A_227 = arith.constant 31 : i32
    %dma_wait3A_228 = arith.constant 1 : i32
    %dma_wait3A_229 = arith.constant 0 : i32
    %dma_wait3A_230 = arith.constant 0 : i32
    %dma_wait3A_231 = tpu.memref_slice %arg9[%dma_wait3A_226, %dma_wait3A_229, %dma_wait3A_230] : memref<5x128x32xf32, #tpu.memory_space<vmem>> -> memref<1x128x32xf32, #tpu.memory_space<vmem>>
    %dma_wait3A_232 = tpu.memref_squeeze %dma_wait3A_231 : memref<1x128x32xf32, #tpu.memory_space<vmem>> -> memref<128x32xf32, #tpu.memory_space<vmem>>
    %dma_wait3A_233 = arith.constant 0 : i32
    %dma_wait3A_234 = tpu.memref_slice %arg7[%dma_wait3A_227, %dma_wait3A_228, %dma_wait3A_233] : memref<32x5x128xi32, #tpu.memory_space<vmem>> -> memref<1x1x128xi32, #tpu.memory_space<vmem>>
    %dma_wait3A_235 = tpu.memref_squeeze %dma_wait3A_234 : memref<1x1x128xi32, #tpu.memory_space<vmem>> -> memref<128xi32, #tpu.memory_space<vmem>>
    %dma_wait3A_236 = arith.constant 0 : i32
    %dma_wait3A_237 = arith.constant 0 : i32
    %dma_wait3A_238 = tpu.memref_slice %arg11[%dma_wait3A_236, %dma_wait3A_237] : memref<10240x32xf32, #tpu.memory_space<vmem_shared>> -> memref<10240x32xf32, #tpu.memory_space<vmem_shared>>
    tpu.wait_indirect_dma semaphore(%arg16 : memref<!tpu.dma_semaphore, #tpu.memory_space<semaphore_mem>>) src(%dma_wait3A_232 : memref<128x32xf32, #tpu.memory_space<vmem>>) dst(%dma_wait3A_238 : memref<10240x32xf32, #tpu.memory_space<vmem_shared>>)
    %dma_wait3A_239 = arith.constant 2 : i32
    %dma_wait3A_240 = arith.constant 31 : i32
    %dma_wait3A_241 = arith.constant 2 : i32
    %dma_wait3A_242 = arith.constant 0 : i32
    %dma_wait3A_243 = arith.constant 0 : i32
    %dma_wait3A_244 = tpu.memref_slice %arg9[%dma_wait3A_239, %dma_wait3A_242, %dma_wait3A_243] : memref<5x128x32xf32, #tpu.memory_space<vmem>> -> memref<1x128x32xf32, #tpu.memory_space<vmem>>
    %dma_wait3A_245 = tpu.memref_squeeze %dma_wait3A_244 : memref<1x128x32xf32, #tpu.memory_space<vmem>> -> memref<128x32xf32, #tpu.memory_space<vmem>>
    %dma_wait3A_246 = arith.constant 0 : i32
    %dma_wait3A_247 = tpu.memref_slice %arg7[%dma_wait3A_240, %dma_wait3A_241, %dma_wait3A_246] : memref<32x5x128xi32, #tpu.memory_space<vmem>> -> memref<1x1x128xi32, #tpu.memory_space<vmem>>
    %dma_wait3A_248 = tpu.memref_squeeze %dma_wait3A_247 : memref<1x1x128xi32, #tpu.memory_space<vmem>> -> memref<128xi32, #tpu.memory_space<vmem>>
    %dma_wait3A_249 = arith.constant 0 : i32
    %dma_wait3A_250 = arith.constant 0 : i32
    %dma_wait3A_251 = tpu.memref_slice %arg11[%dma_wait3A_249, %dma_wait3A_250] : memref<10240x32xf32, #tpu.memory_space<vmem_shared>> -> memref<10240x32xf32, #tpu.memory_space<vmem_shared>>
    tpu.wait_indirect_dma semaphore(%arg16 : memref<!tpu.dma_semaphore, #tpu.memory_space<semaphore_mem>>) src(%dma_wait3A_245 : memref<128x32xf32, #tpu.memory_space<vmem>>) dst(%dma_wait3A_251 : memref<10240x32xf32, #tpu.memory_space<vmem_shared>>)
    %dma_wait3A_252 = arith.constant 3 : i32
    %dma_wait3A_253 = arith.constant 31 : i32
    %dma_wait3A_254 = arith.constant 3 : i32
    %dma_wait3A_255 = arith.constant 0 : i32
    %dma_wait3A_256 = arith.constant 0 : i32
    %dma_wait3A_257 = tpu.memref_slice %arg9[%dma_wait3A_252, %dma_wait3A_255, %dma_wait3A_256] : memref<5x128x32xf32, #tpu.memory_space<vmem>> -> memref<1x128x32xf32, #tpu.memory_space<vmem>>
    %dma_wait3A_258 = tpu.memref_squeeze %dma_wait3A_257 : memref<1x128x32xf32, #tpu.memory_space<vmem>> -> memref<128x32xf32, #tpu.memory_space<vmem>>
    %dma_wait3A_259 = arith.constant 0 : i32
    %dma_wait3A_260 = tpu.memref_slice %arg7[%dma_wait3A_253, %dma_wait3A_254, %dma_wait3A_259] : memref<32x5x128xi32, #tpu.memory_space<vmem>> -> memref<1x1x128xi32, #tpu.memory_space<vmem>>
    %dma_wait3A_261 = tpu.memref_squeeze %dma_wait3A_260 : memref<1x1x128xi32, #tpu.memory_space<vmem>> -> memref<128xi32, #tpu.memory_space<vmem>>
    %dma_wait3A_262 = arith.constant 0 : i32
    %dma_wait3A_263 = arith.constant 0 : i32
    %dma_wait3A_264 = tpu.memref_slice %arg11[%dma_wait3A_262, %dma_wait3A_263] : memref<10240x32xf32, #tpu.memory_space<vmem_shared>> -> memref<10240x32xf32, #tpu.memory_space<vmem_shared>>
    tpu.wait_indirect_dma semaphore(%arg16 : memref<!tpu.dma_semaphore, #tpu.memory_space<semaphore_mem>>) src(%dma_wait3A_258 : memref<128x32xf32, #tpu.memory_space<vmem>>) dst(%dma_wait3A_264 : memref<10240x32xf32, #tpu.memory_space<vmem_shared>>)
    %dma_wait3A_265 = arith.constant 4 : i32
    %dma_wait3A_266 = arith.constant 31 : i32
    %dma_wait3A_267 = arith.constant 4 : i32
    %dma_wait3A_268 = arith.constant 0 : i32
    %dma_wait3A_269 = arith.constant 0 : i32
    %dma_wait3A_270 = tpu.memref_slice %arg9[%dma_wait3A_265, %dma_wait3A_268, %dma_wait3A_269] : memref<5x128x32xf32, #tpu.memory_space<vmem>> -> memref<1x128x32xf32, #tpu.memory_space<vmem>>
    %dma_wait3A_271 = tpu.memref_squeeze %dma_wait3A_270 : memref<1x128x32xf32, #tpu.memory_space<vmem>> -> memref<128x32xf32, #tpu.memory_space<vmem>>
    %dma_wait3A_272 = arith.constant 0 : i32
    %dma_wait3A_273 = tpu.memref_slice %arg7[%dma_wait3A_266, %dma_wait3A_267, %dma_wait3A_272] : memref<32x5x128xi32, #tpu.memory_space<vmem>> -> memref<1x1x128xi32, #tpu.memory_space<vmem>>
    %dma_wait3A_274 = tpu.memref_squeeze %dma_wait3A_273 : memref<1x1x128xi32, #tpu.memory_space<vmem>> -> memref<128xi32, #tpu.memory_space<vmem>>
    %dma_wait3A_275 = arith.constant 0 : i32
    %dma_wait3A_276 = arith.constant 0 : i32
    %dma_wait3A_277 = tpu.memref_slice %arg11[%dma_wait3A_275, %dma_wait3A_276] : memref<10240x32xf32, #tpu.memory_space<vmem_shared>> -> memref<10240x32xf32, #tpu.memory_space<vmem_shared>>
    tpu.wait_indirect_dma semaphore(%arg16 : memref<!tpu.dma_semaphore, #tpu.memory_space<semaphore_mem>>) src(%dma_wait3A_271 : memref<128x32xf32, #tpu.memory_space<vmem>>) dst(%dma_wait3A_277 : memref<10240x32xf32, #tpu.memory_space<vmem_shared>>)
    %barrier3A_278 = arith.constant 0 : index
    tpu.barrier barrier_id(%barrier3A_278)
    %mul3A_279 = arith.constant 640 : i32
    %mul3A_280 = arith.muli %arg1, %mul3A_279 : i32
    %mul3A_281 = arith.constant 640 : i32
    %mul3A_282 = arith.muli %arg1, %mul3A_281 : i32
    "tpu.region"() ({
      %run_scoped3A = tpu.sem_alloc : memref<!tpu.dma_semaphore, #tpu.memory_space<semaphore_mem>>
      %dma_start3A_283 = arith.constant 0 : i32
      %dma_start3A_284 = tpu.memref_slice %arg5[%arg0, %mul3A_282, %dma_start3A_283] : memref<2x10240x32xf32, #tpu.memory_space<hbm>> -> memref<1x640x32xf32, #tpu.memory_space<hbm>>
      %dma_start3A_285 = tpu.memref_squeeze %dma_start3A_284 : memref<1x640x32xf32, #tpu.memory_space<hbm>> -> memref<640x32xf32, #tpu.memory_space<hbm>>
      %dma_start3A_286 = arith.constant 0 : i32
      %dma_start3A_287 = tpu.memref_slice %arg11[%mul3A_280, %dma_start3A_286] : memref<10240x32xf32, #tpu.memory_space<vmem_shared>> -> memref<640x32xf32, #tpu.memory_space<vmem_shared>>
      tpu.enqueue_dma source(%dma_start3A_287 : memref<640x32xf32, #tpu.memory_space<vmem_shared>>) target(%dma_start3A_285 : memref<640x32xf32, #tpu.memory_space<hbm>>) target_semaphore(%run_scoped3A : memref<!tpu.dma_semaphore, #tpu.memory_space<semaphore_mem>>)
      %dma_wait3A_288 = arith.constant 0 : i32
      %dma_wait3A_289 = tpu.memref_slice %arg5[%arg0, %mul3A_282, %dma_wait3A_288] : memref<2x10240x32xf32, #tpu.memory_space<hbm>> -> memref<1x640x32xf32, #tpu.memory_space<hbm>>
      %dma_wait3A_290 = tpu.memref_squeeze %dma_wait3A_289 : memref<1x640x32xf32, #tpu.memory_space<hbm>> -> memref<640x32xf32, #tpu.memory_space<hbm>>
      %dma_wait3A_291 = arith.constant 0 : i32
      %dma_wait3A_292 = tpu.memref_slice %arg11[%mul3A_280, %dma_wait3A_291] : memref<10240x32xf32, #tpu.memory_space<vmem_shared>> -> memref<640x32xf32, #tpu.memory_space<vmem_shared>>
      tpu.wait_dma2 semaphore(%run_scoped3A : memref<!tpu.dma_semaphore, #tpu.memory_space<semaphore_mem>>) src(%dma_wait3A_292 : memref<640x32xf32, #tpu.memory_space<vmem_shared>>) dst(%dma_wait3A_290 : memref<640x32xf32, #tpu.memory_space<hbm>>)
      tpu.yield
    }) : () -> ()
    return
  }
}

module attributes {stable_mosaic.version = 14 : i64} {
  func.func @_mm1_body(%arg0: i32, %arg1: memref<1000x128xf32, #tpu.memory_space<vmem>>, %arg2: memref<128x32xf32, #tpu.memory_space<vmem>>, %arg3: memref<1000x32xf32, #tpu.memory_space<vmem>>) attributes {dimension_semantics = [#tpu.dimension_semantics<arbitrary>], iteration_bounds = array<i64: 10>, scalar_prefetch = 0 : i64, scratch_operands = 0 : i64, tpu.core_type = #tpu.core_type<tc>, window_params = [{transform_indices = @transform_0, window_bounds = array<i64: 1000, 128>}, {pipeline_mode = #tpu.pipeline_mode<synchronous>, transform_indices = @transform_1, window_bounds = array<i64: 128, 32>}, {transform_indices = @transform_2, window_bounds = array<i64: 1000, 32>}]} {
    %get3A = arith.constant 0 : index
    %get3A_0 = arith.constant 0 : index
    %get3A_1 = vector.load %arg1[%get3A, %get3A_0] : memref<1000x128xf32, #tpu.memory_space<vmem>>, vector<1000x128xf32>
    %get3A_2 = arith.constant 0 : index
    %get3A_3 = arith.constant 0 : index
    %get3A_4 = vector.load %arg2[%get3A_2, %get3A_3] : memref<128x32xf32, #tpu.memory_space<vmem>>, vector<128x32xf32>
    %dot_general3A = arith.constant dense<0.000000e+00> : vector<1000x32xf32>
    %dot_general3A_5 = tpu.matmul %get3A_1, %get3A_4, %dot_general3A {dimension_numbers = #tpu.dot_dimension_numbers<[1], [0], [0], [1], [0, 0, 1, 1], [], []>, precision = #tpu.contract_precision<fp32>, transpose_lhs_hint = false} : vector<1000x128xf32>, vector<128x32xf32>, vector<1000x32xf32> -> vector<1000x32xf32>
    %swap3A = arith.constant 0 : index
    %swap3A_6 = arith.constant 0 : index
    %swap3A_7 = vector.load %arg3[%swap3A, %swap3A_6] : memref<1000x32xf32, #tpu.memory_space<vmem>>, vector<1000x32xf32>
    tpu.vector_store %arg3[%swap3A, %swap3A_6], %dot_general3A_5 {strides = array<i32>} : memref<1000x32xf32, #tpu.memory_space<vmem>>, vector<1000x32xf32>,
    return
  }
  func.func @transform_0(%arg0: i32) -> (i32, i32) {
    %c0_i32 = arith.constant 0 : i32
    %c0_i32_0 = arith.constant 0 : i32
    return %arg0, %c0_i32 : i32, i32
  }
  func.func @transform_1(%arg0: i32) -> (i32, i32) {
    %c0_i32 = arith.constant 0 : i32
    %c0_i32_0 = arith.constant 0 : i32
    %c0_i32_1 = arith.constant 0 : i32
    return %c0_i32, %c0_i32_0 : i32, i32
  }
  func.func @transform_2(%arg0: i32) -> (i32, i32) {
    %c0_i32 = arith.constant 0 : i32
    %c0_i32_0 = arith.constant 0 : i32
    return %arg0, %c0_i32 : i32, i32
  }
}

module attributes {stable_mosaic.version = 14 : i64} {
  func.func @_relu_mm_body(%arg0: i32, %arg1: memref<1x1000x32xf32, #tpu.memory_space<vmem>>, %arg2: memref<1x1000x32xf32, #tpu.memory_space<vmem>>, %arg3: memref<32x16xf32, #tpu.memory_space<vmem>>, %arg4: memref<1000x16xf32, #tpu.memory_space<vmem>>) attributes {dimension_semantics = [#tpu.dimension_semantics<arbitrary>], iteration_bounds = array<i64: 10>, scalar_prefetch = 0 : i64, scratch_operands = 0 : i64, tpu.core_type = #tpu.core_type<tc>, window_params = [{transform_indices = @transform_0, window_bounds = array<i64: 1, 1000, 32>}, {transform_indices = @transform_1, window_bounds = array<i64: 1, 1000, 32>}, {pipeline_mode = #tpu.pipeline_mode<synchronous>, transform_indices = @transform_2, window_bounds = array<i64: 32, 16>}, {transform_indices = @transform_3, window_bounds = array<i64: 1000, 16>}]} {
    %get3A = arith.constant 0 : index
    %get3A_0 = arith.constant 0 : index
    %get3A_1 = arith.constant 0 : index
    %get3A_2 = vector.load %arg1[%get3A, %get3A_0, %get3A_1] : memref<1x1000x32xf32, #tpu.memory_space<vmem>>, vector<1x1000x32xf32>
    %get3A_3 = vector.shape_cast %get3A_2 : vector<1x1000x32xf32> to vector<1000x32xf32>
    %get3A_4 = arith.constant 0 : index
    %get3A_5 = arith.constant 0 : index
    %get3A_6 = arith.constant 0 : index
    %get3A_7 = vector.load %arg2[%get3A_4, %get3A_5, %get3A_6] : memref<1x1000x32xf32, #tpu.memory_space<vmem>>, vector<1x1000x32xf32>
    %get3A_8 = vector.shape_cast %get3A_7 : vector<1x1000x32xf32> to vector<1000x32xf32>
    %add3A = arith.addf %get3A_3, %get3A_8 : vector<1000x32xf32>
    %max3A = arith.constant 0.000000e+00 : f32
    %max3A_9 = vector.broadcast %max3A : f32 to vector<1000x32xf32>
    %max3A_10 = arith.maximumf %add3A, %max3A_9 : vector<1000x32xf32>
    %get3A_11 = arith.constant 0 : index
    %get3A_12 = arith.constant 0 : index
    %get3A_13 = vector.load %arg3[%get3A_11, %get3A_12] : memref<32x16xf32, #tpu.memory_space<vmem>>, vector<32x16xf32>
    %dot_general3A = arith.constant dense<0.000000e+00> : vector<1000x16xf32>
    %dot_general3A_14 = tpu.matmul %max3A_10, %get3A_13, %dot_general3A {dimension_numbers = #tpu.dot_dimension_numbers<[1], [0], [0], [1], [0, 0, 1, 1], [], []>, precision = #tpu.contract_precision<fp32>, transpose_lhs_hint = false} : vector<1000x32xf32>, vector<32x16xf32>, vector<1000x16xf32> -> vector<1000x16xf32>
    %swap3A = arith.constant 0 : index
    %swap3A_15 = arith.constant 0 : index
    %swap3A_16 = vector.load %arg4[%swap3A, %swap3A_15] : memref<1000x16xf32, #tpu.memory_space<vmem>>, vector<1000x16xf32>
    tpu.vector_store %arg4[%swap3A, %swap3A_15], %dot_general3A_14 {strides = array<i32>} : memref<1000x16xf32, #tpu.memory_space<vmem>>, vector<1000x16xf32>,
    return
  }
  func.func @transform_0(%arg0: i32) -> (i32, i32, i32) {
    %c0_i32 = arith.constant 0 : i32
    %c0_i32_0 = arith.constant 0 : i32
    %c0_i32_1 = arith.constant 0 : i32
    return %c0_i32, %arg0, %c0_i32_0 : i32, i32, i32
  }
  func.func @transform_1(%arg0: i32) -> (i32, i32, i32) {
    %c1_i32 = arith.constant 1 : i32
    %c0_i32 = arith.constant 0 : i32
    %c0_i32_0 = arith.constant 0 : i32
    return %c1_i32, %arg0, %c0_i32 : i32, i32, i32
  }
  func.func @transform_2(%arg0: i32) -> (i32, i32) {
    %c0_i32 = arith.constant 0 : i32
    %c0_i32_0 = arith.constant 0 : i32
    %c0_i32_1 = arith.constant 0 : i32
    return %c0_i32, %c0_i32_0 : i32, i32
  }
  func.func @transform_3(%arg0: i32) -> (i32, i32) {
    %c0_i32 = arith.constant 0 : i32
    %c0_i32_0 = arith.constant 0 : i32
    return %arg0, %c0_i32 : i32, i32
  }
}

module attributes {stable_mosaic.version = 14 : i64} {
  func.func @_decoder_body(%arg0: i32, %arg1: memref<1x400x16xf32, #tpu.memory_space<vmem>>, %arg2: memref<1x400x16xf32, #tpu.memory_space<vmem>>, %arg3: memref<1x10000x16xf32, #tpu.memory_space<vmem>>, %arg4: memref<1x10000x16xf32, #tpu.memory_space<vmem>>, %arg5: memref<400x16xf32, #tpu.memory_space<vmem>>, %arg6: memref<400x10000xf32, #tpu.memory_space<vmem>>) attributes {dimension_semantics = [#tpu.dimension_semantics<arbitrary>], iteration_bounds = array<i64: 25>, scalar_prefetch = 0 : i64, scratch_operands = 0 : i64, tpu.core_type = #tpu.core_type<tc>, window_params = [{transform_indices = @transform_0, window_bounds = array<i64: 1, 400, 16>}, {transform_indices = @transform_1, window_bounds = array<i64: 1, 400, 16>}, {transform_indices = @transform_2, window_bounds = array<i64: 1, 10000, 16>}, {transform_indices = @transform_3, window_bounds = array<i64: 1, 10000, 16>}, {transform_indices = @transform_4, window_bounds = array<i64: 400, 16>}, {transform_indices = @transform_5, window_bounds = array<i64: 400, 10000>}]} {
    %get3A = arith.constant 0 : index
    %get3A_0 = arith.constant 0 : index
    %get3A_1 = arith.constant 0 : index
    %get3A_2 = vector.load %arg1[%get3A, %get3A_0, %get3A_1] : memref<1x400x16xf32, #tpu.memory_space<vmem>>, vector<1x400x16xf32>
    %get3A_3 = vector.shape_cast %get3A_2 : vector<1x400x16xf32> to vector<400x16xf32>
    %get3A_4 = arith.constant 0 : index
    %get3A_5 = arith.constant 0 : index
    %get3A_6 = arith.constant 0 : index
    %get3A_7 = vector.load %arg2[%get3A_4, %get3A_5, %get3A_6] : memref<1x400x16xf32, #tpu.memory_space<vmem>>, vector<1x400x16xf32>
    %get3A_8 = vector.shape_cast %get3A_7 : vector<1x400x16xf32> to vector<400x16xf32>
    %add3A = arith.addf %get3A_3, %get3A_8 : vector<400x16xf32>
    %get3A_9 = arith.constant 0 : index
    %get3A_10 = arith.constant 0 : index
    %get3A_11 = arith.constant 0 : index
    %get3A_12 = vector.load %arg3[%get3A_9, %get3A_10, %get3A_11] : memref<1x10000x16xf32, #tpu.memory_space<vmem>>, vector<1x10000x16xf32>
    %get3A_13 = vector.shape_cast %get3A_12 : vector<1x10000x16xf32> to vector<10000x16xf32>
    %get3A_14 = arith.constant 0 : index
    %get3A_15 = arith.constant 0 : index
    %get3A_16 = arith.constant 0 : index
    %get3A_17 = vector.load %arg4[%get3A_14, %get3A_15, %get3A_16] : memref<1x10000x16xf32, #tpu.memory_space<vmem>>, vector<1x10000x16xf32>
    %get3A_18 = vector.shape_cast %get3A_17 : vector<1x10000x16xf32> to vector<10000x16xf32>
    %add3A_19 = arith.addf %get3A_13, %get3A_18 : vector<10000x16xf32>
    %swap3A = arith.constant 0 : index
    %swap3A_20 = arith.constant 0 : index
    %swap3A_21 = vector.load %arg5[%swap3A, %swap3A_20] : memref<400x16xf32, #tpu.memory_space<vmem>>, vector<400x16xf32>
    tpu.vector_store %arg5[%swap3A, %swap3A_20], %add3A {strides = array<i32>} : memref<400x16xf32, #tpu.memory_space<vmem>>, vector<400x16xf32>,
    %dot_general3A = arith.constant dense<0.000000e+00> : vector<400x10000xf32>
    %dot_general3A_22 = tpu.matmul %add3A, %add3A_19, %dot_general3A {dimension_numbers = #tpu.dot_dimension_numbers<[1], [1], [0], [0], [0, 0, 1, 0], [], []>, transpose_lhs_hint = false} : vector<400x16xf32>, vector<10000x16xf32>, vector<400x10000xf32> -> vector<400x10000xf32>
    %swap3A_23 = arith.constant 0 : index
    %swap3A_24 = arith.constant 0 : index
    %swap3A_25 = vector.load %arg6[%swap3A_23, %swap3A_24] : memref<400x10000xf32, #tpu.memory_space<vmem>>, vector<400x10000xf32>
    tpu.vector_store %arg6[%swap3A_23, %swap3A_24], %dot_general3A_22 {strides = array<i32>} : memref<400x10000xf32, #tpu.memory_space<vmem>>, vector<400x10000xf32>,
    return
  }
  func.func @transform_0(%arg0: i32) -> (i32, i32, i32) {
    %c0_i32 = arith.constant 0 : i32
    %c0_i32_0 = arith.constant 0 : i32
    %c0_i32_1 = arith.constant 0 : i32
    return %c0_i32, %arg0, %c0_i32_0 : i32, i32, i32
  }
  func.func @transform_1(%arg0: i32) -> (i32, i32, i32) {
    %c1_i32 = arith.constant 1 : i32
    %c0_i32 = arith.constant 0 : i32
    %c0_i32_0 = arith.constant 0 : i32
    return %c1_i32, %arg0, %c0_i32 : i32, i32, i32
  }
  func.func @transform_2(%arg0: i32) -> (i32, i32, i32) {
    %c0_i32 = arith.constant 0 : i32
    %c0_i32_0 = arith.constant 0 : i32
    %c0_i32_1 = arith.constant 0 : i32
    %c0_i32_2 = arith.constant 0 : i32
    return %c0_i32, %c0_i32_0, %c0_i32_1 : i32, i32, i32
  }
  func.func @transform_3(%arg0: i32) -> (i32, i32, i32) {
    %c1_i32 = arith.constant 1 : i32
    %c0_i32 = arith.constant 0 : i32
    %c0_i32_0 = arith.constant 0 : i32
    %c0_i32_1 = arith.constant 0 : i32
    return %c1_i32, %c0_i32, %c0_i32_0 : i32, i32, i32
  }
  func.func @transform_4(%arg0: i32) -> (i32, i32) {
    %c0_i32 = arith.constant 0 : i32
    %c0_i32_0 = arith.constant 0 : i32
    return %arg0, %c0_i32 : i32, i32
  }
  func.func @transform_5(%arg0: i32) -> (i32, i32) {
    %c0_i32 = arith.constant 0 : i32
    %c0_i32_0 = arith.constant 0 : i32
    return %arg0, %c0_i32 : i32, i32
  }
}

</mosaic_0001>

<sc_bundles>
// kernel: kernel.10.cloned.1.call-start
scs
__scs_entry_jumppad:
0x0: {  	(pc) =	sbr.rel $0x88, $3  }
0x1: {  	(tag) =	ssettag $0x0;
	lr =	simm.s32 $0x1  }
0x2: {  	[smem:$0x3F9D] =	sst lr;
	_ =	strace $0xD0000000  }
0x3: {  	_ = 	snop  }
0x4: {  	_ = 	snop  }
0x5: {  	_ = 	snop  }
0x6: {  	_ = 	snop  }
0x7: {  	_ = 	snop  }
__scs_overlays_trampoline_lowered:
0x8: {  	[smem:$0x3FAC] =	sst s0  }
0x9: {  	[smem:$0x3FAD] =	sst s1  }
0xa: {  	[smem:$0x3FAE] =	sst s2  }
0xb: {  	[smem:$0x3FAF] =	sst s3  }
0xc: {  	[smem:$0x3FB0] =	sst s4  }
0xd: {  	[smem:$0x3FB1] =	sst s5  }
0xe: {  	[smem:$0x3FB2] =	sst s6  }
0xf: {  	[smem:$0x3FB3] =	sst s7  }
0x10: {  	[smem:$0x3FB4] =	sst s8  }
0x11: {  	[smem:$0x3FB5] =	sst s9;
	s0 =	simm.s32 @!p0 $0x0  }
0x12: {  	s1 =	sld [smem:$0x3F9B];
	s0 =	simm.s32 @p0 $0x1  }
0x13: {  	[smem:$0x3FB6] =	sst s0;
	s0 =	simm.s32 @!p1 $0x0  }
0x14: {  	s2 =	sld [smem:$0x3F9A];
	s0 =	simm.s32 @p1 $0x1  }
0x15: {  	[smem:$0x3FB7] =	sst s0;
	s0 =	simm.s32 @!p2 $0x0  }
0x16: {  	s3 =	sld [smem:$0x3FDB];
	s0 =	simm.s32 @p2 $0x1  }
0x17: {  	s4 =	simm.s32 $0x1BF5;
	[smem:$0x3FB9] =	sst s0  }
0x18: {  	s0 =	sld [smem:$0x3F9C];
	_ =	swait.ge [sflag:s4], $0x0  }
0x19: {  	s7 =	sld [smem:$0x3F9D]  }
0x1a: {  	s8 =	sadd.s32 $0xFFFFE003, lr  }
0x1b: {  	s9 =	sadd.s32 $0xFFFFFEF7, lr;
	s5 =	simm.s32 $0xFFFFFFFF;
	p2 =	slt.u32 s8, $0xFFFFF086  }
0x1c: {  	p1 =	slt.u32 s9, $0xF7A;
	s5 =	simm.s32 @!p2 $0x0  }
0x1d: {  	s5 =	simm.s32 @p1 $0x1;
	p0 =	seq.s32 s7, s2  }
0x1e: {  	s7 =	smul.u32 @!p0 $0xF7A, s2;
	p2 =	seq.s32 @!p0 s5, $0x0  }
0x1f: {  	s9 =	smul.u32 $0xF7A, s1;
	s8 =	simm.s32 @!p0 $0x1BF5;
	p2 =	por !p2, p0  }
0x20: {  	[sflag:s8] =	ssyncset.s32 @!p0 $0xFFFFF086;
	s6 =	sadd.s32 @!p0 s3, s7;
	s7 =	simm.s32 @!p0 $0x108  }
0x21: {  	s3 =	sadd.s32 s3, s9;
	s6 =	sadd.s32 @!p0 $0x88, s6;
	s7 =	simm.s32 @p2 $0x1082  }
0x22: {  	[simem:s7], [sflag:s8] =	dma.local @!p0 [hbm:s6], $0xF7A  }
0x23: {  	s9 =	sor.u32 $0xD0000000, s2;
	s6 =	simm.s32 $0x108;
	_ =	swait.ge @!p0 [sflag:s8], $0x0  }
0x24: {  	s3 =	sadd.s32 $0x88, s3;
	s6 =	simm.s32 @!p1 $0x1082;
	[sflag:s4] =	ssyncset.s32 $0xFFFFF086  }
0x25: {  	[simem:s6], [sflag:s4] =	dma.local [hbm:s3], $0xF7A  }
0x26: {  	[smem:$0x3F9D] =	sst s1;
	(tag) =	ssettag s2;
	_ =	strace s9  }
0x27: {  	s1 =	sld [smem:$0x3FAD]  }
0x28: {  	s2 =	sld [smem:$0x3FAE]  }
0x29: {  	s4 =	sld [smem:$0x3FB0]  }
0x2a: {  	p0 =	seq.s32 s5, $0x0;
	s5 =	sld [smem:$0x3FB1]  }
0x2b: {  	s6 =	sld [smem:$0x3FB2]  }
0x2c: {  	s7 =	sld [smem:$0x3FB3]  }
0x2d: {  	s3 =	simm.s32 $0x108;
	s8 =	sld [smem:$0x3FB4]  }
0x2e: {  	s3 =	simm.s32 @!p0 $0x1082;
	s9 =	sld [smem:$0x3FB5]  }
0x2f: {  	lr =	sadd.s32 s0, s3;
	s0 =	sld [smem:$0x3FAC]  }
0x30: {  	s3 =	sld [smem:$0x3FAF]  }
0x31: {  	[smem:$0x3FB8] =	sst s10  }
0x32: {  	s10 =	sld [smem:$0x3FB6];
	_ =	sdelay $0x3  }
0x33: {  	p0 =	seq.s32 s10, $0x1;
	s10 =	sld [smem:$0x3FB8];
	_ =	sdelay $0x3  }
0x34: {  	[smem:$0x3FB8] =	sst s10  }
0x35: {  	s10 =	sld [smem:$0x3FB7];
	_ =	sdelay $0x3  }
0x36: {  	p1 =	seq.s32 s10, $0x1;
	s10 =	sld [smem:$0x3FB8];
	_ =	sdelay $0x3  }
0x37: {  	[smem:$0x3FB8] =	sst s10  }
0x38: {  	s10 =	sld [smem:$0x3FB9]  }
0x39: {  	_ = 	snop;
	(pc) =	sbr.ind lr, $3  }
0x3a: {  	_ = 	snop  }
0x3b: {  	_ = 	snop  }
0x3c: {  	p2 =	seq.s32 s10, $0x1;
	s10 =	sld [smem:$0x3FB8]  }
0x3d: {  	_ =	shalt  }
0x3e: {  	_ =	shalt  }
0x3f: {  	_ =	shalt  }
0x40: {  	_ =	shalt  }
0x41: {  	_ =	shalt  }
0x42: {  	_ =	shalt  }
0x43: {  	_ =	shalt  }
0x44: {  	_ =	shalt  }
0x45: {  	_ =	shalt  }
0x46: {  	_ =	shalt  }
0x47: {  	_ =	shalt  }
0x48: {  	_ =	shalt  }
0x49: {  	_ =	shalt  }
0x4a: {  	_ =	shalt  }
0x4b: {  	_ =	shalt  }
0x4c: {  	_ =	shalt  }
0x4d: {  	_ =	shalt  }
0x4e: {  	_ =	shalt  }
0x4f: {  	_ =	shalt  }
0x50: {  	_ =	shalt  }
0x51: {  	_ =	shalt  }
0x52: {  	_ =	shalt  }
0x53: {  	_ =	shalt  }
0x54: {  	_ =	shalt  }
0x55: {  	_ =	shalt  }
0x56: {  	_ =	shalt  }
0x57: {  	_ =	shalt  }
0x58: {  	_ =	shalt  }
0x59: {  	_ =	shalt  }
0x5a: {  	_ =	shalt  }
0x5b: {  	_ =	shalt  }
0x5c: {  	_ =	shalt  }
0x5d: {  	_ =	shalt  }
0x5e: {  	_ =	shalt  }
0x5f: {  	_ =	shalt  }
0x60: {  	_ =	shalt  }
0x61: {  	_ =	shalt  }
0x62: {  	_ =	shalt  }
0x63: {  	_ =	shalt  }
0x64: {  	_ =	shalt  }
0x65: {  	_ =	shalt  }
0x66: {  	_ =	shalt  }
0x67: {  	_ =	shalt  }
0x68: {  	_ =	shalt  }
0x69: {  	_ =	shalt  }
0x6a: {  	_ =	shalt  }
0x6b: {  	_ =	shalt  }
0x6c: {  	_ =	shalt  }
0x6d: {  	_ =	shalt  }
0x6e: {  	_ =	shalt  }
0x6f: {  	_ =	shalt  }
0x70: {  	_ =	shalt  }
0x71: {  	_ =	shalt  }
0x72: {  	_ =	shalt  }
0x73: {  	_ =	shalt  }
0x74: {  	_ =	shalt  }
0x75: {  	_ =	shalt  }
0x76: {  	_ =	shalt  }
0x77: {  	_ =	shalt  }
0x78: {  	_ =	shalt  }
0x79: {  	_ =	shalt  }
0x7a: {  	_ =	shalt  }
0x7b: {  	_ =	shalt  }
0x7c: {  	_ =	shalt  }
0x7d: {  	_ =	shalt  }
0x7e: {  	_ =	shalt  }
0x7f: {  	_ =	shalt  }
0x80: {  	_ =	shalt  }
0x81: {  	_ =	shalt  }
0x82: {  	_ =	shalt  }
0x83: {  	_ =	shalt  }
0x84: {  	_ =	shalt  }
0x85: {  	_ =	shalt  }
0x86: {  	_ =	shalt  }
0x87: {  	_ =	shalt  }
.Lfunc_end0:
.L_simem_size_0:
called_computation.1_lowered:
.L_overlay_start_0:
0x88: {  	s2 =	sld [smem:$0x3FD9]  }
0x89: {  	s3 =	sld [smem:$0x3FFE];
	_ =	sdelay $0x1  }
0x8a: {  	s1 =	srdreg.scid  }
0x8b: {  	s0 =	sand.u32 $0x1, s1  }
0x8c: {  	s14 =	sshll.u32 s0, $0xA;
	s2 =	sadd.s32 s3, s2  }
0x8d: {  	s2 =	sadd.s32 s2, s14  }
0x8e: {  	[smem:$0x3FC4] =	sst s2  }
0x8f: {  	_ = 	snop  }
0x90: {  	s2 =	sld [smem:$0x3FD0];
	_ =	sdelay $0x2  }
0x91: {  	s15 =	simm.s32 $0xA;
	s4 =	simm.s32 $0x10  }
0x92: {  	[smem:s4], [sflag:s15] =	dma.local [hbm:s2], $0x1  }
0x93: {  	_ =	swait.eq [sflag:s15], $0x1  }
0x94: {  	[sflag:s15] =	ssyncset.done $0x0  }
0x95: {  	s16 =	sld [smem:$0x10];
	[sflag:s15] =	ssyncadd.s32 $0xFFFFFFFF  }
0x96: {  	s17 =	sld [smem:$0x11];
	(tm) =	ssettm $0x1  }
0x97: {  	s18 =	sld [smem:$0x3FFB];
	_ =	sdelay $0x3  }
0x98: {  	_ =	strace s18  }
0x99: {  	s4 =	sld [smem:$0x3FFC];
	_ =	sdelay $0x3  }
0x9a: {  	_ =	strace s4  }
0x9b: {  	s4 =	sld [smem:$0x3FFD];
	_ =	sdelay $0x3  }
0x9c: {  	_ =	strace s4  }
0x9d: {  	_ =	strace $0x8FFFFFFF  }
0x9e: {  	s19 =	sld [smem:$0x3FDB];
	_ =	sdelay $0x1  }
0x9f: {  	s5 =	simm.s32 $_scs_section_size  }
0xa0: {  	s6 =	simm.s32 $_size__tile_overlayer_lowered;
	s7 =	simm.s32 $_tile_overlayer_lowered  }
0xa1: {  	s22 =	simm.s32 $0x1BFF;
	s21 =	sshll.u32 s7, $0x1;
	s4 =	sadd.s32 s5, s19  }
0xa2: {  	s8 =	simm.s32 $0x0;
	s20 =	sshll.u32 s6, $0x1;
	s6 =	sadd.s32 s21, s4  }
0xa3: {  	[timem:s8], [sflag:s22] =	dma.local [hbm:s6], s20  }
0xa4: {  	_ =	swait.ge [sflag:s22], s20  }
0xa5: {  	s5 =	ssub.s32 $0x0, s20;
	[sflag:s22] =	ssyncset.done $0x0  }
0xa6: {  	[sflag:s22] =	ssyncadd.s32 s5;
	_ =	sdelay $0x1  }
0xa7: {  	s23 =	simm.s32 $0x1B8B  }
0xa8: {  	_ =	swait.ge [sflag:s23], $0x1  }
0xa9: {  	[sflag:s23] =	ssyncset.done $0x0  }
0xaa: {  	s25 =	simm.s32 $0x1B8E;
	s24 =	sld [smem:$0x3FFE];
	[sflag:s23] =	ssyncadd.s32 $0xFFFFFFFF  }
0xab: {  	s26 =	simm.s32 $execute0_lowered;
	[smem:$0x3FD2] =	sst s25  }
0xac: {  	s6 =	sshll.u32 s26, $0x1;
	_ =	strace $0x80000049;
	[dreg:$0x1] =	wrdreg $0xFFFFFFFF  }
0xad: {  	s28 =	simm.s32 $_size_execute0_lowered;
	s4 =	sadd.s32 s4, s6;
	[dreg:$0x0] =	wrdreg $0x0  }
0xae: {  	s6 =	sshll.u32 s28, $0x1;
	[dreg:$0x2] =	wrdreg s4  }
0xaf: {  	[dreg:$0x3] =	wrdreg s6  }
0xb0: {  	[dreg:$0x4] =	wrdreg $0xC0  }
0xb1: {  	_ =	task [dreg:s8], $0x5FFFF  }
0xb2: {  	[dreg:$0x1] =	wrdreg $0xFFFFFFFF  }
0xb3: {  	[dreg:$0x0] =	wrdreg $0x60  }
0xb4: {  	[dreg:$0x2] =	wrdreg s17  }
0xb5: {  	[dreg:$0x3] =	wrdreg s24  }
0xb6: {  	[dreg:$0x4] =	wrdreg s16  }
0xb7: {  	[dreg:$0x5] =	wrdreg $0xF2000  }
0xb8: {  	[dreg:$0x6] =	wrdreg $0x11A000  }
0xb9: {  	[dreg:$0x7] =	wrdreg $0x9  }
0xba: {  	_ =	task.clear_ibuf [dreg:s8], $0x8FFFF;
	_ =	strace $0x90000049  }
0xbb: {  	s29 =	simm.s32 $0x9;
	_ =	strace $0x8000004B  }
0xbc: {  	_ =	swait.ge [sflag:s29], $0x1  }
0xbd: {  	[sflag:s29] =	ssyncadd.s32 $0xFFFFFFFF  }
0xbe: {  	_ =	strace $0x9000004B  }
0xbf: {  	_ =	sfence  }
0xc0: {  	s30 =	sld [smem:$0x0];
	_ =	sdelay $0x2  }
0xc1: {  	s31 =	sshll.u32 s1, $0xD;
	s1 =	sshrl.u32 s1, $0x2  }
0xc2: {  	s3 =	sand.u32 $0x4000, s31;
	s1 =	sadd.s32 s1, s30  }
0xc3: {  	s0 =	sor.u32 s3, s0;
	s1 =	sshll.u32 s1, $0x11  }
0xc4: {  	s0 =	sor.u32 s1, s0  }
0xc5: {  	s0 =	sadd.s32 $0x8F2B, s0  }
0xc6: {  	[sflag:s0] =	ssyncadd.remote.s32 $0x1  }
0xc7: {  	_ =	sfence.sel $0xFFFF  }
0xc8: {  	[dreg:$0x0] =	wrdreg $0xFFFFFFFF;
	(pc) =	sbr.abs _section_cstart, $3  }
0xc9: {  	[dreg:$0x1] =	wrdreg $0xFFFFFFFF  }
0xca: {  	_ =	task.clear_ibuf [dreg:s8], $0x2FFFF;
	_ =	strace $0x9FFFFFFF  }
0xcb: {  	(tm) =	ssettm $0x7FFFFFFF  }
tec
execute0_lowered:
.L_overlay_start_1:
0x0: {  	(tag) =	ssettag $0x1  }
0x1: {  	s0 =	rddreg [dreg:$0x0]  }
0x2: {  	s1 =	rddreg [dreg:$0x1]  }
0x3: {  	s6 =	rddreg [dreg:$0x2]  }
0x4: {  	s2 =	rddreg [dreg:$0x3]  }
0x5: {  	s4 =	srdreg.scid;
	s26 =	stileid.u32  }
0x6: {  	s3 =	rddreg [dreg:$0x4];
	s5 =	sand.u32 $0x1, s4;
	s8 =	smul.u32 $0x2800, s26  }
0x7: {  	s4 =	simm.s32 $0x0;
	s7 =	sshll.u32 s5, $0x4;
	s9 =	smul.u32 $0x28000, s5  }
0x8: {  	s10 =	smul.u32 $0xA000, s26;
	[smem:$0x7FF] =	sst s4;
	s7 =	sor.u32 s26, s7  }
0x9: {  	s5 =	ssub.s32 $0x2, s5;
	s7 =	smul.u32 $0xA00, s7;
	s9 =	sadd.s32 s8, s9  }
0xa: {  	s23 =	sshrl.u32 s5, $0x1;
	s10 =	sshrl.u32 s10, $0x2;
	s9 =	sshrl.u32 s9, $0x3  }
0xb: {  	s11 =	sadd.s32 s7, s1;
	s1 =	sadd.s32 s9, s1;
	s9 =	ssub.s32 s5, s23  }
0xc: {  	s5 =	sadd.s32 s8, s2;
	s8 =	sadd.s32 s10, s2;
	s0 =	sadd.s32 s0, s7  }
0xd: {  	_ =	strace $0x8000004A;
	s10 =	sadd.s32 $0x200, s8;
	[dreg:$0x13] =	wrdreg s0  }
0xe: {  	s24 =	sadd.s32 $0x400, s8;
	[dreg:$0x6] =	wrdreg s10  }
0xf: {  	s25 =	sadd.s32 $0x600, s8;
	[dreg:$0x7] =	wrdreg s24  }
0x10: {  	s28 =	sadd.s32 $0x800, s8;
	[dreg:$0x8] =	wrdreg s25  }
0x11: {  	s29 =	sadd.s32 $0xA00, s8;
	[dreg:$0x9] =	wrdreg s28  }
0x12: {  	s30 =	sadd.s32 $0xC00, s8;
	[dreg:$0xa] =	wrdreg s29  }
0x13: {  	s12 =	sadd.s32 $0xE00, s8;
	[dreg:$0xb] =	wrdreg s30  }
0x14: {  	s13 =	sadd.s32 $0x1000, s8;
	[dreg:$0xc] =	wrdreg s12  }
0x15: {  	s14 =	sadd.s32 $0x1200, s8;
	[dreg:$0xd] =	wrdreg s13  }
0x16: {  	s15 =	sadd.s32 $0x1400, s8;
	[dreg:$0xe] =	wrdreg s14  }
0x17: {  	s22 =	smul.u32 $0x2700, s26;
	s16 =	sadd.s32 $0x1600, s8;
	[dreg:$0xf] =	wrdreg s15  }
0x18: {  	p0 =	seq.s32 s26, $0xF;
	s17 =	sadd.s32 $0x1800, s8;
	[dreg:$0x10] =	wrdreg s16  }
0x19: {  	s7 =	sadd.s32 s22, s3;
	s18 =	sadd.s32 $0x1A00, s8;
	[dreg:$0x11] =	wrdreg s17  }
0x1a: {  	s19 =	sadd.s32 $0x1C00, s8;
	s20 =	sadd.s32 $0x1E00, s8;
	[dreg:$0x12] =	wrdreg s18  }
0x1b: {  	s21 =	sadd.s32 $0x2000, s8;
	s23 =	sadd.s32 $0x2200, s8;
	[dreg:$0x14] =	wrdreg s19  }
0x1c: {  	s0 =	sshrl.u32 s22, $0x3;
	s31 =	smax.u32 s9, $0x1;
	[dreg:$0x15] =	wrdreg s20  }
0x1d: {  	s9 =	simm.s32 $0x80;
	s22 =	simm.s32 $0x1;
	[dreg:$0x16] =	wrdreg s21  }
0x1e: {  	[dreg:$0x17] =	wrdreg s23;
	s24 =	sadd.s32 $0x2400, s8;
	s25 =	sadd.s32 $0x2600, s8  }
0x1f: {  	s28 =	sadd.s32 $0xB000, s11;
	s0 =	sadd.s32 s6, s0;
	s29 =	sadd.s32 $0x4920, s6  }
0x20: {  	s30 =	sadd.s32 $0x1F000, s1;
	s6 =	sshrl.u32 @!p0 s7, $0x3;
	s7 =	simm.s32 $0xF000  }
0x21: {  	s8 =	simm.s32 $0x5;
	s1 =	simm.s32 $0x2;
	s10 =	simm.s32 $0xA000  }
0x22: {  	s11 =	simm.s32 $0xA800;
	s12 =	simm.s32 $0xB000;
	s13 =	simm.s32 $0xB800  }
0x23: {  	s14 =	simm.s32 $0xC000;
	s15 =	simm.s32 $0x3;
	[dreg:$0x18] =	wrdreg s24  }
.Ltmp0:
0x24: {  	s16 =	simm.s32 $0xC800;
	[dreg:$0x19] =	wrdreg s25;
	(pc) =	sbr.rel .LBB2_1-.Ltmp0, $4  }
0x25: {  	s17 =	simm.s32 $0xD000;
	s18 =	simm.s32 $0xD800;
	[dreg:$0x1a] =	wrdreg s28  }
0x26: {  	s19 =	simm.s32 $0xE000;
	s20 =	simm.s32 $0xE800;
	[dreg:$0x1b] =	wrdreg s0  }
0x27: {  	s21 =	simm.s32 $0x4;
	[dreg:$0x1c] =	wrdreg s29;
	s0 =	sadd.s32 $0x24900, s3  }
0x28: {  	v0 =	vimm.f32 $0.0e+00;
	s23 =	simm.s32 $0x0;
	[dreg:$0x1d] =	wrdreg s30;
	s0 =	sshrl.u32 @p0 s0, $0x3  }
.LBB2_6:
0x29: {  	_ =	swait.ge [sflag:s21], $0x800  }
0x2a: {  	[sflag:s21] =	ssyncset.done $0x0  }
0x2b: {  	[sflag:s21] =	ssyncadd.s32 $0xFFFFF800  }
0x2c: {  	_ =	swait.ge [sflag:s21], $0x800  }
0x2d: {  	[sflag:s21] =	ssyncset.done $0x0  }
0x2e: {  	[sflag:s21] =	ssyncadd.s32 $0xFFFFF800  }
0x2f: {  	_ =	swait.ge [sflag:s21], $0x800  }
0x30: {  	[sflag:s21] =	ssyncset.done $0x0  }
0x31: {  	[sflag:s21] =	ssyncadd.s32 $0xFFFFF800  }
0x32: {  	_ =	swait.ge [sflag:s21], $0x800  }
0x33: {  	[sflag:s21] =	ssyncset.done $0x0  }
0x34: {  	[sflag:s21] =	ssyncadd.s32 $0xFFFFF800  }
0x35: {  	_ =	swait.ge [sflag:s21], $0x800  }
0x36: {  	s26 =	stileid.u32;
	[sflag:s21] =	ssyncset.done $0x0  }
0x37: {  	s25 =	sshrl.u32 s5, $0x3;
	s23 =	sadd.s32 $0x1, s23;
	[sflag:s21] =	ssyncadd.s32 $0xFFFFF800  }
0x38: {  	s24 =	sshll.u32 s26, $0x6;
	p1 =	sne.s32 s23, s31;
	[bflag:$0x0] =	sbarrier.arrive $0xFFFF  }
.Ltmp1:
0x39: {  	s24 =	sor.u32 $0x1C05, s24;
	s28 =	rddreg [dreg:$0x1d];
	(pc) =	sbr.rel @!p1 .LBB2_7-.Ltmp1, $4  }
0x3a: {  	[hbm:s28], [sflag:s24] =	dma.local [spmem:s25], $0x500  }
0x3b: {  	_ =	swait.ge [sflag:s8], $0x500  }
0x3c: {  	[sflag:s8] =	ssyncset.done $0x0  }
0x3d: {  	[sflag:s8] =	ssyncadd.s32 $0xFFFFFB00  }
.LBB2_1:
0x3e: {  	[tilespmem:$0xF000] =	vst v0  }
0x3f: {  	[tilespmem:$0xF010] =	vst v0  }
0x40: {  	[tilespmem:$0xF020] =	vst v0  }
0x41: {  	[tilespmem:$0xF030] =	vst v0  }
0x42: {  	[tilespmem:$0xF040] =	vst v0  }
0x43: {  	[tilespmem:$0xF050] =	vst v0  }
0x44: {  	[tilespmem:$0xF060] =	vst v0  }
0x45: {  	[tilespmem:$0xF070] =	vst v0  }
0x46: {  	[tilespmem:$0xF080] =	vst v0  }
0x47: {  	[tilespmem:$0xF090] =	vst v0  }
0x48: {  	[tilespmem:$0xF0A0] =	vst v0  }
0x49: {  	[tilespmem:$0xF0B0] =	vst v0  }
0x4a: {  	[tilespmem:$0xF0C0] =	vst v0  }
0x4b: {  	[tilespmem:$0xF0D0] =	vst v0  }
0x4c: {  	[tilespmem:$0xF0E0] =	vst v0  }
0x4d: {  	[tilespmem:$0xF0F0] =	vst v0  }
0x4e: {  	[tilespmem:$0xF100] =	vst v0  }
0x4f: {  	[tilespmem:$0xF110] =	vst v0  }
0x50: {  	[tilespmem:$0xF120] =	vst v0  }
0x51: {  	[tilespmem:$0xF130] =	vst v0  }
0x52: {  	[tilespmem:$0xF140] =	vst v0  }
0x53: {  	[tilespmem:$0xF150] =	vst v0  }
0x54: {  	[tilespmem:$0xF160] =	vst v0  }
0x55: {  	[tilespmem:$0xF170] =	vst v0  }
0x56: {  	[tilespmem:$0xF180] =	vst v0  }
0x57: {  	[tilespmem:$0xF190] =	vst v0  }
0x58: {  	[tilespmem:$0xF1A0] =	vst v0  }
0x59: {  	[tilespmem:$0xF1B0] =	vst v0  }
0x5a: {  	[tilespmem:$0xF1C0] =	vst v0  }
0x5b: {  	[tilespmem:$0xF1D0] =	vst v0  }
0x5c: {  	[tilespmem:$0xF1E0] =	vst v0  }
0x5d: {  	[tilespmem:$0xF1F0] =	vst v0  }
0x5e: {  	[spmem:s5] =	stream.linear.scatter [tilespmem:s7], [sflag:$0x5], $0x200, $0x38;
	[tilespmem:$0x14110] =	vst v63  }
0x5f: {  	_ =	swait.ge [sflag:s8], $0x200  }
0x60: {  	[sflag:s8] =	ssyncset.done $0x0  }
0x61: {  	s24 =	rddreg [dreg:$0x6];
	[sflag:s8] =	ssyncadd.s32 $0xFFFFFE00  }
0x62: {  	[spmem:s24] =	stream.linear.scatter [tilespmem:s7], [sflag:$0x5], $0x200, $0x38;
	[tilespmem:$0x14110] =	vst v63  }
0x63: {  	_ =	swait.ge [sflag:s8], $0x200  }
0x64: {  	[sflag:s8] =	ssyncset.done $0x0  }
0x65: {  	s25 =	rddreg [dreg:$0x7];
	[sflag:s8] =	ssyncadd.s32 $0xFFFFFE00  }
0x66: {  	[spmem:s25] =	stream.linear.scatter [tilespmem:s7], [sflag:$0x5], $0x200, $0x38;
	[tilespmem:$0x14110] =	vst v63  }
0x67: {  	_ =	swait.ge [sflag:s8], $0x200  }
0x68: {  	[sflag:s8] =	ssyncset.done $0x0  }
0x69: {  	s28 =	rddreg [dreg:$0x8];
	[sflag:s8] =	ssyncadd.s32 $0xFFFFFE00  }
0x6a: {  	[spmem:s28] =	stream.linear.scatter [tilespmem:s7], [sflag:$0x5], $0x200, $0x38;
	[tilespmem:$0x14110] =	vst v63  }
0x6b: {  	_ =	swait.ge [sflag:s8], $0x200  }
0x6c: {  	[sflag:s8] =	ssyncset.done $0x0  }
0x6d: {  	s29 =	rddreg [dreg:$0x9];
	[sflag:s8] =	ssyncadd.s32 $0xFFFFFE00  }
0x6e: {  	[spmem:s29] =	stream.linear.scatter [tilespmem:s7], [sflag:$0x5], $0x200, $0x38;
	[tilespmem:$0x14110] =	vst v63  }
0x6f: {  	_ =	swait.ge [sflag:s8], $0x200  }
0x70: {  	[sflag:s8] =	ssyncset.done $0x0  }
0x71: {  	s30 =	rddreg [dreg:$0xa];
	[sflag:s8] =	ssyncadd.s32 $0xFFFFFE00  }
0x72: {  	[spmem:s30] =	stream.linear.scatter [tilespmem:s7], [sflag:$0x5], $0x200, $0x38;
	[tilespmem:$0x14110] =	vst v63  }
0x73: {  	_ =	swait.ge [sflag:s8], $0x200  }
0x74: {  	[sflag:s8] =	ssyncset.done $0x0  }
0x75: {  	s25 =	rddreg [dreg:$0xb];
	[sflag:s8] =	ssyncadd.s32 $0xFFFFFE00  }
0x76: {  	[spmem:s25] =	stream.linear.scatter [tilespmem:s7], [sflag:$0x5], $0x200, $0x38;
	[tilespmem:$0x14110] =	vst v63  }
0x77: {  	_ =	swait.ge [sflag:s8], $0x200  }
0x78: {  	[sflag:s8] =	ssyncset.done $0x0  }
0x79: {  	s28 =	rddreg [dreg:$0xc];
	[sflag:s8] =	ssyncadd.s32 $0xFFFFFE00  }
0x7a: {  	[spmem:s28] =	stream.linear.scatter [tilespmem:s7], [sflag:$0x5], $0x200, $0x38;
	[tilespmem:$0x14110] =	vst v63  }
0x7b: {  	_ =	swait.ge [sflag:s8], $0x200  }
0x7c: {  	[sflag:s8] =	ssyncset.done $0x0  }
0x7d: {  	s29 =	rddreg [dreg:$0xd];
	[sflag:s8] =	ssyncadd.s32 $0xFFFFFE00  }
0x7e: {  	[spmem:s29] =	stream.linear.scatter [tilespmem:s7], [sflag:$0x5], $0x200, $0x38;
	[tilespmem:$0x14110] =	vst v63  }
0x7f: {  	_ =	swait.ge [sflag:s8], $0x200  }
0x80: {  	[sflag:s8] =	ssyncset.done $0x0  }
0x81: {  	s30 =	rddreg [dreg:$0xe];
	[sflag:s8] =	ssyncadd.s32 $0xFFFFFE00  }
0x82: {  	[spmem:s30] =	stream.linear.scatter [tilespmem:s7], [sflag:$0x5], $0x200, $0x38;
	[tilespmem:$0x14110] =	vst v63  }
0x83: {  	_ =	swait.ge [sflag:s8], $0x200  }
0x84: {  	[sflag:s8] =	ssyncset.done $0x0  }
0x85: {  	s25 =	rddreg [dreg:$0xf];
	[sflag:s8] =	ssyncadd.s32 $0xFFFFFE00  }
0x86: {  	[spmem:s25] =	stream.linear.scatter [tilespmem:s7], [sflag:$0x5], $0x200, $0x38;
	[tilespmem:$0x14110] =	vst v63  }
0x87: {  	_ =	swait.ge [sflag:s8], $0x200  }
0x88: {  	[sflag:s8] =	ssyncset.done $0x0  }
0x89: {  	s28 =	rddreg [dreg:$0x10];
	[sflag:s8] =	ssyncadd.s32 $0xFFFFFE00  }
0x8a: {  	[spmem:s28] =	stream.linear.scatter [tilespmem:s7], [sflag:$0x5], $0x200, $0x38;
	[tilespmem:$0x14110] =	vst v63  }
0x8b: {  	_ =	swait.ge [sflag:s8], $0x200  }
0x8c: {  	[sflag:s8] =	ssyncset.done $0x0  }
0x8d: {  	s29 =	rddreg [dreg:$0x11];
	[sflag:s8] =	ssyncadd.s32 $0xFFFFFE00  }
0x8e: {  	[spmem:s29] =	stream.linear.scatter [tilespmem:s7], [sflag:$0x5], $0x200, $0x38;
	[tilespmem:$0x14110] =	vst v63  }
0x8f: {  	_ =	swait.ge [sflag:s8], $0x200  }
0x90: {  	[sflag:s8] =	ssyncset.done $0x0  }
0x91: {  	s30 =	rddreg [dreg:$0x12];
	[sflag:s8] =	ssyncadd.s32 $0xFFFFFE00  }
0x92: {  	[spmem:s30] =	stream.linear.scatter [tilespmem:s7], [sflag:$0x5], $0x200, $0x38;
	[tilespmem:$0x14110] =	vst v63  }
0x93: {  	_ =	swait.ge [sflag:s8], $0x200  }
0x94: {  	[sflag:s8] =	ssyncset.done $0x0  }
0x95: {  	s25 =	rddreg [dreg:$0x14];
	[sflag:s8] =	ssyncadd.s32 $0xFFFFFE00  }
0x96: {  	[spmem:s25] =	stream.linear.scatter [tilespmem:s7], [sflag:$0x5], $0x200, $0x38;
	[tilespmem:$0x14110] =	vst v63  }
0x97: {  	_ =	swait.ge [sflag:s8], $0x200  }
0x98: {  	[sflag:s8] =	ssyncset.done $0x0  }
0x99: {  	s28 =	rddreg [dreg:$0x15];
	[sflag:s8] =	ssyncadd.s32 $0xFFFFFE00  }
0x9a: {  	[spmem:s28] =	stream.linear.scatter [tilespmem:s7], [sflag:$0x5], $0x200, $0x38;
	[tilespmem:$0x14110] =	vst v63  }
0x9b: {  	_ =	swait.ge [sflag:s8], $0x200  }
0x9c: {  	[sflag:s8] =	ssyncset.done $0x0  }
0x9d: {  	s29 =	rddreg [dreg:$0x16];
	[sflag:s8] =	ssyncadd.s32 $0xFFFFFE00  }
0x9e: {  	[spmem:s29] =	stream.linear.scatter [tilespmem:s7], [sflag:$0x5], $0x200, $0x38;
	[tilespmem:$0x14110] =	vst v63  }
0x9f: {  	_ =	swait.ge [sflag:s8], $0x200  }
0xa0: {  	[sflag:s8] =	ssyncset.done $0x0  }
0xa1: {  	s30 =	rddreg [dreg:$0x17];
	[sflag:s8] =	ssyncadd.s32 $0xFFFFFE00  }
0xa2: {  	[spmem:s30] =	stream.linear.scatter [tilespmem:s7], [sflag:$0x5], $0x200, $0x38;
	[tilespmem:$0x14110] =	vst v63  }
0xa3: {  	_ =	swait.ge [sflag:s8], $0x200  }
0xa4: {  	[sflag:s8] =	ssyncset.done $0x0  }
0xa5: {  	s25 =	rddreg [dreg:$0x18];
	[sflag:s8] =	ssyncadd.s32 $0xFFFFFE00  }
0xa6: {  	[spmem:s25] =	stream.linear.scatter [tilespmem:s7], [sflag:$0x5], $0x200, $0x38;
	[tilespmem:$0x14110] =	vst v63  }
0xa7: {  	_ =	swait.ge [sflag:s8], $0x200  }
0xa8: {  	[sflag:s8] =	ssyncset.done $0x0  }
0xa9: {  	s28 =	rddreg [dreg:$0x19];
	[sflag:s8] =	ssyncadd.s32 $0xFFFFFE00  }
0xaa: {  	[spmem:s28] =	stream.linear.scatter [tilespmem:s7], [sflag:$0x5], $0x200, $0x38;
	[tilespmem:$0x14110] =	vst v63  }
0xab: {  	_ =	swait.ge [sflag:s8], $0x200  }
0xac: {  	[sflag:s8] =	ssyncset.done $0x0  }
0xad: {  	[sflag:s8] =	ssyncadd.s32 $0xFFFFFE00  }
0xae: {  	[bflag:$0x0] =	sbarrier.arrive $0xFFFF  }
0xaf: {  	s29 =	rddreg [dreg:$0x13]  }
0xb0: {  	[tilespmem:s4], [sflag:$0x2] =	stream.linear.gather [hbm4b:s29+s4], $0x5000, $0x38;
	[tilespmem:$0x14110] =	vst v63  }
0xb1: {  	s25 =	simm.s32 $0x5000;
	s30 =	rddreg [dreg:$0x1a]  }
0xb2: {  	[tilespmem:s25], [sflag:$0x2] =	stream.linear.gather [hbm4b:s30+s4], $0x5000, $0x38;
	[tilespmem:$0x14110] =	vst v63  }
0xb3: {  	s24 =	simm.s32 @p0 $0x1FC3;
	s25 =	rddreg [dreg:$0x1c]  }
0xb4: {  	[spmem:s0], [sflag:s24] =	dma.local @p0 [hbm:s25], $0x500  }
0xb5: {  	s24 =	sshll.u32 @!p0 s26, $0x6  }
0xb6: {  	s24 =	sor.u32 @!p0 $0x1C03, s24;
	s25 =	rddreg [dreg:$0x1b]  }
0xb7: {  	[spmem:s6], [sflag:s24] =	dma.local @!p0 [hbm:s25], $0x4E0  }
0xb8: {  	_ =	swait.ge [sflag:s1], $0x5000  }
0xb9: {  	[sflag:s1] =	ssyncset.done $0x0  }
0xba: {  	[sflag:s1] =	ssyncadd.s32 $0xFFFFB000  }
0xbb: {  	_ =	swait.ge [sflag:s1], $0x5000  }
0xbc: {  	[sflag:s1] =	ssyncset.done $0x0  }
0xbd: {  	s24 =	simm.s32 @p0 $0x3;
	[sflag:s1] =	ssyncadd.s32 $0xFFFFB000  }
0xbe: {  	_ =	swait.ge @p0 [sflag:s24], $0x500  }
0xbf: {  	[sflag:s24] =	ssyncset.done @p0 $0x0  }
0xc0: {  	[sflag:s24] =	ssyncadd.s32 @p0 $0xFFFFFB00;
	s24 =	simm.s32 @!p0 $0x3  }
0xc1: {  	_ =	swait.ge @!p0 [sflag:s24], $0x4E0  }
0xc2: {  	[sflag:s24] =	ssyncset.done @!p0 $0x0  }
0xc3: {  	[sflag:s24] =	ssyncadd.s32 @!p0 $0xFFFFFB20  }
0xc4: {  	[bflag:$0x0] =	sbarrier.arrive $0xFFFF  }
0xc5: {  	[tilespmem:s10], [sflag:$0x1] =	stream.indirect.gather [spmem:s3], $0x10, s4, s9, $0xb8;
	[tilespmem:$0x14110] =	vst v63  }
0xc6: {  	_ = 	snop  }
0xc7: {  	[tilespmem:s11], [sflag:$0x1] =	stream.indirect.gather [spmem:s3], $0x10, s9, s9, $0xb8;
	[tilespmem:$0x14110] =	vst v63  }
0xc8: {  	s28 =	simm.s32 $0x100  }
0xc9: {  	[tilespmem:s12], [sflag:$0x1] =	stream.indirect.gather [spmem:s3], $0x10, s28, s9, $0xb8;
	[tilespmem:$0x14110] =	vst v63  }
.Ltmp2:
0xca: {  	_ = 	snop;
	(pc) =	sbr.rel .LBB2_2-.Ltmp2, $4  }
0xcb: {  	s29 =	simm.s32 $0x180  }
0xcc: {  	[tilespmem:s13], [sflag:$0x1] =	stream.indirect.gather [spmem:s3], $0x10, s29, s9, $0xb8;
	[tilespmem:$0x14110] =	vst v63  }
0xcd: {  	s30 =	simm.s32 $0x200;
	s25 =	simm.s32 $0x0;
	s24 =	simm.s32 $0x0  }
0xce: {  	[tilespmem:s14], [sflag:$0x1] =	stream.indirect.gather [spmem:s3], $0x10, s30, s9, $0xb8;
	[tilespmem:$0x14110] =	vst v63  }
.LBB2_4:
0xcf: {  	_ =	swait.ge [sflag:s15], $0x800  }
0xd0: {  	[sflag:s15] =	ssyncset.done $0x0  }
0xd1: {  	[sflag:s15] =	ssyncadd.s32 $0xFFFFF800  }
0xd2: {  	_ =	swait.ge [sflag:s15], $0x800  }
0xd3: {  	[sflag:s15] =	ssyncset.done $0x0  }
0xd4: {  	[sflag:s15] =	ssyncadd.s32 $0xFFFFF800  }
0xd5: {  	_ =	swait.ge [sflag:s15], $0x800  }
0xd6: {  	[sflag:s15] =	ssyncset.done $0x0  }
0xd7: {  	[sflag:s15] =	ssyncadd.s32 $0xFFFFF800  }
0xd8: {  	_ =	swait.ge [sflag:s15], $0x800  }
0xd9: {  	[sflag:s15] =	ssyncset.done $0x0  }
0xda: {  	[sflag:s15] =	ssyncadd.s32 $0xFFFFF800  }
0xdb: {  	p1 =	seq.s32 s24, $0x13600;
	_ =	swait.ge [sflag:s15], $0x800  }
0xdc: {  	s26 =	sshra.s32 @!p1 s24, $0x2;
	s29 =	simm.s32 @!p1 $0x80;
	[sflag:s15] =	ssyncset.done $0x0  }
0xdd: {  	s30 =	simm.s32 @!p1 $0xA000;
	s28 =	sadd.s32 @!p1 $0x280, s26;
	[sflag:s15] =	ssyncadd.s32 $0xFFFFF800  }
0xde: {  	[tilespmem:s30], [sflag:$0x1] =	stream.indirect.gather @!p1 [spmem:s3], $0x10, s28, s29, $0xb8;
	[tilespmem:$0x14110] =	vst v63  }
0xdf: {  	s28 =	sadd.s32 @!p1 $0x300, s26;
	s30 =	simm.s32 @!p1 $0xA800  }
0xe0: {  	[tilespmem:s30], [sflag:$0x1] =	stream.indirect.gather @!p1 [spmem:s3], $0x10, s28, s29, $0xb8;
	[tilespmem:$0x14110] =	vst v63  }
0xe1: {  	s28 =	sadd.s32 @!p1 $0x380, s26;
	s30 =	simm.s32 @!p1 $0xB000  }
0xe2: {  	[tilespmem:s30], [sflag:$0x1] =	stream.indirect.gather @!p1 [spmem:s3], $0x10, s28, s29, $0xb8;
	[tilespmem:$0x14110] =	vst v63  }
0xe3: {  	s28 =	sadd.s32 @!p1 $0x400, s26;
	s30 =	simm.s32 @!p1 $0xB800  }
0xe4: {  	[tilespmem:s30], [sflag:$0x1] =	stream.indirect.gather @!p1 [spmem:s3], $0x10, s28, s29, $0xb8;
	[tilespmem:$0x14110] =	vst v63  }
0xe5: {  	s26 =	sadd.s32 @!p1 $0x480, s26;
	s28 =	simm.s32 @!p1 $0xC000  }
0xe6: {  	[tilespmem:s28], [sflag:$0x1] =	stream.indirect.gather @!p1 [spmem:s3], $0x10, s26, s29, $0xb8;
	[tilespmem:$0x14110] =	vst v63  }
0xe7: {  	_ =	swait.ge [sflag:s1], $0x800  }
0xe8: {  	[sflag:s1] =	ssyncset.done $0x0  }
0xe9: {  	[sflag:s1] =	ssyncadd.s32 $0xFFFFF800  }
0xea: {  	_ =	swait.ge [sflag:s1], $0x800  }
0xeb: {  	[sflag:s1] =	ssyncset.done $0x0  }
0xec: {  	[sflag:s1] =	ssyncadd.s32 $0xFFFFF800  }
0xed: {  	_ =	swait.ge [sflag:s1], $0x800  }
0xee: {  	[sflag:s1] =	ssyncset.done $0x0  }
0xef: {  	[sflag:s1] =	ssyncadd.s32 $0xFFFFF800  }
0xf0: {  	_ =	swait.ge [sflag:s1], $0x800  }
0xf1: {  	[sflag:s1] =	ssyncset.done $0x0  }
0xf2: {  	s26 =	smov.u32 s24;
	[sflag:s1] =	ssyncadd.s32 $0xFFFFF800  }
0xf3: {  	s26 =	simm.s32 @p1 $0x13600;
	_ =	swait.ge [sflag:s1], $0x800  }
0xf4: {  	s26 =	sshra.s32 s26, $0x2;
	[sflag:s1] =	ssyncset.done $0x0  }
0xf5: {  	s29 =	sadd.s32 $0x5000, s26;
	[sflag:s1] =	ssyncadd.s32 $0xFFFFF800  }
0xf6: {  	[spmem:s2] =	stream.indirect.scatter.add.f32 [tilespmem:s16], [sflag:$0x4], $0x10, s29, s9, $0xb8;
	[tilespmem:$0x14110] =	vst v63  }
0xf7: {  	s30 =	sadd.s32 $0x5080, s26  }
0xf8: {  	[spmem:s2] =	stream.indirect.scatter.add.f32 [tilespmem:s17], [sflag:$0x4], $0x10, s30, s9, $0xb8;
	[tilespmem:$0x14110] =	vst v63  }
0xf9: {  	s29 =	sadd.s32 $0x5100, s26  }
0xfa: {  	[spmem:s2] =	stream.indirect.scatter.add.f32 [tilespmem:s18], [sflag:$0x4], $0x10, s29, s9, $0xb8;
	[tilespmem:$0x14110] =	vst v63  }
0xfb: {  	s30 =	sadd.s32 $0x5180, s26  }
0xfc: {  	[spmem:s2] =	stream.indirect.scatter.add.f32 [tilespmem:s19], [sflag:$0x4], $0x10, s30, s9, $0xb8;
	[tilespmem:$0x14110] =	vst v63  }
0xfd: {  	s26 =	sadd.s32 $0x5200, s26  }
0xfe: {  	[spmem:s2] =	stream.indirect.scatter.add.f32 [tilespmem:s20], [sflag:$0x4], $0x10, s26, s9, $0xb8;
	[tilespmem:$0x14110] =	vst v63  }
.LBB2_5:
0xff: {  	s24 =	sadd.s32 $0xA00, s24  }
0x100: {  	p1 =	sne.s32 s24, $0x14000  }
.Ltmp3:
0x101: {  	_ = 	snop;
	(pc) =	sbr.rel @!p1 .LBB2_6-.Ltmp3, $2  }
0x102: {  	_ =	sdelay $0x2  }
0x103: {  	s25 =	sadd.s32 $0x1, s25  }
.LBB2_2:
0x104: {  	s26 =	sand.u32 $0x1, s25  }
0x105: {  	p1 =	seq.s32 s26, $0x1  }
.Ltmp4:
0x106: {  	_ = 	snop;
	(pc) =	sbr.rel @p1 .LBB2_4-.Ltmp4, $1  }
0x107: {  	_ =	sdelay $0x3  }
0x108: {  	p1 =	seq.s32 s24, $0x0  }
0x109: {  	s26 =	simm.s32 @!p1 $0x4  }
0x10a: {  	_ =	swait.ge @!p1 [sflag:s26], $0x800  }
0x10b: {  	[sflag:s26] =	ssyncset.done @!p1 $0x0  }
0x10c: {  	[sflag:s26] =	ssyncadd.s32 @!p1 $0xFFFFF800  }
0x10d: {  	_ =	swait.ge @!p1 [sflag:s26], $0x800  }
0x10e: {  	[sflag:s26] =	ssyncset.done @!p1 $0x0  }
0x10f: {  	[sflag:s26] =	ssyncadd.s32 @!p1 $0xFFFFF800  }
0x110: {  	_ =	swait.ge @!p1 [sflag:s26], $0x800  }
0x111: {  	[sflag:s26] =	ssyncset.done @!p1 $0x0  }
0x112: {  	[sflag:s26] =	ssyncadd.s32 @!p1 $0xFFFFF800  }
0x113: {  	_ =	swait.ge @!p1 [sflag:s26], $0x800  }
0x114: {  	[sflag:s26] =	ssyncset.done @!p1 $0x0  }
0x115: {  	[sflag:s26] =	ssyncadd.s32 @!p1 $0xFFFFF800  }
0x116: {  	_ =	swait.ge @!p1 [sflag:s26], $0x800  }
0x117: {  	s28 =	sshra.s32 s24, $0x2;
	[sflag:s26] =	ssyncset.done @!p1 $0x0  }
0x118: {  	s29 =	sadd.s32 $0x280, s28;
	[sflag:s26] =	ssyncadd.s32 @!p1 $0xFFFFF800  }
0x119: {  	[tilespmem:s16], [sflag:$0x2] =	stream.indirect.gather [spmem:s3], $0x10, s29, s9, $0xb8;
	[tilespmem:$0x14110] =	vst v63  }
0x11a: {  	s30 =	sadd.s32 $0x300, s28  }
0x11b: {  	[tilespmem:s17], [sflag:$0x2] =	stream.indirect.gather [spmem:s3], $0x10, s30, s9, $0xb8;
	[tilespmem:$0x14110] =	vst v63  }
0x11c: {  	s29 =	sadd.s32 $0x380, s28  }
0x11d: {  	[tilespmem:s18], [sflag:$0x2] =	stream.indirect.gather [spmem:s3], $0x10, s29, s9, $0xb8;
	[tilespmem:$0x14110] =	vst v63  }
0x11e: {  	s30 =	sadd.s32 $0x400, s28  }
0x11f: {  	[tilespmem:s19], [sflag:$0x2] =	stream.indirect.gather [spmem:s3], $0x10, s30, s9, $0xb8;
	[tilespmem:$0x14110] =	vst v63  }
0x120: {  	s29 =	sadd.s32 $0x480, s28  }
0x121: {  	[tilespmem:s20], [sflag:$0x2] =	stream.indirect.gather [spmem:s3], $0x10, s29, s9, $0xb8;
	[tilespmem:$0x14110] =	vst v63  }
0x122: {  	_ =	swait.ge [sflag:s22], $0x800  }
0x123: {  	[sflag:s22] =	ssyncset.done $0x0  }
0x124: {  	[sflag:s22] =	ssyncadd.s32 $0xFFFFF800  }
0x125: {  	_ =	swait.ge [sflag:s22], $0x800  }
0x126: {  	[sflag:s22] =	ssyncset.done $0x0  }
0x127: {  	[sflag:s22] =	ssyncadd.s32 $0xFFFFF800  }
0x128: {  	_ =	swait.ge [sflag:s22], $0x800  }
0x129: {  	[sflag:s22] =	ssyncset.done $0x0  }
0x12a: {  	[sflag:s22] =	ssyncadd.s32 $0xFFFFF800  }
0x12b: {  	_ =	swait.ge [sflag:s22], $0x800  }
0x12c: {  	[sflag:s22] =	ssyncset.done $0x0  }
0x12d: {  	[sflag:s22] =	ssyncadd.s32 $0xFFFFF800  }
0x12e: {  	_ =	swait.ge [sflag:s22], $0x800  }
0x12f: {  	[sflag:s22] =	ssyncset.done $0x0  }
0x130: {  	s30 =	sadd.s32 $0x5000, s28;
	[sflag:s22] =	ssyncadd.s32 $0xFFFFF800  }
0x131: {  	[spmem:s2] =	stream.indirect.scatter.add.f32 [tilespmem:s10], [sflag:$0x3], $0x10, s30, s9, $0xb8;
	[tilespmem:$0x14110] =	vst v63  }
0x132: {  	s29 =	sadd.s32 $0x5080, s28  }
0x133: {  	[spmem:s2] =	stream.indirect.scatter.add.f32 [tilespmem:s11], [sflag:$0x3], $0x10, s29, s9, $0xb8;
	[tilespmem:$0x14110] =	vst v63  }
0x134: {  	s30 =	sadd.s32 $0x5100, s28  }
0x135: {  	[spmem:s2] =	stream.indirect.scatter.add.f32 [tilespmem:s12], [sflag:$0x3], $0x10, s30, s9, $0xb8;
	[tilespmem:$0x14110] =	vst v63  }
.Ltmp5:
0x136: {  	_ = 	snop;
	(pc) =	sbr.rel .LBB2_5-.Ltmp5, $4  }
0x137: {  	s29 =	sadd.s32 $0x5180, s28  }
0x138: {  	[spmem:s2] =	stream.indirect.scatter.add.f32 [tilespmem:s13], [sflag:$0x3], $0x10, s29, s9, $0xb8;
	[tilespmem:$0x14110] =	vst v63  }
0x139: {  	s30 =	sadd.s32 $0x5200, s28  }
0x13a: {  	[spmem:s2] =	stream.indirect.scatter.add.f32 [tilespmem:s14], [sflag:$0x3], $0x10, s30, s9, $0xb8;
	[tilespmem:$0x14110] =	vst v63  }
.LBB2_7:
0x13b: {  	_ =	sfence.sel $0x180000  }
0x13c: {  	[bflag:$0x0] =	sbarrier.arrive $0xFFFF  }
0x13d: {  	_ =	strace $0x9000004A  }
0x13e: {  	[bflag:$0x2] =	sbarrier.arrive $0xFFFF  }
0x13f: {  	p0 =	sne.s32 s26, $0x0;
	s0 =	rddreg [dreg:$0x5]  }
0x140: {  	s0 =	sadd.s32 @!p0 $0x100000, s0  }
0x141: {  	[sflag:s0] =	ssyncadd.tile.s32 @!p0 $0x1;
	_ =	shalt  }
.Lfunc_end2:
_tile_overlayer_lowered:
.L_overlay_start_2:
0x142: {  	(tag) =	ssettag $0x2  }
0x143: {  	s0 =	rddreg [dreg:$0x0];
	s2 =	stileid.u32  }
0x144: {  	s1 =	rddreg [dreg:$0x1];
	p0 =	sne.s32 s2, $0x0  }
0x145: {  	s3 =	rddreg [dreg:$0x2];
	[bflag:$0x3] =	sbarrier.arrive $0xFFFF;
	s2 =	simm.s32 @!p0 $0x1C05  }
0x146: {  	[timem:s3], [sflag:s2] =	dma.local @!p0 [hbm:s0], s1  }
0x147: {  	s0 =	simm.s32 @!p0 $0x5  }
0x148: {  	_ =	swait.ge @!p0 [sflag:s0], s1  }
0x149: {  	s1 =	ssub.s32 @!p0 $0x0, s1;
	[sflag:s0] =	ssyncset.done @!p0 $0x0  }
0x14a: {  	[sflag:s0] =	ssyncadd.s32 @!p0 s1  }
0x14b: {  	[bflag:$0x3] =	sbarrier.arrive $0xFFFF  }
0x14c: {  	_ =	shalt  }

// kernel: kernel.7.cloned.1.call-start
scs
__scs_entry_jumppad:
0x0: {  	(pc) =	sbr.rel $0x88, $3  }
0x1: {  	(tag) =	ssettag $0x0;
	lr =	simm.s32 $0x1  }
0x2: {  	[smem:$0x3F9D] =	sst lr;
	_ =	strace $0xD0000000  }
0x3: {  	_ = 	snop  }
0x4: {  	_ = 	snop  }
0x5: {  	_ = 	snop  }
0x6: {  	_ = 	snop  }
0x7: {  	_ = 	snop  }
__scs_overlays_trampoline_lowered:
0x8: {  	[smem:$0x3FAC] =	sst s0  }
0x9: {  	[smem:$0x3FAD] =	sst s1  }
0xa: {  	[smem:$0x3FAE] =	sst s2  }
0xb: {  	[smem:$0x3FAF] =	sst s3  }
0xc: {  	[smem:$0x3FB0] =	sst s4  }
0xd: {  	[smem:$0x3FB1] =	sst s5  }
0xe: {  	[smem:$0x3FB2] =	sst s6  }
0xf: {  	[smem:$0x3FB3] =	sst s7  }
0x10: {  	[smem:$0x3FB4] =	sst s8  }
0x11: {  	[smem:$0x3FB5] =	sst s9;
	s0 =	simm.s32 @!p0 $0x0  }
0x12: {  	s1 =	sld [smem:$0x3F9B];
	s0 =	simm.s32 @p0 $0x1  }
0x13: {  	[smem:$0x3FB6] =	sst s0;
	s0 =	simm.s32 @!p1 $0x0  }
0x14: {  	s2 =	sld [smem:$0x3F9A];
	s0 =	simm.s32 @p1 $0x1  }
0x15: {  	[smem:$0x3FB7] =	sst s0;
	s0 =	simm.s32 @!p2 $0x0  }
0x16: {  	s3 =	sld [smem:$0x3FDB];
	s0 =	simm.s32 @p2 $0x1  }
0x17: {  	s4 =	simm.s32 $0x1BF5;
	[smem:$0x3FB9] =	sst s0  }
0x18: {  	s0 =	sld [smem:$0x3F9C];
	_ =	swait.ge [sflag:s4], $0x0  }
0x19: {  	s7 =	sld [smem:$0x3F9D]  }
0x1a: {  	s8 =	sadd.s32 $0xFFFFE003, lr  }
0x1b: {  	s9 =	sadd.s32 $0xFFFFFEF7, lr;
	s5 =	simm.s32 $0xFFFFFFFF;
	p2 =	slt.u32 s8, $0xFFFFF086  }
0x1c: {  	p1 =	slt.u32 s9, $0xF7A;
	s5 =	simm.s32 @!p2 $0x0  }
0x1d: {  	s5 =	simm.s32 @p1 $0x1;
	p0 =	seq.s32 s7, s2  }
0x1e: {  	s7 =	smul.u32 @!p0 $0xF7A, s2;
	p2 =	seq.s32 @!p0 s5, $0x0  }
0x1f: {  	s9 =	smul.u32 $0xF7A, s1;
	s8 =	simm.s32 @!p0 $0x1BF5;
	p2 =	por !p2, p0  }
0x20: {  	[sflag:s8] =	ssyncset.s32 @!p0 $0xFFFFF086;
	s6 =	sadd.s32 @!p0 s3, s7;
	s7 =	simm.s32 @!p0 $0x108  }
0x21: {  	s3 =	sadd.s32 s3, s9;
	s6 =	sadd.s32 @!p0 $0x88, s6;
	s7 =	simm.s32 @p2 $0x1082  }
0x22: {  	[simem:s7], [sflag:s8] =	dma.local @!p0 [hbm:s6], $0xF7A  }
0x23: {  	s9 =	sor.u32 $0xD0000000, s2;
	s6 =	simm.s32 $0x108;
	_ =	swait.ge @!p0 [sflag:s8], $0x0  }
0x24: {  	s3 =	sadd.s32 $0x88, s3;
	s6 =	simm.s32 @!p1 $0x1082;
	[sflag:s4] =	ssyncset.s32 $0xFFFFF086  }
0x25: {  	[simem:s6], [sflag:s4] =	dma.local [hbm:s3], $0xF7A  }
0x26: {  	[smem:$0x3F9D] =	sst s1;
	(tag) =	ssettag s2;
	_ =	strace s9  }
0x27: {  	s1 =	sld [smem:$0x3FAD]  }
0x28: {  	s2 =	sld [smem:$0x3FAE]  }
0x29: {  	s4 =	sld [smem:$0x3FB0]  }
0x2a: {  	p0 =	seq.s32 s5, $0x0;
	s5 =	sld [smem:$0x3FB1]  }
0x2b: {  	s6 =	sld [smem:$0x3FB2]  }
0x2c: {  	s7 =	sld [smem:$0x3FB3]  }
0x2d: {  	s3 =	simm.s32 $0x108;
	s8 =	sld [smem:$0x3FB4]  }
0x2e: {  	s3 =	simm.s32 @!p0 $0x1082;
	s9 =	sld [smem:$0x3FB5]  }
0x2f: {  	lr =	sadd.s32 s0, s3;
	s0 =	sld [smem:$0x3FAC]  }
0x30: {  	s3 =	sld [smem:$0x3FAF]  }
0x31: {  	[smem:$0x3FB8] =	sst s10  }
0x32: {  	s10 =	sld [smem:$0x3FB6];
	_ =	sdelay $0x3  }
0x33: {  	p0 =	seq.s32 s10, $0x1;
	s10 =	sld [smem:$0x3FB8];
	_ =	sdelay $0x3  }
0x34: {  	[smem:$0x3FB8] =	sst s10  }
0x35: {  	s10 =	sld [smem:$0x3FB7];
	_ =	sdelay $0x3  }
0x36: {  	p1 =	seq.s32 s10, $0x1;
	s10 =	sld [smem:$0x3FB8];
	_ =	sdelay $0x3  }
0x37: {  	[smem:$0x3FB8] =	sst s10  }
0x38: {  	s10 =	sld [smem:$0x3FB9]  }
0x39: {  	_ = 	snop;
	(pc) =	sbr.ind lr, $3  }
0x3a: {  	_ = 	snop  }
0x3b: {  	_ = 	snop  }
0x3c: {  	p2 =	seq.s32 s10, $0x1;
	s10 =	sld [smem:$0x3FB8]  }
0x3d: {  	_ =	shalt  }
0x3e: {  	_ =	shalt  }
0x3f: {  	_ =	shalt  }
0x40: {  	_ =	shalt  }
0x41: {  	_ =	shalt  }
0x42: {  	_ =	shalt  }
0x43: {  	_ =	shalt  }
0x44: {  	_ =	shalt  }
0x45: {  	_ =	shalt  }
0x46: {  	_ =	shalt  }
0x47: {  	_ =	shalt  }
0x48: {  	_ =	shalt  }
0x49: {  	_ =	shalt  }
0x4a: {  	_ =	shalt  }
0x4b: {  	_ =	shalt  }
0x4c: {  	_ =	shalt  }
0x4d: {  	_ =	shalt  }
0x4e: {  	_ =	shalt  }
0x4f: {  	_ =	shalt  }
0x50: {  	_ =	shalt  }
0x51: {  	_ =	shalt  }
0x52: {  	_ =	shalt  }
0x53: {  	_ =	shalt  }
0x54: {  	_ =	shalt  }
0x55: {  	_ =	shalt  }
0x56: {  	_ =	shalt  }
0x57: {  	_ =	shalt  }
0x58: {  	_ =	shalt  }
0x59: {  	_ =	shalt  }
0x5a: {  	_ =	shalt  }
0x5b: {  	_ =	shalt  }
0x5c: {  	_ =	shalt  }
0x5d: {  	_ =	shalt  }
0x5e: {  	_ =	shalt  }
0x5f: {  	_ =	shalt  }
0x60: {  	_ =	shalt  }
0x61: {  	_ =	shalt  }
0x62: {  	_ =	shalt  }
0x63: {  	_ =	shalt  }
0x64: {  	_ =	shalt  }
0x65: {  	_ =	shalt  }
0x66: {  	_ =	shalt  }
0x67: {  	_ =	shalt  }
0x68: {  	_ =	shalt  }
0x69: {  	_ =	shalt  }
0x6a: {  	_ =	shalt  }
0x6b: {  	_ =	shalt  }
0x6c: {  	_ =	shalt  }
0x6d: {  	_ =	shalt  }
0x6e: {  	_ =	shalt  }
0x6f: {  	_ =	shalt  }
0x70: {  	_ =	shalt  }
0x71: {  	_ =	shalt  }
0x72: {  	_ =	shalt  }
0x73: {  	_ =	shalt  }
0x74: {  	_ =	shalt  }
0x75: {  	_ =	shalt  }
0x76: {  	_ =	shalt  }
0x77: {  	_ =	shalt  }
0x78: {  	_ =	shalt  }
0x79: {  	_ =	shalt  }
0x7a: {  	_ =	shalt  }
0x7b: {  	_ =	shalt  }
0x7c: {  	_ =	shalt  }
0x7d: {  	_ =	shalt  }
0x7e: {  	_ =	shalt  }
0x7f: {  	_ =	shalt  }
0x80: {  	_ =	shalt  }
0x81: {  	_ =	shalt  }
0x82: {  	_ =	shalt  }
0x83: {  	_ =	shalt  }
0x84: {  	_ =	shalt  }
0x85: {  	_ =	shalt  }
0x86: {  	_ =	shalt  }
0x87: {  	_ =	shalt  }
.Lfunc_end0:
.L_simem_size_0:
called_computation_lowered:
.L_overlay_start_0:
0x88: {  	s2 =	sld [smem:$0x3FD9]  }
0x89: {  	s3 =	sld [smem:$0x3FFE];
	_ =	sdelay $0x1  }
0x8a: {  	s1 =	srdreg.scid  }
0x8b: {  	s0 =	sand.u32 $0x1, s1  }
0x8c: {  	s14 =	sshll.u32 s0, $0xA;
	s2 =	sadd.s32 s3, s2  }
0x8d: {  	s2 =	sadd.s32 s2, s14  }
0x8e: {  	[smem:$0x3FC4] =	sst s2  }
0x8f: {  	_ = 	snop  }
0x90: {  	s2 =	sld [smem:$0x3FD0];
	_ =	sdelay $0x2  }
0x91: {  	s15 =	simm.s32 $0xA;
	s4 =	simm.s32 $0x10  }
0x92: {  	[smem:s4], [sflag:s15] =	dma.local [hbm:s2], $0x1  }
0x93: {  	_ =	swait.eq [sflag:s15], $0x1  }
0x94: {  	[sflag:s15] =	ssyncset.done $0x0  }
0x95: {  	[sflag:s15] =	ssyncadd.s32 $0xFFFFFFFF  }
0x96: {  	s16 =	sld [smem:$0x11];
	(tm) =	ssettm $0x1  }
0x97: {  	s17 =	sld [smem:$0x3FFB];
	_ =	sdelay $0x3  }
0x98: {  	_ =	strace s17  }
0x99: {  	s3 =	sld [smem:$0x3FFC];
	_ =	sdelay $0x3  }
0x9a: {  	_ =	strace s3  }
0x9b: {  	s3 =	sld [smem:$0x3FFD];
	_ =	sdelay $0x3  }
0x9c: {  	_ =	strace s3  }
0x9d: {  	_ =	strace $0x8FFFFFFF  }
0x9e: {  	s18 =	sld [smem:$0x3FDB];
	_ =	sdelay $0x1  }
0x9f: {  	s19 =	simm.s32 $_scs_section_size  }
0xa0: {  	s5 =	simm.s32 $_size__tile_overlayer_lowered;
	s6 =	simm.s32 $_tile_overlayer_lowered  }
0xa1: {  	s22 =	simm.s32 $0x1BFF;
	s21 =	sshll.u32 s6, $0x1;
	s3 =	sadd.s32 s19, s18  }
0xa2: {  	s7 =	simm.s32 $0x0;
	s20 =	sshll.u32 s5, $0x1;
	s5 =	sadd.s32 s21, s3  }
0xa3: {  	[timem:s7], [sflag:s22] =	dma.local [hbm:s5], s20  }
0xa4: {  	_ =	swait.ge [sflag:s22], s20  }
0xa5: {  	s4 =	ssub.s32 $0x0, s20;
	[sflag:s22] =	ssyncset.done $0x0  }
0xa6: {  	[sflag:s22] =	ssyncadd.s32 s4;
	_ =	sdelay $0x1  }
0xa7: {  	s23 =	simm.s32 $0x1B8B  }
0xa8: {  	_ =	swait.ge [sflag:s23], $0x1  }
0xa9: {  	[sflag:s23] =	ssyncset.done $0x0  }
0xaa: {  	s25 =	simm.s32 $0x1B8E;
	s24 =	sld [smem:$0x3FFE];
	[sflag:s23] =	ssyncadd.s32 $0xFFFFFFFF  }
0xab: {  	s26 =	simm.s32 $execute0_lowered;
	[smem:$0x3FD2] =	sst s25  }
0xac: {  	s5 =	sshll.u32 s26, $0x1;
	_ =	strace $0x80000046;
	[dreg:$0x1] =	wrdreg $0xFFFFFFFF  }
0xad: {  	s28 =	simm.s32 $_size_execute0_lowered;
	s3 =	sadd.s32 s3, s5;
	[dreg:$0x0] =	wrdreg $0x0  }
0xae: {  	s5 =	sshll.u32 s28, $0x1;
	[dreg:$0x2] =	wrdreg s3  }
0xaf: {  	[dreg:$0x3] =	wrdreg s5  }
0xb0: {  	[dreg:$0x4] =	wrdreg $0xC0  }
0xb1: {  	_ =	task [dreg:s7], $0x5FFFF  }
0xb2: {  	[dreg:$0x1] =	wrdreg $0xFFFFFFFF  }
0xb3: {  	[dreg:$0x0] =	wrdreg $0x60  }
0xb4: {  	[dreg:$0x2] =	wrdreg s16  }
0xb5: {  	[dreg:$0x3] =	wrdreg s24  }
0xb6: {  	[dreg:$0x4] =	wrdreg $0x144000  }
0xb7: {  	[dreg:$0x5] =	wrdreg $0x194000  }
0xb8: {  	[dreg:$0x6] =	wrdreg $0x9  }
0xb9: {  	_ =	task.clear_ibuf [dreg:s7], $0x7FFFF;
	_ =	strace $0x90000046  }
0xba: {  	s29 =	simm.s32 $0x9;
	_ =	strace $0x80000048  }
0xbb: {  	_ =	swait.ge [sflag:s29], $0x1  }
0xbc: {  	[sflag:s29] =	ssyncadd.s32 $0xFFFFFFFF  }
0xbd: {  	_ =	strace $0x90000048  }
0xbe: {  	_ =	sfence  }
0xbf: {  	s30 =	sld [smem:$0x0];
	_ =	sdelay $0x2  }
0xc0: {  	s31 =	sshll.u32 s1, $0xD;
	s1 =	sshrl.u32 s1, $0x2  }
0xc1: {  	s3 =	sand.u32 $0x4000, s31;
	s1 =	sadd.s32 s1, s30  }
0xc2: {  	s0 =	sor.u32 s3, s0;
	s1 =	sshll.u32 s1, $0x11  }
0xc3: {  	s0 =	sor.u32 s1, s0  }
0xc4: {  	s0 =	sadd.s32 $0x8F2B, s0  }
0xc5: {  	[sflag:s0] =	ssyncadd.remote.s32 $0x1  }
0xc6: {  	_ =	sfence.sel $0xFFFF  }
0xc7: {  	[dreg:$0x0] =	wrdreg $0xFFFFFFFF;
	(pc) =	sbr.abs _section_cstart, $3  }
0xc8: {  	[dreg:$0x1] =	wrdreg $0xFFFFFFFF  }
0xc9: {  	_ =	task.clear_ibuf [dreg:s7], $0x2FFFF;
	_ =	strace $0x9FFFFFFF  }
0xca: {  	(tm) =	ssettm $0x7FFFFFFF  }
0xcb: {  	_ =	shalt  }
tec
execute0_lowered:
.L_overlay_start_1:
0x0: {  	(tag) =	ssettag $0x1  }
0x1: {  	s0 =	srdreg.scid;
	s26 =	stileid.u32  }
0x2: {  	s1 =	rddreg [dreg:$0x0];
	s8 =	smul.u32 $0x4E00, s26  }
0x3: {  	s6 =	rddreg [dreg:$0x1];
	s5 =	smul.u32 $0x5000, s26  }
0x4: {  	s4 =	simm.s32 $0x0;
	s0 =	sand.u32 $0x1, s0;
	s11 =	smul.u32 $0x14000, s26  }
0x5: {  	[smem:$0x7FF] =	sst s4;
	p0 =	seq.s32 s26, $0xF;
	s2 =	sshll.u32 s0, $0x4  }
0x6: {  	s3 =	sor.u32 s26, s2;
	s2 =	rddreg [dreg:$0x2];
	s11 =	sshrl.u32 s11, $0x2  }
0x7: {  	s9 =	smul.u32 $0x50000, s0;
	s0 =	ssub.s32 $0x2, s0;
	s11 =	sadd.s32 s11, s2  }
0x8: {  	s7 =	smul.u32 $0xA00, s3;
	s3 =	rddreg [dreg:$0x3];
	s21 =	sadd.s32 $0x400, s11  }
0x9: {  	_ =	strace $0x80000047;
	s22 =	sadd.s32 $0x800, s11;
	[dreg:$0x5] =	wrdreg s21  }
0xa: {  	s10 =	sshrl.u32 s8, $0x3;
	s23 =	sadd.s32 $0xC00, s11;
	[dreg:$0x6] =	wrdreg s22  }
0xb: {  	s13 =	sshrl.u32 s0, $0x1;
	s24 =	sadd.s32 $0x1000, s11;
	[dreg:$0x7] =	wrdreg s23  }
0xc: {  	s10 =	sadd.s32 s10, s6;
	s25 =	sadd.s32 $0x1400, s11;
	[dreg:$0x8] =	wrdreg s24  }
0xd: {  	s9 =	sadd.s32 s5, s9;
	s28 =	sadd.s32 $0x1800, s11;
	[dreg:$0x9] =	wrdreg s25  }
0xe: {  	s0 =	ssub.s32 s0, s13;
	s29 =	sadd.s32 $0x1C00, s11;
	[dreg:$0xa] =	wrdreg s28  }
0xf: {  	s5 =	sadd.s32 s5, s2;
	s30 =	sadd.s32 $0x2000, s11;
	[dreg:$0xb] =	wrdreg s29  }
0x10: {  	s13 =	simm.s32 $0xD000;
	s14 =	sadd.s32 $0x2400, s11;
	[dreg:$0xc] =	wrdreg s30  }
0x11: {  	s9 =	sshrl.u32 s9, $0x3;
	s15 =	sadd.s32 $0x2800, s11;
	[dreg:$0xd] =	wrdreg s14  }
0x12: {  	s16 =	sadd.s32 $0x2C00, s11;
	s17 =	sadd.s32 $0x3000, s11;
	[dreg:$0xe] =	wrdreg s15  }
0x13: {  	s18 =	sadd.s32 $0x3400, s11;
	s19 =	sadd.s32 $0x3800, s11;
	[dreg:$0xf] =	wrdreg s16  }
0x14: {  	s20 =	sadd.s32 $0x3C00, s11;
	s31 =	smax.u32 s0, $0x1;
	[dreg:$0x11] =	wrdreg s17  }
0x15: {  	s0 =	sadd.s32 $0x49200, s3;
	s12 =	sadd.s32 s7, s6;
	[dreg:$0x12] =	wrdreg s18  }
0x16: {  	s9 =	sadd.s32 s9, s6;
	s1 =	sadd.s32 s1, s7;
	[dreg:$0x13] =	wrdreg s19  }
0x17: {  	[dreg:$0x14] =	wrdreg s20;
	s21 =	sadd.s32 $0x4000, s11;
	s22 =	sadd.s32 $0x4400, s11  }
0x18: {  	s23 =	sadd.s32 $0x4800, s11;
	s24 =	sadd.s32 $0x4C00, s11;
	s7 =	sadd.s32 s8, s3  }
0x19: {  	s28 =	sadd.s32 $0x1200, s10;
	s29 =	sadd.s32 $0xA440, s6;
	s6 =	simm.s32 $0x14000  }
0x1a: {  	s8 =	simm.s32 $0x2;
	s10 =	simm.s32 $0xA000;
	[dreg:$0x10] =	wrdreg s1  }
0x1b: {  	s11 =	simm.s32 $0xB000;
	s14 =	simm.s32 $0xE000;
	[dreg:$0x15] =	wrdreg s21  }
0x1c: {  	s15 =	simm.s32 $0x3;
	s16 =	simm.s32 $0xF000;
	[dreg:$0x16] =	wrdreg s22  }
0x1d: {  	s17 =	simm.s32 $0x10000;
	s18 =	simm.s32 $0x11000;
	[dreg:$0x17] =	wrdreg s23  }
0x1e: {  	s19 =	simm.s32 $0x12000;
	s20 =	simm.s32 $0x13000;
	[dreg:$0x18] =	wrdreg s24  }
.Ltmp0:
0x1f: {  	s25 =	sadd.s32 $0xB000, s12;
	[dreg:$0x1a] =	wrdreg s28;
	(pc) =	sbr.rel .LBB2_1-.Ltmp0, $4  }
0x20: {  	[dreg:$0x1b] =	wrdreg s29;
	s30 =	sadd.s32 $0x1F000, s9;
	s1 =	sshrl.u32 @p0 s0, $0x3  }
0x21: {  	s0 =	sshrl.u32 @!p0 s7, $0x3;
	s7 =	simm.s32 $0x5;
	s9 =	simm.s32 $0x80  }
0x22: {  	s12 =	simm.s32 $0xC000;
	s21 =	simm.s32 $0x4;
	[dreg:$0x19] =	wrdreg s25  }
0x23: {  	v0 =	vimm.f32 $0.0e+00;
	s22 =	simm.s32 $0x1;
	s23 =	simm.s32 $0x0;
	[dreg:$0x1c] =	wrdreg s30  }
.LBB2_6:
0x24: {  	_ =	swait.ge [sflag:s21], $0x1000  }
0x25: {  	[sflag:s21] =	ssyncset.done $0x0  }
0x26: {  	[sflag:s21] =	ssyncadd.s32 $0xFFFFF000  }
0x27: {  	_ =	swait.ge [sflag:s21], $0x1000  }
0x28: {  	[sflag:s21] =	ssyncset.done $0x0  }
0x29: {  	[sflag:s21] =	ssyncadd.s32 $0xFFFFF000  }
0x2a: {  	_ =	swait.ge [sflag:s21], $0x1000  }
0x2b: {  	[sflag:s21] =	ssyncset.done $0x0  }
0x2c: {  	[sflag:s21] =	ssyncadd.s32 $0xFFFFF000  }
0x2d: {  	_ =	swait.ge [sflag:s21], $0x1000  }
0x2e: {  	[sflag:s21] =	ssyncset.done $0x0  }
0x2f: {  	[sflag:s21] =	ssyncadd.s32 $0xFFFFF000  }
0x30: {  	_ =	swait.ge [sflag:s21], $0x1000  }
0x31: {  	s26 =	stileid.u32;
	[sflag:s21] =	ssyncset.done $0x0  }
0x32: {  	s25 =	sshrl.u32 s5, $0x3;
	s23 =	sadd.s32 $0x1, s23;
	[sflag:s21] =	ssyncadd.s32 $0xFFFFF000  }
0x33: {  	s24 =	sshll.u32 s26, $0x6;
	p1 =	sne.s32 s23, s31;
	[bflag:$0x0] =	sbarrier.arrive $0xFFFF  }
.Ltmp1:
0x34: {  	s24 =	sor.u32 $0x1C05, s24;
	s28 =	rddreg [dreg:$0x1c];
	(pc) =	sbr.rel @!p1 .LBB2_7-.Ltmp1, $4  }
0x35: {  	[hbm:s28], [sflag:s24] =	dma.local [spmem:s25], $0xA00  }
0x36: {  	_ =	swait.ge [sflag:s7], $0xA00  }
0x37: {  	[sflag:s7] =	ssyncset.done $0x0  }
0x38: {  	[sflag:s7] =	ssyncadd.s32 $0xFFFFF600  }
.LBB2_1:
0x39: {  	[tilespmem:$0x14000] =	vst v0  }
0x3a: {  	[tilespmem:$0x14010] =	vst v0  }
0x3b: {  	[tilespmem:$0x14020] =	vst v0  }
0x3c: {  	[tilespmem:$0x14030] =	vst v0  }
0x3d: {  	[tilespmem:$0x14040] =	vst v0  }
0x3e: {  	[tilespmem:$0x14050] =	vst v0  }
0x3f: {  	[tilespmem:$0x14060] =	vst v0  }
0x40: {  	[tilespmem:$0x14070] =	vst v0  }
0x41: {  	[tilespmem:$0x14080] =	vst v0  }
0x42: {  	[tilespmem:$0x14090] =	vst v0  }
0x43: {  	[tilespmem:$0x140A0] =	vst v0  }
0x44: {  	[tilespmem:$0x140B0] =	vst v0  }
0x45: {  	[tilespmem:$0x140C0] =	vst v0  }
0x46: {  	[tilespmem:$0x140D0] =	vst v0  }
0x47: {  	[tilespmem:$0x140E0] =	vst v0  }
0x48: {  	[tilespmem:$0x140F0] =	vst v0  }
0x49: {  	[tilespmem:$0x14100] =	vst v0  }
0x4a: {  	[tilespmem:$0x14110] =	vst v0  }
0x4b: {  	[tilespmem:$0x14120] =	vst v0  }
0x4c: {  	[tilespmem:$0x14130] =	vst v0  }
0x4d: {  	[tilespmem:$0x14140] =	vst v0  }
0x4e: {  	[tilespmem:$0x14150] =	vst v0  }
0x4f: {  	[tilespmem:$0x14160] =	vst v0  }
0x50: {  	[tilespmem:$0x14170] =	vst v0  }
0x51: {  	[tilespmem:$0x14180] =	vst v0  }
0x52: {  	[tilespmem:$0x14190] =	vst v0  }
0x53: {  	[tilespmem:$0x141A0] =	vst v0  }
0x54: {  	[tilespmem:$0x141B0] =	vst v0  }
0x55: {  	[tilespmem:$0x141C0] =	vst v0  }
0x56: {  	[tilespmem:$0x141D0] =	vst v0  }
0x57: {  	[tilespmem:$0x141E0] =	vst v0  }
0x58: {  	[tilespmem:$0x141F0] =	vst v0  }
0x59: {  	[tilespmem:$0x14200] =	vst v0  }
0x5a: {  	[tilespmem:$0x14210] =	vst v0  }
0x5b: {  	[tilespmem:$0x14220] =	vst v0  }
0x5c: {  	[tilespmem:$0x14230] =	vst v0  }
0x5d: {  	[tilespmem:$0x14240] =	vst v0  }
0x5e: {  	[tilespmem:$0x14250] =	vst v0  }
0x5f: {  	[tilespmem:$0x14260] =	vst v0  }
0x60: {  	[tilespmem:$0x14270] =	vst v0  }
0x61: {  	[tilespmem:$0x14280] =	vst v0  }
0x62: {  	[tilespmem:$0x14290] =	vst v0  }
0x63: {  	[tilespmem:$0x142A0] =	vst v0  }
0x64: {  	[tilespmem:$0x142B0] =	vst v0  }
0x65: {  	[tilespmem:$0x142C0] =	vst v0  }
0x66: {  	[tilespmem:$0x142D0] =	vst v0  }
0x67: {  	[tilespmem:$0x142E0] =	vst v0  }
0x68: {  	[tilespmem:$0x142F0] =	vst v0  }
0x69: {  	[tilespmem:$0x14300] =	vst v0  }
0x6a: {  	[tilespmem:$0x14310] =	vst v0  }
0x6b: {  	[tilespmem:$0x14320] =	vst v0  }
0x6c: {  	[tilespmem:$0x14330] =	vst v0  }
0x6d: {  	[tilespmem:$0x14340] =	vst v0  }
0x6e: {  	[tilespmem:$0x14350] =	vst v0  }
0x6f: {  	[tilespmem:$0x14360] =	vst v0  }
0x70: {  	[tilespmem:$0x14370] =	vst v0  }
0x71: {  	[tilespmem:$0x14380] =	vst v0  }
0x72: {  	[tilespmem:$0x14390] =	vst v0  }
0x73: {  	[tilespmem:$0x143A0] =	vst v0  }
0x74: {  	[tilespmem:$0x143B0] =	vst v0  }
0x75: {  	[tilespmem:$0x143C0] =	vst v0  }
0x76: {  	[tilespmem:$0x143D0] =	vst v0  }
0x77: {  	[tilespmem:$0x143E0] =	vst v0  }
0x78: {  	[tilespmem:$0x143F0] =	vst v0  }
0x79: {  	[spmem:s5] =	stream.linear.scatter [tilespmem:s6], [sflag:$0x5], $0x400, $0x38;
	[tilespmem:$0x1E220] =	vst v63  }
0x7a: {  	_ =	swait.ge [sflag:s7], $0x400  }
0x7b: {  	[sflag:s7] =	ssyncset.done $0x0  }
0x7c: {  	s24 =	rddreg [dreg:$0x5];
	[sflag:s7] =	ssyncadd.s32 $0xFFFFFC00  }
0x7d: {  	[spmem:s24] =	stream.linear.scatter [tilespmem:s6], [sflag:$0x5], $0x400, $0x38;
	[tilespmem:$0x1E220] =	vst v63  }
0x7e: {  	_ =	swait.ge [sflag:s7], $0x400  }
0x7f: {  	[sflag:s7] =	ssyncset.done $0x0  }
0x80: {  	s25 =	rddreg [dreg:$0x6];
	[sflag:s7] =	ssyncadd.s32 $0xFFFFFC00  }
0x81: {  	[spmem:s25] =	stream.linear.scatter [tilespmem:s6], [sflag:$0x5], $0x400, $0x38;
	[tilespmem:$0x1E220] =	vst v63  }
0x82: {  	_ =	swait.ge [sflag:s7], $0x400  }
0x83: {  	[sflag:s7] =	ssyncset.done $0x0  }
0x84: {  	s28 =	rddreg [dreg:$0x7];
	[sflag:s7] =	ssyncadd.s32 $0xFFFFFC00  }
0x85: {  	[spmem:s28] =	stream.linear.scatter [tilespmem:s6], [sflag:$0x5], $0x400, $0x38;
	[tilespmem:$0x1E220] =	vst v63  }
0x86: {  	_ =	swait.ge [sflag:s7], $0x400  }
0x87: {  	[sflag:s7] =	ssyncset.done $0x0  }
0x88: {  	s29 =	rddreg [dreg:$0x8];
	[sflag:s7] =	ssyncadd.s32 $0xFFFFFC00  }
0x89: {  	[spmem:s29] =	stream.linear.scatter [tilespmem:s6], [sflag:$0x5], $0x400, $0x38;
	[tilespmem:$0x1E220] =	vst v63  }
0x8a: {  	_ =	swait.ge [sflag:s7], $0x400  }
0x8b: {  	[sflag:s7] =	ssyncset.done $0x0  }
0x8c: {  	s30 =	rddreg [dreg:$0x9];
	[sflag:s7] =	ssyncadd.s32 $0xFFFFFC00  }
0x8d: {  	[spmem:s30] =	stream.linear.scatter [tilespmem:s6], [sflag:$0x5], $0x400, $0x38;
	[tilespmem:$0x1E220] =	vst v63  }
0x8e: {  	_ =	swait.ge [sflag:s7], $0x400  }
0x8f: {  	[sflag:s7] =	ssyncset.done $0x0  }
0x90: {  	s25 =	rddreg [dreg:$0xa];
	[sflag:s7] =	ssyncadd.s32 $0xFFFFFC00  }
0x91: {  	[spmem:s25] =	stream.linear.scatter [tilespmem:s6], [sflag:$0x5], $0x400, $0x38;
	[tilespmem:$0x1E220] =	vst v63  }
0x92: {  	_ =	swait.ge [sflag:s7], $0x400  }
0x93: {  	[sflag:s7] =	ssyncset.done $0x0  }
0x94: {  	s28 =	rddreg [dreg:$0xb];
	[sflag:s7] =	ssyncadd.s32 $0xFFFFFC00  }
0x95: {  	[spmem:s28] =	stream.linear.scatter [tilespmem:s6], [sflag:$0x5], $0x400, $0x38;
	[tilespmem:$0x1E220] =	vst v63  }
0x96: {  	_ =	swait.ge [sflag:s7], $0x400  }
0x97: {  	[sflag:s7] =	ssyncset.done $0x0  }
0x98: {  	s29 =	rddreg [dreg:$0xc];
	[sflag:s7] =	ssyncadd.s32 $0xFFFFFC00  }
0x99: {  	[spmem:s29] =	stream.linear.scatter [tilespmem:s6], [sflag:$0x5], $0x400, $0x38;
	[tilespmem:$0x1E220] =	vst v63  }
0x9a: {  	_ =	swait.ge [sflag:s7], $0x400  }
0x9b: {  	[sflag:s7] =	ssyncset.done $0x0  }
0x9c: {  	s30 =	rddreg [dreg:$0xd];
	[sflag:s7] =	ssyncadd.s32 $0xFFFFFC00  }
0x9d: {  	[spmem:s30] =	stream.linear.scatter [tilespmem:s6], [sflag:$0x5], $0x400, $0x38;
	[tilespmem:$0x1E220] =	vst v63  }
0x9e: {  	_ =	swait.ge [sflag:s7], $0x400  }
0x9f: {  	[sflag:s7] =	ssyncset.done $0x0  }
0xa0: {  	s25 =	rddreg [dreg:$0xe];
	[sflag:s7] =	ssyncadd.s32 $0xFFFFFC00  }
0xa1: {  	[spmem:s25] =	stream.linear.scatter [tilespmem:s6], [sflag:$0x5], $0x400, $0x38;
	[tilespmem:$0x1E220] =	vst v63  }
0xa2: {  	_ =	swait.ge [sflag:s7], $0x400  }
0xa3: {  	[sflag:s7] =	ssyncset.done $0x0  }
0xa4: {  	s28 =	rddreg [dreg:$0xf];
	[sflag:s7] =	ssyncadd.s32 $0xFFFFFC00  }
0xa5: {  	[spmem:s28] =	stream.linear.scatter [tilespmem:s6], [sflag:$0x5], $0x400, $0x38;
	[tilespmem:$0x1E220] =	vst v63  }
0xa6: {  	_ =	swait.ge [sflag:s7], $0x400  }
0xa7: {  	[sflag:s7] =	ssyncset.done $0x0  }
0xa8: {  	s29 =	rddreg [dreg:$0x11];
	[sflag:s7] =	ssyncadd.s32 $0xFFFFFC00  }
0xa9: {  	[spmem:s29] =	stream.linear.scatter [tilespmem:s6], [sflag:$0x5], $0x400, $0x38;
	[tilespmem:$0x1E220] =	vst v63  }
0xaa: {  	_ =	swait.ge [sflag:s7], $0x400  }
0xab: {  	[sflag:s7] =	ssyncset.done $0x0  }
0xac: {  	s30 =	rddreg [dreg:$0x12];
	[sflag:s7] =	ssyncadd.s32 $0xFFFFFC00  }
0xad: {  	[spmem:s30] =	stream.linear.scatter [tilespmem:s6], [sflag:$0x5], $0x400, $0x38;
	[tilespmem:$0x1E220] =	vst v63  }
0xae: {  	_ =	swait.ge [sflag:s7], $0x400  }
0xaf: {  	[sflag:s7] =	ssyncset.done $0x0  }
0xb0: {  	s25 =	rddreg [dreg:$0x13];
	[sflag:s7] =	ssyncadd.s32 $0xFFFFFC00  }
0xb1: {  	[spmem:s25] =	stream.linear.scatter [tilespmem:s6], [sflag:$0x5], $0x400, $0x38;
	[tilespmem:$0x1E220] =	vst v63  }
0xb2: {  	_ =	swait.ge [sflag:s7], $0x400  }
0xb3: {  	[sflag:s7] =	ssyncset.done $0x0  }
0xb4: {  	s28 =	rddreg [dreg:$0x14];
	[sflag:s7] =	ssyncadd.s32 $0xFFFFFC00  }
0xb5: {  	[spmem:s28] =	stream.linear.scatter [tilespmem:s6], [sflag:$0x5], $0x400, $0x38;
	[tilespmem:$0x1E220] =	vst v63  }
0xb6: {  	_ =	swait.ge [sflag:s7], $0x400  }
0xb7: {  	[sflag:s7] =	ssyncset.done $0x0  }
0xb8: {  	s29 =	rddreg [dreg:$0x15];
	[sflag:s7] =	ssyncadd.s32 $0xFFFFFC00  }
0xb9: {  	[spmem:s29] =	stream.linear.scatter [tilespmem:s6], [sflag:$0x5], $0x400, $0x38;
	[tilespmem:$0x1E220] =	vst v63  }
0xba: {  	_ =	swait.ge [sflag:s7], $0x400  }
0xbb: {  	[sflag:s7] =	ssyncset.done $0x0  }
0xbc: {  	s30 =	rddreg [dreg:$0x16];
	[sflag:s7] =	ssyncadd.s32 $0xFFFFFC00  }
0xbd: {  	[spmem:s30] =	stream.linear.scatter [tilespmem:s6], [sflag:$0x5], $0x400, $0x38;
	[tilespmem:$0x1E220] =	vst v63  }
0xbe: {  	_ =	swait.ge [sflag:s7], $0x400  }
0xbf: {  	[sflag:s7] =	ssyncset.done $0x0  }
0xc0: {  	s25 =	rddreg [dreg:$0x17];
	[sflag:s7] =	ssyncadd.s32 $0xFFFFFC00  }
0xc1: {  	[spmem:s25] =	stream.linear.scatter [tilespmem:s6], [sflag:$0x5], $0x400, $0x38;
	[tilespmem:$0x1E220] =	vst v63  }
0xc2: {  	_ =	swait.ge [sflag:s7], $0x400  }
0xc3: {  	[sflag:s7] =	ssyncset.done $0x0  }
0xc4: {  	s28 =	rddreg [dreg:$0x18];
	[sflag:s7] =	ssyncadd.s32 $0xFFFFFC00  }
0xc5: {  	[spmem:s28] =	stream.linear.scatter [tilespmem:s6], [sflag:$0x5], $0x400, $0x38;
	[tilespmem:$0x1E220] =	vst v63  }
0xc6: {  	_ =	swait.ge [sflag:s7], $0x400  }
0xc7: {  	[sflag:s7] =	ssyncset.done $0x0  }
0xc8: {  	[sflag:s7] =	ssyncadd.s32 $0xFFFFFC00  }
0xc9: {  	[bflag:$0x0] =	sbarrier.arrive $0xFFFF  }
0xca: {  	s29 =	rddreg [dreg:$0x10]  }
0xcb: {  	[tilespmem:s4], [sflag:$0x2] =	stream.linear.gather [hbm4b:s29+s4], $0x5000, $0x38;
	[tilespmem:$0x1E220] =	vst v63  }
0xcc: {  	s25 =	simm.s32 $0x5000;
	s30 =	rddreg [dreg:$0x19]  }
0xcd: {  	[tilespmem:s25], [sflag:$0x2] =	stream.linear.gather [hbm4b:s30+s4], $0x5000, $0x38;
	[tilespmem:$0x1E220] =	vst v63  }
0xce: {  	s24 =	simm.s32 @p0 $0x1FC3;
	s25 =	rddreg [dreg:$0x1b]  }
0xcf: {  	[spmem:s1], [sflag:s24] =	dma.local @p0 [hbm:s25], $0xA00  }
0xd0: {  	s24 =	sshll.u32 @!p0 s26, $0x6  }
0xd1: {  	s24 =	sor.u32 @!p0 $0x1C03, s24;
	s25 =	rddreg [dreg:$0x1a]  }
0xd2: {  	[spmem:s0], [sflag:s24] =	dma.local @!p0 [hbm:s25], $0x9C0  }
0xd3: {  	_ =	swait.ge [sflag:s8], $0x5000  }
0xd4: {  	[sflag:s8] =	ssyncset.done $0x0  }
0xd5: {  	[sflag:s8] =	ssyncadd.s32 $0xFFFFB000  }
0xd6: {  	_ =	swait.ge [sflag:s8], $0x5000  }
0xd7: {  	[sflag:s8] =	ssyncset.done $0x0  }
0xd8: {  	s24 =	simm.s32 @p0 $0x3;
	[sflag:s8] =	ssyncadd.s32 $0xFFFFB000  }
0xd9: {  	_ =	swait.ge @p0 [sflag:s24], $0xA00  }
0xda: {  	[sflag:s24] =	ssyncset.done @p0 $0x0  }
0xdb: {  	[sflag:s24] =	ssyncadd.s32 @p0 $0xFFFFF600;
	s24 =	simm.s32 @!p0 $0x3  }
0xdc: {  	_ =	swait.ge @!p0 [sflag:s24], $0x9C0  }
0xdd: {  	[sflag:s24] =	ssyncset.done @!p0 $0x0  }
0xde: {  	[sflag:s24] =	ssyncadd.s32 @!p0 $0xFFFFF640  }
0xdf: {  	[bflag:$0x0] =	sbarrier.arrive $0xFFFF  }
0xe0: {  	[tilespmem:s10], [sflag:$0x1] =	stream.indirect.gather [spmem:s3], $0x20, s4, s9, $0xb8;
	[tilespmem:$0x1E220] =	vst v63  }
0xe1: {  	_ = 	snop  }
0xe2: {  	[tilespmem:s11], [sflag:$0x1] =	stream.indirect.gather [spmem:s3], $0x20, s9, s9, $0xb8;
	[tilespmem:$0x1E220] =	vst v63  }
0xe3: {  	s28 =	simm.s32 $0x100  }
0xe4: {  	[tilespmem:s12], [sflag:$0x1] =	stream.indirect.gather [spmem:s3], $0x20, s28, s9, $0xb8;
	[tilespmem:$0x1E220] =	vst v63  }
.Ltmp2:
0xe5: {  	_ = 	snop;
	(pc) =	sbr.rel .LBB2_2-.Ltmp2, $4  }
0xe6: {  	s29 =	simm.s32 $0x180  }
0xe7: {  	[tilespmem:s13], [sflag:$0x1] =	stream.indirect.gather [spmem:s3], $0x20, s29, s9, $0xb8;
	[tilespmem:$0x1E220] =	vst v63  }
0xe8: {  	s30 =	simm.s32 $0x200;
	s25 =	simm.s32 $0x0;
	s24 =	simm.s32 $0x0  }
0xe9: {  	[tilespmem:s14], [sflag:$0x1] =	stream.indirect.gather [spmem:s3], $0x20, s30, s9, $0xb8;
	[tilespmem:$0x1E220] =	vst v63  }
.LBB2_4:
0xea: {  	_ =	swait.ge [sflag:s15], $0x1000  }
0xeb: {  	[sflag:s15] =	ssyncset.done $0x0  }
0xec: {  	[sflag:s15] =	ssyncadd.s32 $0xFFFFF000  }
0xed: {  	_ =	swait.ge [sflag:s15], $0x1000  }
0xee: {  	[sflag:s15] =	ssyncset.done $0x0  }
0xef: {  	[sflag:s15] =	ssyncadd.s32 $0xFFFFF000  }
0xf0: {  	_ =	swait.ge [sflag:s15], $0x1000  }
0xf1: {  	[sflag:s15] =	ssyncset.done $0x0  }
0xf2: {  	[sflag:s15] =	ssyncadd.s32 $0xFFFFF000  }
0xf3: {  	_ =	swait.ge [sflag:s15], $0x1000  }
0xf4: {  	[sflag:s15] =	ssyncset.done $0x0  }
0xf5: {  	[sflag:s15] =	ssyncadd.s32 $0xFFFFF000  }
0xf6: {  	p1 =	seq.s32 s24, $0x13600;
	_ =	swait.ge [sflag:s15], $0x1000  }
0xf7: {  	s26 =	sshra.s32 @!p1 s24, $0x2;
	s29 =	simm.s32 @!p1 $0x80;
	[sflag:s15] =	ssyncset.done $0x0  }
0xf8: {  	s30 =	simm.s32 @!p1 $0xA000;
	s28 =	sadd.s32 @!p1 $0x280, s26;
	[sflag:s15] =	ssyncadd.s32 $0xFFFFF000  }
0xf9: {  	[tilespmem:s30], [sflag:$0x1] =	stream.indirect.gather @!p1 [spmem:s3], $0x20, s28, s29, $0xb8;
	[tilespmem:$0x1E220] =	vst v63  }
0xfa: {  	s28 =	sadd.s32 @!p1 $0x300, s26;
	s30 =	simm.s32 @!p1 $0xB000  }
0xfb: {  	[tilespmem:s30], [sflag:$0x1] =	stream.indirect.gather @!p1 [spmem:s3], $0x20, s28, s29, $0xb8;
	[tilespmem:$0x1E220] =	vst v63  }
0xfc: {  	s28 =	sadd.s32 @!p1 $0x380, s26;
	s30 =	simm.s32 @!p1 $0xC000  }
0xfd: {  	[tilespmem:s30], [sflag:$0x1] =	stream.indirect.gather @!p1 [spmem:s3], $0x20, s28, s29, $0xb8;
	[tilespmem:$0x1E220] =	vst v63  }
0xfe: {  	s28 =	sadd.s32 @!p1 $0x400, s26;
	s30 =	simm.s32 @!p1 $0xD000  }
0xff: {  	[tilespmem:s30], [sflag:$0x1] =	stream.indirect.gather @!p1 [spmem:s3], $0x20, s28, s29, $0xb8;
	[tilespmem:$0x1E220] =	vst v63  }
0x100: {  	s26 =	sadd.s32 @!p1 $0x480, s26;
	s28 =	simm.s32 @!p1 $0xE000  }
0x101: {  	[tilespmem:s28], [sflag:$0x1] =	stream.indirect.gather @!p1 [spmem:s3], $0x20, s26, s29, $0xb8;
	[tilespmem:$0x1E220] =	vst v63  }
0x102: {  	_ =	swait.ge [sflag:s8], $0x1000  }
0x103: {  	[sflag:s8] =	ssyncset.done $0x0  }
0x104: {  	[sflag:s8] =	ssyncadd.s32 $0xFFFFF000  }
0x105: {  	_ =	swait.ge [sflag:s8], $0x1000  }
0x106: {  	[sflag:s8] =	ssyncset.done $0x0  }
0x107: {  	[sflag:s8] =	ssyncadd.s32 $0xFFFFF000  }
0x108: {  	_ =	swait.ge [sflag:s8], $0x1000  }
0x109: {  	[sflag:s8] =	ssyncset.done $0x0  }
0x10a: {  	[sflag:s8] =	ssyncadd.s32 $0xFFFFF000  }
0x10b: {  	_ =	swait.ge [sflag:s8], $0x1000  }
0x10c: {  	[sflag:s8] =	ssyncset.done $0x0  }
0x10d: {  	s26 =	smov.u32 s24;
	[sflag:s8] =	ssyncadd.s32 $0xFFFFF000  }
0x10e: {  	s26 =	simm.s32 @p1 $0x13600;
	_ =	swait.ge [sflag:s8], $0x1000  }
0x10f: {  	s26 =	sshra.s32 s26, $0x2;
	[sflag:s8] =	ssyncset.done $0x0  }
0x110: {  	s29 =	sadd.s32 $0x5000, s26;
	[sflag:s8] =	ssyncadd.s32 $0xFFFFF000  }
0x111: {  	[spmem:s2] =	stream.indirect.scatter.add.f32 [tilespmem:s16], [sflag:$0x4], $0x20, s29, s9, $0xb8;
	[tilespmem:$0x1E220] =	vst v63  }
0x112: {  	s30 =	sadd.s32 $0x5080, s26  }
0x113: {  	[spmem:s2] =	stream.indirect.scatter.add.f32 [tilespmem:s17], [sflag:$0x4], $0x20, s30, s9, $0xb8;
	[tilespmem:$0x1E220] =	vst v63  }
0x114: {  	s29 =	sadd.s32 $0x5100, s26  }
0x115: {  	[spmem:s2] =	stream.indirect.scatter.add.f32 [tilespmem:s18], [sflag:$0x4], $0x20, s29, s9, $0xb8;
	[tilespmem:$0x1E220] =	vst v63  }
0x116: {  	s30 =	sadd.s32 $0x5180, s26  }
0x117: {  	[spmem:s2] =	stream.indirect.scatter.add.f32 [tilespmem:s19], [sflag:$0x4], $0x20, s30, s9, $0xb8;
	[tilespmem:$0x1E220] =	vst v63  }
0x118: {  	s26 =	sadd.s32 $0x5200, s26  }
0x119: {  	[spmem:s2] =	stream.indirect.scatter.add.f32 [tilespmem:s20], [sflag:$0x4], $0x20, s26, s9, $0xb8;
	[tilespmem:$0x1E220] =	vst v63  }
.LBB2_5:
0x11a: {  	s24 =	sadd.s32 $0xA00, s24  }
0x11b: {  	p1 =	sne.s32 s24, $0x14000  }
.Ltmp3:
0x11c: {  	_ = 	snop;
	(pc) =	sbr.rel @!p1 .LBB2_6-.Ltmp3, $2  }
0x11d: {  	_ =	sdelay $0x2  }
0x11e: {  	s25 =	sadd.s32 $0x1, s25  }
.LBB2_2:
0x11f: {  	s26 =	sand.u32 $0x1, s25  }
0x120: {  	p1 =	seq.s32 s26, $0x1  }
.Ltmp4:
0x121: {  	_ = 	snop;
	(pc) =	sbr.rel @p1 .LBB2_4-.Ltmp4, $1  }
0x122: {  	_ =	sdelay $0x3  }
0x123: {  	p1 =	seq.s32 s24, $0x0  }
0x124: {  	s26 =	simm.s32 @!p1 $0x4  }
0x125: {  	_ =	swait.ge @!p1 [sflag:s26], $0x1000  }
0x126: {  	[sflag:s26] =	ssyncset.done @!p1 $0x0  }
0x127: {  	[sflag:s26] =	ssyncadd.s32 @!p1 $0xFFFFF000  }
0x128: {  	_ =	swait.ge @!p1 [sflag:s26], $0x1000  }
0x129: {  	[sflag:s26] =	ssyncset.done @!p1 $0x0  }
0x12a: {  	[sflag:s26] =	ssyncadd.s32 @!p1 $0xFFFFF000  }
0x12b: {  	_ =	swait.ge @!p1 [sflag:s26], $0x1000  }
0x12c: {  	[sflag:s26] =	ssyncset.done @!p1 $0x0  }
0x12d: {  	[sflag:s26] =	ssyncadd.s32 @!p1 $0xFFFFF000  }
0x12e: {  	_ =	swait.ge @!p1 [sflag:s26], $0x1000  }
0x12f: {  	[sflag:s26] =	ssyncset.done @!p1 $0x0  }
0x130: {  	[sflag:s26] =	ssyncadd.s32 @!p1 $0xFFFFF000  }
0x131: {  	_ =	swait.ge @!p1 [sflag:s26], $0x1000  }
0x132: {  	s28 =	sshra.s32 s24, $0x2;
	[sflag:s26] =	ssyncset.done @!p1 $0x0  }
0x133: {  	s29 =	sadd.s32 $0x280, s28;
	[sflag:s26] =	ssyncadd.s32 @!p1 $0xFFFFF000  }
0x134: {  	[tilespmem:s16], [sflag:$0x2] =	stream.indirect.gather [spmem:s3], $0x20, s29, s9, $0xb8;
	[tilespmem:$0x1E220] =	vst v63  }
0x135: {  	s30 =	sadd.s32 $0x300, s28  }
0x136: {  	[tilespmem:s17], [sflag:$0x2] =	stream.indirect.gather [spmem:s3], $0x20, s30, s9, $0xb8;
	[tilespmem:$0x1E220] =	vst v63  }
0x137: {  	s29 =	sadd.s32 $0x380, s28  }
0x138: {  	[tilespmem:s18], [sflag:$0x2] =	stream.indirect.gather [spmem:s3], $0x20, s29, s9, $0xb8;
	[tilespmem:$0x1E220] =	vst v63  }
0x139: {  	s30 =	sadd.s32 $0x400, s28  }
0x13a: {  	[tilespmem:s19], [sflag:$0x2] =	stream.indirect.gather [spmem:s3], $0x20, s30, s9, $0xb8;
	[tilespmem:$0x1E220] =	vst v63  }
0x13b: {  	s29 =	sadd.s32 $0x480, s28  }
0x13c: {  	[tilespmem:s20], [sflag:$0x2] =	stream.indirect.gather [spmem:s3], $0x20, s29, s9, $0xb8;
	[tilespmem:$0x1E220] =	vst v63  }
0x13d: {  	_ =	swait.ge [sflag:s22], $0x1000  }
0x13e: {  	[sflag:s22] =	ssyncset.done $0x0  }
0x13f: {  	[sflag:s22] =	ssyncadd.s32 $0xFFFFF000  }
0x140: {  	_ =	swait.ge [sflag:s22], $0x1000  }
0x141: {  	[sflag:s22] =	ssyncset.done $0x0  }
0x142: {  	[sflag:s22] =	ssyncadd.s32 $0xFFFFF000  }
0x143: {  	_ =	swait.ge [sflag:s22], $0x1000  }
0x144: {  	[sflag:s22] =	ssyncset.done $0x0  }
0x145: {  	[sflag:s22] =	ssyncadd.s32 $0xFFFFF000  }
0x146: {  	_ =	swait.ge [sflag:s22], $0x1000  }
0x147: {  	[sflag:s22] =	ssyncset.done $0x0  }
0x148: {  	[sflag:s22] =	ssyncadd.s32 $0xFFFFF000  }
0x149: {  	_ =	swait.ge [sflag:s22], $0x1000  }
0x14a: {  	[sflag:s22] =	ssyncset.done $0x0  }
0x14b: {  	s30 =	sadd.s32 $0x5000, s28;
	[sflag:s22] =	ssyncadd.s32 $0xFFFFF000  }
0x14c: {  	[spmem:s2] =	stream.indirect.scatter.add.f32 [tilespmem:s10], [sflag:$0x3], $0x20, s30, s9, $0xb8;
	[tilespmem:$0x1E220] =	vst v63  }
0x14d: {  	s29 =	sadd.s32 $0x5080, s28  }
0x14e: {  	[spmem:s2] =	stream.indirect.scatter.add.f32 [tilespmem:s11], [sflag:$0x3], $0x20, s29, s9, $0xb8;
	[tilespmem:$0x1E220] =	vst v63  }
0x14f: {  	s30 =	sadd.s32 $0x5100, s28  }
0x150: {  	[spmem:s2] =	stream.indirect.scatter.add.f32 [tilespmem:s12], [sflag:$0x3], $0x20, s30, s9, $0xb8;
	[tilespmem:$0x1E220] =	vst v63  }
.Ltmp5:
0x151: {  	_ = 	snop;
	(pc) =	sbr.rel .LBB2_5-.Ltmp5, $4  }
0x152: {  	s29 =	sadd.s32 $0x5180, s28  }
0x153: {  	[spmem:s2] =	stream.indirect.scatter.add.f32 [tilespmem:s13], [sflag:$0x3], $0x20, s29, s9, $0xb8;
	[tilespmem:$0x1E220] =	vst v63  }
0x154: {  	s30 =	sadd.s32 $0x5200, s28  }
0x155: {  	[spmem:s2] =	stream.indirect.scatter.add.f32 [tilespmem:s14], [sflag:$0x3], $0x20, s30, s9, $0xb8;
	[tilespmem:$0x1E220] =	vst v63  }
.LBB2_7:
0x156: {  	_ =	sfence.sel $0x180000  }
0x157: {  	[bflag:$0x0] =	sbarrier.arrive $0xFFFF  }
0x158: {  	_ =	strace $0x90000047  }
0x159: {  	[bflag:$0x2] =	sbarrier.arrive $0xFFFF  }
0x15a: {  	p0 =	sne.s32 s26, $0x0;
	s0 =	rddreg [dreg:$0x4]  }
0x15b: {  	s0 =	sadd.s32 @!p0 $0x100000, s0  }
0x15c: {  	[sflag:s0] =	ssyncadd.tile.s32 @!p0 $0x1;
	_ =	shalt  }
.Lfunc_end2:
_tile_overlayer_lowered:
.L_overlay_start_2:
0x15d: {  	(tag) =	ssettag $0x2  }
0x15e: {  	s0 =	rddreg [dreg:$0x0];
	s2 =	stileid.u32  }
0x15f: {  	s1 =	rddreg [dreg:$0x1];
	p0 =	sne.s32 s2, $0x0  }
0x160: {  	s3 =	rddreg [dreg:$0x2];
	[bflag:$0x3] =	sbarrier.arrive $0xFFFF;
	s2 =	simm.s32 @!p0 $0x1C05  }
0x161: {  	[timem:s3], [sflag:s2] =	dma.local @!p0 [hbm:s0], s1  }
0x162: {  	s0 =	simm.s32 @!p0 $0x5  }
0x163: {  	_ =	swait.ge @!p0 [sflag:s0], s1  }
0x164: {  	s1 =	ssub.s32 @!p0 $0x0, s1;
	[sflag:s0] =	ssyncset.done @!p0 $0x0  }
0x165: {  	[sflag:s0] =	ssyncadd.s32 @!p0 s1  }
0x166: {  	[bflag:$0x3] =	sbarrier.arrive $0xFFFF  }
0x167: {  	_ =	shalt  }

</sc_bundles>
